<compile_context>
chip_gen: v7x
topology: tpu7x:2x2x1
jax: 0.10.2.dev20260603
libtpu: 0.0.44.dev20260713+nightly
codegen_flags: <defaults>
</compile_context>

<pallas_src>
import functools

import jax
import jax.numpy as jnp
from jax import lax
from jax.experimental import pallas as pl
from jax.experimental.pallas import tpu as pltpu
from jax.experimental.pallas import tpu_sc as plsc

LANES = 128
CHUNK = 1024
QB = 512
NSEL = 24
NPAD = 32
K = 20
NEG = -1e30



def _sim_body(q_ref, dbt_ref, sim_ref, M_ref, m_ref, s_ref):
    i = pl.program_id(1)
    nb = CHUNK // LANES
    t = jnp.dot(q_ref[...], dbt_ref[...], preferred_element_type=jnp.float32)
    bmax = []
    for j in range(nb):
        slab = t[:, j * LANES:(j + 1) * LANES]
        sim_ref[:, j, :, :] = slab.reshape(QB // 8, 8, LANES)
        bm = jnp.max(slab, axis=1, keepdims=True)
        M_ref[0, :, j] = bm[:, 0]
        bmax.append(bm)
    tmax = functools.reduce(jnp.maximum, bmax)
    prev_m = jnp.where(i == 0, jnp.full((QB, 1), -jnp.inf, jnp.float32), m_ref[...])
    prev_s = jnp.where(i == 0, jnp.zeros((QB, 1), jnp.float32), s_ref[...])
    new_m = jnp.maximum(prev_m, tmax)
    alpha = jnp.exp(prev_m - new_m)
    s_ref[...] = prev_s * alpha + jnp.sum(jnp.exp(t - new_m), axis=1, keepdims=True)
    m_ref[...] = new_m


def _run_sim(q_aug, dbt_aug, nq, npad):
    nsteps = npad // CHUNK
    nb = CHUNK // LANES
    grid = (nq // QB, nsteps)
    return pl.pallas_call(
        _sim_body,
        grid=grid,
        in_specs=[
            pl.BlockSpec((QB, q_aug.shape[1]), lambda h, i: (h, 0)),
            pl.BlockSpec((dbt_aug.shape[0], CHUNK), lambda h, i: (0, i)),
        ],
        out_specs=[
            pl.BlockSpec((QB // 8, nb, 8, LANES), lambda h, i: (h, i, 0, 0)),
            pl.BlockSpec((1, QB, nb), lambda h, i: (i, h, 0)),
            pl.BlockSpec((QB, 1), lambda h, i: (h, 0)),
            pl.BlockSpec((QB, 1), lambda h, i: (h, 0)),
        ],
        out_shape=[
            jax.ShapeDtypeStruct((nq // 8, nsteps * nb, 8, LANES), jnp.float32),
            jax.ShapeDtypeStruct((nsteps, nq, nb), jnp.float32),
            jax.ShapeDtypeStruct((nq, 1), jnp.float32),
            jax.ShapeDtypeStruct((nq, 1), jnp.float32),
        ],
        compiler_params=pltpu.CompilerParams(
            dimension_semantics=("parallel", "arbitrary")),
    )(q_aug, dbt_aug)



def _sel_body(M_ref, bid_ref, bval_ref):
    nb = M_ref.shape[0]
    qc = M_ref.shape[1]
    cur = M_ref[...]
    iota0 = lax.broadcasted_iota(jnp.int32, (nb, qc), 0)
    ids, vals = [], []
    for _ in range(NSEL):
        mx = jnp.max(cur, axis=0, keepdims=True)
        hit = cur == mx
        idx = jnp.min(jnp.where(hit, iota0, nb), axis=0, keepdims=True)
        ids.append(idx)
        vals.append(mx)
        cur = jnp.where(iota0 == idx, NEG, cur)
    for _ in range(NSEL, NPAD):
        ids.append(jnp.full((1, qc), nb - 1, jnp.int32))
        vals.append(jnp.full((1, qc), NEG, jnp.float32))
    bid_ref[...] = jnp.concatenate(ids, axis=0)
    bval_ref[...] = jnp.concatenate(vals, axis=0)


def _run_sel(M, nq):
    nb = M.shape[0]
    qc = 256
    return pl.pallas_call(
        _sel_body,
        grid=(nq // qc,),
        in_specs=[pl.BlockSpec((nb, qc), lambda c: (0, c))],
        out_specs=[
            pl.BlockSpec((NPAD, qc), lambda c: (0, c)),
            pl.BlockSpec((NPAD, qc), lambda c: (0, c)),
        ],
        out_shape=[
            jax.ShapeDtypeStruct((NPAD, nq), jnp.int32),
            jax.ShapeDtypeStruct((NPAD, nq), jnp.float32),
        ],
        compiler_params=pltpu.CompilerParams(
            dimension_semantics=("parallel",)),
    )(M)



def _iota16():
    return lax.iota(jnp.int32, 16)


def _perm(v, idx):
    return lax.gather(
        v, idx[:, None],
        lax.GatherDimensionNumbers(offset_dims=(), collapsed_slice_dims=(0,),
                                   start_index_map=(0,)),
        (1,), mode=lax.GatherScatterMode.PROMISE_IN_BOUNDS)


def _bcast(v, i):
    return _perm(v, jnp.full((16,), i, jnp.int32))


def _bfly(v, op):
    iota = _iota16()
    for sh in (8, 4, 2, 1):
        v = op(v, _perm(v, iota ^ sh))
    return v


def _pick32(v0, v1, j):
    lo = _bcast(v0, jnp.minimum(j, 15))
    hi = _bcast(v1, jnp.maximum(j - 16, 0))
    sel = jnp.full((16,), j >= 16)
    return jnp.where(sel, hi, lo)


def _make_sc(nq, nbuck, cand_cap, qpw):
    mesh = plsc.VectorSubcoreMesh(core_axis_name="c", subcore_axis_name="s")
    nout = nq * K

    @functools.partial(
        pl.kernel, mesh=mesh,
        out_type=[
            jax.ShapeDtypeStruct((nout,), jnp.int32),
            jax.ShapeDtypeStruct((nout,), jnp.int32),
            jax.ShapeDtypeStruct((nq,), jnp.int32),
            jax.ShapeDtypeStruct((nout,), jnp.float32),
        ],
        scratch_types=[
            pltpu.VMEM((qpw, NPAD), jnp.int32),
            pltpu.VMEM((4, NPAD), jnp.int32),
            pltpu.VMEM((4, NPAD, LANES), jnp.float32),
            pltpu.VMEM((cand_cap + 16,), jnp.float32),
            pltpu.VMEM((cand_cap + 16,), jnp.int32),
            pltpu.VMEM((qpw,), jnp.float32),
            pltpu.VMEM((qpw,), jnp.float32),
            pltpu.VMEM((qpw,), jnp.float32),
            pltpu.VMEM((16,), jnp.int32),
            pltpu.VMEM((qpw * K + 16,), jnp.int32),
            pltpu.VMEM((qpw * K + 16,), jnp.int32),
            pltpu.VMEM((qpw * K + 16,), jnp.float32),
            pltpu.VMEM((qpw,), jnp.int32),
            pltpu.SemaphoreType.DMA((4,)),
        ],
        compiler_params=pltpu.CompilerParams(needs_layout_passes=False),
    )
    def sc_kernel(simr, bidst, mh, sh, tauh, karr,
                  rows_o, inds_o, nret_o, sco_o,
                  bidbuf, gidx, gath, candv, candi, mbuf, sbuf, taubuf, kbuf,
                  rowbuf, indbuf, scobuf, cntbuf, sem):
        wid = lax.axis_index("s") * 2 + lax.axis_index("c")
        q0 = wid * qpw
        pltpu.sync_copy(bidst.at[pl.ds(q0, qpw)], bidbuf)
        pltpu.sync_copy(mh.at[pl.ds(q0, qpw)], mbuf)
        pltpu.sync_copy(sh.at[pl.ds(q0, qpw)], sbuf)
        pltpu.sync_copy(tauh.at[pl.ds(q0, qpw)], taubuf)
        pltpu.sync_copy(karr, kbuf)
        iota = _iota16()
        kv = kbuf[pl.ds(0, 16)]
        negv = jnp.full((16,), NEG, jnp.float32)

        def _scal(v):
            return v[0]

        def _start_gather(j):
            q = q0 + j
            par = lax.rem(j, 4)
            base = lax.div(q, 8) * (nbuck * 8) + lax.rem(q, 8)
            r0 = lax.sort(bidbuf[j, pl.ds(0, 16)])
            r1 = lax.sort(bidbuf[j, pl.ds(16, 16)])
            t1 = lax.rev(r1, (0,))
            s0 = lax.sort(jnp.minimum(r0, t1))
            s1 = lax.sort(jnp.maximum(r0, t1))
            bidbuf[j, pl.ds(0, 16)] = s0
            bidbuf[j, pl.ds(16, 16)] = s1
            gidx[par, pl.ds(0, 16)] = s0 * 8 + base
            gidx[par, pl.ds(16, 16)] = s1 * 8 + base
            pltpu.async_copy(simr.at[gidx.at[par]], gath.at[par], sem.at[par])

        _start_gather(jnp.int32(0))
        _start_gather(jnp.int32(1))
        _start_gather(jnp.int32(2))

        def per_query(j, cnt_carry):
            cnt0, cnt1 = cnt_carry
            q = q0 + j
            par = lax.rem(j, 4)
            b0 = bidbuf[j, pl.ds(0, 16)]
            b1 = bidbuf[j, pl.ds(16, 16)]
            pltpu.make_async_copy(simr.at[gidx.at[par]], gath.at[par],
                                  sem.at[par]).wait()

            @pl.when(j < qpw - 3)
            def _():
                _start_gather(j + 3)

            tau_v = _pick32(taubuf[pl.ds(0, 16)], taubuf[pl.ds(16, 16)], j)

            def row_fn(r, cand_n):
                vs = [gath[par, r, pl.ds(g * 16, 16)] for g in range(8)]
                ms = [v >= tau_v for v in vs]
                hm = (ms[0] | ms[1] | ms[2] | ms[3]
                      | ms[4] | ms[5] | ms[6] | ms[7])
                rcnt = _scal(plsc.all_reduce_population_count(hm))

                def hit_fn(cn):
                    br = _pick32(b0, b1, r)
                    ebase = br * LANES
                    for g in range(8):
                        idxv = ebase + iota + (g * 16)
                        plsc.store_compressed(candv.at[pl.ds(cn, 16)], vs[g],
                                              mask=ms[g])
                        plsc.store_compressed(candi.at[pl.ds(cn, 16)], idxv,
                                              mask=ms[g])
                        cn = cn + _scal(plsc.all_reduce_population_count(ms[g]))
                    return cn

                return lax.cond(rcnt > 0, hit_fn, lambda cn: cn, cand_n)

            cand_n = lax.fori_loop(0, NPAD, row_fn, jnp.int32(0))
            candv[pl.ds(cand_n, 16)] = negv
            nv = (cand_n + 15) // 16

            resv0 = negv
            resv1 = negv
            resi0 = jnp.zeros((16,), jnp.int32)
            resi1 = jnp.zeros((16,), jnp.int32)
            big = jnp.full((16,), 1 << 30, jnp.int32)
            for t in range(K):
                def mp_fn(v, acc):
                    mx, ps = acc
                    cv = candv[pl.ds(v * 16, 16)]
                    gt = cv > mx
                    return (jnp.where(gt, cv, mx),
                            jnp.where(gt, v * 16 + iota, ps))

                mx, ps = lax.fori_loop(0, nv, mp_fn, (negv, big))
                gms = _bfly(mx, jnp.maximum)
                pm = jnp.where(mx == gms, ps, big)
                p = _scal(_bfly(pm, jnp.minimum))
                lane = lax.rem(p, jnp.int32(16))
                vbase = p - lane
                lane_s = jnp.full((16,), lane, jnp.int32)
                civ = candi[pl.ds(vbase, 16)]
                idx_s = _bcast(civ, lane)
                cvv = candv[pl.ds(vbase, 16)]
                candv[pl.ds(vbase, 16)] = jnp.where(iota == lane_s, negv, cvv)
                if t < 16:
                    resv0 = jnp.where(iota == t, gms, resv0)
                    resi0 = jnp.where(iota == t, idx_s, resi0)
                else:
                    resv1 = jnp.where(iota == (t - 16), gms, resv1)
                    resi1 = jnp.where(iota == (t - 16), idx_s, resi1)

            m_v = _pick32(mbuf[pl.ds(0, 16)], mbuf[pl.ds(16, 16)], j)
            s_v = _pick32(sbuf[pl.ds(0, 16)], sbuf[pl.ds(16, 16)], j)
            sc0 = jnp.exp(resv0 - m_v) / s_v
            sc1 = jnp.exp(resv1 - m_v) / s_v
            valid0 = (sc0 > 0.0) & (iota < kv)
            valid1 = (sc1 > 0.0) & ((iota + 16) < kv)
            ctot = (plsc.all_reduce_population_count(valid0)
                    + plsc.all_reduce_population_count(valid1))
            js = jnp.full((16,), j, jnp.int32)
            cnt0 = jnp.where(iota == js, ctot, cnt0)
            cnt1 = jnp.where(iota == (js - 16), ctot, cnt1)
            off = j * K
            qs = jnp.full((16,), q, jnp.int32)
            rowbuf[pl.ds(off, 16)] = qs
            rowbuf[pl.ds(off + 16, 16)] = qs
            indbuf[pl.ds(off, 16)] = resi0
            indbuf[pl.ds(off + 16, 16)] = resi1
            scobuf[pl.ds(off, 16)] = sc0
            scobuf[pl.ds(off + 16, 16)] = sc1
            return (cnt0, cnt1)

        z = jnp.zeros((16,), jnp.int32)
        cnt0, cnt1 = lax.fori_loop(0, qpw, per_query, (z, z))
        cntbuf[pl.ds(0, 16)] = cnt0
        cntbuf[pl.ds(16, 16)] = cnt1
        pltpu.sync_copy(rowbuf.at[pl.ds(0, qpw * K)], rows_o.at[pl.ds(q0 * K, qpw * K)])
        pltpu.sync_copy(indbuf.at[pl.ds(0, qpw * K)], inds_o.at[pl.ds(q0 * K, qpw * K)])
        pltpu.sync_copy(scobuf.at[pl.ds(0, qpw * K)], sco_o.at[pl.ds(q0 * K, qpw * K)])
        pltpu.sync_copy(cntbuf, nret_o.at[pl.ds(q0, qpw)])

    return sc_kernel



def kernel(queries, db, k):
    nq, d = queries.shape
    db_size = db.shape[0]
    npad = ((db_size + CHUNK - 1) // CHUNK) * CHUNK
    nbuck = npad // LANES

    dbp = jnp.pad(db, ((0, npad - db_size), (0, 0)))
    dbt = dbp.T
    col = jnp.arange(npad, dtype=jnp.int32)[None, :]
    aug = jnp.where(col < db_size, 0.0, NEG).astype(jnp.float32)
    dpad = (-d) % 8 or 8
    dbt_aug = jnp.concatenate(
        [dbt, aug, jnp.zeros((dpad - 1, npad), jnp.float32)], axis=0)
    q_aug = jnp.concatenate(
        [queries, jnp.ones((nq, 1), jnp.float32),
         jnp.zeros((nq, dpad - 1), jnp.float32)], axis=1)

    sim, M3, m_run, s_run = _run_sim(q_aug, dbt_aug, nq, npad)
    M = jnp.transpose(M3, (0, 2, 1)).reshape(nbuck, nq)
    bids, bvals = _run_sel(M, nq)

    bidst = bids.T
    tauh = bvals[K - 1, :]
    simr = sim.reshape(nq * nbuck, LANES)
    mh = m_run[:, 0]
    sh = s_run[:, 0]
    karr = jnp.full((16,), k, jnp.int32)

    qpw = nq // 32
    sc = _make_sc(nq, nbuck, NPAD * LANES, qpw)
    rows, rinds, nret, rscores = sc(simr, bidst, mh, sh, tauh, karr)
    return (rows, rinds, nret, rscores)

# --- scband reference (transcript-rebuilt; emitter-appended) ---
"""Pipeline reference for scband-model-2851858285196 (READ-ONLY COPY).

The authoritative reference and input builder live on the scoring server;
editing this copy changes nothing except your own understanding.
"""

import jax, jax.numpy as jnp
import numpy as np


def setup_inputs(seed: int = 0) -> dict:
    key = jax.random.key(seed)
    k1, k2 = jax.random.split(key)
    queries = jax.random.normal(k1, (1024, 16), dtype=jnp.float32)
    db = jax.random.normal(k2, (100000, 16), dtype=jnp.float32)
    return {"queries": queries, "db": db, "k": 20}


def reference(queries, db, k):
    # Faithful translation of Model.predict(queries, db=db, k=k, sorted=True,
    # temperature=1.0, threshold=0.0). db is provided, so mask_diag=False.
    temperature = 1.0
    threshold = 0.0
    sim_mat = (queries @ db.T) / temperature
    db_size = sim_mat.shape[1]
    all_scores = jax.nn.softmax(sim_mat.astype(jnp.float32), axis=1)
    kk = min(20, db_size)
    topk_scores, topk_inds = jax.lax.top_k(all_scores, kk)  # sorted=True semantics
    mask = (topk_scores > threshold) & (jnp.arange(kk) < k)  # threshold_scores
    n_retrieved_per_query = jnp.count_nonzero(mask, axis=1)
    # mask.nonzero(as_tuple=True): softmax scores are strictly positive and
    # threshold=0.0, so mask is all-True and the nonzero result has exactly
    # mask.size entries in row-major order (static size for jax).
    rows, cols = jnp.nonzero(mask, size=mask.size, fill_value=0)
    retrieved_scores = topk_scores[rows, cols]
    retrieved_inds = topk_inds[rows, cols]
    # Prediction(query_inds, database_inds, n_retrieved_per_query, scores)
    return (rows, retrieved_inds, n_retrieved_per_query, retrieved_scores)

if __name__ == "__main__":
    import jax
    _d = setup_inputs()
    print(jax.jit(kernel)(*tuple(_d.values())))

</pallas_src>

<mosaic_0001>
#map = affine_map<(d0, d1) -> (0, 0)>
#map1 = affine_map<(d0, d1) -> (0)>
module attributes {stable_mosaic.version = 14 : i64} {
  func.func @sc_kernel(%arg0: i32, %arg1: i32, %arg2: memref<802816x128xf32, #tpu.memory_space<hbm>>, %arg3: memref<1024x32xi32, #tpu.memory_space<hbm>>, %arg4: memref<1024xf32, #tpu.memory_space<hbm>>, %arg5: memref<1024xf32, #tpu.memory_space<hbm>>, %arg6: memref<1024xf32, #tpu.memory_space<hbm>>, %arg7: memref<16xi32, #tpu.memory_space<hbm>>, %arg8: memref<20480xi32, #tpu.memory_space<hbm>>, %arg9: memref<20480xi32, #tpu.memory_space<hbm>>, %arg10: memref<1024xi32, #tpu.memory_space<hbm>>, %arg11: memref<20480xf32, #tpu.memory_space<hbm>>, %arg12: memref<32x32xi32, #tpu.memory_space<vmem>>, %arg13: memref<4x32xi32, #tpu.memory_space<vmem>>, %arg14: memref<4x32x128xf32, #tpu.memory_space<vmem>>, %arg15: memref<4112xf32, #tpu.memory_space<vmem>>, %arg16: memref<4112xi32, #tpu.memory_space<vmem>>, %arg17: memref<32xf32, #tpu.memory_space<vmem>>, %arg18: memref<32xf32, #tpu.memory_space<vmem>>, %arg19: memref<32xf32, #tpu.memory_space<vmem>>, %arg20: memref<16xi32, #tpu.memory_space<vmem>>, %arg21: memref<656xi32, #tpu.memory_space<vmem>>, %arg22: memref<656xi32, #tpu.memory_space<vmem>>, %arg23: memref<656xf32, #tpu.memory_space<vmem>>, %arg24: memref<32xi32, #tpu.memory_space<vmem>>, %arg25: memref<4x!tpu.dma_semaphore, #tpu.memory_space<semaphore_mem>>) attributes {dimension_semantics = [#tpu.dimension_semantics<core_parallel>, #tpu.dimension_semantics<subcore_parallel>], iteration_bounds = array<i64: 2, 16>, scalar_prefetch = 0 : i64, scratch_operands = 14 : i64, tpu.core_type = #tpu.core_type<sc_vector_subcore>, window_params = [{transform_indices = #map}, {transform_indices = #map}, {transform_indices = #map1}, {transform_indices = #map1}, {transform_indices = #map1}, {transform_indices = #map1}, {transform_indices = #map1}, {transform_indices = #map1}, {transform_indices = #map1}, {transform_indices = #map1}]} {
    %mul3A = arith.constant 2 : i32
    %mul3A_0 = arith.muli %arg1, %mul3A : i32
    %add3A = arith.addi %mul3A_0, %arg0 : i32
    %mul3A_1 = arith.constant 32 : i32
    %mul3A_2 = arith.muli %add3A, %mul3A_1 : i32
    "tpu.region"() ({
      %run_scoped3A = tpu.sem_alloc : memref<!tpu.dma_semaphore, #tpu.memory_space<semaphore_mem>>
      %dma_start3A_251 = arith.constant 0 : i32
      %dma_start3A_252 = tpu.memref_slice %arg3[%mul3A_2, %dma_start3A_251] : memref<1024x32xi32, #tpu.memory_space<hbm>> -> memref<32x32xi32, #tpu.memory_space<hbm>>
      %dma_start3A_253 = arith.constant 0 : i32
      %dma_start3A_254 = tpu.memref_slice %arg3[%mul3A_2, %dma_start3A_253] : memref<1024x32xi32, #tpu.memory_space<hbm>> -> memref<32x32xi32, #tpu.memory_space<hbm>>
      tpu.enqueue_dma source(%dma_start3A_254 : memref<32x32xi32, #tpu.memory_space<hbm>>) target(%arg12 : memref<32x32xi32, #tpu.memory_space<vmem>>) target_semaphore(%run_scoped3A : memref<!tpu.dma_semaphore, #tpu.memory_space<semaphore_mem>>)
      %dma_wait3A = arith.constant 0 : i32
      %dma_wait3A_255 = tpu.memref_slice %arg3[%mul3A_2, %dma_wait3A] : memref<1024x32xi32, #tpu.memory_space<hbm>> -> memref<32x32xi32, #tpu.memory_space<hbm>>
      %dma_wait3A_256 = arith.constant 0 : i32
      %dma_wait3A_257 = tpu.memref_slice %arg3[%mul3A_2, %dma_wait3A_256] : memref<1024x32xi32, #tpu.memory_space<hbm>> -> memref<32x32xi32, #tpu.memory_space<hbm>>
      tpu.wait_dma2 semaphore(%run_scoped3A : memref<!tpu.dma_semaphore, #tpu.memory_space<semaphore_mem>>) src(%dma_wait3A_257 : memref<32x32xi32, #tpu.memory_space<hbm>>) dst(%arg12 : memref<32x32xi32, #tpu.memory_space<vmem>>)
      tpu.yield
    }) : () -> ()
    "tpu.region"() ({
      %run_scoped3A = tpu.sem_alloc : memref<!tpu.dma_semaphore, #tpu.memory_space<semaphore_mem>>
      %dma_start3A_251 = tpu.memref_slice %arg4[%mul3A_2] : memref<1024xf32, #tpu.memory_space<hbm>> -> memref<32xf32, #tpu.memory_space<hbm>>
      %dma_start3A_252 = tpu.memref_slice %arg4[%mul3A_2] : memref<1024xf32, #tpu.memory_space<hbm>> -> memref<32xf32, #tpu.memory_space<hbm>>
      tpu.enqueue_dma source(%dma_start3A_252 : memref<32xf32, #tpu.memory_space<hbm>>) target(%arg17 : memref<32xf32, #tpu.memory_space<vmem>>) target_semaphore(%run_scoped3A : memref<!tpu.dma_semaphore, #tpu.memory_space<semaphore_mem>>)
      %dma_wait3A = tpu.memref_slice %arg4[%mul3A_2] : memref<1024xf32, #tpu.memory_space<hbm>> -> memref<32xf32, #tpu.memory_space<hbm>>
      %dma_wait3A_253 = tpu.memref_slice %arg4[%mul3A_2] : memref<1024xf32, #tpu.memory_space<hbm>> -> memref<32xf32, #tpu.memory_space<hbm>>
      tpu.wait_dma2 semaphore(%run_scoped3A : memref<!tpu.dma_semaphore, #tpu.memory_space<semaphore_mem>>) src(%dma_wait3A_253 : memref<32xf32, #tpu.memory_space<hbm>>) dst(%arg17 : memref<32xf32, #tpu.memory_space<vmem>>)
      tpu.yield
    }) : () -> ()
    "tpu.region"() ({
      %run_scoped3A = tpu.sem_alloc : memref<!tpu.dma_semaphore, #tpu.memory_space<semaphore_mem>>
      %dma_start3A_251 = tpu.memref_slice %arg5[%mul3A_2] : memref<1024xf32, #tpu.memory_space<hbm>> -> memref<32xf32, #tpu.memory_space<hbm>>
      %dma_start3A_252 = tpu.memref_slice %arg5[%mul3A_2] : memref<1024xf32, #tpu.memory_space<hbm>> -> memref<32xf32, #tpu.memory_space<hbm>>
      tpu.enqueue_dma source(%dma_start3A_252 : memref<32xf32, #tpu.memory_space<hbm>>) target(%arg18 : memref<32xf32, #tpu.memory_space<vmem>>) target_semaphore(%run_scoped3A : memref<!tpu.dma_semaphore, #tpu.memory_space<semaphore_mem>>)
      %dma_wait3A = tpu.memref_slice %arg5[%mul3A_2] : memref<1024xf32, #tpu.memory_space<hbm>> -> memref<32xf32, #tpu.memory_space<hbm>>
      %dma_wait3A_253 = tpu.memref_slice %arg5[%mul3A_2] : memref<1024xf32, #tpu.memory_space<hbm>> -> memref<32xf32, #tpu.memory_space<hbm>>
      tpu.wait_dma2 semaphore(%run_scoped3A : memref<!tpu.dma_semaphore, #tpu.memory_space<semaphore_mem>>) src(%dma_wait3A_253 : memref<32xf32, #tpu.memory_space<hbm>>) dst(%arg18 : memref<32xf32, #tpu.memory_space<vmem>>)
      tpu.yield
    }) : () -> ()
    "tpu.region"() ({
      %run_scoped3A = tpu.sem_alloc : memref<!tpu.dma_semaphore, #tpu.memory_space<semaphore_mem>>
      %dma_start3A_251 = tpu.memref_slice %arg6[%mul3A_2] : memref<1024xf32, #tpu.memory_space<hbm>> -> memref<32xf32, #tpu.memory_space<hbm>>
      %dma_start3A_252 = tpu.memref_slice %arg6[%mul3A_2] : memref<1024xf32, #tpu.memory_space<hbm>> -> memref<32xf32, #tpu.memory_space<hbm>>
      tpu.enqueue_dma source(%dma_start3A_252 : memref<32xf32, #tpu.memory_space<hbm>>) target(%arg19 : memref<32xf32, #tpu.memory_space<vmem>>) target_semaphore(%run_scoped3A : memref<!tpu.dma_semaphore, #tpu.memory_space<semaphore_mem>>)
      %dma_wait3A = tpu.memref_slice %arg6[%mul3A_2] : memref<1024xf32, #tpu.memory_space<hbm>> -> memref<32xf32, #tpu.memory_space<hbm>>
      %dma_wait3A_253 = tpu.memref_slice %arg6[%mul3A_2] : memref<1024xf32, #tpu.memory_space<hbm>> -> memref<32xf32, #tpu.memory_space<hbm>>
      tpu.wait_dma2 semaphore(%run_scoped3A : memref<!tpu.dma_semaphore, #tpu.memory_space<semaphore_mem>>) src(%dma_wait3A_253 : memref<32xf32, #tpu.memory_space<hbm>>) dst(%arg19 : memref<32xf32, #tpu.memory_space<vmem>>)
      tpu.yield
    }) : () -> ()
    "tpu.region"() ({
      %run_scoped3A = tpu.sem_alloc : memref<!tpu.dma_semaphore, #tpu.memory_space<semaphore_mem>>
      tpu.enqueue_dma source(%arg7 : memref<16xi32, #tpu.memory_space<hbm>>) target(%arg20 : memref<16xi32, #tpu.memory_space<vmem>>) target_semaphore(%run_scoped3A : memref<!tpu.dma_semaphore, #tpu.memory_space<semaphore_mem>>)
      tpu.wait_dma2 semaphore(%run_scoped3A : memref<!tpu.dma_semaphore, #tpu.memory_space<semaphore_mem>>) src(%arg7 : memref<16xi32, #tpu.memory_space<hbm>>) dst(%arg20 : memref<16xi32, #tpu.memory_space<vmem>>)
      tpu.yield
    }) : () -> ()
    %iota3A = tpu.iota {dimensions = array<i32: 0>} : vector<16xi32>
    %get3A = arith.constant 0 : index
    %get3A_3 = tpu.vector_load %arg20[%get3A] {strides = array<i32>} : memref<16xi32, #tpu.memory_space<vmem>>, vector<16xi32>,
    %broadcast_in_dim3A = arith.constant -1.000000e+30 : f32
    %broadcast_in_dim3A_4 = vector.broadcast %broadcast_in_dim3A : f32 to vector<16xf32>
    %add3A_5 = arith.constant 0 : i32
    %add3A_6 = arith.addi %mul3A_2, %add3A_5 : i32
    %rem3A = arith.constant 0 : i32
    %rem3A_7 = arith.constant 4 : i32
    %rem3A_8 = arith.remsi %rem3A, %rem3A_7 : i32
    %div3A = arith.constant 8 : i32
    %div3A_9 = arith.divsi %add3A_6, %div3A : i32
    %mul3A_10 = arith.constant 6272 : i32
    %mul3A_11 = arith.muli %div3A_9, %mul3A_10 : i32
    %rem3A_12 = arith.constant 8 : i32
    %rem3A_13 = arith.remsi %add3A_6, %rem3A_12 : i32
    %add3A_14 = arith.addi %mul3A_11, %rem3A_13 : i32
    %get3A_15 = arith.constant 0 : i32
    %get3A_16 = arith.index_cast %get3A_15 : i32 to index
    %get3A_17 = arith.constant 0 : index
    %get3A_18 = tpu.vector_load %arg12[%get3A_16, %get3A_17] {strides = array<i32>} : memref<32x32xi32, #tpu.memory_space<vmem>>, vector<16xi32>,
    %sort3A = arith.constant dense<true> : vector<16xi1>
    %sort3A_19, %sort3A_20, %sort3A_21 = tpu.sort %get3A_18, %get3A_18 masked %sort3A : (vector<16xi32>, vector<16xi32>, vector<16xi1>) -> (vector<16xi1>, vector<16xi32>, vector<16xi32>)
    %get3A_22 = arith.constant 0 : i32
    %get3A_23 = arith.index_cast %get3A_22 : i32 to index
    %get3A_24 = arith.constant 16 : index
    %get3A_25 = tpu.vector_load %arg12[%get3A_23, %get3A_24] {strides = array<i32>} : memref<32x32xi32, #tpu.memory_space<vmem>>, vector<16xi32>,
    %sort3A_26 = arith.constant dense<true> : vector<16xi1>
    %sort3A_27, %sort3A_28, %sort3A_29 = tpu.sort %get3A_25, %get3A_25 masked %sort3A_26 : (vector<16xi32>, vector<16xi32>, vector<16xi1>) -> (vector<16xi1>, vector<16xi32>, vector<16xi32>)
    %rev3A = arith.constant 15 : i32
    %rev3A_30 = vector.broadcast %rev3A : i32 to vector<16xi32>
    %rev3A_31 = tpu.iota {dimensions = array<i32: 0>} : vector<16xi32>
    %rev3A_32 = arith.subi %rev3A_30, %rev3A_31 : vector<16xi32>
    %rev3A_33 = tpu.dynamic_gather %sort3A_28[%rev3A_32] in [0] : vector<16xi32>, vector<16xi32> -> vector<16xi32>
    %min3A = arith.minsi %sort3A_20, %rev3A_33 : vector<16xi32>
    %sort3A_34 = arith.constant dense<true> : vector<16xi1>
    %sort3A_35, %sort3A_36, %sort3A_37 = tpu.sort %min3A, %min3A masked %sort3A_34 : (vector<16xi32>, vector<16xi32>, vector<16xi1>) -> (vector<16xi1>, vector<16xi32>, vector<16xi32>)
    %max3A = arith.maxsi %sort3A_20, %rev3A_33 : vector<16xi32>
    %sort3A_38 = arith.constant dense<true> : vector<16xi1>
    %sort3A_39, %sort3A_40, %sort3A_41 = tpu.sort %max3A, %max3A masked %sort3A_38 : (vector<16xi32>, vector<16xi32>, vector<16xi1>) -> (vector<16xi1>, vector<16xi32>, vector<16xi32>)
    %swap3A = arith.constant 0 : i32
    %swap3A_42 = arith.index_cast %swap3A : i32 to index
    %swap3A_43 = arith.constant 0 : index
    %swap3A_44 = tpu.vector_load %arg12[%swap3A_42, %swap3A_43] {strides = array<i32>} : memref<32x32xi32, #tpu.memory_space<vmem>>, vector<16xi32>,
    tpu.vector_store %arg12[%swap3A_42, %swap3A_43], %sort3A_36 {strides = array<i32>} : memref<32x32xi32, #tpu.memory_space<vmem>>, vector<16xi32>,
    %swap3A_45 = arith.constant 0 : i32
    %swap3A_46 = arith.index_cast %swap3A_45 : i32 to index
    %swap3A_47 = arith.constant 16 : index
    %swap3A_48 = tpu.vector_load %arg12[%swap3A_46, %swap3A_47] {strides = array<i32>} : memref<32x32xi32, #tpu.memory_space<vmem>>, vector<16xi32>,
    tpu.vector_store %arg12[%swap3A_46, %swap3A_47], %sort3A_40 {strides = array<i32>} : memref<32x32xi32, #tpu.memory_space<vmem>>, vector<16xi32>,
    %mul3A_49 = arith.constant 8 : i32
    %mul3A_50 = vector.broadcast %mul3A_49 : i32 to vector<16xi32>
    %mul3A_51 = arith.muli %sort3A_36, %mul3A_50 : vector<16xi32>
    %add3A_52 = vector.broadcast %add3A_14 : i32 to vector<16xi32>
    %add3A_53 = arith.addi %mul3A_51, %add3A_52 : vector<16xi32>
    %swap3A_54 = arith.index_cast %rem3A_8 : i32 to index
    %swap3A_55 = arith.constant 0 : index
    %swap3A_56 = tpu.vector_load %arg13[%swap3A_54, %swap3A_55] {strides = array<i32>} : memref<4x32xi32, #tpu.memory_space<vmem>>, vector<16xi32>,
    tpu.vector_store %arg13[%swap3A_54, %swap3A_55], %add3A_53 {strides = array<i32>} : memref<4x32xi32, #tpu.memory_space<vmem>>, vector<16xi32>,
    %mul3A_57 = arith.constant 8 : i32
    %mul3A_58 = vector.broadcast %mul3A_57 : i32 to vector<16xi32>
    %mul3A_59 = arith.muli %sort3A_40, %mul3A_58 : vector<16xi32>
    %add3A_60 = vector.broadcast %add3A_14 : i32 to vector<16xi32>
    %add3A_61 = arith.addi %mul3A_59, %add3A_60 : vector<16xi32>
    %swap3A_62 = arith.index_cast %rem3A_8 : i32 to index
    %swap3A_63 = arith.constant 16 : index
    %swap3A_64 = tpu.vector_load %arg13[%swap3A_62, %swap3A_63] {strides = array<i32>} : memref<4x32xi32, #tpu.memory_space<vmem>>, vector<16xi32>,
    tpu.vector_store %arg13[%swap3A_62, %swap3A_63], %add3A_61 {strides = array<i32>} : memref<4x32xi32, #tpu.memory_space<vmem>>, vector<16xi32>,
    %dma_start3A = arith.constant 0 : i32
    %dma_start3A_65 = arith.constant 0 : i32
    %dma_start3A_66 = tpu.memref_slice %arg14[%rem3A_8, %dma_start3A, %dma_start3A_65] : memref<4x32x128xf32, #tpu.memory_space<vmem>> -> memref<1x32x128xf32, #tpu.memory_space<vmem>>
    %dma_start3A_67 = tpu.memref_squeeze %dma_start3A_66 : memref<1x32x128xf32, #tpu.memory_space<vmem>> -> memref<32x128xf32, #tpu.memory_space<vmem>>
    %dma_start3A_68 = arith.constant 0 : i32
    %dma_start3A_69 = tpu.memref_slice %arg13[%rem3A_8, %dma_start3A_68] : memref<4x32xi32, #tpu.memory_space<vmem>> -> memref<1x32xi32, #tpu.memory_space<vmem>>
    %dma_start3A_70 = tpu.memref_squeeze %dma_start3A_69 : memref<1x32xi32, #tpu.memory_space<vmem>> -> memref<32xi32, #tpu.memory_space<vmem>>
    %dma_start3A_71 = arith.constant 0 : i32
    %dma_start3A_72 = arith.constant 0 : i32
    %dma_start3A_73 = tpu.memref_slice %arg2[%dma_start3A_71, %dma_start3A_72] : memref<802816x128xf32, #tpu.memory_space<hbm>> -> memref<802816x128xf32, #tpu.memory_space<hbm>>
    %dma_start3A_74 = tpu.memref_slice %arg25[%rem3A_8] : memref<4x!tpu.dma_semaphore, #tpu.memory_space<semaphore_mem>> -> memref<1x!tpu.dma_semaphore, #tpu.memory_space<semaphore_mem>>
    %dma_start3A_75 = tpu.memref_squeeze %dma_start3A_74 : memref<1x!tpu.dma_semaphore, #tpu.memory_space<semaphore_mem>> -> memref<!tpu.dma_semaphore, #tpu.memory_space<semaphore_mem>>
    tpu.enqueue_indirect_dma source(%dma_start3A_73 : memref<802816x128xf32, #tpu.memory_space<hbm>>) target(%dma_start3A_67 : memref<32x128xf32, #tpu.memory_space<vmem>>) offsets(%dma_start3A_70 : memref<32xi32, #tpu.memory_space<vmem>>) semaphore(%dma_start3A_75 : memref<!tpu.dma_semaphore, #tpu.memory_space<semaphore_mem>>)
    %add3A_76 = arith.constant 1 : i32
    %add3A_77 = arith.addi %mul3A_2, %add3A_76 : i32
    %rem3A_78 = arith.constant 1 : i32
    %rem3A_79 = arith.constant 4 : i32
    %rem3A_80 = arith.remsi %rem3A_78, %rem3A_79 : i32
    %div3A_81 = arith.constant 8 : i32
    %div3A_82 = arith.divsi %add3A_77, %div3A_81 : i32
    %mul3A_83 = arith.constant 6272 : i32
    %mul3A_84 = arith.muli %div3A_82, %mul3A_83 : i32
    %rem3A_85 = arith.constant 8 : i32
    %rem3A_86 = arith.remsi %add3A_77, %rem3A_85 : i32
    %add3A_87 = arith.addi %mul3A_84, %rem3A_86 : i32
    %get3A_88 = arith.constant 1 : i32
    %get3A_89 = arith.index_cast %get3A_88 : i32 to index
    %get3A_90 = arith.constant 0 : index
    %get3A_91 = tpu.vector_load %arg12[%get3A_89, %get3A_90] {strides = array<i32>} : memref<32x32xi32, #tpu.memory_space<vmem>>, vector<16xi32>,
    %sort3A_92 = arith.constant dense<true> : vector<16xi1>
    %sort3A_93, %sort3A_94, %sort3A_95 = tpu.sort %get3A_91, %get3A_91 masked %sort3A_92 : (vector<16xi32>, vector<16xi32>, vector<16xi1>) -> (vector<16xi1>, vector<16xi32>, vector<16xi32>)
    %get3A_96 = arith.constant 1 : i32
    %get3A_97 = arith.index_cast %get3A_96 : i32 to index
    %get3A_98 = arith.constant 16 : index
    %get3A_99 = tpu.vector_load %arg12[%get3A_97, %get3A_98] {strides = array<i32>} : memref<32x32xi32, #tpu.memory_space<vmem>>, vector<16xi32>,
    %sort3A_100 = arith.constant dense<true> : vector<16xi1>
    %sort3A_101, %sort3A_102, %sort3A_103 = tpu.sort %get3A_99, %get3A_99 masked %sort3A_100 : (vector<16xi32>, vector<16xi32>, vector<16xi1>) -> (vector<16xi1>, vector<16xi32>, vector<16xi32>)
    %rev3A_104 = arith.constant 15 : i32
    %rev3A_105 = vector.broadcast %rev3A_104 : i32 to vector<16xi32>
    %rev3A_106 = tpu.iota {dimensions = array<i32: 0>} : vector<16xi32>
    %rev3A_107 = arith.subi %rev3A_105, %rev3A_106 : vector<16xi32>
    %rev3A_108 = tpu.dynamic_gather %sort3A_102[%rev3A_107] in [0] : vector<16xi32>, vector<16xi32> -> vector<16xi32>
    %min3A_109 = arith.minsi %sort3A_94, %rev3A_108 : vector<16xi32>
    %sort3A_110 = arith.constant dense<true> : vector<16xi1>
    %sort3A_111, %sort3A_112, %sort3A_113 = tpu.sort %min3A_109, %min3A_109 masked %sort3A_110 : (vector<16xi32>, vector<16xi32>, vector<16xi1>) -> (vector<16xi1>, vector<16xi32>, vector<16xi32>)
    %max3A_114 = arith.maxsi %sort3A_94, %rev3A_108 : vector<16xi32>
    %sort3A_115 = arith.constant dense<true> : vector<16xi1>
    %sort3A_116, %sort3A_117, %sort3A_118 = tpu.sort %max3A_114, %max3A_114 masked %sort3A_115 : (vector<16xi32>, vector<16xi32>, vector<16xi1>) -> (vector<16xi1>, vector<16xi32>, vector<16xi32>)
    %swap3A_119 = arith.constant 1 : i32
    %swap3A_120 = arith.index_cast %swap3A_119 : i32 to index
    %swap3A_121 = arith.constant 0 : index
    %swap3A_122 = tpu.vector_load %arg12[%swap3A_120, %swap3A_121] {strides = array<i32>} : memref<32x32xi32, #tpu.memory_space<vmem>>, vector<16xi32>,
    tpu.vector_store %arg12[%swap3A_120, %swap3A_121], %sort3A_112 {strides = array<i32>} : memref<32x32xi32, #tpu.memory_space<vmem>>, vector<16xi32>,
    %swap3A_123 = arith.constant 1 : i32
    %swap3A_124 = arith.index_cast %swap3A_123 : i32 to index
    %swap3A_125 = arith.constant 16 : index
    %swap3A_126 = tpu.vector_load %arg12[%swap3A_124, %swap3A_125] {strides = array<i32>} : memref<32x32xi32, #tpu.memory_space<vmem>>, vector<16xi32>,
    tpu.vector_store %arg12[%swap3A_124, %swap3A_125], %sort3A_117 {strides = array<i32>} : memref<32x32xi32, #tpu.memory_space<vmem>>, vector<16xi32>,
    %mul3A_127 = arith.constant 8 : i32
    %mul3A_128 = vector.broadcast %mul3A_127 : i32 to vector<16xi32>
    %mul3A_129 = arith.muli %sort3A_112, %mul3A_128 : vector<16xi32>
    %add3A_130 = vector.broadcast %add3A_87 : i32 to vector<16xi32>
    %add3A_131 = arith.addi %mul3A_129, %add3A_130 : vector<16xi32>
    %swap3A_132 = arith.index_cast %rem3A_80 : i32 to index
    %swap3A_133 = arith.constant 0 : index
    %swap3A_134 = tpu.vector_load %arg13[%swap3A_132, %swap3A_133] {strides = array<i32>} : memref<4x32xi32, #tpu.memory_space<vmem>>, vector<16xi32>,
    tpu.vector_store %arg13[%swap3A_132, %swap3A_133], %add3A_131 {strides = array<i32>} : memref<4x32xi32, #tpu.memory_space<vmem>>, vector<16xi32>,
    %mul3A_135 = arith.constant 8 : i32
    %mul3A_136 = vector.broadcast %mul3A_135 : i32 to vector<16xi32>
    %mul3A_137 = arith.muli %sort3A_117, %mul3A_136 : vector<16xi32>
    %add3A_138 = vector.broadcast %add3A_87 : i32 to vector<16xi32>
    %add3A_139 = arith.addi %mul3A_137, %add3A_138 : vector<16xi32>
    %swap3A_140 = arith.index_cast %rem3A_80 : i32 to index
    %swap3A_141 = arith.constant 16 : index
    %swap3A_142 = tpu.vector_load %arg13[%swap3A_140, %swap3A_141] {strides = array<i32>} : memref<4x32xi32, #tpu.memory_space<vmem>>, vector<16xi32>,
    tpu.vector_store %arg13[%swap3A_140, %swap3A_141], %add3A_139 {strides = array<i32>} : memref<4x32xi32, #tpu.memory_space<vmem>>, vector<16xi32>,
    %dma_start3A_143 = arith.constant 0 : i32
    %dma_start3A_144 = arith.constant 0 : i32
    %dma_start3A_145 = tpu.memref_slice %arg14[%rem3A_80, %dma_start3A_143, %dma_start3A_144] : memref<4x32x128xf32, #tpu.memory_space<vmem>> -> memref<1x32x128xf32, #tpu.memory_space<vmem>>
    %dma_start3A_146 = tpu.memref_squeeze %dma_start3A_145 : memref<1x32x128xf32, #tpu.memory_space<vmem>> -> memref<32x128xf32, #tpu.memory_space<vmem>>
    %dma_start3A_147 = arith.constant 0 : i32
    %dma_start3A_148 = tpu.memref_slice %arg13[%rem3A_80, %dma_start3A_147] : memref<4x32xi32, #tpu.memory_space<vmem>> -> memref<1x32xi32, #tpu.memory_space<vmem>>
    %dma_start3A_149 = tpu.memref_squeeze %dma_start3A_148 : memref<1x32xi32, #tpu.memory_space<vmem>> -> memref<32xi32, #tpu.memory_space<vmem>>
    %dma_start3A_150 = arith.constant 0 : i32
    %dma_start3A_151 = arith.constant 0 : i32
    %dma_start3A_152 = tpu.memref_slice %arg2[%dma_start3A_150, %dma_start3A_151] : memref<802816x128xf32, #tpu.memory_space<hbm>> -> memref<802816x128xf32, #tpu.memory_space<hbm>>
    %dma_start3A_153 = tpu.memref_slice %arg25[%rem3A_80] : memref<4x!tpu.dma_semaphore, #tpu.memory_space<semaphore_mem>> -> memref<1x!tpu.dma_semaphore, #tpu.memory_space<semaphore_mem>>
    %dma_start3A_154 = tpu.memref_squeeze %dma_start3A_153 : memref<1x!tpu.dma_semaphore, #tpu.memory_space<semaphore_mem>> -> memref<!tpu.dma_semaphore, #tpu.memory_space<semaphore_mem>>
    tpu.enqueue_indirect_dma source(%dma_start3A_152 : memref<802816x128xf32, #tpu.memory_space<hbm>>) target(%dma_start3A_146 : memref<32x128xf32, #tpu.memory_space<vmem>>) offsets(%dma_start3A_149 : memref<32xi32, #tpu.memory_space<vmem>>) semaphore(%dma_start3A_154 : memref<!tpu.dma_semaphore, #tpu.memory_space<semaphore_mem>>)
    %add3A_155 = arith.constant 2 : i32
    %add3A_156 = arith.addi %mul3A_2, %add3A_155 : i32
    %rem3A_157 = arith.constant 2 : i32
    %rem3A_158 = arith.constant 4 : i32
    %rem3A_159 = arith.remsi %rem3A_157, %rem3A_158 : i32
    %div3A_160 = arith.constant 8 : i32
    %div3A_161 = arith.divsi %add3A_156, %div3A_160 : i32
    %mul3A_162 = arith.constant 6272 : i32
    %mul3A_163 = arith.muli %div3A_161, %mul3A_162 : i32
    %rem3A_164 = arith.constant 8 : i32
    %rem3A_165 = arith.remsi %add3A_156, %rem3A_164 : i32
    %add3A_166 = arith.addi %mul3A_163, %rem3A_165 : i32
    %get3A_167 = arith.constant 2 : i32
    %get3A_168 = arith.index_cast %get3A_167 : i32 to index
    %get3A_169 = arith.constant 0 : index
    %get3A_170 = tpu.vector_load %arg12[%get3A_168, %get3A_169] {strides = array<i32>} : memref<32x32xi32, #tpu.memory_space<vmem>>, vector<16xi32>,
    %sort3A_171 = arith.constant dense<true> : vector<16xi1>
    %sort3A_172, %sort3A_173, %sort3A_174 = tpu.sort %get3A_170, %get3A_170 masked %sort3A_171 : (vector<16xi32>, vector<16xi32>, vector<16xi1>) -> (vector<16xi1>, vector<16xi32>, vector<16xi32>)
    %get3A_175 = arith.constant 2 : i32
    %get3A_176 = arith.index_cast %get3A_175 : i32 to index
    %get3A_177 = arith.constant 16 : index
    %get3A_178 = tpu.vector_load %arg12[%get3A_176, %get3A_177] {strides = array<i32>} : memref<32x32xi32, #tpu.memory_space<vmem>>, vector<16xi32>,
    %sort3A_179 = arith.constant dense<true> : vector<16xi1>
    %sort3A_180, %sort3A_181, %sort3A_182 = tpu.sort %get3A_178, %get3A_178 masked %sort3A_179 : (vector<16xi32>, vector<16xi32>, vector<16xi1>) -> (vector<16xi1>, vector<16xi32>, vector<16xi32>)
    %rev3A_183 = arith.constant 15 : i32
    %rev3A_184 = vector.broadcast %rev3A_183 : i32 to vector<16xi32>
    %rev3A_185 = tpu.iota {dimensions = array<i32: 0>} : vector<16xi32>
    %rev3A_186 = arith.subi %rev3A_184, %rev3A_185 : vector<16xi32>
    %rev3A_187 = tpu.dynamic_gather %sort3A_181[%rev3A_186] in [0] : vector<16xi32>, vector<16xi32> -> vector<16xi32>
    %min3A_188 = arith.minsi %sort3A_173, %rev3A_187 : vector<16xi32>
    %sort3A_189 = arith.constant dense<true> : vector<16xi1>
    %sort3A_190, %sort3A_191, %sort3A_192 = tpu.sort %min3A_188, %min3A_188 masked %sort3A_189 : (vector<16xi32>, vector<16xi32>, vector<16xi1>) -> (vector<16xi1>, vector<16xi32>, vector<16xi32>)
    %max3A_193 = arith.maxsi %sort3A_173, %rev3A_187 : vector<16xi32>
    %sort3A_194 = arith.constant dense<true> : vector<16xi1>
    %sort3A_195, %sort3A_196, %sort3A_197 = tpu.sort %max3A_193, %max3A_193 masked %sort3A_194 : (vector<16xi32>, vector<16xi32>, vector<16xi1>) -> (vector<16xi1>, vector<16xi32>, vector<16xi32>)
    %swap3A_198 = arith.constant 2 : i32
    %swap3A_199 = arith.index_cast %swap3A_198 : i32 to index
    %swap3A_200 = arith.constant 0 : index
    %swap3A_201 = tpu.vector_load %arg12[%swap3A_199, %swap3A_200] {strides = array<i32>} : memref<32x32xi32, #tpu.memory_space<vmem>>, vector<16xi32>,
    tpu.vector_store %arg12[%swap3A_199, %swap3A_200], %sort3A_191 {strides = array<i32>} : memref<32x32xi32, #tpu.memory_space<vmem>>, vector<16xi32>,
    %swap3A_202 = arith.constant 2 : i32
    %swap3A_203 = arith.index_cast %swap3A_202 : i32 to index
    %swap3A_204 = arith.constant 16 : index
    %swap3A_205 = tpu.vector_load %arg12[%swap3A_203, %swap3A_204] {strides = array<i32>} : memref<32x32xi32, #tpu.memory_space<vmem>>, vector<16xi32>,
    tpu.vector_store %arg12[%swap3A_203, %swap3A_204], %sort3A_196 {strides = array<i32>} : memref<32x32xi32, #tpu.memory_space<vmem>>, vector<16xi32>,
    %mul3A_206 = arith.constant 8 : i32
    %mul3A_207 = vector.broadcast %mul3A_206 : i32 to vector<16xi32>
    %mul3A_208 = arith.muli %sort3A_191, %mul3A_207 : vector<16xi32>
    %add3A_209 = vector.broadcast %add3A_166 : i32 to vector<16xi32>
    %add3A_210 = arith.addi %mul3A_208, %add3A_209 : vector<16xi32>
    %swap3A_211 = arith.index_cast %rem3A_159 : i32 to index
    %swap3A_212 = arith.constant 0 : index
    %swap3A_213 = tpu.vector_load %arg13[%swap3A_211, %swap3A_212] {strides = array<i32>} : memref<4x32xi32, #tpu.memory_space<vmem>>, vector<16xi32>,
    tpu.vector_store %arg13[%swap3A_211, %swap3A_212], %add3A_210 {strides = array<i32>} : memref<4x32xi32, #tpu.memory_space<vmem>>, vector<16xi32>,
    %mul3A_214 = arith.constant 8 : i32
    %mul3A_215 = vector.broadcast %mul3A_214 : i32 to vector<16xi32>
    %mul3A_216 = arith.muli %sort3A_196, %mul3A_215 : vector<16xi32>
    %add3A_217 = vector.broadcast %add3A_166 : i32 to vector<16xi32>
    %add3A_218 = arith.addi %mul3A_216, %add3A_217 : vector<16xi32>
    %swap3A_219 = arith.index_cast %rem3A_159 : i32 to index
    %swap3A_220 = arith.constant 16 : index
    %swap3A_221 = tpu.vector_load %arg13[%swap3A_219, %swap3A_220] {strides = array<i32>} : memref<4x32xi32, #tpu.memory_space<vmem>>, vector<16xi32>,
    tpu.vector_store %arg13[%swap3A_219, %swap3A_220], %add3A_218 {strides = array<i32>} : memref<4x32xi32, #tpu.memory_space<vmem>>, vector<16xi32>,
    %dma_start3A_222 = arith.constant 0 : i32
    %dma_start3A_223 = arith.constant 0 : i32
    %dma_start3A_224 = tpu.memref_slice %arg14[%rem3A_159, %dma_start3A_222, %dma_start3A_223] : memref<4x32x128xf32, #tpu.memory_space<vmem>> -> memref<1x32x128xf32, #tpu.memory_space<vmem>>
    %dma_start3A_225 = tpu.memref_squeeze %dma_start3A_224 : memref<1x32x128xf32, #tpu.memory_space<vmem>> -> memref<32x128xf32, #tpu.memory_space<vmem>>
    %dma_start3A_226 = arith.constant 0 : i32
    %dma_start3A_227 = tpu.memref_slice %arg13[%rem3A_159, %dma_start3A_226] : memref<4x32xi32, #tpu.memory_space<vmem>> -> memref<1x32xi32, #tpu.memory_space<vmem>>
    %dma_start3A_228 = tpu.memref_squeeze %dma_start3A_227 : memref<1x32xi32, #tpu.memory_space<vmem>> -> memref<32xi32, #tpu.memory_space<vmem>>
    %dma_start3A_229 = arith.constant 0 : i32
    %dma_start3A_230 = arith.constant 0 : i32
    %dma_start3A_231 = tpu.memref_slice %arg2[%dma_start3A_229, %dma_start3A_230] : memref<802816x128xf32, #tpu.memory_space<hbm>> -> memref<802816x128xf32, #tpu.memory_space<hbm>>
    %dma_start3A_232 = tpu.memref_slice %arg25[%rem3A_159] : memref<4x!tpu.dma_semaphore, #tpu.memory_space<semaphore_mem>> -> memref<1x!tpu.dma_semaphore, #tpu.memory_space<semaphore_mem>>
    %dma_start3A_233 = tpu.memref_squeeze %dma_start3A_232 : memref<1x!tpu.dma_semaphore, #tpu.memory_space<semaphore_mem>> -> memref<!tpu.dma_semaphore, #tpu.memory_space<semaphore_mem>>
    tpu.enqueue_indirect_dma source(%dma_start3A_231 : memref<802816x128xf32, #tpu.memory_space<hbm>>) target(%dma_start3A_225 : memref<32x128xf32, #tpu.memory_space<vmem>>) offsets(%dma_start3A_228 : memref<32xi32, #tpu.memory_space<vmem>>) semaphore(%dma_start3A_233 : memref<!tpu.dma_semaphore, #tpu.memory_space<semaphore_mem>>)
    %broadcast_in_dim3A_234 = arith.constant 0 : i32
    %broadcast_in_dim3A_235 = vector.broadcast %broadcast_in_dim3A_234 : i32 to vector<16xi32>
    %scan3A = arith.constant 0 : i32
    %scan3A_236 = arith.constant 32 : i32
    %scan3A_237 = arith.addi %scan3A, %scan3A_236 : i32
    %scan3A_238 = arith.constant 1 : i32
    %scan3A_239:2 = scf.for %scan3A_251 = %scan3A to %scan3A_237 step %scan3A_238 iter_args(%scan3A_252 = %broadcast_in_dim3A_235, %scan3A_253 = %broadcast_in_dim3A_235) -> (vector<16xi32>, vector<16xi32>)  : i32 {
      %add3A_254 = arith.addi %mul3A_2, %scan3A_251 : i32
      %rem3A_255 = arith.constant 4 : i32
      %rem3A_256 = arith.remsi %scan3A_251, %rem3A_255 : i32
      %get3A_257 = arith.index_cast %scan3A_251 : i32 to index
      %get3A_258 = arith.constant 0 : index
      %get3A_259 = tpu.vector_load %arg12[%get3A_257, %get3A_258] {strides = array<i32>} : memref<32x32xi32, #tpu.memory_space<vmem>>, vector<16xi32>,
      %get3A_260 = arith.index_cast %scan3A_251 : i32 to index
      %get3A_261 = arith.constant 16 : index
      %get3A_262 = tpu.vector_load %arg12[%get3A_260, %get3A_261] {strides = array<i32>} : memref<32x32xi32, #tpu.memory_space<vmem>>, vector<16xi32>,
      %dma_wait3A = arith.constant 0 : i32
      %dma_wait3A_263 = arith.constant 0 : i32
      %dma_wait3A_264 = tpu.memref_slice %arg14[%rem3A_256, %dma_wait3A, %dma_wait3A_263] : memref<4x32x128xf32, #tpu.memory_space<vmem>> -> memref<1x32x128xf32, #tpu.memory_space<vmem>>
      %dma_wait3A_265 = tpu.memref_squeeze %dma_wait3A_264 : memref<1x32x128xf32, #tpu.memory_space<vmem>> -> memref<32x128xf32, #tpu.memory_space<vmem>>
      %dma_wait3A_266 = arith.constant 0 : i32
      %dma_wait3A_267 = tpu.memref_slice %arg13[%rem3A_256, %dma_wait3A_266] : memref<4x32xi32, #tpu.memory_space<vmem>> -> memref<1x32xi32, #tpu.memory_space<vmem>>
      %dma_wait3A_268 = tpu.memref_squeeze %dma_wait3A_267 : memref<1x32xi32, #tpu.memory_space<vmem>> -> memref<32xi32, #tpu.memory_space<vmem>>
      %dma_wait3A_269 = arith.constant 0 : i32
      %dma_wait3A_270 = arith.constant 0 : i32
      %dma_wait3A_271 = tpu.memref_slice %arg2[%dma_wait3A_269, %dma_wait3A_270] : memref<802816x128xf32, #tpu.memory_space<hbm>> -> memref<802816x128xf32, #tpu.memory_space<hbm>>
      %dma_wait3A_272 = tpu.memref_slice %arg25[%rem3A_256] : memref<4x!tpu.dma_semaphore, #tpu.memory_space<semaphore_mem>> -> memref<1x!tpu.dma_semaphore, #tpu.memory_space<semaphore_mem>>
      %dma_wait3A_273 = tpu.memref_squeeze %dma_wait3A_272 : memref<1x!tpu.dma_semaphore, #tpu.memory_space<semaphore_mem>> -> memref<!tpu.dma_semaphore, #tpu.memory_space<semaphore_mem>>
      tpu.wait_indirect_dma semaphore(%dma_wait3A_273 : memref<!tpu.dma_semaphore, #tpu.memory_space<semaphore_mem>>) src(%dma_wait3A_271 : memref<802816x128xf32, #tpu.memory_space<hbm>>) dst(%dma_wait3A_265 : memref<32x128xf32, #tpu.memory_space<vmem>>)
      %lt3A = arith.constant 29 : i32
      %lt3A_274 = arith.cmpi slt, %scan3A_251, %lt3A : i32
      %convert_element_type3A = arith.extui %lt3A_274 : i1 to i32
      %cond3A = arith.constant 0 : i32
      %cond3A_275 = arith.cmpi ne, %convert_element_type3A, %cond3A : i32
      scf.if %cond3A_275 {
        %add3A_2358 = arith.constant 3 : i32
        %add3A_2359 = arith.addi %scan3A_251, %add3A_2358 : i32
        %add3A_2360 = arith.addi %mul3A_2, %add3A_2359 : i32
        %rem3A_2361 = arith.constant 4 : i32
        %rem3A_2362 = arith.remsi %add3A_2359, %rem3A_2361 : i32
        %div3A_2363 = arith.constant 8 : i32
        %div3A_2364 = arith.divsi %add3A_2360, %div3A_2363 : i32
        %mul3A_2365 = arith.constant 6272 : i32
        %mul3A_2366 = arith.muli %div3A_2364, %mul3A_2365 : i32
        %rem3A_2367 = arith.constant 8 : i32
        %rem3A_2368 = arith.remsi %add3A_2360, %rem3A_2367 : i32
        %add3A_2369 = arith.addi %mul3A_2366, %rem3A_2368 : i32
        %get3A_2370 = arith.index_cast %add3A_2359 : i32 to index
        %get3A_2371 = arith.constant 0 : index
        %get3A_2372 = tpu.vector_load %arg12[%get3A_2370, %get3A_2371] {strides = array<i32>} : memref<32x32xi32, #tpu.memory_space<vmem>>, vector<16xi32>,
        %sort3A_2373 = arith.constant dense<true> : vector<16xi1>
        %sort3A_2374, %sort3A_2375, %sort3A_2376 = tpu.sort %get3A_2372, %get3A_2372 masked %sort3A_2373 : (vector<16xi32>, vector<16xi32>, vector<16xi1>) -> (vector<16xi1>, vector<16xi32>, vector<16xi32>)
        %get3A_2377 = arith.index_cast %add3A_2359 : i32 to index
        %get3A_2378 = arith.constant 16 : index
        %get3A_2379 = tpu.vector_load %arg12[%get3A_2377, %get3A_2378] {strides = array<i32>} : memref<32x32xi32, #tpu.memory_space<vmem>>, vector<16xi32>,
        %sort3A_2380 = arith.constant dense<true> : vector<16xi1>
        %sort3A_2381, %sort3A_2382, %sort3A_2383 = tpu.sort %get3A_2379, %get3A_2379 masked %sort3A_2380 : (vector<16xi32>, vector<16xi32>, vector<16xi1>) -> (vector<16xi1>, vector<16xi32>, vector<16xi32>)
        %rev3A_2384 = arith.constant 15 : i32
        %rev3A_2385 = vector.broadcast %rev3A_2384 : i32 to vector<16xi32>
        %rev3A_2386 = tpu.iota {dimensions = array<i32: 0>} : vector<16xi32>
        %rev3A_2387 = arith.subi %rev3A_2385, %rev3A_2386 : vector<16xi32>
        %rev3A_2388 = tpu.dynamic_gather %sort3A_2382[%rev3A_2387] in [0] : vector<16xi32>, vector<16xi32> -> vector<16xi32>
        %min3A_2389 = arith.minsi %sort3A_2375, %rev3A_2388 : vector<16xi32>
        %sort3A_2390 = arith.constant dense<true> : vector<16xi1>
        %sort3A_2391, %sort3A_2392, %sort3A_2393 = tpu.sort %min3A_2389, %min3A_2389 masked %sort3A_2390 : (vector<16xi32>, vector<16xi32>, vector<16xi1>) -> (vector<16xi1>, vector<16xi32>, vector<16xi32>)
        %max3A_2394 = arith.maxsi %sort3A_2375, %rev3A_2388 : vector<16xi32>
        %sort3A_2395 = arith.constant dense<true> : vector<16xi1>
        %sort3A_2396, %sort3A_2397, %sort3A_2398 = tpu.sort %max3A_2394, %max3A_2394 masked %sort3A_2395 : (vector<16xi32>, vector<16xi32>, vector<16xi1>) -> (vector<16xi1>, vector<16xi32>, vector<16xi32>)
        %swap3A_2399 = arith.index_cast %add3A_2359 : i32 to index
        %swap3A_2400 = arith.constant 0 : index
        %swap3A_2401 = tpu.vector_load %arg12[%swap3A_2399, %swap3A_2400] {strides = array<i32>} : memref<32x32xi32, #tpu.memory_space<vmem>>, vector<16xi32>,
        tpu.vector_store %arg12[%swap3A_2399, %swap3A_2400], %sort3A_2392 {strides = array<i32>} : memref<32x32xi32, #tpu.memory_space<vmem>>, vector<16xi32>,
        %swap3A_2402 = arith.index_cast %add3A_2359 : i32 to index
        %swap3A_2403 = arith.constant 16 : index
        %swap3A_2404 = tpu.vector_load %arg12[%swap3A_2402, %swap3A_2403] {strides = array<i32>} : memref<32x32xi32, #tpu.memory_space<vmem>>, vector<16xi32>,
        tpu.vector_store %arg12[%swap3A_2402, %swap3A_2403], %sort3A_2397 {strides = array<i32>} : memref<32x32xi32, #tpu.memory_space<vmem>>, vector<16xi32>,
        %mul3A_2405 = arith.constant 8 : i32
        %mul3A_2406 = vector.broadcast %mul3A_2405 : i32 to vector<16xi32>
        %mul3A_2407 = arith.muli %sort3A_2392, %mul3A_2406 : vector<16xi32>
        %add3A_2408 = vector.broadcast %add3A_2369 : i32 to vector<16xi32>
        %add3A_2409 = arith.addi %mul3A_2407, %add3A_2408 : vector<16xi32>
        %swap3A_2410 = arith.index_cast %rem3A_2362 : i32 to index
        %swap3A_2411 = arith.constant 0 : index
        %swap3A_2412 = tpu.vector_load %arg13[%swap3A_2410, %swap3A_2411] {strides = array<i32>} : memref<4x32xi32, #tpu.memory_space<vmem>>, vector<16xi32>,
        tpu.vector_store %arg13[%swap3A_2410, %swap3A_2411], %add3A_2409 {strides = array<i32>} : memref<4x32xi32, #tpu.memory_space<vmem>>, vector<16xi32>,
        %mul3A_2413 = arith.constant 8 : i32
        %mul3A_2414 = vector.broadcast %mul3A_2413 : i32 to vector<16xi32>
        %mul3A_2415 = arith.muli %sort3A_2397, %mul3A_2414 : vector<16xi32>
        %add3A_2416 = vector.broadcast %add3A_2369 : i32 to vector<16xi32>
        %add3A_2417 = arith.addi %mul3A_2415, %add3A_2416 : vector<16xi32>
        %swap3A_2418 = arith.index_cast %rem3A_2362 : i32 to index
        %swap3A_2419 = arith.constant 16 : index
        %swap3A_2420 = tpu.vector_load %arg13[%swap3A_2418, %swap3A_2419] {strides = array<i32>} : memref<4x32xi32, #tpu.memory_space<vmem>>, vector<16xi32>,
        tpu.vector_store %arg13[%swap3A_2418, %swap3A_2419], %add3A_2417 {strides = array<i32>} : memref<4x32xi32, #tpu.memory_space<vmem>>, vector<16xi32>,
        %dma_start3A_2421 = arith.constant 0 : i32
        %dma_start3A_2422 = arith.constant 0 : i32
        %dma_start3A_2423 = tpu.memref_slice %arg14[%rem3A_2362, %dma_start3A_2421, %dma_start3A_2422] : memref<4x32x128xf32, #tpu.memory_space<vmem>> -> memref<1x32x128xf32, #tpu.memory_space<vmem>>
        %dma_start3A_2424 = tpu.memref_squeeze %dma_start3A_2423 : memref<1x32x128xf32, #tpu.memory_space<vmem>> -> memref<32x128xf32, #tpu.memory_space<vmem>>
        %dma_start3A_2425 = arith.constant 0 : i32
        %dma_start3A_2426 = tpu.memref_slice %arg13[%rem3A_2362, %dma_start3A_2425] : memref<4x32xi32, #tpu.memory_space<vmem>> -> memref<1x32xi32, #tpu.memory_space<vmem>>
        %dma_start3A_2427 = tpu.memref_squeeze %dma_start3A_2426 : memref<1x32xi32, #tpu.memory_space<vmem>> -> memref<32xi32, #tpu.memory_space<vmem>>
        %dma_start3A_2428 = arith.constant 0 : i32
        %dma_start3A_2429 = arith.constant 0 : i32
        %dma_start3A_2430 = tpu.memref_slice %arg2[%dma_start3A_2428, %dma_start3A_2429] : memref<802816x128xf32, #tpu.memory_space<hbm>> -> memref<802816x128xf32, #tpu.memory_space<hbm>>
        %dma_start3A_2431 = tpu.memref_slice %arg25[%rem3A_2362] : memref<4x!tpu.dma_semaphore, #tpu.memory_space<semaphore_mem>> -> memref<1x!tpu.dma_semaphore, #tpu.memory_space<semaphore_mem>>
        %dma_start3A_2432 = tpu.memref_squeeze %dma_start3A_2431 : memref<1x!tpu.dma_semaphore, #tpu.memory_space<semaphore_mem>> -> memref<!tpu.dma_semaphore, #tpu.memory_space<semaphore_mem>>
        tpu.enqueue_indirect_dma source(%dma_start3A_2430 : memref<802816x128xf32, #tpu.memory_space<hbm>>) target(%dma_start3A_2424 : memref<32x128xf32, #tpu.memory_space<vmem>>) offsets(%dma_start3A_2427 : memref<32xi32, #tpu.memory_space<vmem>>) semaphore(%dma_start3A_2432 : memref<!tpu.dma_semaphore, #tpu.memory_space<semaphore_mem>>)
      } else {
      }
      %get3A_276 = arith.constant 0 : index
      %get3A_277 = tpu.vector_load %arg19[%get3A_276] {strides = array<i32>} : memref<32xf32, #tpu.memory_space<vmem>>, vector<16xf32>,
      %get3A_278 = arith.constant 16 : index
      %get3A_279 = tpu.vector_load %arg19[%get3A_278] {strides = array<i32>} : memref<32xf32, #tpu.memory_space<vmem>>, vector<16xf32>,
      %min3A_280 = arith.constant 15 : i32
      %min3A_281 = arith.minsi %scan3A_251, %min3A_280 : i32
      %broadcast_in_dim3A_282 = vector.broadcast %min3A_281 : i32 to vector<16xi32>
      %broadcast_in_dim3A_283 = vector.shape_cast %broadcast_in_dim3A_282 : vector<16xi32> to vector<16x1xi32>
      %gather3A = vector.shape_cast %broadcast_in_dim3A_283 : vector<16x1xi32> to vector<16xi32>
      %gather3A_284 = tpu.dynamic_gather %get3A_277[%gather3A] in [0] : vector<16xf32>, vector<16xi32> -> vector<16xf32>
      %sub3A = arith.constant 16 : i32
      %sub3A_285 = arith.subi %scan3A_251, %sub3A : i32
      %max3A_286 = arith.constant 0 : i32
      %max3A_287 = arith.maxsi %sub3A_285, %max3A_286 : i32
      %broadcast_in_dim3A_288 = vector.broadcast %max3A_287 : i32 to vector<16xi32>
      %broadcast_in_dim3A_289 = vector.shape_cast %broadcast_in_dim3A_288 : vector<16xi32> to vector<16x1xi32>
      %gather3A_290 = vector.shape_cast %broadcast_in_dim3A_289 : vector<16x1xi32> to vector<16xi32>
      %gather3A_291 = tpu.dynamic_gather %get3A_279[%gather3A_290] in [0] : vector<16xf32>, vector<16xi32> -> vector<16xf32>
      %ge3A = arith.constant 16 : i32
      %ge3A_292 = arith.cmpi sge, %scan3A_251, %ge3A : i32
      %broadcast_in_dim3A_293 = vector.broadcast %ge3A_292 : i1 to vector<16xi1>
      %select_n3A = arith.select %broadcast_in_dim3A_293, %gather3A_291, %gather3A_284 : vector<16xi1>, vector<16xf32>
      %scan3A_294 = arith.constant 0 : i32
      %scan3A_295 = arith.constant 0 : i32
      %scan3A_296 = arith.constant 32 : i32
      %scan3A_297 = arith.addi %scan3A_295, %scan3A_296 : i32
      %scan3A_298 = arith.constant 1 : i32
      %scan3A_299 = scf.for %scan3A_2358 = %scan3A_295 to %scan3A_297 step %scan3A_298 iter_args(%scan3A_2359 = %scan3A_294) -> (i32)  : i32 {
        %get3A_2360 = arith.index_cast %rem3A_256 : i32 to index
        %get3A_2361 = arith.index_cast %scan3A_2358 : i32 to index
        %get3A_2362 = arith.constant 0 : index
        %get3A_2363 = tpu.vector_load %arg14[%get3A_2360, %get3A_2361, %get3A_2362] {strides = array<i32>} : memref<4x32x128xf32, #tpu.memory_space<vmem>>, vector<16xf32>,
        %get3A_2364 = arith.index_cast %rem3A_256 : i32 to index
        %get3A_2365 = arith.index_cast %scan3A_2358 : i32 to index
        %get3A_2366 = arith.constant 16 : index
        %get3A_2367 = tpu.vector_load %arg14[%get3A_2364, %get3A_2365, %get3A_2366] {strides = array<i32>} : memref<4x32x128xf32, #tpu.memory_space<vmem>>, vector<16xf32>,
        %get3A_2368 = arith.index_cast %rem3A_256 : i32 to index
        %get3A_2369 = arith.index_cast %scan3A_2358 : i32 to index
        %get3A_2370 = arith.constant 32 : index
        %get3A_2371 = tpu.vector_load %arg14[%get3A_2368, %get3A_2369, %get3A_2370] {strides = array<i32>} : memref<4x32x128xf32, #tpu.memory_space<vmem>>, vector<16xf32>,
        %get3A_2372 = arith.index_cast %rem3A_256 : i32 to index
        %get3A_2373 = arith.index_cast %scan3A_2358 : i32 to index
        %get3A_2374 = arith.constant 48 : index
        %get3A_2375 = tpu.vector_load %arg14[%get3A_2372, %get3A_2373, %get3A_2374] {strides = array<i32>} : memref<4x32x128xf32, #tpu.memory_space<vmem>>, vector<16xf32>,
        %get3A_2376 = arith.index_cast %rem3A_256 : i32 to index
        %get3A_2377 = arith.index_cast %scan3A_2358 : i32 to index
        %get3A_2378 = arith.constant 64 : index
        %get3A_2379 = tpu.vector_load %arg14[%get3A_2376, %get3A_2377, %get3A_2378] {strides = array<i32>} : memref<4x32x128xf32, #tpu.memory_space<vmem>>, vector<16xf32>,
        %get3A_2380 = arith.index_cast %rem3A_256 : i32 to index
        %get3A_2381 = arith.index_cast %scan3A_2358 : i32 to index
        %get3A_2382 = arith.constant 80 : index
        %get3A_2383 = tpu.vector_load %arg14[%get3A_2380, %get3A_2381, %get3A_2382] {strides = array<i32>} : memref<4x32x128xf32, #tpu.memory_space<vmem>>, vector<16xf32>,
        %get3A_2384 = arith.index_cast %rem3A_256 : i32 to index
        %get3A_2385 = arith.index_cast %scan3A_2358 : i32 to index
        %get3A_2386 = arith.constant 96 : index
        %get3A_2387 = tpu.vector_load %arg14[%get3A_2384, %get3A_2385, %get3A_2386] {strides = array<i32>} : memref<4x32x128xf32, #tpu.memory_space<vmem>>, vector<16xf32>,
        %get3A_2388 = arith.index_cast %rem3A_256 : i32 to index
        %get3A_2389 = arith.index_cast %scan3A_2358 : i32 to index
        %get3A_2390 = arith.constant 112 : index
        %get3A_2391 = tpu.vector_load %arg14[%get3A_2388, %get3A_2389, %get3A_2390] {strides = array<i32>} : memref<4x32x128xf32, #tpu.memory_space<vmem>>, vector<16xf32>,
        %ge3A_2392 = arith.cmpf oge, %get3A_2363, %select_n3A : vector<16xf32>
        %ge3A_2393 = arith.cmpf oge, %get3A_2367, %select_n3A : vector<16xf32>
        %ge3A_2394 = arith.cmpf oge, %get3A_2371, %select_n3A : vector<16xf32>
        %ge3A_2395 = arith.cmpf oge, %get3A_2375, %select_n3A : vector<16xf32>
        %ge3A_2396 = arith.cmpf oge, %get3A_2379, %select_n3A : vector<16xf32>
        %ge3A_2397 = arith.cmpf oge, %get3A_2383, %select_n3A : vector<16xf32>
        %ge3A_2398 = arith.cmpf oge, %get3A_2387, %select_n3A : vector<16xf32>
        %ge3A_2399 = arith.cmpf oge, %get3A_2391, %select_n3A : vector<16xf32>
        %or3A = arith.ori %ge3A_2392, %ge3A_2393 : vector<16xi1>
        %or3A_2400 = arith.ori %or3A, %ge3A_2394 : vector<16xi1>
        %or3A_2401 = arith.ori %or3A_2400, %ge3A_2395 : vector<16xi1>
        %or3A_2402 = arith.ori %or3A_2401, %ge3A_2396 : vector<16xi1>
        %or3A_2403 = arith.ori %or3A_2402, %ge3A_2397 : vector<16xi1>
        %or3A_2404 = arith.ori %or3A_2403, %ge3A_2398 : vector<16xi1>
        %or3A_2405 = arith.ori %or3A_2404, %ge3A_2399 : vector<16xi1>
        %all_reduce_population_count3A_2406 = tpu.all_reduce %or3A_2405 {dim = 0 : i64, kind = #tpu.reduction_kind<sum>} : vector<16xi1> -> vector<16xi32>
        %slice3A_2407 = vector.extract_strided_slice %all_reduce_population_count3A_2406 {offsets = [0], sizes = [1], strides = [1]} : vector<16xi32> to vector<1xi32>
        %squeeze3A_2408 = vector.extract %slice3A_2407[0] : i32 from vector<1xi32>
        %gt3A_2409 = arith.constant 0 : i32
        %gt3A_2410 = arith.cmpi sgt, %squeeze3A_2408, %gt3A_2409 : i32
        %convert_element_type3A_2411 = arith.extui %gt3A_2410 : i1 to i32
        %cond3A_2412 = arith.constant 0 : i32
        %cond3A_2413 = arith.cmpi ne, %convert_element_type3A_2411, %cond3A_2412 : i32
        %cond3A_2414 = scf.if %cond3A_2413 -> (i32) {
          %min3A_2415 = arith.constant 15 : i32
          %min3A_2416 = arith.minsi %scan3A_2358, %min3A_2415 : i32
          %broadcast_in_dim3A_2417 = vector.broadcast %min3A_2416 : i32 to vector<16xi32>
          %broadcast_in_dim3A_2418 = vector.shape_cast %broadcast_in_dim3A_2417 : vector<16xi32> to vector<16x1xi32>
          %gather3A_2419 = vector.shape_cast %broadcast_in_dim3A_2418 : vector<16x1xi32> to vector<16xi32>
          %gather3A_2420 = tpu.dynamic_gather %get3A_259[%gather3A_2419] in [0] : vector<16xi32>, vector<16xi32> -> vector<16xi32>
          %sub3A_2421 = arith.constant 16 : i32
          %sub3A_2422 = arith.subi %scan3A_2358, %sub3A_2421 : i32
          %max3A_2423 = arith.constant 0 : i32
          %max3A_2424 = arith.maxsi %sub3A_2422, %max3A_2423 : i32
          %broadcast_in_dim3A_2425 = vector.broadcast %max3A_2424 : i32 to vector<16xi32>
          %broadcast_in_dim3A_2426 = vector.shape_cast %broadcast_in_dim3A_2425 : vector<16xi32> to vector<16x1xi32>
          %gather3A_2427 = vector.shape_cast %broadcast_in_dim3A_2426 : vector<16x1xi32> to vector<16xi32>
          %gather3A_2428 = tpu.dynamic_gather %get3A_262[%gather3A_2427] in [0] : vector<16xi32>, vector<16xi32> -> vector<16xi32>
          %ge3A_2429 = arith.constant 16 : i32
          %ge3A_2430 = arith.cmpi sge, %scan3A_2358, %ge3A_2429 : i32
          %broadcast_in_dim3A_2431 = vector.broadcast %ge3A_2430 : i1 to vector<16xi1>
          %select_n3A_2432 = arith.select %broadcast_in_dim3A_2431, %gather3A_2428, %gather3A_2420 : vector<16xi1>, vector<16xi32>
          %mul3A_2433 = arith.constant 128 : i32
          %mul3A_2434 = vector.broadcast %mul3A_2433 : i32 to vector<16xi32>
          %mul3A_2435 = arith.muli %select_n3A_2432, %mul3A_2434 : vector<16xi32>
          %add3A_2436 = arith.addi %mul3A_2435, %iota3A : vector<16xi32>
          %add3A_2437 = arith.constant 0 : i32
          %add3A_2438 = vector.broadcast %add3A_2437 : i32 to vector<16xi32>
          %add3A_2439 = arith.addi %add3A_2436, %add3A_2438 : vector<16xi32>
          %swap3A_2440 = arith.index_cast %scan3A_2359 : i32 to index
          %swap3A_2441 = tpu.vector_load %arg15[%swap3A_2440] masked %ge3A_2392 {strides = array<i32>} : memref<4112xf32, #tpu.memory_space<vmem>>, vector<16xf32>, vector<16xi1>
          tpu.vector_store %arg15[%swap3A_2440], %get3A_2363 masked %ge3A_2392 {strides = array<i32>} : memref<4112xf32, #tpu.memory_space<vmem>>, vector<16xf32>, vector<16xi1>
          %swap3A_2442 = arith.index_cast %scan3A_2359 : i32 to index
          %swap3A_2443 = tpu.vector_load %arg16[%swap3A_2442] masked %ge3A_2392 {strides = array<i32>} : memref<4112xi32, #tpu.memory_space<vmem>>, vector<16xi32>, vector<16xi1>
          tpu.vector_store %arg16[%swap3A_2442], %add3A_2439 masked %ge3A_2392 {strides = array<i32>} : memref<4112xi32, #tpu.memory_space<vmem>>, vector<16xi32>, vector<16xi1>
          %all_reduce_population_count3A_2444 = tpu.all_reduce %ge3A_2392 {dim = 0 : i64, kind = #tpu.reduction_kind<sum>} : vector<16xi1> -> vector<16xi32>
          %slice3A_2445 = vector.extract_strided_slice %all_reduce_population_count3A_2444 {offsets = [0], sizes = [1], strides = [1]} : vector<16xi32> to vector<1xi32>
          %squeeze3A_2446 = vector.extract %slice3A_2445[0] : i32 from vector<1xi32>
          %add3A_2447 = arith.addi %scan3A_2359, %squeeze3A_2446 : i32
          %add3A_2448 = arith.addi %mul3A_2435, %iota3A : vector<16xi32>
          %add3A_2449 = arith.constant 16 : i32
          %add3A_2450 = vector.broadcast %add3A_2449 : i32 to vector<16xi32>
          %add3A_2451 = arith.addi %add3A_2448, %add3A_2450 : vector<16xi32>
          %swap3A_2452 = arith.index_cast %add3A_2447 : i32 to index
          %swap3A_2453 = tpu.vector_load %arg15[%swap3A_2452] masked %ge3A_2393 {strides = array<i32>} : memref<4112xf32, #tpu.memory_space<vmem>>, vector<16xf32>, vector<16xi1>
          tpu.vector_store %arg15[%swap3A_2452], %get3A_2367 masked %ge3A_2393 {strides = array<i32>} : memref<4112xf32, #tpu.memory_space<vmem>>, vector<16xf32>, vector<16xi1>
          %swap3A_2454 = arith.index_cast %add3A_2447 : i32 to index
          %swap3A_2455 = tpu.vector_load %arg16[%swap3A_2454] masked %ge3A_2393 {strides = array<i32>} : memref<4112xi32, #tpu.memory_space<vmem>>, vector<16xi32>, vector<16xi1>
          tpu.vector_store %arg16[%swap3A_2454], %add3A_2451 masked %ge3A_2393 {strides = array<i32>} : memref<4112xi32, #tpu.memory_space<vmem>>, vector<16xi32>, vector<16xi1>
          %all_reduce_population_count3A_2456 = tpu.all_reduce %ge3A_2393 {dim = 0 : i64, kind = #tpu.reduction_kind<sum>} : vector<16xi1> -> vector<16xi32>
          %slice3A_2457 = vector.extract_strided_slice %all_reduce_population_count3A_2456 {offsets = [0], sizes = [1], strides = [1]} : vector<16xi32> to vector<1xi32>
          %squeeze3A_2458 = vector.extract %slice3A_2457[0] : i32 from vector<1xi32>
          %add3A_2459 = arith.addi %add3A_2447, %squeeze3A_2458 : i32
          %add3A_2460 = arith.addi %mul3A_2435, %iota3A : vector<16xi32>
          %add3A_2461 = arith.constant 32 : i32
          %add3A_2462 = vector.broadcast %add3A_2461 : i32 to vector<16xi32>
          %add3A_2463 = arith.addi %add3A_2460, %add3A_2462 : vector<16xi32>
          %swap3A_2464 = arith.index_cast %add3A_2459 : i32 to index
          %swap3A_2465 = tpu.vector_load %arg15[%swap3A_2464] masked %ge3A_2394 {strides = array<i32>} : memref<4112xf32, #tpu.memory_space<vmem>>, vector<16xf32>, vector<16xi1>
          tpu.vector_store %arg15[%swap3A_2464], %get3A_2371 masked %ge3A_2394 {strides = array<i32>} : memref<4112xf32, #tpu.memory_space<vmem>>, vector<16xf32>, vector<16xi1>
          %swap3A_2466 = arith.index_cast %add3A_2459 : i32 to index
          %swap3A_2467 = tpu.vector_load %arg16[%swap3A_2466] masked %ge3A_2394 {strides = array<i32>} : memref<4112xi32, #tpu.memory_space<vmem>>, vector<16xi32>, vector<16xi1>
          tpu.vector_store %arg16[%swap3A_2466], %add3A_2463 masked %ge3A_2394 {strides = array<i32>} : memref<4112xi32, #tpu.memory_space<vmem>>, vector<16xi32>, vector<16xi1>
          %all_reduce_population_count3A_2468 = tpu.all_reduce %ge3A_2394 {dim = 0 : i64, kind = #tpu.reduction_kind<sum>} : vector<16xi1> -> vector<16xi32>
          %slice3A_2469 = vector.extract_strided_slice %all_reduce_population_count3A_2468 {offsets = [0], sizes = [1], strides = [1]} : vector<16xi32> to vector<1xi32>
          %squeeze3A_2470 = vector.extract %slice3A_2469[0] : i32 from vector<1xi32>
          %add3A_2471 = arith.addi %add3A_2459, %squeeze3A_2470 : i32
          %add3A_2472 = arith.addi %mul3A_2435, %iota3A : vector<16xi32>
          %add3A_2473 = arith.constant 48 : i32
          %add3A_2474 = vector.broadcast %add3A_2473 : i32 to vector<16xi32>
          %add3A_2475 = arith.addi %add3A_2472, %add3A_2474 : vector<16xi32>
          %swap3A_2476 = arith.index_cast %add3A_2471 : i32 to index
          %swap3A_2477 = tpu.vector_load %arg15[%swap3A_2476] masked %ge3A_2395 {strides = array<i32>} : memref<4112xf32, #tpu.memory_space<vmem>>, vector<16xf32>, vector<16xi1>
          tpu.vector_store %arg15[%swap3A_2476], %get3A_2375 masked %ge3A_2395 {strides = array<i32>} : memref<4112xf32, #tpu.memory_space<vmem>>, vector<16xf32>, vector<16xi1>
          %swap3A_2478 = arith.index_cast %add3A_2471 : i32 to index
          %swap3A_2479 = tpu.vector_load %arg16[%swap3A_2478] masked %ge3A_2395 {strides = array<i32>} : memref<4112xi32, #tpu.memory_space<vmem>>, vector<16xi32>, vector<16xi1>
          tpu.vector_store %arg16[%swap3A_2478], %add3A_2475 masked %ge3A_2395 {strides = array<i32>} : memref<4112xi32, #tpu.memory_space<vmem>>, vector<16xi32>, vector<16xi1>
          %all_reduce_population_count3A_2480 = tpu.all_reduce %ge3A_2395 {dim = 0 : i64, kind = #tpu.reduction_kind<sum>} : vector<16xi1> -> vector<16xi32>
          %slice3A_2481 = vector.extract_strided_slice %all_reduce_population_count3A_2480 {offsets = [0], sizes = [1], strides = [1]} : vector<16xi32> to vector<1xi32>
          %squeeze3A_2482 = vector.extract %slice3A_2481[0] : i32 from vector<1xi32>
          %add3A_2483 = arith.addi %add3A_2471, %squeeze3A_2482 : i32
          %add3A_2484 = arith.addi %mul3A_2435, %iota3A : vector<16xi32>
          %add3A_2485 = arith.constant 64 : i32
          %add3A_2486 = vector.broadcast %add3A_2485 : i32 to vector<16xi32>
          %add3A_2487 = arith.addi %add3A_2484, %add3A_2486 : vector<16xi32>
          %swap3A_2488 = arith.index_cast %add3A_2483 : i32 to index
          %swap3A_2489 = tpu.vector_load %arg15[%swap3A_2488] masked %ge3A_2396 {strides = array<i32>} : memref<4112xf32, #tpu.memory_space<vmem>>, vector<16xf32>, vector<16xi1>
          tpu.vector_store %arg15[%swap3A_2488], %get3A_2379 masked %ge3A_2396 {strides = array<i32>} : memref<4112xf32, #tpu.memory_space<vmem>>, vector<16xf32>, vector<16xi1>
          %swap3A_2490 = arith.index_cast %add3A_2483 : i32 to index
          %swap3A_2491 = tpu.vector_load %arg16[%swap3A_2490] masked %ge3A_2396 {strides = array<i32>} : memref<4112xi32, #tpu.memory_space<vmem>>, vector<16xi32>, vector<16xi1>
          tpu.vector_store %arg16[%swap3A_2490], %add3A_2487 masked %ge3A_2396 {strides = array<i32>} : memref<4112xi32, #tpu.memory_space<vmem>>, vector<16xi32>, vector<16xi1>
          %all_reduce_population_count3A_2492 = tpu.all_reduce %ge3A_2396 {dim = 0 : i64, kind = #tpu.reduction_kind<sum>} : vector<16xi1> -> vector<16xi32>
          %slice3A_2493 = vector.extract_strided_slice %all_reduce_population_count3A_2492 {offsets = [0], sizes = [1], strides = [1]} : vector<16xi32> to vector<1xi32>
          %squeeze3A_2494 = vector.extract %slice3A_2493[0] : i32 from vector<1xi32>
          %add3A_2495 = arith.addi %add3A_2483, %squeeze3A_2494 : i32
          %add3A_2496 = arith.addi %mul3A_2435, %iota3A : vector<16xi32>
          %add3A_2497 = arith.constant 80 : i32
          %add3A_2498 = vector.broadcast %add3A_2497 : i32 to vector<16xi32>
          %add3A_2499 = arith.addi %add3A_2496, %add3A_2498 : vector<16xi32>
          %swap3A_2500 = arith.index_cast %add3A_2495 : i32 to index
          %swap3A_2501 = tpu.vector_load %arg15[%swap3A_2500] masked %ge3A_2397 {strides = array<i32>} : memref<4112xf32, #tpu.memory_space<vmem>>, vector<16xf32>, vector<16xi1>
          tpu.vector_store %arg15[%swap3A_2500], %get3A_2383 masked %ge3A_2397 {strides = array<i32>} : memref<4112xf32, #tpu.memory_space<vmem>>, vector<16xf32>, vector<16xi1>
          %swap3A_2502 = arith.index_cast %add3A_2495 : i32 to index
          %swap3A_2503 = tpu.vector_load %arg16[%swap3A_2502] masked %ge3A_2397 {strides = array<i32>} : memref<4112xi32, #tpu.memory_space<vmem>>, vector<16xi32>, vector<16xi1>
          tpu.vector_store %arg16[%swap3A_2502], %add3A_2499 masked %ge3A_2397 {strides = array<i32>} : memref<4112xi32, #tpu.memory_space<vmem>>, vector<16xi32>, vector<16xi1>
          %all_reduce_population_count3A_2504 = tpu.all_reduce %ge3A_2397 {dim = 0 : i64, kind = #tpu.reduction_kind<sum>} : vector<16xi1> -> vector<16xi32>
          %slice3A_2505 = vector.extract_strided_slice %all_reduce_population_count3A_2504 {offsets = [0], sizes = [1], strides = [1]} : vector<16xi32> to vector<1xi32>
          %squeeze3A_2506 = vector.extract %slice3A_2505[0] : i32 from vector<1xi32>
          %add3A_2507 = arith.addi %add3A_2495, %squeeze3A_2506 : i32
          %add3A_2508 = arith.addi %mul3A_2435, %iota3A : vector<16xi32>
          %add3A_2509 = arith.constant 96 : i32
          %add3A_2510 = vector.broadcast %add3A_2509 : i32 to vector<16xi32>
          %add3A_2511 = arith.addi %add3A_2508, %add3A_2510 : vector<16xi32>
          %swap3A_2512 = arith.index_cast %add3A_2507 : i32 to index
          %swap3A_2513 = tpu.vector_load %arg15[%swap3A_2512] masked %ge3A_2398 {strides = array<i32>} : memref<4112xf32, #tpu.memory_space<vmem>>, vector<16xf32>, vector<16xi1>
          tpu.vector_store %arg15[%swap3A_2512], %get3A_2387 masked %ge3A_2398 {strides = array<i32>} : memref<4112xf32, #tpu.memory_space<vmem>>, vector<16xf32>, vector<16xi1>
          %swap3A_2514 = arith.index_cast %add3A_2507 : i32 to index
          %swap3A_2515 = tpu.vector_load %arg16[%swap3A_2514] masked %ge3A_2398 {strides = array<i32>} : memref<4112xi32, #tpu.memory_space<vmem>>, vector<16xi32>, vector<16xi1>
          tpu.vector_store %arg16[%swap3A_2514], %add3A_2511 masked %ge3A_2398 {strides = array<i32>} : memref<4112xi32, #tpu.memory_space<vmem>>, vector<16xi32>, vector<16xi1>
          %all_reduce_population_count3A_2516 = tpu.all_reduce %ge3A_2398 {dim = 0 : i64, kind = #tpu.reduction_kind<sum>} : vector<16xi1> -> vector<16xi32>
          %slice3A_2517 = vector.extract_strided_slice %all_reduce_population_count3A_2516 {offsets = [0], sizes = [1], strides = [1]} : vector<16xi32> to vector<1xi32>
          %squeeze3A_2518 = vector.extract %slice3A_2517[0] : i32 from vector<1xi32>
          %add3A_2519 = arith.addi %add3A_2507, %squeeze3A_2518 : i32
          %add3A_2520 = arith.addi %mul3A_2435, %iota3A : vector<16xi32>
          %add3A_2521 = arith.constant 112 : i32
          %add3A_2522 = vector.broadcast %add3A_2521 : i32 to vector<16xi32>
          %add3A_2523 = arith.addi %add3A_2520, %add3A_2522 : vector<16xi32>
          %swap3A_2524 = arith.index_cast %add3A_2519 : i32 to index
          %swap3A_2525 = tpu.vector_load %arg15[%swap3A_2524] masked %ge3A_2399 {strides = array<i32>} : memref<4112xf32, #tpu.memory_space<vmem>>, vector<16xf32>, vector<16xi1>
          tpu.vector_store %arg15[%swap3A_2524], %get3A_2391 masked %ge3A_2399 {strides = array<i32>} : memref<4112xf32, #tpu.memory_space<vmem>>, vector<16xf32>, vector<16xi1>
          %swap3A_2526 = arith.index_cast %add3A_2519 : i32 to index
          %swap3A_2527 = tpu.vector_load %arg16[%swap3A_2526] masked %ge3A_2399 {strides = array<i32>} : memref<4112xi32, #tpu.memory_space<vmem>>, vector<16xi32>, vector<16xi1>
          tpu.vector_store %arg16[%swap3A_2526], %add3A_2523 masked %ge3A_2399 {strides = array<i32>} : memref<4112xi32, #tpu.memory_space<vmem>>, vector<16xi32>, vector<16xi1>
          %all_reduce_population_count3A_2528 = tpu.all_reduce %ge3A_2399 {dim = 0 : i64, kind = #tpu.reduction_kind<sum>} : vector<16xi1> -> vector<16xi32>
          %slice3A_2529 = vector.extract_strided_slice %all_reduce_population_count3A_2528 {offsets = [0], sizes = [1], strides = [1]} : vector<16xi32> to vector<1xi32>
          %squeeze3A_2530 = vector.extract %slice3A_2529[0] : i32 from vector<1xi32>
          %add3A_2531 = arith.addi %add3A_2519, %squeeze3A_2530 : i32
          scf.yield %add3A_2531 : i32
        } else {
          scf.yield %scan3A_2359 : i32
        }
        scf.yield %cond3A_2414 : i32
      }
      %scan3A_300 = arith.constant 32 : i32
      %swap3A_301 = arith.index_cast %scan3A_299 : i32 to index
      %swap3A_302 = tpu.vector_load %arg15[%swap3A_301] {strides = array<i32>} : memref<4112xf32, #tpu.memory_space<vmem>>, vector<16xf32>,
      tpu.vector_store %arg15[%swap3A_301], %broadcast_in_dim3A_4 {strides = array<i32>} : memref<4112xf32, #tpu.memory_space<vmem>>, vector<16xf32>,
      %add3A_303 = arith.constant 15 : i32
      %add3A_304 = arith.addi %scan3A_299, %add3A_303 : i32
      %jit3A = arith.constant 16 : i32
      %div3A_305 = arith.divsi %add3A_304, %jit3A : i32
      %sign3A = arith.constant 0 : i32
      %sign3A_306 = arith.cmpi sgt, %add3A_304, %sign3A : i32
      %sign3A_307 = arith.extui %sign3A_306 : i1 to i32
      %sign3A_308 = arith.constant 0 : i32
      %sign3A_309 = arith.cmpi slt, %add3A_304, %sign3A_308 : i32
      %sign3A_310 = arith.extui %sign3A_309 : i1 to i32
      %sign3A_311 = arith.subi %sign3A_307, %sign3A_310 : i32
      %sign3A_312 = arith.constant 0 : i32
      %sign3A_313 = arith.cmpi sgt, %jit3A, %sign3A_312 : i32
      %sign3A_314 = arith.extui %sign3A_313 : i1 to i32
      %sign3A_315 = arith.constant 0 : i32
      %sign3A_316 = arith.cmpi slt, %jit3A, %sign3A_315 : i32
      %sign3A_317 = arith.extui %sign3A_316 : i1 to i32
      %sign3A_318 = arith.subi %sign3A_314, %sign3A_317 : i32
      %ne3A = arith.cmpi ne, %sign3A_311, %sign3A_318 : i32
      %rem3A_319 = arith.remsi %add3A_304, %jit3A : i32
      %ne3A_320 = arith.constant 0 : i32
      %ne3A_321 = arith.cmpi ne, %rem3A_319, %ne3A_320 : i32
      %and3A = arith.andi %ne3A, %ne3A_321 : i1
      %sub3A_322 = arith.constant 1 : i32
      %sub3A_323 = arith.subi %div3A_305, %sub3A_322 : i32
      %select_n3A_324 = arith.select %and3A, %sub3A_323, %div3A_305 : i32
      %broadcast_in_dim3A_325 = arith.constant 0 : i32
      %broadcast_in_dim3A_326 = vector.broadcast %broadcast_in_dim3A_325 : i32 to vector<16xi32>
      %broadcast_in_dim3A_327 = arith.constant 0 : i32
      %broadcast_in_dim3A_328 = vector.broadcast %broadcast_in_dim3A_327 : i32 to vector<16xi32>
      %broadcast_in_dim3A_329 = arith.constant 1073741824 : i32
      %broadcast_in_dim3A_330 = vector.broadcast %broadcast_in_dim3A_329 : i32 to vector<16xi32>
      %while3A = arith.constant 0 : i32
      %while3A_331 = arith.subi %select_n3A_324, %while3A : i32
      %while3A_332 = arith.addi %while3A, %while3A_331 : i32
      %while3A_333 = arith.constant 1 : i32
      %while3A_334 = arith.divsi %while3A_331, %while3A_333 : i32
      %while3A_335 = arith.muli %while3A_334, %while3A_333 : i32
      %while3A_336 = arith.addi %while3A, %while3A_335 : i32
      %while3A_337 = arith.constant 1 : i32
      %while3A_338:2 = scf.for %while3A_2358 = %while3A to %while3A_336 step %while3A_337 iter_args(%while3A_2359 = %broadcast_in_dim3A_4, %while3A_2360 = %broadcast_in_dim3A_330) -> (vector<16xf32>, vector<16xi32>)  : i32 {
        %mul3A_2361 = arith.constant 16 : i32
        %mul3A_2362 = arith.muli %while3A_2358, %mul3A_2361 : i32
        %get3A_2363 = arith.index_cast %mul3A_2362 : i32 to index
        %get3A_2364 = tpu.vector_load %arg15[%get3A_2363] {strides = array<i32>} : memref<4112xf32, #tpu.memory_space<vmem>>, vector<16xf32>,
        %gt3A_2365 = arith.cmpf ogt, %get3A_2364, %while3A_2359 : vector<16xf32>
        %select_n3A_2366 = arith.select %gt3A_2365, %get3A_2364, %while3A_2359 : vector<16xi1>, vector<16xf32>
        %mul3A_2367 = arith.constant 16 : i32
        %mul3A_2368 = arith.muli %while3A_2358, %mul3A_2367 : i32
        %add3A_2369 = vector.broadcast %mul3A_2368 : i32 to vector<16xi32>
        %add3A_2370 = arith.addi %add3A_2369, %iota3A : vector<16xi32>
        %select_n3A_2371 = arith.select %gt3A_2365, %add3A_2370, %while3A_2360 : vector<16xi1>, vector<16xi32>
        scf.yield %select_n3A_2366, %select_n3A_2371 : vector<16xf32>, vector<16xi32>
      }
      %while3A_339 = arith.constant 1 : i32
      %while3A_340:2 = scf.for %while3A_2358 = %while3A_336 to %while3A_332 step %while3A_339 iter_args(%while3A_2359 = %while3A_338#0, %while3A_2360 = %while3A_338#1) -> (vector<16xf32>, vector<16xi32>)  : i32 {
        %mul3A_2361 = arith.constant 16 : i32
        %mul3A_2362 = arith.muli %while3A_2358, %mul3A_2361 : i32
        %get3A_2363 = arith.index_cast %mul3A_2362 : i32 to index
        %get3A_2364 = tpu.vector_load %arg15[%get3A_2363] {strides = array<i32>} : memref<4112xf32, #tpu.memory_space<vmem>>, vector<16xf32>,
        %gt3A_2365 = arith.cmpf ogt, %get3A_2364, %while3A_2359 : vector<16xf32>
        %select_n3A_2366 = arith.select %gt3A_2365, %get3A_2364, %while3A_2359 : vector<16xi1>, vector<16xf32>
        %mul3A_2367 = arith.constant 16 : i32
        %mul3A_2368 = arith.muli %while3A_2358, %mul3A_2367 : i32
        %add3A_2369 = vector.broadcast %mul3A_2368 : i32 to vector<16xi32>
        %add3A_2370 = arith.addi %add3A_2369, %iota3A : vector<16xi32>
        %select_n3A_2371 = arith.select %gt3A_2365, %add3A_2370, %while3A_2360 : vector<16xi1>, vector<16xi32>
        scf.yield %select_n3A_2366, %select_n3A_2371 : vector<16xf32>, vector<16xi32>
      }
      %iota3A_341 = tpu.iota {dimensions = array<i32: 0>} : vector<16xi32>
      %xor3A = arith.constant 8 : i32
      %xor3A_342 = vector.broadcast %xor3A : i32 to vector<16xi32>
      %xor3A_343 = arith.xori %iota3A_341, %xor3A_342 : vector<16xi32>
      %broadcast_in_dim3A_344 = vector.shape_cast %xor3A_343 : vector<16xi32> to vector<16x1xi32>
      %gather3A_345 = vector.shape_cast %broadcast_in_dim3A_344 : vector<16x1xi32> to vector<16xi32>
      %gather3A_346 = tpu.dynamic_gather %while3A_340#0[%gather3A_345] in [0] : vector<16xf32>, vector<16xi32> -> vector<16xf32>
      %max3A_347 = arith.maximumf %while3A_340#0, %gather3A_346 : vector<16xf32>
      %xor3A_348 = arith.constant 4 : i32
      %xor3A_349 = vector.broadcast %xor3A_348 : i32 to vector<16xi32>
      %xor3A_350 = arith.xori %iota3A_341, %xor3A_349 : vector<16xi32>
      %broadcast_in_dim3A_351 = vector.shape_cast %xor3A_350 : vector<16xi32> to vector<16x1xi32>
      %gather3A_352 = vector.shape_cast %broadcast_in_dim3A_351 : vector<16x1xi32> to vector<16xi32>
      %gather3A_353 = tpu.dynamic_gather %max3A_347[%gather3A_352] in [0] : vector<16xf32>, vector<16xi32> -> vector<16xf32>
      %max3A_354 = arith.maximumf %max3A_347, %gather3A_353 : vector<16xf32>
      %xor3A_355 = arith.constant 2 : i32
      %xor3A_356 = vector.broadcast %xor3A_355 : i32 to vector<16xi32>
      %xor3A_357 = arith.xori %iota3A_341, %xor3A_356 : vector<16xi32>
      %broadcast_in_dim3A_358 = vector.shape_cast %xor3A_357 : vector<16xi32> to vector<16x1xi32>
      %gather3A_359 = vector.shape_cast %broadcast_in_dim3A_358 : vector<16x1xi32> to vector<16xi32>
      %gather3A_360 = tpu.dynamic_gather %max3A_354[%gather3A_359] in [0] : vector<16xf32>, vector<16xi32> -> vector<16xf32>
      %max3A_361 = arith.maximumf %max3A_354, %gather3A_360 : vector<16xf32>
      %xor3A_362 = arith.constant 1 : i32
      %xor3A_363 = vector.broadcast %xor3A_362 : i32 to vector<16xi32>
      %xor3A_364 = arith.xori %iota3A_341, %xor3A_363 : vector<16xi32>
      %broadcast_in_dim3A_365 = vector.shape_cast %xor3A_364 : vector<16xi32> to vector<16x1xi32>
      %gather3A_366 = vector.shape_cast %broadcast_in_dim3A_365 : vector<16x1xi32> to vector<16xi32>
      %gather3A_367 = tpu.dynamic_gather %max3A_361[%gather3A_366] in [0] : vector<16xf32>, vector<16xi32> -> vector<16xf32>
      %max3A_368 = arith.maximumf %max3A_361, %gather3A_367 : vector<16xf32>
      %eq3A = arith.cmpf oeq, %while3A_340#0, %max3A_368 : vector<16xf32>
      %select_n3A_369 = arith.select %eq3A, %while3A_340#1, %broadcast_in_dim3A_330 : vector<16xi1>, vector<16xi32>
      %iota3A_370 = tpu.iota {dimensions = array<i32: 0>} : vector<16xi32>
      %xor3A_371 = arith.constant 8 : i32
      %xor3A_372 = vector.broadcast %xor3A_371 : i32 to vector<16xi32>
      %xor3A_373 = arith.xori %iota3A_370, %xor3A_372 : vector<16xi32>
      %broadcast_in_dim3A_374 = vector.shape_cast %xor3A_373 : vector<16xi32> to vector<16x1xi32>
      %gather3A_375 = vector.shape_cast %broadcast_in_dim3A_374 : vector<16x1xi32> to vector<16xi32>
      %gather3A_376 = tpu.dynamic_gather %select_n3A_369[%gather3A_375] in [0] : vector<16xi32>, vector<16xi32> -> vector<16xi32>
      %min3A_377 = arith.minsi %select_n3A_369, %gather3A_376 : vector<16xi32>
      %xor3A_378 = arith.constant 4 : i32
      %xor3A_379 = vector.broadcast %xor3A_378 : i32 to vector<16xi32>
      %xor3A_380 = arith.xori %iota3A_370, %xor3A_379 : vector<16xi32>
      %broadcast_in_dim3A_381 = vector.shape_cast %xor3A_380 : vector<16xi32> to vector<16x1xi32>
      %gather3A_382 = vector.shape_cast %broadcast_in_dim3A_381 : vector<16x1xi32> to vector<16xi32>
      %gather3A_383 = tpu.dynamic_gather %min3A_377[%gather3A_382] in [0] : vector<16xi32>, vector<16xi32> -> vector<16xi32>
      %min3A_384 = arith.minsi %min3A_377, %gather3A_383 : vector<16xi32>
      %xor3A_385 = arith.constant 2 : i32
      %xor3A_386 = vector.broadcast %xor3A_385 : i32 to vector<16xi32>
      %xor3A_387 = arith.xori %iota3A_370, %xor3A_386 : vector<16xi32>
      %broadcast_in_dim3A_388 = vector.shape_cast %xor3A_387 : vector<16xi32> to vector<16x1xi32>
      %gather3A_389 = vector.shape_cast %broadcast_in_dim3A_388 : vector<16x1xi32> to vector<16xi32>
      %gather3A_390 = tpu.dynamic_gather %min3A_384[%gather3A_389] in [0] : vector<16xi32>, vector<16xi32> -> vector<16xi32>
      %min3A_391 = arith.minsi %min3A_384, %gather3A_390 : vector<16xi32>
      %xor3A_392 = arith.constant 1 : i32
      %xor3A_393 = vector.broadcast %xor3A_392 : i32 to vector<16xi32>
      %xor3A_394 = arith.xori %iota3A_370, %xor3A_393 : vector<16xi32>
      %broadcast_in_dim3A_395 = vector.shape_cast %xor3A_394 : vector<16xi32> to vector<16x1xi32>
      %gather3A_396 = vector.shape_cast %broadcast_in_dim3A_395 : vector<16x1xi32> to vector<16xi32>
      %gather3A_397 = tpu.dynamic_gather %min3A_391[%gather3A_396] in [0] : vector<16xi32>, vector<16xi32> -> vector<16xi32>
      %min3A_398 = arith.minsi %min3A_391, %gather3A_397 : vector<16xi32>
      %slice3A = vector.extract_strided_slice %min3A_398 {offsets = [0], sizes = [1], strides = [1]} : vector<16xi32> to vector<1xi32>
      %squeeze3A = vector.extract %slice3A[0] : i32 from vector<1xi32>
      %rem3A_399 = arith.constant 16 : i32
      %rem3A_400 = arith.remsi %squeeze3A, %rem3A_399 : i32
      %sub3A_401 = arith.subi %squeeze3A, %rem3A_400 : i32
      %broadcast_in_dim3A_402 = vector.broadcast %rem3A_400 : i32 to vector<16xi32>
      %get3A_403 = arith.index_cast %sub3A_401 : i32 to index
      %get3A_404 = tpu.vector_load %arg16[%get3A_403] {strides = array<i32>} : memref<4112xi32, #tpu.memory_space<vmem>>, vector<16xi32>,
      %broadcast_in_dim3A_405 = vector.broadcast %rem3A_400 : i32 to vector<16xi32>
      %broadcast_in_dim3A_406 = vector.shape_cast %broadcast_in_dim3A_405 : vector<16xi32> to vector<16x1xi32>
      %gather3A_407 = vector.shape_cast %broadcast_in_dim3A_406 : vector<16x1xi32> to vector<16xi32>
      %gather3A_408 = tpu.dynamic_gather %get3A_404[%gather3A_407] in [0] : vector<16xi32>, vector<16xi32> -> vector<16xi32>
      %get3A_409 = arith.index_cast %sub3A_401 : i32 to index
      %get3A_410 = tpu.vector_load %arg15[%get3A_409] {strides = array<i32>} : memref<4112xf32, #tpu.memory_space<vmem>>, vector<16xf32>,
      %eq3A_411 = arith.cmpi eq, %iota3A, %broadcast_in_dim3A_402 : vector<16xi32>
      %select_n3A_412 = arith.select %eq3A_411, %broadcast_in_dim3A_4, %get3A_410 : vector<16xi1>, vector<16xf32>
      %swap3A_413 = arith.index_cast %sub3A_401 : i32 to index
      %swap3A_414 = tpu.vector_load %arg15[%swap3A_413] {strides = array<i32>} : memref<4112xf32, #tpu.memory_space<vmem>>, vector<16xf32>,
      tpu.vector_store %arg15[%swap3A_413], %select_n3A_412 {strides = array<i32>} : memref<4112xf32, #tpu.memory_space<vmem>>, vector<16xf32>,
      %eq3A_415 = arith.constant 0 : i32
      %eq3A_416 = vector.broadcast %eq3A_415 : i32 to vector<16xi32>
      %eq3A_417 = arith.cmpi eq, %iota3A, %eq3A_416 : vector<16xi32>
      %select_n3A_418 = arith.select %eq3A_417, %max3A_368, %broadcast_in_dim3A_4 : vector<16xi1>, vector<16xf32>
      %eq3A_419 = arith.constant 0 : i32
      %eq3A_420 = vector.broadcast %eq3A_419 : i32 to vector<16xi32>
      %eq3A_421 = arith.cmpi eq, %iota3A, %eq3A_420 : vector<16xi32>
      %select_n3A_422 = arith.select %eq3A_421, %gather3A_408, %broadcast_in_dim3A_326 : vector<16xi1>, vector<16xi32>
      %while3A_423 = arith.constant 0 : i32
      %while3A_424 = arith.subi %select_n3A_324, %while3A_423 : i32
      %while3A_425 = arith.addi %while3A_423, %while3A_424 : i32
      %while3A_426 = arith.constant 1 : i32
      %while3A_427 = arith.divsi %while3A_424, %while3A_426 : i32
      %while3A_428 = arith.muli %while3A_427, %while3A_426 : i32
      %while3A_429 = arith.addi %while3A_423, %while3A_428 : i32
      %while3A_430 = arith.constant 1 : i32
      %while3A_431:2 = scf.for %while3A_2358 = %while3A_423 to %while3A_429 step %while3A_430 iter_args(%while3A_2359 = %broadcast_in_dim3A_4, %while3A_2360 = %broadcast_in_dim3A_330) -> (vector<16xf32>, vector<16xi32>)  : i32 {
        %mul3A_2361 = arith.constant 16 : i32
        %mul3A_2362 = arith.muli %while3A_2358, %mul3A_2361 : i32
        %get3A_2363 = arith.index_cast %mul3A_2362 : i32 to index
        %get3A_2364 = tpu.vector_load %arg15[%get3A_2363] {strides = array<i32>} : memref<4112xf32, #tpu.memory_space<vmem>>, vector<16xf32>,
        %gt3A_2365 = arith.cmpf ogt, %get3A_2364, %while3A_2359 : vector<16xf32>
        %select_n3A_2366 = arith.select %gt3A_2365, %get3A_2364, %while3A_2359 : vector<16xi1>, vector<16xf32>
        %mul3A_2367 = arith.constant 16 : i32
        %mul3A_2368 = arith.muli %while3A_2358, %mul3A_2367 : i32
        %add3A_2369 = vector.broadcast %mul3A_2368 : i32 to vector<16xi32>
        %add3A_2370 = arith.addi %add3A_2369, %iota3A : vector<16xi32>
        %select_n3A_2371 = arith.select %gt3A_2365, %add3A_2370, %while3A_2360 : vector<16xi1>, vector<16xi32>
        scf.yield %select_n3A_2366, %select_n3A_2371 : vector<16xf32>, vector<16xi32>
      }
      %while3A_432 = arith.constant 1 : i32
      %while3A_433:2 = scf.for %while3A_2358 = %while3A_429 to %while3A_425 step %while3A_432 iter_args(%while3A_2359 = %while3A_431#0, %while3A_2360 = %while3A_431#1) -> (vector<16xf32>, vector<16xi32>)  : i32 {
        %mul3A_2361 = arith.constant 16 : i32
        %mul3A_2362 = arith.muli %while3A_2358, %mul3A_2361 : i32
        %get3A_2363 = arith.index_cast %mul3A_2362 : i32 to index
        %get3A_2364 = tpu.vector_load %arg15[%get3A_2363] {strides = array<i32>} : memref<4112xf32, #tpu.memory_space<vmem>>, vector<16xf32>,
        %gt3A_2365 = arith.cmpf ogt, %get3A_2364, %while3A_2359 : vector<16xf32>
        %select_n3A_2366 = arith.select %gt3A_2365, %get3A_2364, %while3A_2359 : vector<16xi1>, vector<16xf32>
        %mul3A_2367 = arith.constant 16 : i32
        %mul3A_2368 = arith.muli %while3A_2358, %mul3A_2367 : i32
        %add3A_2369 = vector.broadcast %mul3A_2368 : i32 to vector<16xi32>
        %add3A_2370 = arith.addi %add3A_2369, %iota3A : vector<16xi32>
        %select_n3A_2371 = arith.select %gt3A_2365, %add3A_2370, %while3A_2360 : vector<16xi1>, vector<16xi32>
        scf.yield %select_n3A_2366, %select_n3A_2371 : vector<16xf32>, vector<16xi32>
      }
      %iota3A_434 = tpu.iota {dimensions = array<i32: 0>} : vector<16xi32>
      %xor3A_435 = arith.constant 8 : i32
      %xor3A_436 = vector.broadcast %xor3A_435 : i32 to vector<16xi32>
      %xor3A_437 = arith.xori %iota3A_434, %xor3A_436 : vector<16xi32>
      %broadcast_in_dim3A_438 = vector.shape_cast %xor3A_437 : vector<16xi32> to vector<16x1xi32>
      %gather3A_439 = vector.shape_cast %broadcast_in_dim3A_438 : vector<16x1xi32> to vector<16xi32>
      %gather3A_440 = tpu.dynamic_gather %while3A_433#0[%gather3A_439] in [0] : vector<16xf32>, vector<16xi32> -> vector<16xf32>
      %max3A_441 = arith.maximumf %while3A_433#0, %gather3A_440 : vector<16xf32>
      %xor3A_442 = arith.constant 4 : i32
      %xor3A_443 = vector.broadcast %xor3A_442 : i32 to vector<16xi32>
      %xor3A_444 = arith.xori %iota3A_434, %xor3A_443 : vector<16xi32>
      %broadcast_in_dim3A_445 = vector.shape_cast %xor3A_444 : vector<16xi32> to vector<16x1xi32>
      %gather3A_446 = vector.shape_cast %broadcast_in_dim3A_445 : vector<16x1xi32> to vector<16xi32>
      %gather3A_447 = tpu.dynamic_gather %max3A_441[%gather3A_446] in [0] : vector<16xf32>, vector<16xi32> -> vector<16xf32>
      %max3A_448 = arith.maximumf %max3A_441, %gather3A_447 : vector<16xf32>
      %xor3A_449 = arith.constant 2 : i32
      %xor3A_450 = vector.broadcast %xor3A_449 : i32 to vector<16xi32>
      %xor3A_451 = arith.xori %iota3A_434, %xor3A_450 : vector<16xi32>
      %broadcast_in_dim3A_452 = vector.shape_cast %xor3A_451 : vector<16xi32> to vector<16x1xi32>
      %gather3A_453 = vector.shape_cast %broadcast_in_dim3A_452 : vector<16x1xi32> to vector<16xi32>
      %gather3A_454 = tpu.dynamic_gather %max3A_448[%gather3A_453] in [0] : vector<16xf32>, vector<16xi32> -> vector<16xf32>
      %max3A_455 = arith.maximumf %max3A_448, %gather3A_454 : vector<16xf32>
      %xor3A_456 = arith.constant 1 : i32
      %xor3A_457 = vector.broadcast %xor3A_456 : i32 to vector<16xi32>
      %xor3A_458 = arith.xori %iota3A_434, %xor3A_457 : vector<16xi32>
      %broadcast_in_dim3A_459 = vector.shape_cast %xor3A_458 : vector<16xi32> to vector<16x1xi32>
      %gather3A_460 = vector.shape_cast %broadcast_in_dim3A_459 : vector<16x1xi32> to vector<16xi32>
      %gather3A_461 = tpu.dynamic_gather %max3A_455[%gather3A_460] in [0] : vector<16xf32>, vector<16xi32> -> vector<16xf32>
      %max3A_462 = arith.maximumf %max3A_455, %gather3A_461 : vector<16xf32>
      %eq3A_463 = arith.cmpf oeq, %while3A_433#0, %max3A_462 : vector<16xf32>
      %select_n3A_464 = arith.select %eq3A_463, %while3A_433#1, %broadcast_in_dim3A_330 : vector<16xi1>, vector<16xi32>
      %iota3A_465 = tpu.iota {dimensions = array<i32: 0>} : vector<16xi32>
      %xor3A_466 = arith.constant 8 : i32
      %xor3A_467 = vector.broadcast %xor3A_466 : i32 to vector<16xi32>
      %xor3A_468 = arith.xori %iota3A_465, %xor3A_467 : vector<16xi32>
      %broadcast_in_dim3A_469 = vector.shape_cast %xor3A_468 : vector<16xi32> to vector<16x1xi32>
      %gather3A_470 = vector.shape_cast %broadcast_in_dim3A_469 : vector<16x1xi32> to vector<16xi32>
      %gather3A_471 = tpu.dynamic_gather %select_n3A_464[%gather3A_470] in [0] : vector<16xi32>, vector<16xi32> -> vector<16xi32>
      %min3A_472 = arith.minsi %select_n3A_464, %gather3A_471 : vector<16xi32>
      %xor3A_473 = arith.constant 4 : i32
      %xor3A_474 = vector.broadcast %xor3A_473 : i32 to vector<16xi32>
      %xor3A_475 = arith.xori %iota3A_465, %xor3A_474 : vector<16xi32>
      %broadcast_in_dim3A_476 = vector.shape_cast %xor3A_475 : vector<16xi32> to vector<16x1xi32>
      %gather3A_477 = vector.shape_cast %broadcast_in_dim3A_476 : vector<16x1xi32> to vector<16xi32>
      %gather3A_478 = tpu.dynamic_gather %min3A_472[%gather3A_477] in [0] : vector<16xi32>, vector<16xi32> -> vector<16xi32>
      %min3A_479 = arith.minsi %min3A_472, %gather3A_478 : vector<16xi32>
      %xor3A_480 = arith.constant 2 : i32
      %xor3A_481 = vector.broadcast %xor3A_480 : i32 to vector<16xi32>
      %xor3A_482 = arith.xori %iota3A_465, %xor3A_481 : vector<16xi32>
      %broadcast_in_dim3A_483 = vector.shape_cast %xor3A_482 : vector<16xi32> to vector<16x1xi32>
      %gather3A_484 = vector.shape_cast %broadcast_in_dim3A_483 : vector<16x1xi32> to vector<16xi32>
      %gather3A_485 = tpu.dynamic_gather %min3A_479[%gather3A_484] in [0] : vector<16xi32>, vector<16xi32> -> vector<16xi32>
      %min3A_486 = arith.minsi %min3A_479, %gather3A_485 : vector<16xi32>
      %xor3A_487 = arith.constant 1 : i32
      %xor3A_488 = vector.broadcast %xor3A_487 : i32 to vector<16xi32>
      %xor3A_489 = arith.xori %iota3A_465, %xor3A_488 : vector<16xi32>
      %broadcast_in_dim3A_490 = vector.shape_cast %xor3A_489 : vector<16xi32> to vector<16x1xi32>
      %gather3A_491 = vector.shape_cast %broadcast_in_dim3A_490 : vector<16x1xi32> to vector<16xi32>
      %gather3A_492 = tpu.dynamic_gather %min3A_486[%gather3A_491] in [0] : vector<16xi32>, vector<16xi32> -> vector<16xi32>
      %min3A_493 = arith.minsi %min3A_486, %gather3A_492 : vector<16xi32>
      %slice3A_494 = vector.extract_strided_slice %min3A_493 {offsets = [0], sizes = [1], strides = [1]} : vector<16xi32> to vector<1xi32>
      %squeeze3A_495 = vector.extract %slice3A_494[0] : i32 from vector<1xi32>
      %rem3A_496 = arith.constant 16 : i32
      %rem3A_497 = arith.remsi %squeeze3A_495, %rem3A_496 : i32
      %sub3A_498 = arith.subi %squeeze3A_495, %rem3A_497 : i32
      %broadcast_in_dim3A_499 = vector.broadcast %rem3A_497 : i32 to vector<16xi32>
      %get3A_500 = arith.index_cast %sub3A_498 : i32 to index
      %get3A_501 = tpu.vector_load %arg16[%get3A_500] {strides = array<i32>} : memref<4112xi32, #tpu.memory_space<vmem>>, vector<16xi32>,
      %broadcast_in_dim3A_502 = vector.broadcast %rem3A_497 : i32 to vector<16xi32>
      %broadcast_in_dim3A_503 = vector.shape_cast %broadcast_in_dim3A_502 : vector<16xi32> to vector<16x1xi32>
      %gather3A_504 = vector.shape_cast %broadcast_in_dim3A_503 : vector<16x1xi32> to vector<16xi32>
      %gather3A_505 = tpu.dynamic_gather %get3A_501[%gather3A_504] in [0] : vector<16xi32>, vector<16xi32> -> vector<16xi32>
      %get3A_506 = arith.index_cast %sub3A_498 : i32 to index
      %get3A_507 = tpu.vector_load %arg15[%get3A_506] {strides = array<i32>} : memref<4112xf32, #tpu.memory_space<vmem>>, vector<16xf32>,
      %eq3A_508 = arith.cmpi eq, %iota3A, %broadcast_in_dim3A_499 : vector<16xi32>
      %select_n3A_509 = arith.select %eq3A_508, %broadcast_in_dim3A_4, %get3A_507 : vector<16xi1>, vector<16xf32>
      %swap3A_510 = arith.index_cast %sub3A_498 : i32 to index
      %swap3A_511 = tpu.vector_load %arg15[%swap3A_510] {strides = array<i32>} : memref<4112xf32, #tpu.memory_space<vmem>>, vector<16xf32>,
      tpu.vector_store %arg15[%swap3A_510], %select_n3A_509 {strides = array<i32>} : memref<4112xf32, #tpu.memory_space<vmem>>, vector<16xf32>,
      %eq3A_512 = arith.constant 1 : i32
      %eq3A_513 = vector.broadcast %eq3A_512 : i32 to vector<16xi32>
      %eq3A_514 = arith.cmpi eq, %iota3A, %eq3A_513 : vector<16xi32>
      %select_n3A_515 = arith.select %eq3A_514, %max3A_462, %select_n3A_418 : vector<16xi1>, vector<16xf32>
      %eq3A_516 = arith.constant 1 : i32
      %eq3A_517 = vector.broadcast %eq3A_516 : i32 to vector<16xi32>
      %eq3A_518 = arith.cmpi eq, %iota3A, %eq3A_517 : vector<16xi32>
      %select_n3A_519 = arith.select %eq3A_518, %gather3A_505, %select_n3A_422 : vector<16xi1>, vector<16xi32>
      %while3A_520 = arith.constant 0 : i32
      %while3A_521 = arith.subi %select_n3A_324, %while3A_520 : i32
      %while3A_522 = arith.addi %while3A_520, %while3A_521 : i32
      %while3A_523 = arith.constant 1 : i32
      %while3A_524 = arith.divsi %while3A_521, %while3A_523 : i32
      %while3A_525 = arith.muli %while3A_524, %while3A_523 : i32
      %while3A_526 = arith.addi %while3A_520, %while3A_525 : i32
      %while3A_527 = arith.constant 1 : i32
      %while3A_528:2 = scf.for %while3A_2358 = %while3A_520 to %while3A_526 step %while3A_527 iter_args(%while3A_2359 = %broadcast_in_dim3A_4, %while3A_2360 = %broadcast_in_dim3A_330) -> (vector<16xf32>, vector<16xi32>)  : i32 {
        %mul3A_2361 = arith.constant 16 : i32
        %mul3A_2362 = arith.muli %while3A_2358, %mul3A_2361 : i32
        %get3A_2363 = arith.index_cast %mul3A_2362 : i32 to index
        %get3A_2364 = tpu.vector_load %arg15[%get3A_2363] {strides = array<i32>} : memref<4112xf32, #tpu.memory_space<vmem>>, vector<16xf32>,
        %gt3A_2365 = arith.cmpf ogt, %get3A_2364, %while3A_2359 : vector<16xf32>
        %select_n3A_2366 = arith.select %gt3A_2365, %get3A_2364, %while3A_2359 : vector<16xi1>, vector<16xf32>
        %mul3A_2367 = arith.constant 16 : i32
        %mul3A_2368 = arith.muli %while3A_2358, %mul3A_2367 : i32
        %add3A_2369 = vector.broadcast %mul3A_2368 : i32 to vector<16xi32>
        %add3A_2370 = arith.addi %add3A_2369, %iota3A : vector<16xi32>
        %select_n3A_2371 = arith.select %gt3A_2365, %add3A_2370, %while3A_2360 : vector<16xi1>, vector<16xi32>
        scf.yield %select_n3A_2366, %select_n3A_2371 : vector<16xf32>, vector<16xi32>
      }
      %while3A_529 = arith.constant 1 : i32
      %while3A_530:2 = scf.for %while3A_2358 = %while3A_526 to %while3A_522 step %while3A_529 iter_args(%while3A_2359 = %while3A_528#0, %while3A_2360 = %while3A_528#1) -> (vector<16xf32>, vector<16xi32>)  : i32 {
        %mul3A_2361 = arith.constant 16 : i32
        %mul3A_2362 = arith.muli %while3A_2358, %mul3A_2361 : i32
        %get3A_2363 = arith.index_cast %mul3A_2362 : i32 to index
        %get3A_2364 = tpu.vector_load %arg15[%get3A_2363] {strides = array<i32>} : memref<4112xf32, #tpu.memory_space<vmem>>, vector<16xf32>,
        %gt3A_2365 = arith.cmpf ogt, %get3A_2364, %while3A_2359 : vector<16xf32>
        %select_n3A_2366 = arith.select %gt3A_2365, %get3A_2364, %while3A_2359 : vector<16xi1>, vector<16xf32>
        %mul3A_2367 = arith.constant 16 : i32
        %mul3A_2368 = arith.muli %while3A_2358, %mul3A_2367 : i32
        %add3A_2369 = vector.broadcast %mul3A_2368 : i32 to vector<16xi32>
        %add3A_2370 = arith.addi %add3A_2369, %iota3A : vector<16xi32>
        %select_n3A_2371 = arith.select %gt3A_2365, %add3A_2370, %while3A_2360 : vector<16xi1>, vector<16xi32>
        scf.yield %select_n3A_2366, %select_n3A_2371 : vector<16xf32>, vector<16xi32>
      }
      %iota3A_531 = tpu.iota {dimensions = array<i32: 0>} : vector<16xi32>
      %xor3A_532 = arith.constant 8 : i32
      %xor3A_533 = vector.broadcast %xor3A_532 : i32 to vector<16xi32>
      %xor3A_534 = arith.xori %iota3A_531, %xor3A_533 : vector<16xi32>
      %broadcast_in_dim3A_535 = vector.shape_cast %xor3A_534 : vector<16xi32> to vector<16x1xi32>
      %gather3A_536 = vector.shape_cast %broadcast_in_dim3A_535 : vector<16x1xi32> to vector<16xi32>
      %gather3A_537 = tpu.dynamic_gather %while3A_530#0[%gather3A_536] in [0] : vector<16xf32>, vector<16xi32> -> vector<16xf32>
      %max3A_538 = arith.maximumf %while3A_530#0, %gather3A_537 : vector<16xf32>
      %xor3A_539 = arith.constant 4 : i32
      %xor3A_540 = vector.broadcast %xor3A_539 : i32 to vector<16xi32>
      %xor3A_541 = arith.xori %iota3A_531, %xor3A_540 : vector<16xi32>
      %broadcast_in_dim3A_542 = vector.shape_cast %xor3A_541 : vector<16xi32> to vector<16x1xi32>
      %gather3A_543 = vector.shape_cast %broadcast_in_dim3A_542 : vector<16x1xi32> to vector<16xi32>
      %gather3A_544 = tpu.dynamic_gather %max3A_538[%gather3A_543] in [0] : vector<16xf32>, vector<16xi32> -> vector<16xf32>
      %max3A_545 = arith.maximumf %max3A_538, %gather3A_544 : vector<16xf32>
      %xor3A_546 = arith.constant 2 : i32
      %xor3A_547 = vector.broadcast %xor3A_546 : i32 to vector<16xi32>
      %xor3A_548 = arith.xori %iota3A_531, %xor3A_547 : vector<16xi32>
      %broadcast_in_dim3A_549 = vector.shape_cast %xor3A_548 : vector<16xi32> to vector<16x1xi32>
      %gather3A_550 = vector.shape_cast %broadcast_in_dim3A_549 : vector<16x1xi32> to vector<16xi32>
      %gather3A_551 = tpu.dynamic_gather %max3A_545[%gather3A_550] in [0] : vector<16xf32>, vector<16xi32> -> vector<16xf32>
      %max3A_552 = arith.maximumf %max3A_545, %gather3A_551 : vector<16xf32>
      %xor3A_553 = arith.constant 1 : i32
      %xor3A_554 = vector.broadcast %xor3A_553 : i32 to vector<16xi32>
      %xor3A_555 = arith.xori %iota3A_531, %xor3A_554 : vector<16xi32>
      %broadcast_in_dim3A_556 = vector.shape_cast %xor3A_555 : vector<16xi32> to vector<16x1xi32>
      %gather3A_557 = vector.shape_cast %broadcast_in_dim3A_556 : vector<16x1xi32> to vector<16xi32>
      %gather3A_558 = tpu.dynamic_gather %max3A_552[%gather3A_557] in [0] : vector<16xf32>, vector<16xi32> -> vector<16xf32>
      %max3A_559 = arith.maximumf %max3A_552, %gather3A_558 : vector<16xf32>
      %eq3A_560 = arith.cmpf oeq, %while3A_530#0, %max3A_559 : vector<16xf32>
      %select_n3A_561 = arith.select %eq3A_560, %while3A_530#1, %broadcast_in_dim3A_330 : vector<16xi1>, vector<16xi32>
      %iota3A_562 = tpu.iota {dimensions = array<i32: 0>} : vector<16xi32>
      %xor3A_563 = arith.constant 8 : i32
      %xor3A_564 = vector.broadcast %xor3A_563 : i32 to vector<16xi32>
      %xor3A_565 = arith.xori %iota3A_562, %xor3A_564 : vector<16xi32>
      %broadcast_in_dim3A_566 = vector.shape_cast %xor3A_565 : vector<16xi32> to vector<16x1xi32>
      %gather3A_567 = vector.shape_cast %broadcast_in_dim3A_566 : vector<16x1xi32> to vector<16xi32>
      %gather3A_568 = tpu.dynamic_gather %select_n3A_561[%gather3A_567] in [0] : vector<16xi32>, vector<16xi32> -> vector<16xi32>
      %min3A_569 = arith.minsi %select_n3A_561, %gather3A_568 : vector<16xi32>
      %xor3A_570 = arith.constant 4 : i32
      %xor3A_571 = vector.broadcast %xor3A_570 : i32 to vector<16xi32>
      %xor3A_572 = arith.xori %iota3A_562, %xor3A_571 : vector<16xi32>
      %broadcast_in_dim3A_573 = vector.shape_cast %xor3A_572 : vector<16xi32> to vector<16x1xi32>
      %gather3A_574 = vector.shape_cast %broadcast_in_dim3A_573 : vector<16x1xi32> to vector<16xi32>
      %gather3A_575 = tpu.dynamic_gather %min3A_569[%gather3A_574] in [0] : vector<16xi32>, vector<16xi32> -> vector<16xi32>
      %min3A_576 = arith.minsi %min3A_569, %gather3A_575 : vector<16xi32>
      %xor3A_577 = arith.constant 2 : i32
      %xor3A_578 = vector.broadcast %xor3A_577 : i32 to vector<16xi32>
      %xor3A_579 = arith.xori %iota3A_562, %xor3A_578 : vector<16xi32>
      %broadcast_in_dim3A_580 = vector.shape_cast %xor3A_579 : vector<16xi32> to vector<16x1xi32>
      %gather3A_581 = vector.shape_cast %broadcast_in_dim3A_580 : vector<16x1xi32> to vector<16xi32>
      %gather3A_582 = tpu.dynamic_gather %min3A_576[%gather3A_581] in [0] : vector<16xi32>, vector<16xi32> -> vector<16xi32>
      %min3A_583 = arith.minsi %min3A_576, %gather3A_582 : vector<16xi32>
      %xor3A_584 = arith.constant 1 : i32
      %xor3A_585 = vector.broadcast %xor3A_584 : i32 to vector<16xi32>
      %xor3A_586 = arith.xori %iota3A_562, %xor3A_585 : vector<16xi32>
      %broadcast_in_dim3A_587 = vector.shape_cast %xor3A_586 : vector<16xi32> to vector<16x1xi32>
      %gather3A_588 = vector.shape_cast %broadcast_in_dim3A_587 : vector<16x1xi32> to vector<16xi32>
      %gather3A_589 = tpu.dynamic_gather %min3A_583[%gather3A_588] in [0] : vector<16xi32>, vector<16xi32> -> vector<16xi32>
      %min3A_590 = arith.minsi %min3A_583, %gather3A_589 : vector<16xi32>
      %slice3A_591 = vector.extract_strided_slice %min3A_590 {offsets = [0], sizes = [1], strides = [1]} : vector<16xi32> to vector<1xi32>
      %squeeze3A_592 = vector.extract %slice3A_591[0] : i32 from vector<1xi32>
      %rem3A_593 = arith.constant 16 : i32
      %rem3A_594 = arith.remsi %squeeze3A_592, %rem3A_593 : i32
      %sub3A_595 = arith.subi %squeeze3A_592, %rem3A_594 : i32
      %broadcast_in_dim3A_596 = vector.broadcast %rem3A_594 : i32 to vector<16xi32>
      %get3A_597 = arith.index_cast %sub3A_595 : i32 to index
      %get3A_598 = tpu.vector_load %arg16[%get3A_597] {strides = array<i32>} : memref<4112xi32, #tpu.memory_space<vmem>>, vector<16xi32>,
      %broadcast_in_dim3A_599 = vector.broadcast %rem3A_594 : i32 to vector<16xi32>
      %broadcast_in_dim3A_600 = vector.shape_cast %broadcast_in_dim3A_599 : vector<16xi32> to vector<16x1xi32>
      %gather3A_601 = vector.shape_cast %broadcast_in_dim3A_600 : vector<16x1xi32> to vector<16xi32>
      %gather3A_602 = tpu.dynamic_gather %get3A_598[%gather3A_601] in [0] : vector<16xi32>, vector<16xi32> -> vector<16xi32>
      %get3A_603 = arith.index_cast %sub3A_595 : i32 to index
      %get3A_604 = tpu.vector_load %arg15[%get3A_603] {strides = array<i32>} : memref<4112xf32, #tpu.memory_space<vmem>>, vector<16xf32>,
      %eq3A_605 = arith.cmpi eq, %iota3A, %broadcast_in_dim3A_596 : vector<16xi32>
      %select_n3A_606 = arith.select %eq3A_605, %broadcast_in_dim3A_4, %get3A_604 : vector<16xi1>, vector<16xf32>
      %swap3A_607 = arith.index_cast %sub3A_595 : i32 to index
      %swap3A_608 = tpu.vector_load %arg15[%swap3A_607] {strides = array<i32>} : memref<4112xf32, #tpu.memory_space<vmem>>, vector<16xf32>,
      tpu.vector_store %arg15[%swap3A_607], %select_n3A_606 {strides = array<i32>} : memref<4112xf32, #tpu.memory_space<vmem>>, vector<16xf32>,
      %eq3A_609 = arith.constant 2 : i32
      %eq3A_610 = vector.broadcast %eq3A_609 : i32 to vector<16xi32>
      %eq3A_611 = arith.cmpi eq, %iota3A, %eq3A_610 : vector<16xi32>
      %select_n3A_612 = arith.select %eq3A_611, %max3A_559, %select_n3A_515 : vector<16xi1>, vector<16xf32>
      %eq3A_613 = arith.constant 2 : i32
      %eq3A_614 = vector.broadcast %eq3A_613 : i32 to vector<16xi32>
      %eq3A_615 = arith.cmpi eq, %iota3A, %eq3A_614 : vector<16xi32>
      %select_n3A_616 = arith.select %eq3A_615, %gather3A_602, %select_n3A_519 : vector<16xi1>, vector<16xi32>
      %while3A_617 = arith.constant 0 : i32
      %while3A_618 = arith.subi %select_n3A_324, %while3A_617 : i32
      %while3A_619 = arith.addi %while3A_617, %while3A_618 : i32
      %while3A_620 = arith.constant 1 : i32
      %while3A_621 = arith.divsi %while3A_618, %while3A_620 : i32
      %while3A_622 = arith.muli %while3A_621, %while3A_620 : i32
      %while3A_623 = arith.addi %while3A_617, %while3A_622 : i32
      %while3A_624 = arith.constant 1 : i32
      %while3A_625:2 = scf.for %while3A_2358 = %while3A_617 to %while3A_623 step %while3A_624 iter_args(%while3A_2359 = %broadcast_in_dim3A_4, %while3A_2360 = %broadcast_in_dim3A_330) -> (vector<16xf32>, vector<16xi32>)  : i32 {
        %mul3A_2361 = arith.constant 16 : i32
        %mul3A_2362 = arith.muli %while3A_2358, %mul3A_2361 : i32
        %get3A_2363 = arith.index_cast %mul3A_2362 : i32 to index
        %get3A_2364 = tpu.vector_load %arg15[%get3A_2363] {strides = array<i32>} : memref<4112xf32, #tpu.memory_space<vmem>>, vector<16xf32>,
        %gt3A_2365 = arith.cmpf ogt, %get3A_2364, %while3A_2359 : vector<16xf32>
        %select_n3A_2366 = arith.select %gt3A_2365, %get3A_2364, %while3A_2359 : vector<16xi1>, vector<16xf32>
        %mul3A_2367 = arith.constant 16 : i32
        %mul3A_2368 = arith.muli %while3A_2358, %mul3A_2367 : i32
        %add3A_2369 = vector.broadcast %mul3A_2368 : i32 to vector<16xi32>
        %add3A_2370 = arith.addi %add3A_2369, %iota3A : vector<16xi32>
        %select_n3A_2371 = arith.select %gt3A_2365, %add3A_2370, %while3A_2360 : vector<16xi1>, vector<16xi32>
        scf.yield %select_n3A_2366, %select_n3A_2371 : vector<16xf32>, vector<16xi32>
      }
      %while3A_626 = arith.constant 1 : i32
      %while3A_627:2 = scf.for %while3A_2358 = %while3A_623 to %while3A_619 step %while3A_626 iter_args(%while3A_2359 = %while3A_625#0, %while3A_2360 = %while3A_625#1) -> (vector<16xf32>, vector<16xi32>)  : i32 {
        %mul3A_2361 = arith.constant 16 : i32
        %mul3A_2362 = arith.muli %while3A_2358, %mul3A_2361 : i32
        %get3A_2363 = arith.index_cast %mul3A_2362 : i32 to index
        %get3A_2364 = tpu.vector_load %arg15[%get3A_2363] {strides = array<i32>} : memref<4112xf32, #tpu.memory_space<vmem>>, vector<16xf32>,
        %gt3A_2365 = arith.cmpf ogt, %get3A_2364, %while3A_2359 : vector<16xf32>
        %select_n3A_2366 = arith.select %gt3A_2365, %get3A_2364, %while3A_2359 : vector<16xi1>, vector<16xf32>
        %mul3A_2367 = arith.constant 16 : i32
        %mul3A_2368 = arith.muli %while3A_2358, %mul3A_2367 : i32
        %add3A_2369 = vector.broadcast %mul3A_2368 : i32 to vector<16xi32>
        %add3A_2370 = arith.addi %add3A_2369, %iota3A : vector<16xi32>
        %select_n3A_2371 = arith.select %gt3A_2365, %add3A_2370, %while3A_2360 : vector<16xi1>, vector<16xi32>
        scf.yield %select_n3A_2366, %select_n3A_2371 : vector<16xf32>, vector<16xi32>
      }
      %iota3A_628 = tpu.iota {dimensions = array<i32: 0>} : vector<16xi32>
      %xor3A_629 = arith.constant 8 : i32
      %xor3A_630 = vector.broadcast %xor3A_629 : i32 to vector<16xi32>
      %xor3A_631 = arith.xori %iota3A_628, %xor3A_630 : vector<16xi32>
      %broadcast_in_dim3A_632 = vector.shape_cast %xor3A_631 : vector<16xi32> to vector<16x1xi32>
      %gather3A_633 = vector.shape_cast %broadcast_in_dim3A_632 : vector<16x1xi32> to vector<16xi32>
      %gather3A_634 = tpu.dynamic_gather %while3A_627#0[%gather3A_633] in [0] : vector<16xf32>, vector<16xi32> -> vector<16xf32>
      %max3A_635 = arith.maximumf %while3A_627#0, %gather3A_634 : vector<16xf32>
      %xor3A_636 = arith.constant 4 : i32
      %xor3A_637 = vector.broadcast %xor3A_636 : i32 to vector<16xi32>
      %xor3A_638 = arith.xori %iota3A_628, %xor3A_637 : vector<16xi32>
      %broadcast_in_dim3A_639 = vector.shape_cast %xor3A_638 : vector<16xi32> to vector<16x1xi32>
      %gather3A_640 = vector.shape_cast %broadcast_in_dim3A_639 : vector<16x1xi32> to vector<16xi32>
      %gather3A_641 = tpu.dynamic_gather %max3A_635[%gather3A_640] in [0] : vector<16xf32>, vector<16xi32> -> vector<16xf32>
      %max3A_642 = arith.maximumf %max3A_635, %gather3A_641 : vector<16xf32>
      %xor3A_643 = arith.constant 2 : i32
      %xor3A_644 = vector.broadcast %xor3A_643 : i32 to vector<16xi32>
      %xor3A_645 = arith.xori %iota3A_628, %xor3A_644 : vector<16xi32>
      %broadcast_in_dim3A_646 = vector.shape_cast %xor3A_645 : vector<16xi32> to vector<16x1xi32>
      %gather3A_647 = vector.shape_cast %broadcast_in_dim3A_646 : vector<16x1xi32> to vector<16xi32>
      %gather3A_648 = tpu.dynamic_gather %max3A_642[%gather3A_647] in [0] : vector<16xf32>, vector<16xi32> -> vector<16xf32>
      %max3A_649 = arith.maximumf %max3A_642, %gather3A_648 : vector<16xf32>
      %xor3A_650 = arith.constant 1 : i32
      %xor3A_651 = vector.broadcast %xor3A_650 : i32 to vector<16xi32>
      %xor3A_652 = arith.xori %iota3A_628, %xor3A_651 : vector<16xi32>
      %broadcast_in_dim3A_653 = vector.shape_cast %xor3A_652 : vector<16xi32> to vector<16x1xi32>
      %gather3A_654 = vector.shape_cast %broadcast_in_dim3A_653 : vector<16x1xi32> to vector<16xi32>
      %gather3A_655 = tpu.dynamic_gather %max3A_649[%gather3A_654] in [0] : vector<16xf32>, vector<16xi32> -> vector<16xf32>
      %max3A_656 = arith.maximumf %max3A_649, %gather3A_655 : vector<16xf32>
      %eq3A_657 = arith.cmpf oeq, %while3A_627#0, %max3A_656 : vector<16xf32>
      %select_n3A_658 = arith.select %eq3A_657, %while3A_627#1, %broadcast_in_dim3A_330 : vector<16xi1>, vector<16xi32>
      %iota3A_659 = tpu.iota {dimensions = array<i32: 0>} : vector<16xi32>
      %xor3A_660 = arith.constant 8 : i32
      %xor3A_661 = vector.broadcast %xor3A_660 : i32 to vector<16xi32>
      %xor3A_662 = arith.xori %iota3A_659, %xor3A_661 : vector<16xi32>
      %broadcast_in_dim3A_663 = vector.shape_cast %xor3A_662 : vector<16xi32> to vector<16x1xi32>
      %gather3A_664 = vector.shape_cast %broadcast_in_dim3A_663 : vector<16x1xi32> to vector<16xi32>
      %gather3A_665 = tpu.dynamic_gather %select_n3A_658[%gather3A_664] in [0] : vector<16xi32>, vector<16xi32> -> vector<16xi32>
      %min3A_666 = arith.minsi %select_n3A_658, %gather3A_665 : vector<16xi32>
      %xor3A_667 = arith.constant 4 : i32
      %xor3A_668 = vector.broadcast %xor3A_667 : i32 to vector<16xi32>
      %xor3A_669 = arith.xori %iota3A_659, %xor3A_668 : vector<16xi32>
      %broadcast_in_dim3A_670 = vector.shape_cast %xor3A_669 : vector<16xi32> to vector<16x1xi32>
      %gather3A_671 = vector.shape_cast %broadcast_in_dim3A_670 : vector<16x1xi32> to vector<16xi32>
      %gather3A_672 = tpu.dynamic_gather %min3A_666[%gather3A_671] in [0] : vector<16xi32>, vector<16xi32> -> vector<16xi32>
      %min3A_673 = arith.minsi %min3A_666, %gather3A_672 : vector<16xi32>
      %xor3A_674 = arith.constant 2 : i32
      %xor3A_675 = vector.broadcast %xor3A_674 : i32 to vector<16xi32>
      %xor3A_676 = arith.xori %iota3A_659, %xor3A_675 : vector<16xi32>
      %broadcast_in_dim3A_677 = vector.shape_cast %xor3A_676 : vector<16xi32> to vector<16x1xi32>
      %gather3A_678 = vector.shape_cast %broadcast_in_dim3A_677 : vector<16x1xi32> to vector<16xi32>
      %gather3A_679 = tpu.dynamic_gather %min3A_673[%gather3A_678] in [0] : vector<16xi32>, vector<16xi32> -> vector<16xi32>
      %min3A_680 = arith.minsi %min3A_673, %gather3A_679 : vector<16xi32>
      %xor3A_681 = arith.constant 1 : i32
      %xor3A_682 = vector.broadcast %xor3A_681 : i32 to vector<16xi32>
      %xor3A_683 = arith.xori %iota3A_659, %xor3A_682 : vector<16xi32>
      %broadcast_in_dim3A_684 = vector.shape_cast %xor3A_683 : vector<16xi32> to vector<16x1xi32>
      %gather3A_685 = vector.shape_cast %broadcast_in_dim3A_684 : vector<16x1xi32> to vector<16xi32>
      %gather3A_686 = tpu.dynamic_gather %min3A_680[%gather3A_685] in [0] : vector<16xi32>, vector<16xi32> -> vector<16xi32>
      %min3A_687 = arith.minsi %min3A_680, %gather3A_686 : vector<16xi32>
      %slice3A_688 = vector.extract_strided_slice %min3A_687 {offsets = [0], sizes = [1], strides = [1]} : vector<16xi32> to vector<1xi32>
      %squeeze3A_689 = vector.extract %slice3A_688[0] : i32 from vector<1xi32>
      %rem3A_690 = arith.constant 16 : i32
      %rem3A_691 = arith.remsi %squeeze3A_689, %rem3A_690 : i32
      %sub3A_692 = arith.subi %squeeze3A_689, %rem3A_691 : i32
      %broadcast_in_dim3A_693 = vector.broadcast %rem3A_691 : i32 to vector<16xi32>
      %get3A_694 = arith.index_cast %sub3A_692 : i32 to index
      %get3A_695 = tpu.vector_load %arg16[%get3A_694] {strides = array<i32>} : memref<4112xi32, #tpu.memory_space<vmem>>, vector<16xi32>,
      %broadcast_in_dim3A_696 = vector.broadcast %rem3A_691 : i32 to vector<16xi32>
      %broadcast_in_dim3A_697 = vector.shape_cast %broadcast_in_dim3A_696 : vector<16xi32> to vector<16x1xi32>
      %gather3A_698 = vector.shape_cast %broadcast_in_dim3A_697 : vector<16x1xi32> to vector<16xi32>
      %gather3A_699 = tpu.dynamic_gather %get3A_695[%gather3A_698] in [0] : vector<16xi32>, vector<16xi32> -> vector<16xi32>
      %get3A_700 = arith.index_cast %sub3A_692 : i32 to index
      %get3A_701 = tpu.vector_load %arg15[%get3A_700] {strides = array<i32>} : memref<4112xf32, #tpu.memory_space<vmem>>, vector<16xf32>,
      %eq3A_702 = arith.cmpi eq, %iota3A, %broadcast_in_dim3A_693 : vector<16xi32>
      %select_n3A_703 = arith.select %eq3A_702, %broadcast_in_dim3A_4, %get3A_701 : vector<16xi1>, vector<16xf32>
      %swap3A_704 = arith.index_cast %sub3A_692 : i32 to index
      %swap3A_705 = tpu.vector_load %arg15[%swap3A_704] {strides = array<i32>} : memref<4112xf32, #tpu.memory_space<vmem>>, vector<16xf32>,
      tpu.vector_store %arg15[%swap3A_704], %select_n3A_703 {strides = array<i32>} : memref<4112xf32, #tpu.memory_space<vmem>>, vector<16xf32>,
      %eq3A_706 = arith.constant 3 : i32
      %eq3A_707 = vector.broadcast %eq3A_706 : i32 to vector<16xi32>
      %eq3A_708 = arith.cmpi eq, %iota3A, %eq3A_707 : vector<16xi32>
      %select_n3A_709 = arith.select %eq3A_708, %max3A_656, %select_n3A_612 : vector<16xi1>, vector<16xf32>
      %eq3A_710 = arith.constant 3 : i32
      %eq3A_711 = vector.broadcast %eq3A_710 : i32 to vector<16xi32>
      %eq3A_712 = arith.cmpi eq, %iota3A, %eq3A_711 : vector<16xi32>
      %select_n3A_713 = arith.select %eq3A_712, %gather3A_699, %select_n3A_616 : vector<16xi1>, vector<16xi32>
      %while3A_714 = arith.constant 0 : i32
      %while3A_715 = arith.subi %select_n3A_324, %while3A_714 : i32
      %while3A_716 = arith.addi %while3A_714, %while3A_715 : i32
      %while3A_717 = arith.constant 1 : i32
      %while3A_718 = arith.divsi %while3A_715, %while3A_717 : i32
      %while3A_719 = arith.muli %while3A_718, %while3A_717 : i32
      %while3A_720 = arith.addi %while3A_714, %while3A_719 : i32
      %while3A_721 = arith.constant 1 : i32
      %while3A_722:2 = scf.for %while3A_2358 = %while3A_714 to %while3A_720 step %while3A_721 iter_args(%while3A_2359 = %broadcast_in_dim3A_4, %while3A_2360 = %broadcast_in_dim3A_330) -> (vector<16xf32>, vector<16xi32>)  : i32 {
        %mul3A_2361 = arith.constant 16 : i32
        %mul3A_2362 = arith.muli %while3A_2358, %mul3A_2361 : i32
        %get3A_2363 = arith.index_cast %mul3A_2362 : i32 to index
        %get3A_2364 = tpu.vector_load %arg15[%get3A_2363] {strides = array<i32>} : memref<4112xf32, #tpu.memory_space<vmem>>, vector<16xf32>,
        %gt3A_2365 = arith.cmpf ogt, %get3A_2364, %while3A_2359 : vector<16xf32>
        %select_n3A_2366 = arith.select %gt3A_2365, %get3A_2364, %while3A_2359 : vector<16xi1>, vector<16xf32>
        %mul3A_2367 = arith.constant 16 : i32
        %mul3A_2368 = arith.muli %while3A_2358, %mul3A_2367 : i32
        %add3A_2369 = vector.broadcast %mul3A_2368 : i32 to vector<16xi32>
        %add3A_2370 = arith.addi %add3A_2369, %iota3A : vector<16xi32>
        %select_n3A_2371 = arith.select %gt3A_2365, %add3A_2370, %while3A_2360 : vector<16xi1>, vector<16xi32>
        scf.yield %select_n3A_2366, %select_n3A_2371 : vector<16xf32>, vector<16xi32>
      }
      %while3A_723 = arith.constant 1 : i32
      %while3A_724:2 = scf.for %while3A_2358 = %while3A_720 to %while3A_716 step %while3A_723 iter_args(%while3A_2359 = %while3A_722#0, %while3A_2360 = %while3A_722#1) -> (vector<16xf32>, vector<16xi32>)  : i32 {
        %mul3A_2361 = arith.constant 16 : i32
        %mul3A_2362 = arith.muli %while3A_2358, %mul3A_2361 : i32
        %get3A_2363 = arith.index_cast %mul3A_2362 : i32 to index
        %get3A_2364 = tpu.vector_load %arg15[%get3A_2363] {strides = array<i32>} : memref<4112xf32, #tpu.memory_space<vmem>>, vector<16xf32>,
        %gt3A_2365 = arith.cmpf ogt, %get3A_2364, %while3A_2359 : vector<16xf32>
        %select_n3A_2366 = arith.select %gt3A_2365, %get3A_2364, %while3A_2359 : vector<16xi1>, vector<16xf32>
        %mul3A_2367 = arith.constant 16 : i32
        %mul3A_2368 = arith.muli %while3A_2358, %mul3A_2367 : i32
        %add3A_2369 = vector.broadcast %mul3A_2368 : i32 to vector<16xi32>
        %add3A_2370 = arith.addi %add3A_2369, %iota3A : vector<16xi32>
        %select_n3A_2371 = arith.select %gt3A_2365, %add3A_2370, %while3A_2360 : vector<16xi1>, vector<16xi32>
        scf.yield %select_n3A_2366, %select_n3A_2371 : vector<16xf32>, vector<16xi32>
      }
      %iota3A_725 = tpu.iota {dimensions = array<i32: 0>} : vector<16xi32>
      %xor3A_726 = arith.constant 8 : i32
      %xor3A_727 = vector.broadcast %xor3A_726 : i32 to vector<16xi32>
      %xor3A_728 = arith.xori %iota3A_725, %xor3A_727 : vector<16xi32>
      %broadcast_in_dim3A_729 = vector.shape_cast %xor3A_728 : vector<16xi32> to vector<16x1xi32>
      %gather3A_730 = vector.shape_cast %broadcast_in_dim3A_729 : vector<16x1xi32> to vector<16xi32>
      %gather3A_731 = tpu.dynamic_gather %while3A_724#0[%gather3A_730] in [0] : vector<16xf32>, vector<16xi32> -> vector<16xf32>
      %max3A_732 = arith.maximumf %while3A_724#0, %gather3A_731 : vector<16xf32>
      %xor3A_733 = arith.constant 4 : i32
      %xor3A_734 = vector.broadcast %xor3A_733 : i32 to vector<16xi32>
      %xor3A_735 = arith.xori %iota3A_725, %xor3A_734 : vector<16xi32>
      %broadcast_in_dim3A_736 = vector.shape_cast %xor3A_735 : vector<16xi32> to vector<16x1xi32>
      %gather3A_737 = vector.shape_cast %broadcast_in_dim3A_736 : vector<16x1xi32> to vector<16xi32>
      %gather3A_738 = tpu.dynamic_gather %max3A_732[%gather3A_737] in [0] : vector<16xf32>, vector<16xi32> -> vector<16xf32>
      %max3A_739 = arith.maximumf %max3A_732, %gather3A_738 : vector<16xf32>
      %xor3A_740 = arith.constant 2 : i32
      %xor3A_741 = vector.broadcast %xor3A_740 : i32 to vector<16xi32>
      %xor3A_742 = arith.xori %iota3A_725, %xor3A_741 : vector<16xi32>
      %broadcast_in_dim3A_743 = vector.shape_cast %xor3A_742 : vector<16xi32> to vector<16x1xi32>
      %gather3A_744 = vector.shape_cast %broadcast_in_dim3A_743 : vector<16x1xi32> to vector<16xi32>
      %gather3A_745 = tpu.dynamic_gather %max3A_739[%gather3A_744] in [0] : vector<16xf32>, vector<16xi32> -> vector<16xf32>
      %max3A_746 = arith.maximumf %max3A_739, %gather3A_745 : vector<16xf32>
      %xor3A_747 = arith.constant 1 : i32
      %xor3A_748 = vector.broadcast %xor3A_747 : i32 to vector<16xi32>
      %xor3A_749 = arith.xori %iota3A_725, %xor3A_748 : vector<16xi32>
      %broadcast_in_dim3A_750 = vector.shape_cast %xor3A_749 : vector<16xi32> to vector<16x1xi32>
      %gather3A_751 = vector.shape_cast %broadcast_in_dim3A_750 : vector<16x1xi32> to vector<16xi32>
      %gather3A_752 = tpu.dynamic_gather %max3A_746[%gather3A_751] in [0] : vector<16xf32>, vector<16xi32> -> vector<16xf32>
      %max3A_753 = arith.maximumf %max3A_746, %gather3A_752 : vector<16xf32>
      %eq3A_754 = arith.cmpf oeq, %while3A_724#0, %max3A_753 : vector<16xf32>
      %select_n3A_755 = arith.select %eq3A_754, %while3A_724#1, %broadcast_in_dim3A_330 : vector<16xi1>, vector<16xi32>
      %iota3A_756 = tpu.iota {dimensions = array<i32: 0>} : vector<16xi32>
      %xor3A_757 = arith.constant 8 : i32
      %xor3A_758 = vector.broadcast %xor3A_757 : i32 to vector<16xi32>
      %xor3A_759 = arith.xori %iota3A_756, %xor3A_758 : vector<16xi32>
      %broadcast_in_dim3A_760 = vector.shape_cast %xor3A_759 : vector<16xi32> to vector<16x1xi32>
      %gather3A_761 = vector.shape_cast %broadcast_in_dim3A_760 : vector<16x1xi32> to vector<16xi32>
      %gather3A_762 = tpu.dynamic_gather %select_n3A_755[%gather3A_761] in [0] : vector<16xi32>, vector<16xi32> -> vector<16xi32>
      %min3A_763 = arith.minsi %select_n3A_755, %gather3A_762 : vector<16xi32>
      %xor3A_764 = arith.constant 4 : i32
      %xor3A_765 = vector.broadcast %xor3A_764 : i32 to vector<16xi32>
      %xor3A_766 = arith.xori %iota3A_756, %xor3A_765 : vector<16xi32>
      %broadcast_in_dim3A_767 = vector.shape_cast %xor3A_766 : vector<16xi32> to vector<16x1xi32>
      %gather3A_768 = vector.shape_cast %broadcast_in_dim3A_767 : vector<16x1xi32> to vector<16xi32>
      %gather3A_769 = tpu.dynamic_gather %min3A_763[%gather3A_768] in [0] : vector<16xi32>, vector<16xi32> -> vector<16xi32>
      %min3A_770 = arith.minsi %min3A_763, %gather3A_769 : vector<16xi32>
      %xor3A_771 = arith.constant 2 : i32
      %xor3A_772 = vector.broadcast %xor3A_771 : i32 to vector<16xi32>
      %xor3A_773 = arith.xori %iota3A_756, %xor3A_772 : vector<16xi32>
      %broadcast_in_dim3A_774 = vector.shape_cast %xor3A_773 : vector<16xi32> to vector<16x1xi32>
      %gather3A_775 = vector.shape_cast %broadcast_in_dim3A_774 : vector<16x1xi32> to vector<16xi32>
      %gather3A_776 = tpu.dynamic_gather %min3A_770[%gather3A_775] in [0] : vector<16xi32>, vector<16xi32> -> vector<16xi32>
      %min3A_777 = arith.minsi %min3A_770, %gather3A_776 : vector<16xi32>
      %xor3A_778 = arith.constant 1 : i32
      %xor3A_779 = vector.broadcast %xor3A_778 : i32 to vector<16xi32>
      %xor3A_780 = arith.xori %iota3A_756, %xor3A_779 : vector<16xi32>
      %broadcast_in_dim3A_781 = vector.shape_cast %xor3A_780 : vector<16xi32> to vector<16x1xi32>
      %gather3A_782 = vector.shape_cast %broadcast_in_dim3A_781 : vector<16x1xi32> to vector<16xi32>
      %gather3A_783 = tpu.dynamic_gather %min3A_777[%gather3A_782] in [0] : vector<16xi32>, vector<16xi32> -> vector<16xi32>
      %min3A_784 = arith.minsi %min3A_777, %gather3A_783 : vector<16xi32>
      %slice3A_785 = vector.extract_strided_slice %min3A_784 {offsets = [0], sizes = [1], strides = [1]} : vector<16xi32> to vector<1xi32>
      %squeeze3A_786 = vector.extract %slice3A_785[0] : i32 from vector<1xi32>
      %rem3A_787 = arith.constant 16 : i32
      %rem3A_788 = arith.remsi %squeeze3A_786, %rem3A_787 : i32
      %sub3A_789 = arith.subi %squeeze3A_786, %rem3A_788 : i32
      %broadcast_in_dim3A_790 = vector.broadcast %rem3A_788 : i32 to vector<16xi32>
      %get3A_791 = arith.index_cast %sub3A_789 : i32 to index
      %get3A_792 = tpu.vector_load %arg16[%get3A_791] {strides = array<i32>} : memref<4112xi32, #tpu.memory_space<vmem>>, vector<16xi32>,
      %broadcast_in_dim3A_793 = vector.broadcast %rem3A_788 : i32 to vector<16xi32>
      %broadcast_in_dim3A_794 = vector.shape_cast %broadcast_in_dim3A_793 : vector<16xi32> to vector<16x1xi32>
      %gather3A_795 = vector.shape_cast %broadcast_in_dim3A_794 : vector<16x1xi32> to vector<16xi32>
      %gather3A_796 = tpu.dynamic_gather %get3A_792[%gather3A_795] in [0] : vector<16xi32>, vector<16xi32> -> vector<16xi32>
      %get3A_797 = arith.index_cast %sub3A_789 : i32 to index
      %get3A_798 = tpu.vector_load %arg15[%get3A_797] {strides = array<i32>} : memref<4112xf32, #tpu.memory_space<vmem>>, vector<16xf32>,
      %eq3A_799 = arith.cmpi eq, %iota3A, %broadcast_in_dim3A_790 : vector<16xi32>
      %select_n3A_800 = arith.select %eq3A_799, %broadcast_in_dim3A_4, %get3A_798 : vector<16xi1>, vector<16xf32>
      %swap3A_801 = arith.index_cast %sub3A_789 : i32 to index
      %swap3A_802 = tpu.vector_load %arg15[%swap3A_801] {strides = array<i32>} : memref<4112xf32, #tpu.memory_space<vmem>>, vector<16xf32>,
      tpu.vector_store %arg15[%swap3A_801], %select_n3A_800 {strides = array<i32>} : memref<4112xf32, #tpu.memory_space<vmem>>, vector<16xf32>,
      %eq3A_803 = arith.constant 4 : i32
      %eq3A_804 = vector.broadcast %eq3A_803 : i32 to vector<16xi32>
      %eq3A_805 = arith.cmpi eq, %iota3A, %eq3A_804 : vector<16xi32>
      %select_n3A_806 = arith.select %eq3A_805, %max3A_753, %select_n3A_709 : vector<16xi1>, vector<16xf32>
      %eq3A_807 = arith.constant 4 : i32
      %eq3A_808 = vector.broadcast %eq3A_807 : i32 to vector<16xi32>
      %eq3A_809 = arith.cmpi eq, %iota3A, %eq3A_808 : vector<16xi32>
      %select_n3A_810 = arith.select %eq3A_809, %gather3A_796, %select_n3A_713 : vector<16xi1>, vector<16xi32>
      %while3A_811 = arith.constant 0 : i32
      %while3A_812 = arith.subi %select_n3A_324, %while3A_811 : i32
      %while3A_813 = arith.addi %while3A_811, %while3A_812 : i32
      %while3A_814 = arith.constant 1 : i32
      %while3A_815 = arith.divsi %while3A_812, %while3A_814 : i32
      %while3A_816 = arith.muli %while3A_815, %while3A_814 : i32
      %while3A_817 = arith.addi %while3A_811, %while3A_816 : i32
      %while3A_818 = arith.constant 1 : i32
      %while3A_819:2 = scf.for %while3A_2358 = %while3A_811 to %while3A_817 step %while3A_818 iter_args(%while3A_2359 = %broadcast_in_dim3A_4, %while3A_2360 = %broadcast_in_dim3A_330) -> (vector<16xf32>, vector<16xi32>)  : i32 {
        %mul3A_2361 = arith.constant 16 : i32
        %mul3A_2362 = arith.muli %while3A_2358, %mul3A_2361 : i32
        %get3A_2363 = arith.index_cast %mul3A_2362 : i32 to index
        %get3A_2364 = tpu.vector_load %arg15[%get3A_2363] {strides = array<i32>} : memref<4112xf32, #tpu.memory_space<vmem>>, vector<16xf32>,
        %gt3A_2365 = arith.cmpf ogt, %get3A_2364, %while3A_2359 : vector<16xf32>
        %select_n3A_2366 = arith.select %gt3A_2365, %get3A_2364, %while3A_2359 : vector<16xi1>, vector<16xf32>
        %mul3A_2367 = arith.constant 16 : i32
        %mul3A_2368 = arith.muli %while3A_2358, %mul3A_2367 : i32
        %add3A_2369 = vector.broadcast %mul3A_2368 : i32 to vector<16xi32>
        %add3A_2370 = arith.addi %add3A_2369, %iota3A : vector<16xi32>
        %select_n3A_2371 = arith.select %gt3A_2365, %add3A_2370, %while3A_2360 : vector<16xi1>, vector<16xi32>
        scf.yield %select_n3A_2366, %select_n3A_2371 : vector<16xf32>, vector<16xi32>
      }
      %while3A_820 = arith.constant 1 : i32
      %while3A_821:2 = scf.for %while3A_2358 = %while3A_817 to %while3A_813 step %while3A_820 iter_args(%while3A_2359 = %while3A_819#0, %while3A_2360 = %while3A_819#1) -> (vector<16xf32>, vector<16xi32>)  : i32 {
        %mul3A_2361 = arith.constant 16 : i32
        %mul3A_2362 = arith.muli %while3A_2358, %mul3A_2361 : i32
        %get3A_2363 = arith.index_cast %mul3A_2362 : i32 to index
        %get3A_2364 = tpu.vector_load %arg15[%get3A_2363] {strides = array<i32>} : memref<4112xf32, #tpu.memory_space<vmem>>, vector<16xf32>,
        %gt3A_2365 = arith.cmpf ogt, %get3A_2364, %while3A_2359 : vector<16xf32>
        %select_n3A_2366 = arith.select %gt3A_2365, %get3A_2364, %while3A_2359 : vector<16xi1>, vector<16xf32>
        %mul3A_2367 = arith.constant 16 : i32
        %mul3A_2368 = arith.muli %while3A_2358, %mul3A_2367 : i32
        %add3A_2369 = vector.broadcast %mul3A_2368 : i32 to vector<16xi32>
        %add3A_2370 = arith.addi %add3A_2369, %iota3A : vector<16xi32>
        %select_n3A_2371 = arith.select %gt3A_2365, %add3A_2370, %while3A_2360 : vector<16xi1>, vector<16xi32>
        scf.yield %select_n3A_2366, %select_n3A_2371 : vector<16xf32>, vector<16xi32>
      }
      %iota3A_822 = tpu.iota {dimensions = array<i32: 0>} : vector<16xi32>
      %xor3A_823 = arith.constant 8 : i32
      %xor3A_824 = vector.broadcast %xor3A_823 : i32 to vector<16xi32>
      %xor3A_825 = arith.xori %iota3A_822, %xor3A_824 : vector<16xi32>
      %broadcast_in_dim3A_826 = vector.shape_cast %xor3A_825 : vector<16xi32> to vector<16x1xi32>
      %gather3A_827 = vector.shape_cast %broadcast_in_dim3A_826 : vector<16x1xi32> to vector<16xi32>
      %gather3A_828 = tpu.dynamic_gather %while3A_821#0[%gather3A_827] in [0] : vector<16xf32>, vector<16xi32> -> vector<16xf32>
      %max3A_829 = arith.maximumf %while3A_821#0, %gather3A_828 : vector<16xf32>
      %xor3A_830 = arith.constant 4 : i32
      %xor3A_831 = vector.broadcast %xor3A_830 : i32 to vector<16xi32>
      %xor3A_832 = arith.xori %iota3A_822, %xor3A_831 : vector<16xi32>
      %broadcast_in_dim3A_833 = vector.shape_cast %xor3A_832 : vector<16xi32> to vector<16x1xi32>
      %gather3A_834 = vector.shape_cast %broadcast_in_dim3A_833 : vector<16x1xi32> to vector<16xi32>
      %gather3A_835 = tpu.dynamic_gather %max3A_829[%gather3A_834] in [0] : vector<16xf32>, vector<16xi32> -> vector<16xf32>
      %max3A_836 = arith.maximumf %max3A_829, %gather3A_835 : vector<16xf32>
      %xor3A_837 = arith.constant 2 : i32
      %xor3A_838 = vector.broadcast %xor3A_837 : i32 to vector<16xi32>
      %xor3A_839 = arith.xori %iota3A_822, %xor3A_838 : vector<16xi32>
      %broadcast_in_dim3A_840 = vector.shape_cast %xor3A_839 : vector<16xi32> to vector<16x1xi32>
      %gather3A_841 = vector.shape_cast %broadcast_in_dim3A_840 : vector<16x1xi32> to vector<16xi32>
      %gather3A_842 = tpu.dynamic_gather %max3A_836[%gather3A_841] in [0] : vector<16xf32>, vector<16xi32> -> vector<16xf32>
      %max3A_843 = arith.maximumf %max3A_836, %gather3A_842 : vector<16xf32>
      %xor3A_844 = arith.constant 1 : i32
      %xor3A_845 = vector.broadcast %xor3A_844 : i32 to vector<16xi32>
      %xor3A_846 = arith.xori %iota3A_822, %xor3A_845 : vector<16xi32>
      %broadcast_in_dim3A_847 = vector.shape_cast %xor3A_846 : vector<16xi32> to vector<16x1xi32>
      %gather3A_848 = vector.shape_cast %broadcast_in_dim3A_847 : vector<16x1xi32> to vector<16xi32>
      %gather3A_849 = tpu.dynamic_gather %max3A_843[%gather3A_848] in [0] : vector<16xf32>, vector<16xi32> -> vector<16xf32>
      %max3A_850 = arith.maximumf %max3A_843, %gather3A_849 : vector<16xf32>
      %eq3A_851 = arith.cmpf oeq, %while3A_821#0, %max3A_850 : vector<16xf32>
      %select_n3A_852 = arith.select %eq3A_851, %while3A_821#1, %broadcast_in_dim3A_330 : vector<16xi1>, vector<16xi32>
      %iota3A_853 = tpu.iota {dimensions = array<i32: 0>} : vector<16xi32>
      %xor3A_854 = arith.constant 8 : i32
      %xor3A_855 = vector.broadcast %xor3A_854 : i32 to vector<16xi32>
      %xor3A_856 = arith.xori %iota3A_853, %xor3A_855 : vector<16xi32>
      %broadcast_in_dim3A_857 = vector.shape_cast %xor3A_856 : vector<16xi32> to vector<16x1xi32>
      %gather3A_858 = vector.shape_cast %broadcast_in_dim3A_857 : vector<16x1xi32> to vector<16xi32>
      %gather3A_859 = tpu.dynamic_gather %select_n3A_852[%gather3A_858] in [0] : vector<16xi32>, vector<16xi32> -> vector<16xi32>
      %min3A_860 = arith.minsi %select_n3A_852, %gather3A_859 : vector<16xi32>
      %xor3A_861 = arith.constant 4 : i32
      %xor3A_862 = vector.broadcast %xor3A_861 : i32 to vector<16xi32>
      %xor3A_863 = arith.xori %iota3A_853, %xor3A_862 : vector<16xi32>
      %broadcast_in_dim3A_864 = vector.shape_cast %xor3A_863 : vector<16xi32> to vector<16x1xi32>
      %gather3A_865 = vector.shape_cast %broadcast_in_dim3A_864 : vector<16x1xi32> to vector<16xi32>
      %gather3A_866 = tpu.dynamic_gather %min3A_860[%gather3A_865] in [0] : vector<16xi32>, vector<16xi32> -> vector<16xi32>
      %min3A_867 = arith.minsi %min3A_860, %gather3A_866 : vector<16xi32>
      %xor3A_868 = arith.constant 2 : i32
      %xor3A_869 = vector.broadcast %xor3A_868 : i32 to vector<16xi32>
      %xor3A_870 = arith.xori %iota3A_853, %xor3A_869 : vector<16xi32>
      %broadcast_in_dim3A_871 = vector.shape_cast %xor3A_870 : vector<16xi32> to vector<16x1xi32>
      %gather3A_872 = vector.shape_cast %broadcast_in_dim3A_871 : vector<16x1xi32> to vector<16xi32>
      %gather3A_873 = tpu.dynamic_gather %min3A_867[%gather3A_872] in [0] : vector<16xi32>, vector<16xi32> -> vector<16xi32>
      %min3A_874 = arith.minsi %min3A_867, %gather3A_873 : vector<16xi32>
      %xor3A_875 = arith.constant 1 : i32
      %xor3A_876 = vector.broadcast %xor3A_875 : i32 to vector<16xi32>
      %xor3A_877 = arith.xori %iota3A_853, %xor3A_876 : vector<16xi32>
      %broadcast_in_dim3A_878 = vector.shape_cast %xor3A_877 : vector<16xi32> to vector<16x1xi32>
      %gather3A_879 = vector.shape_cast %broadcast_in_dim3A_878 : vector<16x1xi32> to vector<16xi32>
      %gather3A_880 = tpu.dynamic_gather %min3A_874[%gather3A_879] in [0] : vector<16xi32>, vector<16xi32> -> vector<16xi32>
      %min3A_881 = arith.minsi %min3A_874, %gather3A_880 : vector<16xi32>
      %slice3A_882 = vector.extract_strided_slice %min3A_881 {offsets = [0], sizes = [1], strides = [1]} : vector<16xi32> to vector<1xi32>
      %squeeze3A_883 = vector.extract %slice3A_882[0] : i32 from vector<1xi32>
      %rem3A_884 = arith.constant 16 : i32
      %rem3A_885 = arith.remsi %squeeze3A_883, %rem3A_884 : i32
      %sub3A_886 = arith.subi %squeeze3A_883, %rem3A_885 : i32
      %broadcast_in_dim3A_887 = vector.broadcast %rem3A_885 : i32 to vector<16xi32>
      %get3A_888 = arith.index_cast %sub3A_886 : i32 to index
      %get3A_889 = tpu.vector_load %arg16[%get3A_888] {strides = array<i32>} : memref<4112xi32, #tpu.memory_space<vmem>>, vector<16xi32>,
      %broadcast_in_dim3A_890 = vector.broadcast %rem3A_885 : i32 to vector<16xi32>
      %broadcast_in_dim3A_891 = vector.shape_cast %broadcast_in_dim3A_890 : vector<16xi32> to vector<16x1xi32>
      %gather3A_892 = vector.shape_cast %broadcast_in_dim3A_891 : vector<16x1xi32> to vector<16xi32>
      %gather3A_893 = tpu.dynamic_gather %get3A_889[%gather3A_892] in [0] : vector<16xi32>, vector<16xi32> -> vector<16xi32>
      %get3A_894 = arith.index_cast %sub3A_886 : i32 to index
      %get3A_895 = tpu.vector_load %arg15[%get3A_894] {strides = array<i32>} : memref<4112xf32, #tpu.memory_space<vmem>>, vector<16xf32>,
      %eq3A_896 = arith.cmpi eq, %iota3A, %broadcast_in_dim3A_887 : vector<16xi32>
      %select_n3A_897 = arith.select %eq3A_896, %broadcast_in_dim3A_4, %get3A_895 : vector<16xi1>, vector<16xf32>
      %swap3A_898 = arith.index_cast %sub3A_886 : i32 to index
      %swap3A_899 = tpu.vector_load %arg15[%swap3A_898] {strides = array<i32>} : memref<4112xf32, #tpu.memory_space<vmem>>, vector<16xf32>,
      tpu.vector_store %arg15[%swap3A_898], %select_n3A_897 {strides = array<i32>} : memref<4112xf32, #tpu.memory_space<vmem>>, vector<16xf32>,
      %eq3A_900 = arith.constant 5 : i32
      %eq3A_901 = vector.broadcast %eq3A_900 : i32 to vector<16xi32>
      %eq3A_902 = arith.cmpi eq, %iota3A, %eq3A_901 : vector<16xi32>
      %select_n3A_903 = arith.select %eq3A_902, %max3A_850, %select_n3A_806 : vector<16xi1>, vector<16xf32>
      %eq3A_904 = arith.constant 5 : i32
      %eq3A_905 = vector.broadcast %eq3A_904 : i32 to vector<16xi32>
      %eq3A_906 = arith.cmpi eq, %iota3A, %eq3A_905 : vector<16xi32>
      %select_n3A_907 = arith.select %eq3A_906, %gather3A_893, %select_n3A_810 : vector<16xi1>, vector<16xi32>
      %while3A_908 = arith.constant 0 : i32
      %while3A_909 = arith.subi %select_n3A_324, %while3A_908 : i32
      %while3A_910 = arith.addi %while3A_908, %while3A_909 : i32
      %while3A_911 = arith.constant 1 : i32
      %while3A_912 = arith.divsi %while3A_909, %while3A_911 : i32
      %while3A_913 = arith.muli %while3A_912, %while3A_911 : i32
      %while3A_914 = arith.addi %while3A_908, %while3A_913 : i32
      %while3A_915 = arith.constant 1 : i32
      %while3A_916:2 = scf.for %while3A_2358 = %while3A_908 to %while3A_914 step %while3A_915 iter_args(%while3A_2359 = %broadcast_in_dim3A_4, %while3A_2360 = %broadcast_in_dim3A_330) -> (vector<16xf32>, vector<16xi32>)  : i32 {
        %mul3A_2361 = arith.constant 16 : i32
        %mul3A_2362 = arith.muli %while3A_2358, %mul3A_2361 : i32
        %get3A_2363 = arith.index_cast %mul3A_2362 : i32 to index
        %get3A_2364 = tpu.vector_load %arg15[%get3A_2363] {strides = array<i32>} : memref<4112xf32, #tpu.memory_space<vmem>>, vector<16xf32>,
        %gt3A_2365 = arith.cmpf ogt, %get3A_2364, %while3A_2359 : vector<16xf32>
        %select_n3A_2366 = arith.select %gt3A_2365, %get3A_2364, %while3A_2359 : vector<16xi1>, vector<16xf32>
        %mul3A_2367 = arith.constant 16 : i32
        %mul3A_2368 = arith.muli %while3A_2358, %mul3A_2367 : i32
        %add3A_2369 = vector.broadcast %mul3A_2368 : i32 to vector<16xi32>
        %add3A_2370 = arith.addi %add3A_2369, %iota3A : vector<16xi32>
        %select_n3A_2371 = arith.select %gt3A_2365, %add3A_2370, %while3A_2360 : vector<16xi1>, vector<16xi32>
        scf.yield %select_n3A_2366, %select_n3A_2371 : vector<16xf32>, vector<16xi32>
      }
      %while3A_917 = arith.constant 1 : i32
      %while3A_918:2 = scf.for %while3A_2358 = %while3A_914 to %while3A_910 step %while3A_917 iter_args(%while3A_2359 = %while3A_916#0, %while3A_2360 = %while3A_916#1) -> (vector<16xf32>, vector<16xi32>)  : i32 {
        %mul3A_2361 = arith.constant 16 : i32
        %mul3A_2362 = arith.muli %while3A_2358, %mul3A_2361 : i32
        %get3A_2363 = arith.index_cast %mul3A_2362 : i32 to index
        %get3A_2364 = tpu.vector_load %arg15[%get3A_2363] {strides = array<i32>} : memref<4112xf32, #tpu.memory_space<vmem>>, vector<16xf32>,
        %gt3A_2365 = arith.cmpf ogt, %get3A_2364, %while3A_2359 : vector<16xf32>
        %select_n3A_2366 = arith.select %gt3A_2365, %get3A_2364, %while3A_2359 : vector<16xi1>, vector<16xf32>
        %mul3A_2367 = arith.constant 16 : i32
        %mul3A_2368 = arith.muli %while3A_2358, %mul3A_2367 : i32
        %add3A_2369 = vector.broadcast %mul3A_2368 : i32 to vector<16xi32>
        %add3A_2370 = arith.addi %add3A_2369, %iota3A : vector<16xi32>
        %select_n3A_2371 = arith.select %gt3A_2365, %add3A_2370, %while3A_2360 : vector<16xi1>, vector<16xi32>
        scf.yield %select_n3A_2366, %select_n3A_2371 : vector<16xf32>, vector<16xi32>
      }
      %iota3A_919 = tpu.iota {dimensions = array<i32: 0>} : vector<16xi32>
      %xor3A_920 = arith.constant 8 : i32
      %xor3A_921 = vector.broadcast %xor3A_920 : i32 to vector<16xi32>
      %xor3A_922 = arith.xori %iota3A_919, %xor3A_921 : vector<16xi32>
      %broadcast_in_dim3A_923 = vector.shape_cast %xor3A_922 : vector<16xi32> to vector<16x1xi32>
      %gather3A_924 = vector.shape_cast %broadcast_in_dim3A_923 : vector<16x1xi32> to vector<16xi32>
      %gather3A_925 = tpu.dynamic_gather %while3A_918#0[%gather3A_924] in [0] : vector<16xf32>, vector<16xi32> -> vector<16xf32>
      %max3A_926 = arith.maximumf %while3A_918#0, %gather3A_925 : vector<16xf32>
      %xor3A_927 = arith.constant 4 : i32
      %xor3A_928 = vector.broadcast %xor3A_927 : i32 to vector<16xi32>
      %xor3A_929 = arith.xori %iota3A_919, %xor3A_928 : vector<16xi32>
      %broadcast_in_dim3A_930 = vector.shape_cast %xor3A_929 : vector<16xi32> to vector<16x1xi32>
      %gather3A_931 = vector.shape_cast %broadcast_in_dim3A_930 : vector<16x1xi32> to vector<16xi32>
      %gather3A_932 = tpu.dynamic_gather %max3A_926[%gather3A_931] in [0] : vector<16xf32>, vector<16xi32> -> vector<16xf32>
      %max3A_933 = arith.maximumf %max3A_926, %gather3A_932 : vector<16xf32>
      %xor3A_934 = arith.constant 2 : i32
      %xor3A_935 = vector.broadcast %xor3A_934 : i32 to vector<16xi32>
      %xor3A_936 = arith.xori %iota3A_919, %xor3A_935 : vector<16xi32>
      %broadcast_in_dim3A_937 = vector.shape_cast %xor3A_936 : vector<16xi32> to vector<16x1xi32>
      %gather3A_938 = vector.shape_cast %broadcast_in_dim3A_937 : vector<16x1xi32> to vector<16xi32>
      %gather3A_939 = tpu.dynamic_gather %max3A_933[%gather3A_938] in [0] : vector<16xf32>, vector<16xi32> -> vector<16xf32>
      %max3A_940 = arith.maximumf %max3A_933, %gather3A_939 : vector<16xf32>
      %xor3A_941 = arith.constant 1 : i32
      %xor3A_942 = vector.broadcast %xor3A_941 : i32 to vector<16xi32>
      %xor3A_943 = arith.xori %iota3A_919, %xor3A_942 : vector<16xi32>
      %broadcast_in_dim3A_944 = vector.shape_cast %xor3A_943 : vector<16xi32> to vector<16x1xi32>
      %gather3A_945 = vector.shape_cast %broadcast_in_dim3A_944 : vector<16x1xi32> to vector<16xi32>
      %gather3A_946 = tpu.dynamic_gather %max3A_940[%gather3A_945] in [0] : vector<16xf32>, vector<16xi32> -> vector<16xf32>
      %max3A_947 = arith.maximumf %max3A_940, %gather3A_946 : vector<16xf32>
      %eq3A_948 = arith.cmpf oeq, %while3A_918#0, %max3A_947 : vector<16xf32>
      %select_n3A_949 = arith.select %eq3A_948, %while3A_918#1, %broadcast_in_dim3A_330 : vector<16xi1>, vector<16xi32>
      %iota3A_950 = tpu.iota {dimensions = array<i32: 0>} : vector<16xi32>
      %xor3A_951 = arith.constant 8 : i32
      %xor3A_952 = vector.broadcast %xor3A_951 : i32 to vector<16xi32>
      %xor3A_953 = arith.xori %iota3A_950, %xor3A_952 : vector<16xi32>
      %broadcast_in_dim3A_954 = vector.shape_cast %xor3A_953 : vector<16xi32> to vector<16x1xi32>
      %gather3A_955 = vector.shape_cast %broadcast_in_dim3A_954 : vector<16x1xi32> to vector<16xi32>
      %gather3A_956 = tpu.dynamic_gather %select_n3A_949[%gather3A_955] in [0] : vector<16xi32>, vector<16xi32> -> vector<16xi32>
      %min3A_957 = arith.minsi %select_n3A_949, %gather3A_956 : vector<16xi32>
      %xor3A_958 = arith.constant 4 : i32
      %xor3A_959 = vector.broadcast %xor3A_958 : i32 to vector<16xi32>
      %xor3A_960 = arith.xori %iota3A_950, %xor3A_959 : vector<16xi32>
      %broadcast_in_dim3A_961 = vector.shape_cast %xor3A_960 : vector<16xi32> to vector<16x1xi32>
      %gather3A_962 = vector.shape_cast %broadcast_in_dim3A_961 : vector<16x1xi32> to vector<16xi32>
      %gather3A_963 = tpu.dynamic_gather %min3A_957[%gather3A_962] in [0] : vector<16xi32>, vector<16xi32> -> vector<16xi32>
      %min3A_964 = arith.minsi %min3A_957, %gather3A_963 : vector<16xi32>
      %xor3A_965 = arith.constant 2 : i32
      %xor3A_966 = vector.broadcast %xor3A_965 : i32 to vector<16xi32>
      %xor3A_967 = arith.xori %iota3A_950, %xor3A_966 : vector<16xi32>
      %broadcast_in_dim3A_968 = vector.shape_cast %xor3A_967 : vector<16xi32> to vector<16x1xi32>
      %gather3A_969 = vector.shape_cast %broadcast_in_dim3A_968 : vector<16x1xi32> to vector<16xi32>
      %gather3A_970 = tpu.dynamic_gather %min3A_964[%gather3A_969] in [0] : vector<16xi32>, vector<16xi32> -> vector<16xi32>
      %min3A_971 = arith.minsi %min3A_964, %gather3A_970 : vector<16xi32>
      %xor3A_972 = arith.constant 1 : i32
      %xor3A_973 = vector.broadcast %xor3A_972 : i32 to vector<16xi32>
      %xor3A_974 = arith.xori %iota3A_950, %xor3A_973 : vector<16xi32>
      %broadcast_in_dim3A_975 = vector.shape_cast %xor3A_974 : vector<16xi32> to vector<16x1xi32>
      %gather3A_976 = vector.shape_cast %broadcast_in_dim3A_975 : vector<16x1xi32> to vector<16xi32>
      %gather3A_977 = tpu.dynamic_gather %min3A_971[%gather3A_976] in [0] : vector<16xi32>, vector<16xi32> -> vector<16xi32>
      %min3A_978 = arith.minsi %min3A_971, %gather3A_977 : vector<16xi32>
      %slice3A_979 = vector.extract_strided_slice %min3A_978 {offsets = [0], sizes = [1], strides = [1]} : vector<16xi32> to vector<1xi32>
      %squeeze3A_980 = vector.extract %slice3A_979[0] : i32 from vector<1xi32>
      %rem3A_981 = arith.constant 16 : i32
      %rem3A_982 = arith.remsi %squeeze3A_980, %rem3A_981 : i32
      %sub3A_983 = arith.subi %squeeze3A_980, %rem3A_982 : i32
      %broadcast_in_dim3A_984 = vector.broadcast %rem3A_982 : i32 to vector<16xi32>
      %get3A_985 = arith.index_cast %sub3A_983 : i32 to index
      %get3A_986 = tpu.vector_load %arg16[%get3A_985] {strides = array<i32>} : memref<4112xi32, #tpu.memory_space<vmem>>, vector<16xi32>,
      %broadcast_in_dim3A_987 = vector.broadcast %rem3A_982 : i32 to vector<16xi32>
      %broadcast_in_dim3A_988 = vector.shape_cast %broadcast_in_dim3A_987 : vector<16xi32> to vector<16x1xi32>
      %gather3A_989 = vector.shape_cast %broadcast_in_dim3A_988 : vector<16x1xi32> to vector<16xi32>
      %gather3A_990 = tpu.dynamic_gather %get3A_986[%gather3A_989] in [0] : vector<16xi32>, vector<16xi32> -> vector<16xi32>
      %get3A_991 = arith.index_cast %sub3A_983 : i32 to index
      %get3A_992 = tpu.vector_load %arg15[%get3A_991] {strides = array<i32>} : memref<4112xf32, #tpu.memory_space<vmem>>, vector<16xf32>,
      %eq3A_993 = arith.cmpi eq, %iota3A, %broadcast_in_dim3A_984 : vector<16xi32>
      %select_n3A_994 = arith.select %eq3A_993, %broadcast_in_dim3A_4, %get3A_992 : vector<16xi1>, vector<16xf32>
      %swap3A_995 = arith.index_cast %sub3A_983 : i32 to index
      %swap3A_996 = tpu.vector_load %arg15[%swap3A_995] {strides = array<i32>} : memref<4112xf32, #tpu.memory_space<vmem>>, vector<16xf32>,
      tpu.vector_store %arg15[%swap3A_995], %select_n3A_994 {strides = array<i32>} : memref<4112xf32, #tpu.memory_space<vmem>>, vector<16xf32>,
      %eq3A_997 = arith.constant 6 : i32
      %eq3A_998 = vector.broadcast %eq3A_997 : i32 to vector<16xi32>
      %eq3A_999 = arith.cmpi eq, %iota3A, %eq3A_998 : vector<16xi32>
      %select_n3A_1000 = arith.select %eq3A_999, %max3A_947, %select_n3A_903 : vector<16xi1>, vector<16xf32>
      %eq3A_1001 = arith.constant 6 : i32
      %eq3A_1002 = vector.broadcast %eq3A_1001 : i32 to vector<16xi32>
      %eq3A_1003 = arith.cmpi eq, %iota3A, %eq3A_1002 : vector<16xi32>
      %select_n3A_1004 = arith.select %eq3A_1003, %gather3A_990, %select_n3A_907 : vector<16xi1>, vector<16xi32>
      %while3A_1005 = arith.constant 0 : i32
      %while3A_1006 = arith.subi %select_n3A_324, %while3A_1005 : i32
      %while3A_1007 = arith.addi %while3A_1005, %while3A_1006 : i32
      %while3A_1008 = arith.constant 1 : i32
      %while3A_1009 = arith.divsi %while3A_1006, %while3A_1008 : i32
      %while3A_1010 = arith.muli %while3A_1009, %while3A_1008 : i32
      %while3A_1011 = arith.addi %while3A_1005, %while3A_1010 : i32
      %while3A_1012 = arith.constant 1 : i32
      %while3A_1013:2 = scf.for %while3A_2358 = %while3A_1005 to %while3A_1011 step %while3A_1012 iter_args(%while3A_2359 = %broadcast_in_dim3A_4, %while3A_2360 = %broadcast_in_dim3A_330) -> (vector<16xf32>, vector<16xi32>)  : i32 {
        %mul3A_2361 = arith.constant 16 : i32
        %mul3A_2362 = arith.muli %while3A_2358, %mul3A_2361 : i32
        %get3A_2363 = arith.index_cast %mul3A_2362 : i32 to index
        %get3A_2364 = tpu.vector_load %arg15[%get3A_2363] {strides = array<i32>} : memref<4112xf32, #tpu.memory_space<vmem>>, vector<16xf32>,
        %gt3A_2365 = arith.cmpf ogt, %get3A_2364, %while3A_2359 : vector<16xf32>
        %select_n3A_2366 = arith.select %gt3A_2365, %get3A_2364, %while3A_2359 : vector<16xi1>, vector<16xf32>
        %mul3A_2367 = arith.constant 16 : i32
        %mul3A_2368 = arith.muli %while3A_2358, %mul3A_2367 : i32
        %add3A_2369 = vector.broadcast %mul3A_2368 : i32 to vector<16xi32>
        %add3A_2370 = arith.addi %add3A_2369, %iota3A : vector<16xi32>
        %select_n3A_2371 = arith.select %gt3A_2365, %add3A_2370, %while3A_2360 : vector<16xi1>, vector<16xi32>
        scf.yield %select_n3A_2366, %select_n3A_2371 : vector<16xf32>, vector<16xi32>
      }
      %while3A_1014 = arith.constant 1 : i32
      %while3A_1015:2 = scf.for %while3A_2358 = %while3A_1011 to %while3A_1007 step %while3A_1014 iter_args(%while3A_2359 = %while3A_1013#0, %while3A_2360 = %while3A_1013#1) -> (vector<16xf32>, vector<16xi32>)  : i32 {
        %mul3A_2361 = arith.constant 16 : i32
        %mul3A_2362 = arith.muli %while3A_2358, %mul3A_2361 : i32
        %get3A_2363 = arith.index_cast %mul3A_2362 : i32 to index
        %get3A_2364 = tpu.vector_load %arg15[%get3A_2363] {strides = array<i32>} : memref<4112xf32, #tpu.memory_space<vmem>>, vector<16xf32>,
        %gt3A_2365 = arith.cmpf ogt, %get3A_2364, %while3A_2359 : vector<16xf32>
        %select_n3A_2366 = arith.select %gt3A_2365, %get3A_2364, %while3A_2359 : vector<16xi1>, vector<16xf32>
        %mul3A_2367 = arith.constant 16 : i32
        %mul3A_2368 = arith.muli %while3A_2358, %mul3A_2367 : i32
        %add3A_2369 = vector.broadcast %mul3A_2368 : i32 to vector<16xi32>
        %add3A_2370 = arith.addi %add3A_2369, %iota3A : vector<16xi32>
        %select_n3A_2371 = arith.select %gt3A_2365, %add3A_2370, %while3A_2360 : vector<16xi1>, vector<16xi32>
        scf.yield %select_n3A_2366, %select_n3A_2371 : vector<16xf32>, vector<16xi32>
      }
      %iota3A_1016 = tpu.iota {dimensions = array<i32: 0>} : vector<16xi32>
      %xor3A_1017 = arith.constant 8 : i32
      %xor3A_1018 = vector.broadcast %xor3A_1017 : i32 to vector<16xi32>
      %xor3A_1019 = arith.xori %iota3A_1016, %xor3A_1018 : vector<16xi32>
      %broadcast_in_dim3A_1020 = vector.shape_cast %xor3A_1019 : vector<16xi32> to vector<16x1xi32>
      %gather3A_1021 = vector.shape_cast %broadcast_in_dim3A_1020 : vector<16x1xi32> to vector<16xi32>
      %gather3A_1022 = tpu.dynamic_gather %while3A_1015#0[%gather3A_1021] in [0] : vector<16xf32>, vector<16xi32> -> vector<16xf32>
      %max3A_1023 = arith.maximumf %while3A_1015#0, %gather3A_1022 : vector<16xf32>
      %xor3A_1024 = arith.constant 4 : i32
      %xor3A_1025 = vector.broadcast %xor3A_1024 : i32 to vector<16xi32>
      %xor3A_1026 = arith.xori %iota3A_1016, %xor3A_1025 : vector<16xi32>
      %broadcast_in_dim3A_1027 = vector.shape_cast %xor3A_1026 : vector<16xi32> to vector<16x1xi32>
      %gather3A_1028 = vector.shape_cast %broadcast_in_dim3A_1027 : vector<16x1xi32> to vector<16xi32>
      %gather3A_1029 = tpu.dynamic_gather %max3A_1023[%gather3A_1028] in [0] : vector<16xf32>, vector<16xi32> -> vector<16xf32>
      %max3A_1030 = arith.maximumf %max3A_1023, %gather3A_1029 : vector<16xf32>
      %xor3A_1031 = arith.constant 2 : i32
      %xor3A_1032 = vector.broadcast %xor3A_1031 : i32 to vector<16xi32>
      %xor3A_1033 = arith.xori %iota3A_1016, %xor3A_1032 : vector<16xi32>
      %broadcast_in_dim3A_1034 = vector.shape_cast %xor3A_1033 : vector<16xi32> to vector<16x1xi32>
      %gather3A_1035 = vector.shape_cast %broadcast_in_dim3A_1034 : vector<16x1xi32> to vector<16xi32>
      %gather3A_1036 = tpu.dynamic_gather %max3A_1030[%gather3A_1035] in [0] : vector<16xf32>, vector<16xi32> -> vector<16xf32>
      %max3A_1037 = arith.maximumf %max3A_1030, %gather3A_1036 : vector<16xf32>
      %xor3A_1038 = arith.constant 1 : i32
      %xor3A_1039 = vector.broadcast %xor3A_1038 : i32 to vector<16xi32>
      %xor3A_1040 = arith.xori %iota3A_1016, %xor3A_1039 : vector<16xi32>
      %broadcast_in_dim3A_1041 = vector.shape_cast %xor3A_1040 : vector<16xi32> to vector<16x1xi32>
      %gather3A_1042 = vector.shape_cast %broadcast_in_dim3A_1041 : vector<16x1xi32> to vector<16xi32>
      %gather3A_1043 = tpu.dynamic_gather %max3A_1037[%gather3A_1042] in [0] : vector<16xf32>, vector<16xi32> -> vector<16xf32>
      %max3A_1044 = arith.maximumf %max3A_1037, %gather3A_1043 : vector<16xf32>
      %eq3A_1045 = arith.cmpf oeq, %while3A_1015#0, %max3A_1044 : vector<16xf32>
      %select_n3A_1046 = arith.select %eq3A_1045, %while3A_1015#1, %broadcast_in_dim3A_330 : vector<16xi1>, vector<16xi32>
      %iota3A_1047 = tpu.iota {dimensions = array<i32: 0>} : vector<16xi32>
      %xor3A_1048 = arith.constant 8 : i32
      %xor3A_1049 = vector.broadcast %xor3A_1048 : i32 to vector<16xi32>
      %xor3A_1050 = arith.xori %iota3A_1047, %xor3A_1049 : vector<16xi32>
      %broadcast_in_dim3A_1051 = vector.shape_cast %xor3A_1050 : vector<16xi32> to vector<16x1xi32>
      %gather3A_1052 = vector.shape_cast %broadcast_in_dim3A_1051 : vector<16x1xi32> to vector<16xi32>
      %gather3A_1053 = tpu.dynamic_gather %select_n3A_1046[%gather3A_1052] in [0] : vector<16xi32>, vector<16xi32> -> vector<16xi32>
      %min3A_1054 = arith.minsi %select_n3A_1046, %gather3A_1053 : vector<16xi32>
      %xor3A_1055 = arith.constant 4 : i32
      %xor3A_1056 = vector.broadcast %xor3A_1055 : i32 to vector<16xi32>
      %xor3A_1057 = arith.xori %iota3A_1047, %xor3A_1056 : vector<16xi32>
      %broadcast_in_dim3A_1058 = vector.shape_cast %xor3A_1057 : vector<16xi32> to vector<16x1xi32>
      %gather3A_1059 = vector.shape_cast %broadcast_in_dim3A_1058 : vector<16x1xi32> to vector<16xi32>
      %gather3A_1060 = tpu.dynamic_gather %min3A_1054[%gather3A_1059] in [0] : vector<16xi32>, vector<16xi32> -> vector<16xi32>
      %min3A_1061 = arith.minsi %min3A_1054, %gather3A_1060 : vector<16xi32>
      %xor3A_1062 = arith.constant 2 : i32
      %xor3A_1063 = vector.broadcast %xor3A_1062 : i32 to vector<16xi32>
      %xor3A_1064 = arith.xori %iota3A_1047, %xor3A_1063 : vector<16xi32>
      %broadcast_in_dim3A_1065 = vector.shape_cast %xor3A_1064 : vector<16xi32> to vector<16x1xi32>
      %gather3A_1066 = vector.shape_cast %broadcast_in_dim3A_1065 : vector<16x1xi32> to vector<16xi32>
      %gather3A_1067 = tpu.dynamic_gather %min3A_1061[%gather3A_1066] in [0] : vector<16xi32>, vector<16xi32> -> vector<16xi32>
      %min3A_1068 = arith.minsi %min3A_1061, %gather3A_1067 : vector<16xi32>
      %xor3A_1069 = arith.constant 1 : i32
      %xor3A_1070 = vector.broadcast %xor3A_1069 : i32 to vector<16xi32>
      %xor3A_1071 = arith.xori %iota3A_1047, %xor3A_1070 : vector<16xi32>
      %broadcast_in_dim3A_1072 = vector.shape_cast %xor3A_1071 : vector<16xi32> to vector<16x1xi32>
      %gather3A_1073 = vector.shape_cast %broadcast_in_dim3A_1072 : vector<16x1xi32> to vector<16xi32>
      %gather3A_1074 = tpu.dynamic_gather %min3A_1068[%gather3A_1073] in [0] : vector<16xi32>, vector<16xi32> -> vector<16xi32>
      %min3A_1075 = arith.minsi %min3A_1068, %gather3A_1074 : vector<16xi32>
      %slice3A_1076 = vector.extract_strided_slice %min3A_1075 {offsets = [0], sizes = [1], strides = [1]} : vector<16xi32> to vector<1xi32>
      %squeeze3A_1077 = vector.extract %slice3A_1076[0] : i32 from vector<1xi32>
      %rem3A_1078 = arith.constant 16 : i32
      %rem3A_1079 = arith.remsi %squeeze3A_1077, %rem3A_1078 : i32
      %sub3A_1080 = arith.subi %squeeze3A_1077, %rem3A_1079 : i32
      %broadcast_in_dim3A_1081 = vector.broadcast %rem3A_1079 : i32 to vector<16xi32>
      %get3A_1082 = arith.index_cast %sub3A_1080 : i32 to index
      %get3A_1083 = tpu.vector_load %arg16[%get3A_1082] {strides = array<i32>} : memref<4112xi32, #tpu.memory_space<vmem>>, vector<16xi32>,
      %broadcast_in_dim3A_1084 = vector.broadcast %rem3A_1079 : i32 to vector<16xi32>
      %broadcast_in_dim3A_1085 = vector.shape_cast %broadcast_in_dim3A_1084 : vector<16xi32> to vector<16x1xi32>
      %gather3A_1086 = vector.shape_cast %broadcast_in_dim3A_1085 : vector<16x1xi32> to vector<16xi32>
      %gather3A_1087 = tpu.dynamic_gather %get3A_1083[%gather3A_1086] in [0] : vector<16xi32>, vector<16xi32> -> vector<16xi32>
      %get3A_1088 = arith.index_cast %sub3A_1080 : i32 to index
      %get3A_1089 = tpu.vector_load %arg15[%get3A_1088] {strides = array<i32>} : memref<4112xf32, #tpu.memory_space<vmem>>, vector<16xf32>,
      %eq3A_1090 = arith.cmpi eq, %iota3A, %broadcast_in_dim3A_1081 : vector<16xi32>
      %select_n3A_1091 = arith.select %eq3A_1090, %broadcast_in_dim3A_4, %get3A_1089 : vector<16xi1>, vector<16xf32>
      %swap3A_1092 = arith.index_cast %sub3A_1080 : i32 to index
      %swap3A_1093 = tpu.vector_load %arg15[%swap3A_1092] {strides = array<i32>} : memref<4112xf32, #tpu.memory_space<vmem>>, vector<16xf32>,
      tpu.vector_store %arg15[%swap3A_1092], %select_n3A_1091 {strides = array<i32>} : memref<4112xf32, #tpu.memory_space<vmem>>, vector<16xf32>,
      %eq3A_1094 = arith.constant 7 : i32
      %eq3A_1095 = vector.broadcast %eq3A_1094 : i32 to vector<16xi32>
      %eq3A_1096 = arith.cmpi eq, %iota3A, %eq3A_1095 : vector<16xi32>
      %select_n3A_1097 = arith.select %eq3A_1096, %max3A_1044, %select_n3A_1000 : vector<16xi1>, vector<16xf32>
      %eq3A_1098 = arith.constant 7 : i32
      %eq3A_1099 = vector.broadcast %eq3A_1098 : i32 to vector<16xi32>
      %eq3A_1100 = arith.cmpi eq, %iota3A, %eq3A_1099 : vector<16xi32>
      %select_n3A_1101 = arith.select %eq3A_1100, %gather3A_1087, %select_n3A_1004 : vector<16xi1>, vector<16xi32>
      %while3A_1102 = arith.constant 0 : i32
      %while3A_1103 = arith.subi %select_n3A_324, %while3A_1102 : i32
      %while3A_1104 = arith.addi %while3A_1102, %while3A_1103 : i32
      %while3A_1105 = arith.constant 1 : i32
      %while3A_1106 = arith.divsi %while3A_1103, %while3A_1105 : i32
      %while3A_1107 = arith.muli %while3A_1106, %while3A_1105 : i32
      %while3A_1108 = arith.addi %while3A_1102, %while3A_1107 : i32
      %while3A_1109 = arith.constant 1 : i32
      %while3A_1110:2 = scf.for %while3A_2358 = %while3A_1102 to %while3A_1108 step %while3A_1109 iter_args(%while3A_2359 = %broadcast_in_dim3A_4, %while3A_2360 = %broadcast_in_dim3A_330) -> (vector<16xf32>, vector<16xi32>)  : i32 {
        %mul3A_2361 = arith.constant 16 : i32
        %mul3A_2362 = arith.muli %while3A_2358, %mul3A_2361 : i32
        %get3A_2363 = arith.index_cast %mul3A_2362 : i32 to index
        %get3A_2364 = tpu.vector_load %arg15[%get3A_2363] {strides = array<i32>} : memref<4112xf32, #tpu.memory_space<vmem>>, vector<16xf32>,
        %gt3A_2365 = arith.cmpf ogt, %get3A_2364, %while3A_2359 : vector<16xf32>
        %select_n3A_2366 = arith.select %gt3A_2365, %get3A_2364, %while3A_2359 : vector<16xi1>, vector<16xf32>
        %mul3A_2367 = arith.constant 16 : i32
        %mul3A_2368 = arith.muli %while3A_2358, %mul3A_2367 : i32
        %add3A_2369 = vector.broadcast %mul3A_2368 : i32 to vector<16xi32>
        %add3A_2370 = arith.addi %add3A_2369, %iota3A : vector<16xi32>
        %select_n3A_2371 = arith.select %gt3A_2365, %add3A_2370, %while3A_2360 : vector<16xi1>, vector<16xi32>
        scf.yield %select_n3A_2366, %select_n3A_2371 : vector<16xf32>, vector<16xi32>
      }
      %while3A_1111 = arith.constant 1 : i32
      %while3A_1112:2 = scf.for %while3A_2358 = %while3A_1108 to %while3A_1104 step %while3A_1111 iter_args(%while3A_2359 = %while3A_1110#0, %while3A_2360 = %while3A_1110#1) -> (vector<16xf32>, vector<16xi32>)  : i32 {
        %mul3A_2361 = arith.constant 16 : i32
        %mul3A_2362 = arith.muli %while3A_2358, %mul3A_2361 : i32
        %get3A_2363 = arith.index_cast %mul3A_2362 : i32 to index
        %get3A_2364 = tpu.vector_load %arg15[%get3A_2363] {strides = array<i32>} : memref<4112xf32, #tpu.memory_space<vmem>>, vector<16xf32>,
        %gt3A_2365 = arith.cmpf ogt, %get3A_2364, %while3A_2359 : vector<16xf32>
        %select_n3A_2366 = arith.select %gt3A_2365, %get3A_2364, %while3A_2359 : vector<16xi1>, vector<16xf32>
        %mul3A_2367 = arith.constant 16 : i32
        %mul3A_2368 = arith.muli %while3A_2358, %mul3A_2367 : i32
        %add3A_2369 = vector.broadcast %mul3A_2368 : i32 to vector<16xi32>
        %add3A_2370 = arith.addi %add3A_2369, %iota3A : vector<16xi32>
        %select_n3A_2371 = arith.select %gt3A_2365, %add3A_2370, %while3A_2360 : vector<16xi1>, vector<16xi32>
        scf.yield %select_n3A_2366, %select_n3A_2371 : vector<16xf32>, vector<16xi32>
      }
      %iota3A_1113 = tpu.iota {dimensions = array<i32: 0>} : vector<16xi32>
      %xor3A_1114 = arith.constant 8 : i32
      %xor3A_1115 = vector.broadcast %xor3A_1114 : i32 to vector<16xi32>
      %xor3A_1116 = arith.xori %iota3A_1113, %xor3A_1115 : vector<16xi32>
      %broadcast_in_dim3A_1117 = vector.shape_cast %xor3A_1116 : vector<16xi32> to vector<16x1xi32>
      %gather3A_1118 = vector.shape_cast %broadcast_in_dim3A_1117 : vector<16x1xi32> to vector<16xi32>
      %gather3A_1119 = tpu.dynamic_gather %while3A_1112#0[%gather3A_1118] in [0] : vector<16xf32>, vector<16xi32> -> vector<16xf32>
      %max3A_1120 = arith.maximumf %while3A_1112#0, %gather3A_1119 : vector<16xf32>
      %xor3A_1121 = arith.constant 4 : i32
      %xor3A_1122 = vector.broadcast %xor3A_1121 : i32 to vector<16xi32>
      %xor3A_1123 = arith.xori %iota3A_1113, %xor3A_1122 : vector<16xi32>
      %broadcast_in_dim3A_1124 = vector.shape_cast %xor3A_1123 : vector<16xi32> to vector<16x1xi32>
      %gather3A_1125 = vector.shape_cast %broadcast_in_dim3A_1124 : vector<16x1xi32> to vector<16xi32>
      %gather3A_1126 = tpu.dynamic_gather %max3A_1120[%gather3A_1125] in [0] : vector<16xf32>, vector<16xi32> -> vector<16xf32>
      %max3A_1127 = arith.maximumf %max3A_1120, %gather3A_1126 : vector<16xf32>
      %xor3A_1128 = arith.constant 2 : i32
      %xor3A_1129 = vector.broadcast %xor3A_1128 : i32 to vector<16xi32>
      %xor3A_1130 = arith.xori %iota3A_1113, %xor3A_1129 : vector<16xi32>
      %broadcast_in_dim3A_1131 = vector.shape_cast %xor3A_1130 : vector<16xi32> to vector<16x1xi32>
      %gather3A_1132 = vector.shape_cast %broadcast_in_dim3A_1131 : vector<16x1xi32> to vector<16xi32>
      %gather3A_1133 = tpu.dynamic_gather %max3A_1127[%gather3A_1132] in [0] : vector<16xf32>, vector<16xi32> -> vector<16xf32>
      %max3A_1134 = arith.maximumf %max3A_1127, %gather3A_1133 : vector<16xf32>
      %xor3A_1135 = arith.constant 1 : i32
      %xor3A_1136 = vector.broadcast %xor3A_1135 : i32 to vector<16xi32>
      %xor3A_1137 = arith.xori %iota3A_1113, %xor3A_1136 : vector<16xi32>
      %broadcast_in_dim3A_1138 = vector.shape_cast %xor3A_1137 : vector<16xi32> to vector<16x1xi32>
      %gather3A_1139 = vector.shape_cast %broadcast_in_dim3A_1138 : vector<16x1xi32> to vector<16xi32>
      %gather3A_1140 = tpu.dynamic_gather %max3A_1134[%gather3A_1139] in [0] : vector<16xf32>, vector<16xi32> -> vector<16xf32>
      %max3A_1141 = arith.maximumf %max3A_1134, %gather3A_1140 : vector<16xf32>
      %eq3A_1142 = arith.cmpf oeq, %while3A_1112#0, %max3A_1141 : vector<16xf32>
      %select_n3A_1143 = arith.select %eq3A_1142, %while3A_1112#1, %broadcast_in_dim3A_330 : vector<16xi1>, vector<16xi32>
      %iota3A_1144 = tpu.iota {dimensions = array<i32: 0>} : vector<16xi32>
      %xor3A_1145 = arith.constant 8 : i32
      %xor3A_1146 = vector.broadcast %xor3A_1145 : i32 to vector<16xi32>
      %xor3A_1147 = arith.xori %iota3A_1144, %xor3A_1146 : vector<16xi32>
      %broadcast_in_dim3A_1148 = vector.shape_cast %xor3A_1147 : vector<16xi32> to vector<16x1xi32>
      %gather3A_1149 = vector.shape_cast %broadcast_in_dim3A_1148 : vector<16x1xi32> to vector<16xi32>
      %gather3A_1150 = tpu.dynamic_gather %select_n3A_1143[%gather3A_1149] in [0] : vector<16xi32>, vector<16xi32> -> vector<16xi32>
      %min3A_1151 = arith.minsi %select_n3A_1143, %gather3A_1150 : vector<16xi32>
      %xor3A_1152 = arith.constant 4 : i32
      %xor3A_1153 = vector.broadcast %xor3A_1152 : i32 to vector<16xi32>
      %xor3A_1154 = arith.xori %iota3A_1144, %xor3A_1153 : vector<16xi32>
      %broadcast_in_dim3A_1155 = vector.shape_cast %xor3A_1154 : vector<16xi32> to vector<16x1xi32>
      %gather3A_1156 = vector.shape_cast %broadcast_in_dim3A_1155 : vector<16x1xi32> to vector<16xi32>
      %gather3A_1157 = tpu.dynamic_gather %min3A_1151[%gather3A_1156] in [0] : vector<16xi32>, vector<16xi32> -> vector<16xi32>
      %min3A_1158 = arith.minsi %min3A_1151, %gather3A_1157 : vector<16xi32>
      %xor3A_1159 = arith.constant 2 : i32
      %xor3A_1160 = vector.broadcast %xor3A_1159 : i32 to vector<16xi32>
      %xor3A_1161 = arith.xori %iota3A_1144, %xor3A_1160 : vector<16xi32>
      %broadcast_in_dim3A_1162 = vector.shape_cast %xor3A_1161 : vector<16xi32> to vector<16x1xi32>
      %gather3A_1163 = vector.shape_cast %broadcast_in_dim3A_1162 : vector<16x1xi32> to vector<16xi32>
      %gather3A_1164 = tpu.dynamic_gather %min3A_1158[%gather3A_1163] in [0] : vector<16xi32>, vector<16xi32> -> vector<16xi32>
      %min3A_1165 = arith.minsi %min3A_1158, %gather3A_1164 : vector<16xi32>
      %xor3A_1166 = arith.constant 1 : i32
      %xor3A_1167 = vector.broadcast %xor3A_1166 : i32 to vector<16xi32>
      %xor3A_1168 = arith.xori %iota3A_1144, %xor3A_1167 : vector<16xi32>
      %broadcast_in_dim3A_1169 = vector.shape_cast %xor3A_1168 : vector<16xi32> to vector<16x1xi32>
      %gather3A_1170 = vector.shape_cast %broadcast_in_dim3A_1169 : vector<16x1xi32> to vector<16xi32>
      %gather3A_1171 = tpu.dynamic_gather %min3A_1165[%gather3A_1170] in [0] : vector<16xi32>, vector<16xi32> -> vector<16xi32>
      %min3A_1172 = arith.minsi %min3A_1165, %gather3A_1171 : vector<16xi32>
      %slice3A_1173 = vector.extract_strided_slice %min3A_1172 {offsets = [0], sizes = [1], strides = [1]} : vector<16xi32> to vector<1xi32>
      %squeeze3A_1174 = vector.extract %slice3A_1173[0] : i32 from vector<1xi32>
      %rem3A_1175 = arith.constant 16 : i32
      %rem3A_1176 = arith.remsi %squeeze3A_1174, %rem3A_1175 : i32
      %sub3A_1177 = arith.subi %squeeze3A_1174, %rem3A_1176 : i32
      %broadcast_in_dim3A_1178 = vector.broadcast %rem3A_1176 : i32 to vector<16xi32>
      %get3A_1179 = arith.index_cast %sub3A_1177 : i32 to index
      %get3A_1180 = tpu.vector_load %arg16[%get3A_1179] {strides = array<i32>} : memref<4112xi32, #tpu.memory_space<vmem>>, vector<16xi32>,
      %broadcast_in_dim3A_1181 = vector.broadcast %rem3A_1176 : i32 to vector<16xi32>
      %broadcast_in_dim3A_1182 = vector.shape_cast %broadcast_in_dim3A_1181 : vector<16xi32> to vector<16x1xi32>
      %gather3A_1183 = vector.shape_cast %broadcast_in_dim3A_1182 : vector<16x1xi32> to vector<16xi32>
      %gather3A_1184 = tpu.dynamic_gather %get3A_1180[%gather3A_1183] in [0] : vector<16xi32>, vector<16xi32> -> vector<16xi32>
      %get3A_1185 = arith.index_cast %sub3A_1177 : i32 to index
      %get3A_1186 = tpu.vector_load %arg15[%get3A_1185] {strides = array<i32>} : memref<4112xf32, #tpu.memory_space<vmem>>, vector<16xf32>,
      %eq3A_1187 = arith.cmpi eq, %iota3A, %broadcast_in_dim3A_1178 : vector<16xi32>
      %select_n3A_1188 = arith.select %eq3A_1187, %broadcast_in_dim3A_4, %get3A_1186 : vector<16xi1>, vector<16xf32>
      %swap3A_1189 = arith.index_cast %sub3A_1177 : i32 to index
      %swap3A_1190 = tpu.vector_load %arg15[%swap3A_1189] {strides = array<i32>} : memref<4112xf32, #tpu.memory_space<vmem>>, vector<16xf32>,
      tpu.vector_store %arg15[%swap3A_1189], %select_n3A_1188 {strides = array<i32>} : memref<4112xf32, #tpu.memory_space<vmem>>, vector<16xf32>,
      %eq3A_1191 = arith.constant 8 : i32
      %eq3A_1192 = vector.broadcast %eq3A_1191 : i32 to vector<16xi32>
      %eq3A_1193 = arith.cmpi eq, %iota3A, %eq3A_1192 : vector<16xi32>
      %select_n3A_1194 = arith.select %eq3A_1193, %max3A_1141, %select_n3A_1097 : vector<16xi1>, vector<16xf32>
      %eq3A_1195 = arith.constant 8 : i32
      %eq3A_1196 = vector.broadcast %eq3A_1195 : i32 to vector<16xi32>
      %eq3A_1197 = arith.cmpi eq, %iota3A, %eq3A_1196 : vector<16xi32>
      %select_n3A_1198 = arith.select %eq3A_1197, %gather3A_1184, %select_n3A_1101 : vector<16xi1>, vector<16xi32>
      %while3A_1199 = arith.constant 0 : i32
      %while3A_1200 = arith.subi %select_n3A_324, %while3A_1199 : i32
      %while3A_1201 = arith.addi %while3A_1199, %while3A_1200 : i32
      %while3A_1202 = arith.constant 1 : i32
      %while3A_1203 = arith.divsi %while3A_1200, %while3A_1202 : i32
      %while3A_1204 = arith.muli %while3A_1203, %while3A_1202 : i32
      %while3A_1205 = arith.addi %while3A_1199, %while3A_1204 : i32
      %while3A_1206 = arith.constant 1 : i32
      %while3A_1207:2 = scf.for %while3A_2358 = %while3A_1199 to %while3A_1205 step %while3A_1206 iter_args(%while3A_2359 = %broadcast_in_dim3A_4, %while3A_2360 = %broadcast_in_dim3A_330) -> (vector<16xf32>, vector<16xi32>)  : i32 {
        %mul3A_2361 = arith.constant 16 : i32
        %mul3A_2362 = arith.muli %while3A_2358, %mul3A_2361 : i32
        %get3A_2363 = arith.index_cast %mul3A_2362 : i32 to index
        %get3A_2364 = tpu.vector_load %arg15[%get3A_2363] {strides = array<i32>} : memref<4112xf32, #tpu.memory_space<vmem>>, vector<16xf32>,
        %gt3A_2365 = arith.cmpf ogt, %get3A_2364, %while3A_2359 : vector<16xf32>
        %select_n3A_2366 = arith.select %gt3A_2365, %get3A_2364, %while3A_2359 : vector<16xi1>, vector<16xf32>
        %mul3A_2367 = arith.constant 16 : i32
        %mul3A_2368 = arith.muli %while3A_2358, %mul3A_2367 : i32
        %add3A_2369 = vector.broadcast %mul3A_2368 : i32 to vector<16xi32>
        %add3A_2370 = arith.addi %add3A_2369, %iota3A : vector<16xi32>
        %select_n3A_2371 = arith.select %gt3A_2365, %add3A_2370, %while3A_2360 : vector<16xi1>, vector<16xi32>
        scf.yield %select_n3A_2366, %select_n3A_2371 : vector<16xf32>, vector<16xi32>
      }
      %while3A_1208 = arith.constant 1 : i32
      %while3A_1209:2 = scf.for %while3A_2358 = %while3A_1205 to %while3A_1201 step %while3A_1208 iter_args(%while3A_2359 = %while3A_1207#0, %while3A_2360 = %while3A_1207#1) -> (vector<16xf32>, vector<16xi32>)  : i32 {
        %mul3A_2361 = arith.constant 16 : i32
        %mul3A_2362 = arith.muli %while3A_2358, %mul3A_2361 : i32
        %get3A_2363 = arith.index_cast %mul3A_2362 : i32 to index
        %get3A_2364 = tpu.vector_load %arg15[%get3A_2363] {strides = array<i32>} : memref<4112xf32, #tpu.memory_space<vmem>>, vector<16xf32>,
        %gt3A_2365 = arith.cmpf ogt, %get3A_2364, %while3A_2359 : vector<16xf32>
        %select_n3A_2366 = arith.select %gt3A_2365, %get3A_2364, %while3A_2359 : vector<16xi1>, vector<16xf32>
        %mul3A_2367 = arith.constant 16 : i32
        %mul3A_2368 = arith.muli %while3A_2358, %mul3A_2367 : i32
        %add3A_2369 = vector.broadcast %mul3A_2368 : i32 to vector<16xi32>
        %add3A_2370 = arith.addi %add3A_2369, %iota3A : vector<16xi32>
        %select_n3A_2371 = arith.select %gt3A_2365, %add3A_2370, %while3A_2360 : vector<16xi1>, vector<16xi32>
        scf.yield %select_n3A_2366, %select_n3A_2371 : vector<16xf32>, vector<16xi32>
      }
      %iota3A_1210 = tpu.iota {dimensions = array<i32: 0>} : vector<16xi32>
      %xor3A_1211 = arith.constant 8 : i32
      %xor3A_1212 = vector.broadcast %xor3A_1211 : i32 to vector<16xi32>
      %xor3A_1213 = arith.xori %iota3A_1210, %xor3A_1212 : vector<16xi32>
      %broadcast_in_dim3A_1214 = vector.shape_cast %xor3A_1213 : vector<16xi32> to vector<16x1xi32>
      %gather3A_1215 = vector.shape_cast %broadcast_in_dim3A_1214 : vector<16x1xi32> to vector<16xi32>
      %gather3A_1216 = tpu.dynamic_gather %while3A_1209#0[%gather3A_1215] in [0] : vector<16xf32>, vector<16xi32> -> vector<16xf32>
      %max3A_1217 = arith.maximumf %while3A_1209#0, %gather3A_1216 : vector<16xf32>
      %xor3A_1218 = arith.constant 4 : i32
      %xor3A_1219 = vector.broadcast %xor3A_1218 : i32 to vector<16xi32>
      %xor3A_1220 = arith.xori %iota3A_1210, %xor3A_1219 : vector<16xi32>
      %broadcast_in_dim3A_1221 = vector.shape_cast %xor3A_1220 : vector<16xi32> to vector<16x1xi32>
      %gather3A_1222 = vector.shape_cast %broadcast_in_dim3A_1221 : vector<16x1xi32> to vector<16xi32>
      %gather3A_1223 = tpu.dynamic_gather %max3A_1217[%gather3A_1222] in [0] : vector<16xf32>, vector<16xi32> -> vector<16xf32>
      %max3A_1224 = arith.maximumf %max3A_1217, %gather3A_1223 : vector<16xf32>
      %xor3A_1225 = arith.constant 2 : i32
      %xor3A_1226 = vector.broadcast %xor3A_1225 : i32 to vector<16xi32>
      %xor3A_1227 = arith.xori %iota3A_1210, %xor3A_1226 : vector<16xi32>
      %broadcast_in_dim3A_1228 = vector.shape_cast %xor3A_1227 : vector<16xi32> to vector<16x1xi32>
      %gather3A_1229 = vector.shape_cast %broadcast_in_dim3A_1228 : vector<16x1xi32> to vector<16xi32>
      %gather3A_1230 = tpu.dynamic_gather %max3A_1224[%gather3A_1229] in [0] : vector<16xf32>, vector<16xi32> -> vector<16xf32>
      %max3A_1231 = arith.maximumf %max3A_1224, %gather3A_1230 : vector<16xf32>
      %xor3A_1232 = arith.constant 1 : i32
      %xor3A_1233 = vector.broadcast %xor3A_1232 : i32 to vector<16xi32>
      %xor3A_1234 = arith.xori %iota3A_1210, %xor3A_1233 : vector<16xi32>
      %broadcast_in_dim3A_1235 = vector.shape_cast %xor3A_1234 : vector<16xi32> to vector<16x1xi32>
      %gather3A_1236 = vector.shape_cast %broadcast_in_dim3A_1235 : vector<16x1xi32> to vector<16xi32>
      %gather3A_1237 = tpu.dynamic_gather %max3A_1231[%gather3A_1236] in [0] : vector<16xf32>, vector<16xi32> -> vector<16xf32>
      %max3A_1238 = arith.maximumf %max3A_1231, %gather3A_1237 : vector<16xf32>
      %eq3A_1239 = arith.cmpf oeq, %while3A_1209#0, %max3A_1238 : vector<16xf32>
      %select_n3A_1240 = arith.select %eq3A_1239, %while3A_1209#1, %broadcast_in_dim3A_330 : vector<16xi1>, vector<16xi32>
      %iota3A_1241 = tpu.iota {dimensions = array<i32: 0>} : vector<16xi32>
      %xor3A_1242 = arith.constant 8 : i32
      %xor3A_1243 = vector.broadcast %xor3A_1242 : i32 to vector<16xi32>
      %xor3A_1244 = arith.xori %iota3A_1241, %xor3A_1243 : vector<16xi32>
      %broadcast_in_dim3A_1245 = vector.shape_cast %xor3A_1244 : vector<16xi32> to vector<16x1xi32>
      %gather3A_1246 = vector.shape_cast %broadcast_in_dim3A_1245 : vector<16x1xi32> to vector<16xi32>
      %gather3A_1247 = tpu.dynamic_gather %select_n3A_1240[%gather3A_1246] in [0] : vector<16xi32>, vector<16xi32> -> vector<16xi32>
      %min3A_1248 = arith.minsi %select_n3A_1240, %gather3A_1247 : vector<16xi32>
      %xor3A_1249 = arith.constant 4 : i32
      %xor3A_1250 = vector.broadcast %xor3A_1249 : i32 to vector<16xi32>
      %xor3A_1251 = arith.xori %iota3A_1241, %xor3A_1250 : vector<16xi32>
      %broadcast_in_dim3A_1252 = vector.shape_cast %xor3A_1251 : vector<16xi32> to vector<16x1xi32>
      %gather3A_1253 = vector.shape_cast %broadcast_in_dim3A_1252 : vector<16x1xi32> to vector<16xi32>
      %gather3A_1254 = tpu.dynamic_gather %min3A_1248[%gather3A_1253] in [0] : vector<16xi32>, vector<16xi32> -> vector<16xi32>
      %min3A_1255 = arith.minsi %min3A_1248, %gather3A_1254 : vector<16xi32>
      %xor3A_1256 = arith.constant 2 : i32
      %xor3A_1257 = vector.broadcast %xor3A_1256 : i32 to vector<16xi32>
      %xor3A_1258 = arith.xori %iota3A_1241, %xor3A_1257 : vector<16xi32>
      %broadcast_in_dim3A_1259 = vector.shape_cast %xor3A_1258 : vector<16xi32> to vector<16x1xi32>
      %gather3A_1260 = vector.shape_cast %broadcast_in_dim3A_1259 : vector<16x1xi32> to vector<16xi32>
      %gather3A_1261 = tpu.dynamic_gather %min3A_1255[%gather3A_1260] in [0] : vector<16xi32>, vector<16xi32> -> vector<16xi32>
      %min3A_1262 = arith.minsi %min3A_1255, %gather3A_1261 : vector<16xi32>
      %xor3A_1263 = arith.constant 1 : i32
      %xor3A_1264 = vector.broadcast %xor3A_1263 : i32 to vector<16xi32>
      %xor3A_1265 = arith.xori %iota3A_1241, %xor3A_1264 : vector<16xi32>
      %broadcast_in_dim3A_1266 = vector.shape_cast %xor3A_1265 : vector<16xi32> to vector<16x1xi32>
      %gather3A_1267 = vector.shape_cast %broadcast_in_dim3A_1266 : vector<16x1xi32> to vector<16xi32>
      %gather3A_1268 = tpu.dynamic_gather %min3A_1262[%gather3A_1267] in [0] : vector<16xi32>, vector<16xi32> -> vector<16xi32>
      %min3A_1269 = arith.minsi %min3A_1262, %gather3A_1268 : vector<16xi32>
      %slice3A_1270 = vector.extract_strided_slice %min3A_1269 {offsets = [0], sizes = [1], strides = [1]} : vector<16xi32> to vector<1xi32>
      %squeeze3A_1271 = vector.extract %slice3A_1270[0] : i32 from vector<1xi32>
      %rem3A_1272 = arith.constant 16 : i32
      %rem3A_1273 = arith.remsi %squeeze3A_1271, %rem3A_1272 : i32
      %sub3A_1274 = arith.subi %squeeze3A_1271, %rem3A_1273 : i32
      %broadcast_in_dim3A_1275 = vector.broadcast %rem3A_1273 : i32 to vector<16xi32>
      %get3A_1276 = arith.index_cast %sub3A_1274 : i32 to index
      %get3A_1277 = tpu.vector_load %arg16[%get3A_1276] {strides = array<i32>} : memref<4112xi32, #tpu.memory_space<vmem>>, vector<16xi32>,
      %broadcast_in_dim3A_1278 = vector.broadcast %rem3A_1273 : i32 to vector<16xi32>
      %broadcast_in_dim3A_1279 = vector.shape_cast %broadcast_in_dim3A_1278 : vector<16xi32> to vector<16x1xi32>
      %gather3A_1280 = vector.shape_cast %broadcast_in_dim3A_1279 : vector<16x1xi32> to vector<16xi32>
      %gather3A_1281 = tpu.dynamic_gather %get3A_1277[%gather3A_1280] in [0] : vector<16xi32>, vector<16xi32> -> vector<16xi32>
      %get3A_1282 = arith.index_cast %sub3A_1274 : i32 to index
      %get3A_1283 = tpu.vector_load %arg15[%get3A_1282] {strides = array<i32>} : memref<4112xf32, #tpu.memory_space<vmem>>, vector<16xf32>,
      %eq3A_1284 = arith.cmpi eq, %iota3A, %broadcast_in_dim3A_1275 : vector<16xi32>
      %select_n3A_1285 = arith.select %eq3A_1284, %broadcast_in_dim3A_4, %get3A_1283 : vector<16xi1>, vector<16xf32>
      %swap3A_1286 = arith.index_cast %sub3A_1274 : i32 to index
      %swap3A_1287 = tpu.vector_load %arg15[%swap3A_1286] {strides = array<i32>} : memref<4112xf32, #tpu.memory_space<vmem>>, vector<16xf32>,
      tpu.vector_store %arg15[%swap3A_1286], %select_n3A_1285 {strides = array<i32>} : memref<4112xf32, #tpu.memory_space<vmem>>, vector<16xf32>,
      %eq3A_1288 = arith.constant 9 : i32
      %eq3A_1289 = vector.broadcast %eq3A_1288 : i32 to vector<16xi32>
      %eq3A_1290 = arith.cmpi eq, %iota3A, %eq3A_1289 : vector<16xi32>
      %select_n3A_1291 = arith.select %eq3A_1290, %max3A_1238, %select_n3A_1194 : vector<16xi1>, vector<16xf32>
      %eq3A_1292 = arith.constant 9 : i32
      %eq3A_1293 = vector.broadcast %eq3A_1292 : i32 to vector<16xi32>
      %eq3A_1294 = arith.cmpi eq, %iota3A, %eq3A_1293 : vector<16xi32>
      %select_n3A_1295 = arith.select %eq3A_1294, %gather3A_1281, %select_n3A_1198 : vector<16xi1>, vector<16xi32>
      %while3A_1296 = arith.constant 0 : i32
      %while3A_1297 = arith.subi %select_n3A_324, %while3A_1296 : i32
      %while3A_1298 = arith.addi %while3A_1296, %while3A_1297 : i32
      %while3A_1299 = arith.constant 1 : i32
      %while3A_1300 = arith.divsi %while3A_1297, %while3A_1299 : i32
      %while3A_1301 = arith.muli %while3A_1300, %while3A_1299 : i32
      %while3A_1302 = arith.addi %while3A_1296, %while3A_1301 : i32
      %while3A_1303 = arith.constant 1 : i32
      %while3A_1304:2 = scf.for %while3A_2358 = %while3A_1296 to %while3A_1302 step %while3A_1303 iter_args(%while3A_2359 = %broadcast_in_dim3A_4, %while3A_2360 = %broadcast_in_dim3A_330) -> (vector<16xf32>, vector<16xi32>)  : i32 {
        %mul3A_2361 = arith.constant 16 : i32
        %mul3A_2362 = arith.muli %while3A_2358, %mul3A_2361 : i32
        %get3A_2363 = arith.index_cast %mul3A_2362 : i32 to index
        %get3A_2364 = tpu.vector_load %arg15[%get3A_2363] {strides = array<i32>} : memref<4112xf32, #tpu.memory_space<vmem>>, vector<16xf32>,
        %gt3A_2365 = arith.cmpf ogt, %get3A_2364, %while3A_2359 : vector<16xf32>
        %select_n3A_2366 = arith.select %gt3A_2365, %get3A_2364, %while3A_2359 : vector<16xi1>, vector<16xf32>
        %mul3A_2367 = arith.constant 16 : i32
        %mul3A_2368 = arith.muli %while3A_2358, %mul3A_2367 : i32
        %add3A_2369 = vector.broadcast %mul3A_2368 : i32 to vector<16xi32>
        %add3A_2370 = arith.addi %add3A_2369, %iota3A : vector<16xi32>
        %select_n3A_2371 = arith.select %gt3A_2365, %add3A_2370, %while3A_2360 : vector<16xi1>, vector<16xi32>
        scf.yield %select_n3A_2366, %select_n3A_2371 : vector<16xf32>, vector<16xi32>
      }
      %while3A_1305 = arith.constant 1 : i32
      %while3A_1306:2 = scf.for %while3A_2358 = %while3A_1302 to %while3A_1298 step %while3A_1305 iter_args(%while3A_2359 = %while3A_1304#0, %while3A_2360 = %while3A_1304#1) -> (vector<16xf32>, vector<16xi32>)  : i32 {
        %mul3A_2361 = arith.constant 16 : i32
        %mul3A_2362 = arith.muli %while3A_2358, %mul3A_2361 : i32
        %get3A_2363 = arith.index_cast %mul3A_2362 : i32 to index
        %get3A_2364 = tpu.vector_load %arg15[%get3A_2363] {strides = array<i32>} : memref<4112xf32, #tpu.memory_space<vmem>>, vector<16xf32>,
        %gt3A_2365 = arith.cmpf ogt, %get3A_2364, %while3A_2359 : vector<16xf32>
        %select_n3A_2366 = arith.select %gt3A_2365, %get3A_2364, %while3A_2359 : vector<16xi1>, vector<16xf32>
        %mul3A_2367 = arith.constant 16 : i32
        %mul3A_2368 = arith.muli %while3A_2358, %mul3A_2367 : i32
        %add3A_2369 = vector.broadcast %mul3A_2368 : i32 to vector<16xi32>
        %add3A_2370 = arith.addi %add3A_2369, %iota3A : vector<16xi32>
        %select_n3A_2371 = arith.select %gt3A_2365, %add3A_2370, %while3A_2360 : vector<16xi1>, vector<16xi32>
        scf.yield %select_n3A_2366, %select_n3A_2371 : vector<16xf32>, vector<16xi32>
      }
      %iota3A_1307 = tpu.iota {dimensions = array<i32: 0>} : vector<16xi32>
      %xor3A_1308 = arith.constant 8 : i32
      %xor3A_1309 = vector.broadcast %xor3A_1308 : i32 to vector<16xi32>
      %xor3A_1310 = arith.xori %iota3A_1307, %xor3A_1309 : vector<16xi32>
      %broadcast_in_dim3A_1311 = vector.shape_cast %xor3A_1310 : vector<16xi32> to vector<16x1xi32>
      %gather3A_1312 = vector.shape_cast %broadcast_in_dim3A_1311 : vector<16x1xi32> to vector<16xi32>
      %gather3A_1313 = tpu.dynamic_gather %while3A_1306#0[%gather3A_1312] in [0] : vector<16xf32>, vector<16xi32> -> vector<16xf32>
      %max3A_1314 = arith.maximumf %while3A_1306#0, %gather3A_1313 : vector<16xf32>
      %xor3A_1315 = arith.constant 4 : i32
      %xor3A_1316 = vector.broadcast %xor3A_1315 : i32 to vector<16xi32>
      %xor3A_1317 = arith.xori %iota3A_1307, %xor3A_1316 : vector<16xi32>
      %broadcast_in_dim3A_1318 = vector.shape_cast %xor3A_1317 : vector<16xi32> to vector<16x1xi32>
      %gather3A_1319 = vector.shape_cast %broadcast_in_dim3A_1318 : vector<16x1xi32> to vector<16xi32>
      %gather3A_1320 = tpu.dynamic_gather %max3A_1314[%gather3A_1319] in [0] : vector<16xf32>, vector<16xi32> -> vector<16xf32>
      %max3A_1321 = arith.maximumf %max3A_1314, %gather3A_1320 : vector<16xf32>
      %xor3A_1322 = arith.constant 2 : i32
      %xor3A_1323 = vector.broadcast %xor3A_1322 : i32 to vector<16xi32>
      %xor3A_1324 = arith.xori %iota3A_1307, %xor3A_1323 : vector<16xi32>
      %broadcast_in_dim3A_1325 = vector.shape_cast %xor3A_1324 : vector<16xi32> to vector<16x1xi32>
      %gather3A_1326 = vector.shape_cast %broadcast_in_dim3A_1325 : vector<16x1xi32> to vector<16xi32>
      %gather3A_1327 = tpu.dynamic_gather %max3A_1321[%gather3A_1326] in [0] : vector<16xf32>, vector<16xi32> -> vector<16xf32>
      %max3A_1328 = arith.maximumf %max3A_1321, %gather3A_1327 : vector<16xf32>
      %xor3A_1329 = arith.constant 1 : i32
      %xor3A_1330 = vector.broadcast %xor3A_1329 : i32 to vector<16xi32>
      %xor3A_1331 = arith.xori %iota3A_1307, %xor3A_1330 : vector<16xi32>
      %broadcast_in_dim3A_1332 = vector.shape_cast %xor3A_1331 : vector<16xi32> to vector<16x1xi32>
      %gather3A_1333 = vector.shape_cast %broadcast_in_dim3A_1332 : vector<16x1xi32> to vector<16xi32>
      %gather3A_1334 = tpu.dynamic_gather %max3A_1328[%gather3A_1333] in [0] : vector<16xf32>, vector<16xi32> -> vector<16xf32>
      %max3A_1335 = arith.maximumf %max3A_1328, %gather3A_1334 : vector<16xf32>
      %eq3A_1336 = arith.cmpf oeq, %while3A_1306#0, %max3A_1335 : vector<16xf32>
      %select_n3A_1337 = arith.select %eq3A_1336, %while3A_1306#1, %broadcast_in_dim3A_330 : vector<16xi1>, vector<16xi32>
      %iota3A_1338 = tpu.iota {dimensions = array<i32: 0>} : vector<16xi32>
      %xor3A_1339 = arith.constant 8 : i32
      %xor3A_1340 = vector.broadcast %xor3A_1339 : i32 to vector<16xi32>
      %xor3A_1341 = arith.xori %iota3A_1338, %xor3A_1340 : vector<16xi32>
      %broadcast_in_dim3A_1342 = vector.shape_cast %xor3A_1341 : vector<16xi32> to vector<16x1xi32>
      %gather3A_1343 = vector.shape_cast %broadcast_in_dim3A_1342 : vector<16x1xi32> to vector<16xi32>
      %gather3A_1344 = tpu.dynamic_gather %select_n3A_1337[%gather3A_1343] in [0] : vector<16xi32>, vector<16xi32> -> vector<16xi32>
      %min3A_1345 = arith.minsi %select_n3A_1337, %gather3A_1344 : vector<16xi32>
      %xor3A_1346 = arith.constant 4 : i32
      %xor3A_1347 = vector.broadcast %xor3A_1346 : i32 to vector<16xi32>
      %xor3A_1348 = arith.xori %iota3A_1338, %xor3A_1347 : vector<16xi32>
      %broadcast_in_dim3A_1349 = vector.shape_cast %xor3A_1348 : vector<16xi32> to vector<16x1xi32>
      %gather3A_1350 = vector.shape_cast %broadcast_in_dim3A_1349 : vector<16x1xi32> to vector<16xi32>
      %gather3A_1351 = tpu.dynamic_gather %min3A_1345[%gather3A_1350] in [0] : vector<16xi32>, vector<16xi32> -> vector<16xi32>
      %min3A_1352 = arith.minsi %min3A_1345, %gather3A_1351 : vector<16xi32>
      %xor3A_1353 = arith.constant 2 : i32
      %xor3A_1354 = vector.broadcast %xor3A_1353 : i32 to vector<16xi32>
      %xor3A_1355 = arith.xori %iota3A_1338, %xor3A_1354 : vector<16xi32>
      %broadcast_in_dim3A_1356 = vector.shape_cast %xor3A_1355 : vector<16xi32> to vector<16x1xi32>
      %gather3A_1357 = vector.shape_cast %broadcast_in_dim3A_1356 : vector<16x1xi32> to vector<16xi32>
      %gather3A_1358 = tpu.dynamic_gather %min3A_1352[%gather3A_1357] in [0] : vector<16xi32>, vector<16xi32> -> vector<16xi32>
      %min3A_1359 = arith.minsi %min3A_1352, %gather3A_1358 : vector<16xi32>
      %xor3A_1360 = arith.constant 1 : i32
      %xor3A_1361 = vector.broadcast %xor3A_1360 : i32 to vector<16xi32>
      %xor3A_1362 = arith.xori %iota3A_1338, %xor3A_1361 : vector<16xi32>
      %broadcast_in_dim3A_1363 = vector.shape_cast %xor3A_1362 : vector<16xi32> to vector<16x1xi32>
      %gather3A_1364 = vector.shape_cast %broadcast_in_dim3A_1363 : vector<16x1xi32> to vector<16xi32>
      %gather3A_1365 = tpu.dynamic_gather %min3A_1359[%gather3A_1364] in [0] : vector<16xi32>, vector<16xi32> -> vector<16xi32>
      %min3A_1366 = arith.minsi %min3A_1359, %gather3A_1365 : vector<16xi32>
      %slice3A_1367 = vector.extract_strided_slice %min3A_1366 {offsets = [0], sizes = [1], strides = [1]} : vector<16xi32> to vector<1xi32>
      %squeeze3A_1368 = vector.extract %slice3A_1367[0] : i32 from vector<1xi32>
      %rem3A_1369 = arith.constant 16 : i32
      %rem3A_1370 = arith.remsi %squeeze3A_1368, %rem3A_1369 : i32
      %sub3A_1371 = arith.subi %squeeze3A_1368, %rem3A_1370 : i32
      %broadcast_in_dim3A_1372 = vector.broadcast %rem3A_1370 : i32 to vector<16xi32>
      %get3A_1373 = arith.index_cast %sub3A_1371 : i32 to index
      %get3A_1374 = tpu.vector_load %arg16[%get3A_1373] {strides = array<i32>} : memref<4112xi32, #tpu.memory_space<vmem>>, vector<16xi32>,
      %broadcast_in_dim3A_1375 = vector.broadcast %rem3A_1370 : i32 to vector<16xi32>
      %broadcast_in_dim3A_1376 = vector.shape_cast %broadcast_in_dim3A_1375 : vector<16xi32> to vector<16x1xi32>
      %gather3A_1377 = vector.shape_cast %broadcast_in_dim3A_1376 : vector<16x1xi32> to vector<16xi32>
      %gather3A_1378 = tpu.dynamic_gather %get3A_1374[%gather3A_1377] in [0] : vector<16xi32>, vector<16xi32> -> vector<16xi32>
      %get3A_1379 = arith.index_cast %sub3A_1371 : i32 to index
      %get3A_1380 = tpu.vector_load %arg15[%get3A_1379] {strides = array<i32>} : memref<4112xf32, #tpu.memory_space<vmem>>, vector<16xf32>,
      %eq3A_1381 = arith.cmpi eq, %iota3A, %broadcast_in_dim3A_1372 : vector<16xi32>
      %select_n3A_1382 = arith.select %eq3A_1381, %broadcast_in_dim3A_4, %get3A_1380 : vector<16xi1>, vector<16xf32>
      %swap3A_1383 = arith.index_cast %sub3A_1371 : i32 to index
      %swap3A_1384 = tpu.vector_load %arg15[%swap3A_1383] {strides = array<i32>} : memref<4112xf32, #tpu.memory_space<vmem>>, vector<16xf32>,
      tpu.vector_store %arg15[%swap3A_1383], %select_n3A_1382 {strides = array<i32>} : memref<4112xf32, #tpu.memory_space<vmem>>, vector<16xf32>,
      %eq3A_1385 = arith.constant 10 : i32
      %eq3A_1386 = vector.broadcast %eq3A_1385 : i32 to vector<16xi32>
      %eq3A_1387 = arith.cmpi eq, %iota3A, %eq3A_1386 : vector<16xi32>
      %select_n3A_1388 = arith.select %eq3A_1387, %max3A_1335, %select_n3A_1291 : vector<16xi1>, vector<16xf32>
      %eq3A_1389 = arith.constant 10 : i32
      %eq3A_1390 = vector.broadcast %eq3A_1389 : i32 to vector<16xi32>
      %eq3A_1391 = arith.cmpi eq, %iota3A, %eq3A_1390 : vector<16xi32>
      %select_n3A_1392 = arith.select %eq3A_1391, %gather3A_1378, %select_n3A_1295 : vector<16xi1>, vector<16xi32>
      %while3A_1393 = arith.constant 0 : i32
      %while3A_1394 = arith.subi %select_n3A_324, %while3A_1393 : i32
      %while3A_1395 = arith.addi %while3A_1393, %while3A_1394 : i32
      %while3A_1396 = arith.constant 1 : i32
      %while3A_1397 = arith.divsi %while3A_1394, %while3A_1396 : i32
      %while3A_1398 = arith.muli %while3A_1397, %while3A_1396 : i32
      %while3A_1399 = arith.addi %while3A_1393, %while3A_1398 : i32
      %while3A_1400 = arith.constant 1 : i32
      %while3A_1401:2 = scf.for %while3A_2358 = %while3A_1393 to %while3A_1399 step %while3A_1400 iter_args(%while3A_2359 = %broadcast_in_dim3A_4, %while3A_2360 = %broadcast_in_dim3A_330) -> (vector<16xf32>, vector<16xi32>)  : i32 {
        %mul3A_2361 = arith.constant 16 : i32
        %mul3A_2362 = arith.muli %while3A_2358, %mul3A_2361 : i32
        %get3A_2363 = arith.index_cast %mul3A_2362 : i32 to index
        %get3A_2364 = tpu.vector_load %arg15[%get3A_2363] {strides = array<i32>} : memref<4112xf32, #tpu.memory_space<vmem>>, vector<16xf32>,
        %gt3A_2365 = arith.cmpf ogt, %get3A_2364, %while3A_2359 : vector<16xf32>
        %select_n3A_2366 = arith.select %gt3A_2365, %get3A_2364, %while3A_2359 : vector<16xi1>, vector<16xf32>
        %mul3A_2367 = arith.constant 16 : i32
        %mul3A_2368 = arith.muli %while3A_2358, %mul3A_2367 : i32
        %add3A_2369 = vector.broadcast %mul3A_2368 : i32 to vector<16xi32>
        %add3A_2370 = arith.addi %add3A_2369, %iota3A : vector<16xi32>
        %select_n3A_2371 = arith.select %gt3A_2365, %add3A_2370, %while3A_2360 : vector<16xi1>, vector<16xi32>
        scf.yield %select_n3A_2366, %select_n3A_2371 : vector<16xf32>, vector<16xi32>
      }
      %while3A_1402 = arith.constant 1 : i32
      %while3A_1403:2 = scf.for %while3A_2358 = %while3A_1399 to %while3A_1395 step %while3A_1402 iter_args(%while3A_2359 = %while3A_1401#0, %while3A_2360 = %while3A_1401#1) -> (vector<16xf32>, vector<16xi32>)  : i32 {
        %mul3A_2361 = arith.constant 16 : i32
        %mul3A_2362 = arith.muli %while3A_2358, %mul3A_2361 : i32
        %get3A_2363 = arith.index_cast %mul3A_2362 : i32 to index
        %get3A_2364 = tpu.vector_load %arg15[%get3A_2363] {strides = array<i32>} : memref<4112xf32, #tpu.memory_space<vmem>>, vector<16xf32>,
        %gt3A_2365 = arith.cmpf ogt, %get3A_2364, %while3A_2359 : vector<16xf32>
        %select_n3A_2366 = arith.select %gt3A_2365, %get3A_2364, %while3A_2359 : vector<16xi1>, vector<16xf32>
        %mul3A_2367 = arith.constant 16 : i32
        %mul3A_2368 = arith.muli %while3A_2358, %mul3A_2367 : i32
        %add3A_2369 = vector.broadcast %mul3A_2368 : i32 to vector<16xi32>
        %add3A_2370 = arith.addi %add3A_2369, %iota3A : vector<16xi32>
        %select_n3A_2371 = arith.select %gt3A_2365, %add3A_2370, %while3A_2360 : vector<16xi1>, vector<16xi32>
        scf.yield %select_n3A_2366, %select_n3A_2371 : vector<16xf32>, vector<16xi32>
      }
      %iota3A_1404 = tpu.iota {dimensions = array<i32: 0>} : vector<16xi32>
      %xor3A_1405 = arith.constant 8 : i32
      %xor3A_1406 = vector.broadcast %xor3A_1405 : i32 to vector<16xi32>
      %xor3A_1407 = arith.xori %iota3A_1404, %xor3A_1406 : vector<16xi32>
      %broadcast_in_dim3A_1408 = vector.shape_cast %xor3A_1407 : vector<16xi32> to vector<16x1xi32>
      %gather3A_1409 = vector.shape_cast %broadcast_in_dim3A_1408 : vector<16x1xi32> to vector<16xi32>
      %gather3A_1410 = tpu.dynamic_gather %while3A_1403#0[%gather3A_1409] in [0] : vector<16xf32>, vector<16xi32> -> vector<16xf32>
      %max3A_1411 = arith.maximumf %while3A_1403#0, %gather3A_1410 : vector<16xf32>
      %xor3A_1412 = arith.constant 4 : i32
      %xor3A_1413 = vector.broadcast %xor3A_1412 : i32 to vector<16xi32>
      %xor3A_1414 = arith.xori %iota3A_1404, %xor3A_1413 : vector<16xi32>
      %broadcast_in_dim3A_1415 = vector.shape_cast %xor3A_1414 : vector<16xi32> to vector<16x1xi32>
      %gather3A_1416 = vector.shape_cast %broadcast_in_dim3A_1415 : vector<16x1xi32> to vector<16xi32>
      %gather3A_1417 = tpu.dynamic_gather %max3A_1411[%gather3A_1416] in [0] : vector<16xf32>, vector<16xi32> -> vector<16xf32>
      %max3A_1418 = arith.maximumf %max3A_1411, %gather3A_1417 : vector<16xf32>
      %xor3A_1419 = arith.constant 2 : i32
      %xor3A_1420 = vector.broadcast %xor3A_1419 : i32 to vector<16xi32>
      %xor3A_1421 = arith.xori %iota3A_1404, %xor3A_1420 : vector<16xi32>
      %broadcast_in_dim3A_1422 = vector.shape_cast %xor3A_1421 : vector<16xi32> to vector<16x1xi32>
      %gather3A_1423 = vector.shape_cast %broadcast_in_dim3A_1422 : vector<16x1xi32> to vector<16xi32>
      %gather3A_1424 = tpu.dynamic_gather %max3A_1418[%gather3A_1423] in [0] : vector<16xf32>, vector<16xi32> -> vector<16xf32>
      %max3A_1425 = arith.maximumf %max3A_1418, %gather3A_1424 : vector<16xf32>
      %xor3A_1426 = arith.constant 1 : i32
      %xor3A_1427 = vector.broadcast %xor3A_1426 : i32 to vector<16xi32>
      %xor3A_1428 = arith.xori %iota3A_1404, %xor3A_1427 : vector<16xi32>
      %broadcast_in_dim3A_1429 = vector.shape_cast %xor3A_1428 : vector<16xi32> to vector<16x1xi32>
      %gather3A_1430 = vector.shape_cast %broadcast_in_dim3A_1429 : vector<16x1xi32> to vector<16xi32>
      %gather3A_1431 = tpu.dynamic_gather %max3A_1425[%gather3A_1430] in [0] : vector<16xf32>, vector<16xi32> -> vector<16xf32>
      %max3A_1432 = arith.maximumf %max3A_1425, %gather3A_1431 : vector<16xf32>
      %eq3A_1433 = arith.cmpf oeq, %while3A_1403#0, %max3A_1432 : vector<16xf32>
      %select_n3A_1434 = arith.select %eq3A_1433, %while3A_1403#1, %broadcast_in_dim3A_330 : vector<16xi1>, vector<16xi32>
      %iota3A_1435 = tpu.iota {dimensions = array<i32: 0>} : vector<16xi32>
      %xor3A_1436 = arith.constant 8 : i32
      %xor3A_1437 = vector.broadcast %xor3A_1436 : i32 to vector<16xi32>
      %xor3A_1438 = arith.xori %iota3A_1435, %xor3A_1437 : vector<16xi32>
      %broadcast_in_dim3A_1439 = vector.shape_cast %xor3A_1438 : vector<16xi32> to vector<16x1xi32>
      %gather3A_1440 = vector.shape_cast %broadcast_in_dim3A_1439 : vector<16x1xi32> to vector<16xi32>
      %gather3A_1441 = tpu.dynamic_gather %select_n3A_1434[%gather3A_1440] in [0] : vector<16xi32>, vector<16xi32> -> vector<16xi32>
      %min3A_1442 = arith.minsi %select_n3A_1434, %gather3A_1441 : vector<16xi32>
      %xor3A_1443 = arith.constant 4 : i32
      %xor3A_1444 = vector.broadcast %xor3A_1443 : i32 to vector<16xi32>
      %xor3A_1445 = arith.xori %iota3A_1435, %xor3A_1444 : vector<16xi32>
      %broadcast_in_dim3A_1446 = vector.shape_cast %xor3A_1445 : vector<16xi32> to vector<16x1xi32>
      %gather3A_1447 = vector.shape_cast %broadcast_in_dim3A_1446 : vector<16x1xi32> to vector<16xi32>
      %gather3A_1448 = tpu.dynamic_gather %min3A_1442[%gather3A_1447] in [0] : vector<16xi32>, vector<16xi32> -> vector<16xi32>
      %min3A_1449 = arith.minsi %min3A_1442, %gather3A_1448 : vector<16xi32>
      %xor3A_1450 = arith.constant 2 : i32
      %xor3A_1451 = vector.broadcast %xor3A_1450 : i32 to vector<16xi32>
      %xor3A_1452 = arith.xori %iota3A_1435, %xor3A_1451 : vector<16xi32>
      %broadcast_in_dim3A_1453 = vector.shape_cast %xor3A_1452 : vector<16xi32> to vector<16x1xi32>
      %gather3A_1454 = vector.shape_cast %broadcast_in_dim3A_1453 : vector<16x1xi32> to vector<16xi32>
      %gather3A_1455 = tpu.dynamic_gather %min3A_1449[%gather3A_1454] in [0] : vector<16xi32>, vector<16xi32> -> vector<16xi32>
      %min3A_1456 = arith.minsi %min3A_1449, %gather3A_1455 : vector<16xi32>
      %xor3A_1457 = arith.constant 1 : i32
      %xor3A_1458 = vector.broadcast %xor3A_1457 : i32 to vector<16xi32>
      %xor3A_1459 = arith.xori %iota3A_1435, %xor3A_1458 : vector<16xi32>
      %broadcast_in_dim3A_1460 = vector.shape_cast %xor3A_1459 : vector<16xi32> to vector<16x1xi32>
      %gather3A_1461 = vector.shape_cast %broadcast_in_dim3A_1460 : vector<16x1xi32> to vector<16xi32>
      %gather3A_1462 = tpu.dynamic_gather %min3A_1456[%gather3A_1461] in [0] : vector<16xi32>, vector<16xi32> -> vector<16xi32>
      %min3A_1463 = arith.minsi %min3A_1456, %gather3A_1462 : vector<16xi32>
      %slice3A_1464 = vector.extract_strided_slice %min3A_1463 {offsets = [0], sizes = [1], strides = [1]} : vector<16xi32> to vector<1xi32>
      %squeeze3A_1465 = vector.extract %slice3A_1464[0] : i32 from vector<1xi32>
      %rem3A_1466 = arith.constant 16 : i32
      %rem3A_1467 = arith.remsi %squeeze3A_1465, %rem3A_1466 : i32
      %sub3A_1468 = arith.subi %squeeze3A_1465, %rem3A_1467 : i32
      %broadcast_in_dim3A_1469 = vector.broadcast %rem3A_1467 : i32 to vector<16xi32>
      %get3A_1470 = arith.index_cast %sub3A_1468 : i32 to index
      %get3A_1471 = tpu.vector_load %arg16[%get3A_1470] {strides = array<i32>} : memref<4112xi32, #tpu.memory_space<vmem>>, vector<16xi32>,
      %broadcast_in_dim3A_1472 = vector.broadcast %rem3A_1467 : i32 to vector<16xi32>
      %broadcast_in_dim3A_1473 = vector.shape_cast %broadcast_in_dim3A_1472 : vector<16xi32> to vector<16x1xi32>
      %gather3A_1474 = vector.shape_cast %broadcast_in_dim3A_1473 : vector<16x1xi32> to vector<16xi32>
      %gather3A_1475 = tpu.dynamic_gather %get3A_1471[%gather3A_1474] in [0] : vector<16xi32>, vector<16xi32> -> vector<16xi32>
      %get3A_1476 = arith.index_cast %sub3A_1468 : i32 to index
      %get3A_1477 = tpu.vector_load %arg15[%get3A_1476] {strides = array<i32>} : memref<4112xf32, #tpu.memory_space<vmem>>, vector<16xf32>,
      %eq3A_1478 = arith.cmpi eq, %iota3A, %broadcast_in_dim3A_1469 : vector<16xi32>
      %select_n3A_1479 = arith.select %eq3A_1478, %broadcast_in_dim3A_4, %get3A_1477 : vector<16xi1>, vector<16xf32>
      %swap3A_1480 = arith.index_cast %sub3A_1468 : i32 to index
      %swap3A_1481 = tpu.vector_load %arg15[%swap3A_1480] {strides = array<i32>} : memref<4112xf32, #tpu.memory_space<vmem>>, vector<16xf32>,
      tpu.vector_store %arg15[%swap3A_1480], %select_n3A_1479 {strides = array<i32>} : memref<4112xf32, #tpu.memory_space<vmem>>, vector<16xf32>,
      %eq3A_1482 = arith.constant 11 : i32
      %eq3A_1483 = vector.broadcast %eq3A_1482 : i32 to vector<16xi32>
      %eq3A_1484 = arith.cmpi eq, %iota3A, %eq3A_1483 : vector<16xi32>
      %select_n3A_1485 = arith.select %eq3A_1484, %max3A_1432, %select_n3A_1388 : vector<16xi1>, vector<16xf32>
      %eq3A_1486 = arith.constant 11 : i32
      %eq3A_1487 = vector.broadcast %eq3A_1486 : i32 to vector<16xi32>
      %eq3A_1488 = arith.cmpi eq, %iota3A, %eq3A_1487 : vector<16xi32>
      %select_n3A_1489 = arith.select %eq3A_1488, %gather3A_1475, %select_n3A_1392 : vector<16xi1>, vector<16xi32>
      %while3A_1490 = arith.constant 0 : i32
      %while3A_1491 = arith.subi %select_n3A_324, %while3A_1490 : i32
      %while3A_1492 = arith.addi %while3A_1490, %while3A_1491 : i32
      %while3A_1493 = arith.constant 1 : i32
      %while3A_1494 = arith.divsi %while3A_1491, %while3A_1493 : i32
      %while3A_1495 = arith.muli %while3A_1494, %while3A_1493 : i32
      %while3A_1496 = arith.addi %while3A_1490, %while3A_1495 : i32
      %while3A_1497 = arith.constant 1 : i32
      %while3A_1498:2 = scf.for %while3A_2358 = %while3A_1490 to %while3A_1496 step %while3A_1497 iter_args(%while3A_2359 = %broadcast_in_dim3A_4, %while3A_2360 = %broadcast_in_dim3A_330) -> (vector<16xf32>, vector<16xi32>)  : i32 {
        %mul3A_2361 = arith.constant 16 : i32
        %mul3A_2362 = arith.muli %while3A_2358, %mul3A_2361 : i32
        %get3A_2363 = arith.index_cast %mul3A_2362 : i32 to index
        %get3A_2364 = tpu.vector_load %arg15[%get3A_2363] {strides = array<i32>} : memref<4112xf32, #tpu.memory_space<vmem>>, vector<16xf32>,
        %gt3A_2365 = arith.cmpf ogt, %get3A_2364, %while3A_2359 : vector<16xf32>
        %select_n3A_2366 = arith.select %gt3A_2365, %get3A_2364, %while3A_2359 : vector<16xi1>, vector<16xf32>
        %mul3A_2367 = arith.constant 16 : i32
        %mul3A_2368 = arith.muli %while3A_2358, %mul3A_2367 : i32
        %add3A_2369 = vector.broadcast %mul3A_2368 : i32 to vector<16xi32>
        %add3A_2370 = arith.addi %add3A_2369, %iota3A : vector<16xi32>
        %select_n3A_2371 = arith.select %gt3A_2365, %add3A_2370, %while3A_2360 : vector<16xi1>, vector<16xi32>
        scf.yield %select_n3A_2366, %select_n3A_2371 : vector<16xf32>, vector<16xi32>
      }
      %while3A_1499 = arith.constant 1 : i32
      %while3A_1500:2 = scf.for %while3A_2358 = %while3A_1496 to %while3A_1492 step %while3A_1499 iter_args(%while3A_2359 = %while3A_1498#0, %while3A_2360 = %while3A_1498#1) -> (vector<16xf32>, vector<16xi32>)  : i32 {
        %mul3A_2361 = arith.constant 16 : i32
        %mul3A_2362 = arith.muli %while3A_2358, %mul3A_2361 : i32
        %get3A_2363 = arith.index_cast %mul3A_2362 : i32 to index
        %get3A_2364 = tpu.vector_load %arg15[%get3A_2363] {strides = array<i32>} : memref<4112xf32, #tpu.memory_space<vmem>>, vector<16xf32>,
        %gt3A_2365 = arith.cmpf ogt, %get3A_2364, %while3A_2359 : vector<16xf32>
        %select_n3A_2366 = arith.select %gt3A_2365, %get3A_2364, %while3A_2359 : vector<16xi1>, vector<16xf32>
        %mul3A_2367 = arith.constant 16 : i32
        %mul3A_2368 = arith.muli %while3A_2358, %mul3A_2367 : i32
        %add3A_2369 = vector.broadcast %mul3A_2368 : i32 to vector<16xi32>
        %add3A_2370 = arith.addi %add3A_2369, %iota3A : vector<16xi32>
        %select_n3A_2371 = arith.select %gt3A_2365, %add3A_2370, %while3A_2360 : vector<16xi1>, vector<16xi32>
        scf.yield %select_n3A_2366, %select_n3A_2371 : vector<16xf32>, vector<16xi32>
      }
      %iota3A_1501 = tpu.iota {dimensions = array<i32: 0>} : vector<16xi32>
      %xor3A_1502 = arith.constant 8 : i32
      %xor3A_1503 = vector.broadcast %xor3A_1502 : i32 to vector<16xi32>
      %xor3A_1504 = arith.xori %iota3A_1501, %xor3A_1503 : vector<16xi32>
      %broadcast_in_dim3A_1505 = vector.shape_cast %xor3A_1504 : vector<16xi32> to vector<16x1xi32>
      %gather3A_1506 = vector.shape_cast %broadcast_in_dim3A_1505 : vector<16x1xi32> to vector<16xi32>
      %gather3A_1507 = tpu.dynamic_gather %while3A_1500#0[%gather3A_1506] in [0] : vector<16xf32>, vector<16xi32> -> vector<16xf32>
      %max3A_1508 = arith.maximumf %while3A_1500#0, %gather3A_1507 : vector<16xf32>
      %xor3A_1509 = arith.constant 4 : i32
      %xor3A_1510 = vector.broadcast %xor3A_1509 : i32 to vector<16xi32>
      %xor3A_1511 = arith.xori %iota3A_1501, %xor3A_1510 : vector<16xi32>
      %broadcast_in_dim3A_1512 = vector.shape_cast %xor3A_1511 : vector<16xi32> to vector<16x1xi32>
      %gather3A_1513 = vector.shape_cast %broadcast_in_dim3A_1512 : vector<16x1xi32> to vector<16xi32>
      %gather3A_1514 = tpu.dynamic_gather %max3A_1508[%gather3A_1513] in [0] : vector<16xf32>, vector<16xi32> -> vector<16xf32>
      %max3A_1515 = arith.maximumf %max3A_1508, %gather3A_1514 : vector<16xf32>
      %xor3A_1516 = arith.constant 2 : i32
      %xor3A_1517 = vector.broadcast %xor3A_1516 : i32 to vector<16xi32>
      %xor3A_1518 = arith.xori %iota3A_1501, %xor3A_1517 : vector<16xi32>
      %broadcast_in_dim3A_1519 = vector.shape_cast %xor3A_1518 : vector<16xi32> to vector<16x1xi32>
      %gather3A_1520 = vector.shape_cast %broadcast_in_dim3A_1519 : vector<16x1xi32> to vector<16xi32>
      %gather3A_1521 = tpu.dynamic_gather %max3A_1515[%gather3A_1520] in [0] : vector<16xf32>, vector<16xi32> -> vector<16xf32>
      %max3A_1522 = arith.maximumf %max3A_1515, %gather3A_1521 : vector<16xf32>
      %xor3A_1523 = arith.constant 1 : i32
      %xor3A_1524 = vector.broadcast %xor3A_1523 : i32 to vector<16xi32>
      %xor3A_1525 = arith.xori %iota3A_1501, %xor3A_1524 : vector<16xi32>
      %broadcast_in_dim3A_1526 = vector.shape_cast %xor3A_1525 : vector<16xi32> to vector<16x1xi32>
      %gather3A_1527 = vector.shape_cast %broadcast_in_dim3A_1526 : vector<16x1xi32> to vector<16xi32>
      %gather3A_1528 = tpu.dynamic_gather %max3A_1522[%gather3A_1527] in [0] : vector<16xf32>, vector<16xi32> -> vector<16xf32>
      %max3A_1529 = arith.maximumf %max3A_1522, %gather3A_1528 : vector<16xf32>
      %eq3A_1530 = arith.cmpf oeq, %while3A_1500#0, %max3A_1529 : vector<16xf32>
      %select_n3A_1531 = arith.select %eq3A_1530, %while3A_1500#1, %broadcast_in_dim3A_330 : vector<16xi1>, vector<16xi32>
      %iota3A_1532 = tpu.iota {dimensions = array<i32: 0>} : vector<16xi32>
      %xor3A_1533 = arith.constant 8 : i32
      %xor3A_1534 = vector.broadcast %xor3A_1533 : i32 to vector<16xi32>
      %xor3A_1535 = arith.xori %iota3A_1532, %xor3A_1534 : vector<16xi32>
      %broadcast_in_dim3A_1536 = vector.shape_cast %xor3A_1535 : vector<16xi32> to vector<16x1xi32>
      %gather3A_1537 = vector.shape_cast %broadcast_in_dim3A_1536 : vector<16x1xi32> to vector<16xi32>
      %gather3A_1538 = tpu.dynamic_gather %select_n3A_1531[%gather3A_1537] in [0] : vector<16xi32>, vector<16xi32> -> vector<16xi32>
      %min3A_1539 = arith.minsi %select_n3A_1531, %gather3A_1538 : vector<16xi32>
      %xor3A_1540 = arith.constant 4 : i32
      %xor3A_1541 = vector.broadcast %xor3A_1540 : i32 to vector<16xi32>
      %xor3A_1542 = arith.xori %iota3A_1532, %xor3A_1541 : vector<16xi32>
      %broadcast_in_dim3A_1543 = vector.shape_cast %xor3A_1542 : vector<16xi32> to vector<16x1xi32>
      %gather3A_1544 = vector.shape_cast %broadcast_in_dim3A_1543 : vector<16x1xi32> to vector<16xi32>
      %gather3A_1545 = tpu.dynamic_gather %min3A_1539[%gather3A_1544] in [0] : vector<16xi32>, vector<16xi32> -> vector<16xi32>
      %min3A_1546 = arith.minsi %min3A_1539, %gather3A_1545 : vector<16xi32>
      %xor3A_1547 = arith.constant 2 : i32
      %xor3A_1548 = vector.broadcast %xor3A_1547 : i32 to vector<16xi32>
      %xor3A_1549 = arith.xori %iota3A_1532, %xor3A_1548 : vector<16xi32>
      %broadcast_in_dim3A_1550 = vector.shape_cast %xor3A_1549 : vector<16xi32> to vector<16x1xi32>
      %gather3A_1551 = vector.shape_cast %broadcast_in_dim3A_1550 : vector<16x1xi32> to vector<16xi32>
      %gather3A_1552 = tpu.dynamic_gather %min3A_1546[%gather3A_1551] in [0] : vector<16xi32>, vector<16xi32> -> vector<16xi32>
      %min3A_1553 = arith.minsi %min3A_1546, %gather3A_1552 : vector<16xi32>
      %xor3A_1554 = arith.constant 1 : i32
      %xor3A_1555 = vector.broadcast %xor3A_1554 : i32 to vector<16xi32>
      %xor3A_1556 = arith.xori %iota3A_1532, %xor3A_1555 : vector<16xi32>
      %broadcast_in_dim3A_1557 = vector.shape_cast %xor3A_1556 : vector<16xi32> to vector<16x1xi32>
      %gather3A_1558 = vector.shape_cast %broadcast_in_dim3A_1557 : vector<16x1xi32> to vector<16xi32>
      %gather3A_1559 = tpu.dynamic_gather %min3A_1553[%gather3A_1558] in [0] : vector<16xi32>, vector<16xi32> -> vector<16xi32>
      %min3A_1560 = arith.minsi %min3A_1553, %gather3A_1559 : vector<16xi32>
      %slice3A_1561 = vector.extract_strided_slice %min3A_1560 {offsets = [0], sizes = [1], strides = [1]} : vector<16xi32> to vector<1xi32>
      %squeeze3A_1562 = vector.extract %slice3A_1561[0] : i32 from vector<1xi32>
      %rem3A_1563 = arith.constant 16 : i32
      %rem3A_1564 = arith.remsi %squeeze3A_1562, %rem3A_1563 : i32
      %sub3A_1565 = arith.subi %squeeze3A_1562, %rem3A_1564 : i32
      %broadcast_in_dim3A_1566 = vector.broadcast %rem3A_1564 : i32 to vector<16xi32>
      %get3A_1567 = arith.index_cast %sub3A_1565 : i32 to index
      %get3A_1568 = tpu.vector_load %arg16[%get3A_1567] {strides = array<i32>} : memref<4112xi32, #tpu.memory_space<vmem>>, vector<16xi32>,
      %broadcast_in_dim3A_1569 = vector.broadcast %rem3A_1564 : i32 to vector<16xi32>
      %broadcast_in_dim3A_1570 = vector.shape_cast %broadcast_in_dim3A_1569 : vector<16xi32> to vector<16x1xi32>
      %gather3A_1571 = vector.shape_cast %broadcast_in_dim3A_1570 : vector<16x1xi32> to vector<16xi32>
      %gather3A_1572 = tpu.dynamic_gather %get3A_1568[%gather3A_1571] in [0] : vector<16xi32>, vector<16xi32> -> vector<16xi32>
      %get3A_1573 = arith.index_cast %sub3A_1565 : i32 to index
      %get3A_1574 = tpu.vector_load %arg15[%get3A_1573] {strides = array<i32>} : memref<4112xf32, #tpu.memory_space<vmem>>, vector<16xf32>,
      %eq3A_1575 = arith.cmpi eq, %iota3A, %broadcast_in_dim3A_1566 : vector<16xi32>
      %select_n3A_1576 = arith.select %eq3A_1575, %broadcast_in_dim3A_4, %get3A_1574 : vector<16xi1>, vector<16xf32>
      %swap3A_1577 = arith.index_cast %sub3A_1565 : i32 to index
      %swap3A_1578 = tpu.vector_load %arg15[%swap3A_1577] {strides = array<i32>} : memref<4112xf32, #tpu.memory_space<vmem>>, vector<16xf32>,
      tpu.vector_store %arg15[%swap3A_1577], %select_n3A_1576 {strides = array<i32>} : memref<4112xf32, #tpu.memory_space<vmem>>, vector<16xf32>,
      %eq3A_1579 = arith.constant 12 : i32
      %eq3A_1580 = vector.broadcast %eq3A_1579 : i32 to vector<16xi32>
      %eq3A_1581 = arith.cmpi eq, %iota3A, %eq3A_1580 : vector<16xi32>
      %select_n3A_1582 = arith.select %eq3A_1581, %max3A_1529, %select_n3A_1485 : vector<16xi1>, vector<16xf32>
      %eq3A_1583 = arith.constant 12 : i32
      %eq3A_1584 = vector.broadcast %eq3A_1583 : i32 to vector<16xi32>
      %eq3A_1585 = arith.cmpi eq, %iota3A, %eq3A_1584 : vector<16xi32>
      %select_n3A_1586 = arith.select %eq3A_1585, %gather3A_1572, %select_n3A_1489 : vector<16xi1>, vector<16xi32>
      %while3A_1587 = arith.constant 0 : i32
      %while3A_1588 = arith.subi %select_n3A_324, %while3A_1587 : i32
      %while3A_1589 = arith.addi %while3A_1587, %while3A_1588 : i32
      %while3A_1590 = arith.constant 1 : i32
      %while3A_1591 = arith.divsi %while3A_1588, %while3A_1590 : i32
      %while3A_1592 = arith.muli %while3A_1591, %while3A_1590 : i32
      %while3A_1593 = arith.addi %while3A_1587, %while3A_1592 : i32
      %while3A_1594 = arith.constant 1 : i32
      %while3A_1595:2 = scf.for %while3A_2358 = %while3A_1587 to %while3A_1593 step %while3A_1594 iter_args(%while3A_2359 = %broadcast_in_dim3A_4, %while3A_2360 = %broadcast_in_dim3A_330) -> (vector<16xf32>, vector<16xi32>)  : i32 {
        %mul3A_2361 = arith.constant 16 : i32
        %mul3A_2362 = arith.muli %while3A_2358, %mul3A_2361 : i32
        %get3A_2363 = arith.index_cast %mul3A_2362 : i32 to index
        %get3A_2364 = tpu.vector_load %arg15[%get3A_2363] {strides = array<i32>} : memref<4112xf32, #tpu.memory_space<vmem>>, vector<16xf32>,
        %gt3A_2365 = arith.cmpf ogt, %get3A_2364, %while3A_2359 : vector<16xf32>
        %select_n3A_2366 = arith.select %gt3A_2365, %get3A_2364, %while3A_2359 : vector<16xi1>, vector<16xf32>
        %mul3A_2367 = arith.constant 16 : i32
        %mul3A_2368 = arith.muli %while3A_2358, %mul3A_2367 : i32
        %add3A_2369 = vector.broadcast %mul3A_2368 : i32 to vector<16xi32>
        %add3A_2370 = arith.addi %add3A_2369, %iota3A : vector<16xi32>
        %select_n3A_2371 = arith.select %gt3A_2365, %add3A_2370, %while3A_2360 : vector<16xi1>, vector<16xi32>
        scf.yield %select_n3A_2366, %select_n3A_2371 : vector<16xf32>, vector<16xi32>
      }
      %while3A_1596 = arith.constant 1 : i32
      %while3A_1597:2 = scf.for %while3A_2358 = %while3A_1593 to %while3A_1589 step %while3A_1596 iter_args(%while3A_2359 = %while3A_1595#0, %while3A_2360 = %while3A_1595#1) -> (vector<16xf32>, vector<16xi32>)  : i32 {
        %mul3A_2361 = arith.constant 16 : i32
        %mul3A_2362 = arith.muli %while3A_2358, %mul3A_2361 : i32
        %get3A_2363 = arith.index_cast %mul3A_2362 : i32 to index
        %get3A_2364 = tpu.vector_load %arg15[%get3A_2363] {strides = array<i32>} : memref<4112xf32, #tpu.memory_space<vmem>>, vector<16xf32>,
        %gt3A_2365 = arith.cmpf ogt, %get3A_2364, %while3A_2359 : vector<16xf32>
        %select_n3A_2366 = arith.select %gt3A_2365, %get3A_2364, %while3A_2359 : vector<16xi1>, vector<16xf32>
        %mul3A_2367 = arith.constant 16 : i32
        %mul3A_2368 = arith.muli %while3A_2358, %mul3A_2367 : i32
        %add3A_2369 = vector.broadcast %mul3A_2368 : i32 to vector<16xi32>
        %add3A_2370 = arith.addi %add3A_2369, %iota3A : vector<16xi32>
        %select_n3A_2371 = arith.select %gt3A_2365, %add3A_2370, %while3A_2360 : vector<16xi1>, vector<16xi32>
        scf.yield %select_n3A_2366, %select_n3A_2371 : vector<16xf32>, vector<16xi32>
      }
      %iota3A_1598 = tpu.iota {dimensions = array<i32: 0>} : vector<16xi32>
      %xor3A_1599 = arith.constant 8 : i32
      %xor3A_1600 = vector.broadcast %xor3A_1599 : i32 to vector<16xi32>
      %xor3A_1601 = arith.xori %iota3A_1598, %xor3A_1600 : vector<16xi32>
      %broadcast_in_dim3A_1602 = vector.shape_cast %xor3A_1601 : vector<16xi32> to vector<16x1xi32>
      %gather3A_1603 = vector.shape_cast %broadcast_in_dim3A_1602 : vector<16x1xi32> to vector<16xi32>
      %gather3A_1604 = tpu.dynamic_gather %while3A_1597#0[%gather3A_1603] in [0] : vector<16xf32>, vector<16xi32> -> vector<16xf32>
      %max3A_1605 = arith.maximumf %while3A_1597#0, %gather3A_1604 : vector<16xf32>
      %xor3A_1606 = arith.constant 4 : i32
      %xor3A_1607 = vector.broadcast %xor3A_1606 : i32 to vector<16xi32>
      %xor3A_1608 = arith.xori %iota3A_1598, %xor3A_1607 : vector<16xi32>
      %broadcast_in_dim3A_1609 = vector.shape_cast %xor3A_1608 : vector<16xi32> to vector<16x1xi32>
      %gather3A_1610 = vector.shape_cast %broadcast_in_dim3A_1609 : vector<16x1xi32> to vector<16xi32>
      %gather3A_1611 = tpu.dynamic_gather %max3A_1605[%gather3A_1610] in [0] : vector<16xf32>, vector<16xi32> -> vector<16xf32>
      %max3A_1612 = arith.maximumf %max3A_1605, %gather3A_1611 : vector<16xf32>
      %xor3A_1613 = arith.constant 2 : i32
      %xor3A_1614 = vector.broadcast %xor3A_1613 : i32 to vector<16xi32>
      %xor3A_1615 = arith.xori %iota3A_1598, %xor3A_1614 : vector<16xi32>
      %broadcast_in_dim3A_1616 = vector.shape_cast %xor3A_1615 : vector<16xi32> to vector<16x1xi32>
      %gather3A_1617 = vector.shape_cast %broadcast_in_dim3A_1616 : vector<16x1xi32> to vector<16xi32>
      %gather3A_1618 = tpu.dynamic_gather %max3A_1612[%gather3A_1617] in [0] : vector<16xf32>, vector<16xi32> -> vector<16xf32>
      %max3A_1619 = arith.maximumf %max3A_1612, %gather3A_1618 : vector<16xf32>
      %xor3A_1620 = arith.constant 1 : i32
      %xor3A_1621 = vector.broadcast %xor3A_1620 : i32 to vector<16xi32>
      %xor3A_1622 = arith.xori %iota3A_1598, %xor3A_1621 : vector<16xi32>
      %broadcast_in_dim3A_1623 = vector.shape_cast %xor3A_1622 : vector<16xi32> to vector<16x1xi32>
      %gather3A_1624 = vector.shape_cast %broadcast_in_dim3A_1623 : vector<16x1xi32> to vector<16xi32>
      %gather3A_1625 = tpu.dynamic_gather %max3A_1619[%gather3A_1624] in [0] : vector<16xf32>, vector<16xi32> -> vector<16xf32>
      %max3A_1626 = arith.maximumf %max3A_1619, %gather3A_1625 : vector<16xf32>
      %eq3A_1627 = arith.cmpf oeq, %while3A_1597#0, %max3A_1626 : vector<16xf32>
      %select_n3A_1628 = arith.select %eq3A_1627, %while3A_1597#1, %broadcast_in_dim3A_330 : vector<16xi1>, vector<16xi32>
      %iota3A_1629 = tpu.iota {dimensions = array<i32: 0>} : vector<16xi32>
      %xor3A_1630 = arith.constant 8 : i32
      %xor3A_1631 = vector.broadcast %xor3A_1630 : i32 to vector<16xi32>
      %xor3A_1632 = arith.xori %iota3A_1629, %xor3A_1631 : vector<16xi32>
      %broadcast_in_dim3A_1633 = vector.shape_cast %xor3A_1632 : vector<16xi32> to vector<16x1xi32>
      %gather3A_1634 = vector.shape_cast %broadcast_in_dim3A_1633 : vector<16x1xi32> to vector<16xi32>
      %gather3A_1635 = tpu.dynamic_gather %select_n3A_1628[%gather3A_1634] in [0] : vector<16xi32>, vector<16xi32> -> vector<16xi32>
      %min3A_1636 = arith.minsi %select_n3A_1628, %gather3A_1635 : vector<16xi32>
      %xor3A_1637 = arith.constant 4 : i32
      %xor3A_1638 = vector.broadcast %xor3A_1637 : i32 to vector<16xi32>
      %xor3A_1639 = arith.xori %iota3A_1629, %xor3A_1638 : vector<16xi32>
      %broadcast_in_dim3A_1640 = vector.shape_cast %xor3A_1639 : vector<16xi32> to vector<16x1xi32>
      %gather3A_1641 = vector.shape_cast %broadcast_in_dim3A_1640 : vector<16x1xi32> to vector<16xi32>
      %gather3A_1642 = tpu.dynamic_gather %min3A_1636[%gather3A_1641] in [0] : vector<16xi32>, vector<16xi32> -> vector<16xi32>
      %min3A_1643 = arith.minsi %min3A_1636, %gather3A_1642 : vector<16xi32>
      %xor3A_1644 = arith.constant 2 : i32
      %xor3A_1645 = vector.broadcast %xor3A_1644 : i32 to vector<16xi32>
      %xor3A_1646 = arith.xori %iota3A_1629, %xor3A_1645 : vector<16xi32>
      %broadcast_in_dim3A_1647 = vector.shape_cast %xor3A_1646 : vector<16xi32> to vector<16x1xi32>
      %gather3A_1648 = vector.shape_cast %broadcast_in_dim3A_1647 : vector<16x1xi32> to vector<16xi32>
      %gather3A_1649 = tpu.dynamic_gather %min3A_1643[%gather3A_1648] in [0] : vector<16xi32>, vector<16xi32> -> vector<16xi32>
      %min3A_1650 = arith.minsi %min3A_1643, %gather3A_1649 : vector<16xi32>
      %xor3A_1651 = arith.constant 1 : i32
      %xor3A_1652 = vector.broadcast %xor3A_1651 : i32 to vector<16xi32>
      %xor3A_1653 = arith.xori %iota3A_1629, %xor3A_1652 : vector<16xi32>
      %broadcast_in_dim3A_1654 = vector.shape_cast %xor3A_1653 : vector<16xi32> to vector<16x1xi32>
      %gather3A_1655 = vector.shape_cast %broadcast_in_dim3A_1654 : vector<16x1xi32> to vector<16xi32>
      %gather3A_1656 = tpu.dynamic_gather %min3A_1650[%gather3A_1655] in [0] : vector<16xi32>, vector<16xi32> -> vector<16xi32>
      %min3A_1657 = arith.minsi %min3A_1650, %gather3A_1656 : vector<16xi32>
      %slice3A_1658 = vector.extract_strided_slice %min3A_1657 {offsets = [0], sizes = [1], strides = [1]} : vector<16xi32> to vector<1xi32>
      %squeeze3A_1659 = vector.extract %slice3A_1658[0] : i32 from vector<1xi32>
      %rem3A_1660 = arith.constant 16 : i32
      %rem3A_1661 = arith.remsi %squeeze3A_1659, %rem3A_1660 : i32
      %sub3A_1662 = arith.subi %squeeze3A_1659, %rem3A_1661 : i32
      %broadcast_in_dim3A_1663 = vector.broadcast %rem3A_1661 : i32 to vector<16xi32>
      %get3A_1664 = arith.index_cast %sub3A_1662 : i32 to index
      %get3A_1665 = tpu.vector_load %arg16[%get3A_1664] {strides = array<i32>} : memref<4112xi32, #tpu.memory_space<vmem>>, vector<16xi32>,
      %broadcast_in_dim3A_1666 = vector.broadcast %rem3A_1661 : i32 to vector<16xi32>
      %broadcast_in_dim3A_1667 = vector.shape_cast %broadcast_in_dim3A_1666 : vector<16xi32> to vector<16x1xi32>
      %gather3A_1668 = vector.shape_cast %broadcast_in_dim3A_1667 : vector<16x1xi32> to vector<16xi32>
      %gather3A_1669 = tpu.dynamic_gather %get3A_1665[%gather3A_1668] in [0] : vector<16xi32>, vector<16xi32> -> vector<16xi32>
      %get3A_1670 = arith.index_cast %sub3A_1662 : i32 to index
      %get3A_1671 = tpu.vector_load %arg15[%get3A_1670] {strides = array<i32>} : memref<4112xf32, #tpu.memory_space<vmem>>, vector<16xf32>,
      %eq3A_1672 = arith.cmpi eq, %iota3A, %broadcast_in_dim3A_1663 : vector<16xi32>
      %select_n3A_1673 = arith.select %eq3A_1672, %broadcast_in_dim3A_4, %get3A_1671 : vector<16xi1>, vector<16xf32>
      %swap3A_1674 = arith.index_cast %sub3A_1662 : i32 to index
      %swap3A_1675 = tpu.vector_load %arg15[%swap3A_1674] {strides = array<i32>} : memref<4112xf32, #tpu.memory_space<vmem>>, vector<16xf32>,
      tpu.vector_store %arg15[%swap3A_1674], %select_n3A_1673 {strides = array<i32>} : memref<4112xf32, #tpu.memory_space<vmem>>, vector<16xf32>,
      %eq3A_1676 = arith.constant 13 : i32
      %eq3A_1677 = vector.broadcast %eq3A_1676 : i32 to vector<16xi32>
      %eq3A_1678 = arith.cmpi eq, %iota3A, %eq3A_1677 : vector<16xi32>
      %select_n3A_1679 = arith.select %eq3A_1678, %max3A_1626, %select_n3A_1582 : vector<16xi1>, vector<16xf32>
      %eq3A_1680 = arith.constant 13 : i32
      %eq3A_1681 = vector.broadcast %eq3A_1680 : i32 to vector<16xi32>
      %eq3A_1682 = arith.cmpi eq, %iota3A, %eq3A_1681 : vector<16xi32>
      %select_n3A_1683 = arith.select %eq3A_1682, %gather3A_1669, %select_n3A_1586 : vector<16xi1>, vector<16xi32>
      %while3A_1684 = arith.constant 0 : i32
      %while3A_1685 = arith.subi %select_n3A_324, %while3A_1684 : i32
      %while3A_1686 = arith.addi %while3A_1684, %while3A_1685 : i32
      %while3A_1687 = arith.constant 1 : i32
      %while3A_1688 = arith.divsi %while3A_1685, %while3A_1687 : i32
      %while3A_1689 = arith.muli %while3A_1688, %while3A_1687 : i32
      %while3A_1690 = arith.addi %while3A_1684, %while3A_1689 : i32
      %while3A_1691 = arith.constant 1 : i32
      %while3A_1692:2 = scf.for %while3A_2358 = %while3A_1684 to %while3A_1690 step %while3A_1691 iter_args(%while3A_2359 = %broadcast_in_dim3A_4, %while3A_2360 = %broadcast_in_dim3A_330) -> (vector<16xf32>, vector<16xi32>)  : i32 {
        %mul3A_2361 = arith.constant 16 : i32
        %mul3A_2362 = arith.muli %while3A_2358, %mul3A_2361 : i32
        %get3A_2363 = arith.index_cast %mul3A_2362 : i32 to index
        %get3A_2364 = tpu.vector_load %arg15[%get3A_2363] {strides = array<i32>} : memref<4112xf32, #tpu.memory_space<vmem>>, vector<16xf32>,
        %gt3A_2365 = arith.cmpf ogt, %get3A_2364, %while3A_2359 : vector<16xf32>
        %select_n3A_2366 = arith.select %gt3A_2365, %get3A_2364, %while3A_2359 : vector<16xi1>, vector<16xf32>
        %mul3A_2367 = arith.constant 16 : i32
        %mul3A_2368 = arith.muli %while3A_2358, %mul3A_2367 : i32
        %add3A_2369 = vector.broadcast %mul3A_2368 : i32 to vector<16xi32>
        %add3A_2370 = arith.addi %add3A_2369, %iota3A : vector<16xi32>
        %select_n3A_2371 = arith.select %gt3A_2365, %add3A_2370, %while3A_2360 : vector<16xi1>, vector<16xi32>
        scf.yield %select_n3A_2366, %select_n3A_2371 : vector<16xf32>, vector<16xi32>
      }
      %while3A_1693 = arith.constant 1 : i32
      %while3A_1694:2 = scf.for %while3A_2358 = %while3A_1690 to %while3A_1686 step %while3A_1693 iter_args(%while3A_2359 = %while3A_1692#0, %while3A_2360 = %while3A_1692#1) -> (vector<16xf32>, vector<16xi32>)  : i32 {
        %mul3A_2361 = arith.constant 16 : i32
        %mul3A_2362 = arith.muli %while3A_2358, %mul3A_2361 : i32
        %get3A_2363 = arith.index_cast %mul3A_2362 : i32 to index
        %get3A_2364 = tpu.vector_load %arg15[%get3A_2363] {strides = array<i32>} : memref<4112xf32, #tpu.memory_space<vmem>>, vector<16xf32>,
        %gt3A_2365 = arith.cmpf ogt, %get3A_2364, %while3A_2359 : vector<16xf32>
        %select_n3A_2366 = arith.select %gt3A_2365, %get3A_2364, %while3A_2359 : vector<16xi1>, vector<16xf32>
        %mul3A_2367 = arith.constant 16 : i32
        %mul3A_2368 = arith.muli %while3A_2358, %mul3A_2367 : i32
        %add3A_2369 = vector.broadcast %mul3A_2368 : i32 to vector<16xi32>
        %add3A_2370 = arith.addi %add3A_2369, %iota3A : vector<16xi32>
        %select_n3A_2371 = arith.select %gt3A_2365, %add3A_2370, %while3A_2360 : vector<16xi1>, vector<16xi32>
        scf.yield %select_n3A_2366, %select_n3A_2371 : vector<16xf32>, vector<16xi32>
      }
      %iota3A_1695 = tpu.iota {dimensions = array<i32: 0>} : vector<16xi32>
      %xor3A_1696 = arith.constant 8 : i32
      %xor3A_1697 = vector.broadcast %xor3A_1696 : i32 to vector<16xi32>
      %xor3A_1698 = arith.xori %iota3A_1695, %xor3A_1697 : vector<16xi32>
      %broadcast_in_dim3A_1699 = vector.shape_cast %xor3A_1698 : vector<16xi32> to vector<16x1xi32>
      %gather3A_1700 = vector.shape_cast %broadcast_in_dim3A_1699 : vector<16x1xi32> to vector<16xi32>
      %gather3A_1701 = tpu.dynamic_gather %while3A_1694#0[%gather3A_1700] in [0] : vector<16xf32>, vector<16xi32> -> vector<16xf32>
      %max3A_1702 = arith.maximumf %while3A_1694#0, %gather3A_1701 : vector<16xf32>
      %xor3A_1703 = arith.constant 4 : i32
      %xor3A_1704 = vector.broadcast %xor3A_1703 : i32 to vector<16xi32>
      %xor3A_1705 = arith.xori %iota3A_1695, %xor3A_1704 : vector<16xi32>
      %broadcast_in_dim3A_1706 = vector.shape_cast %xor3A_1705 : vector<16xi32> to vector<16x1xi32>
      %gather3A_1707 = vector.shape_cast %broadcast_in_dim3A_1706 : vector<16x1xi32> to vector<16xi32>
      %gather3A_1708 = tpu.dynamic_gather %max3A_1702[%gather3A_1707] in [0] : vector<16xf32>, vector<16xi32> -> vector<16xf32>
      %max3A_1709 = arith.maximumf %max3A_1702, %gather3A_1708 : vector<16xf32>
      %xor3A_1710 = arith.constant 2 : i32
      %xor3A_1711 = vector.broadcast %xor3A_1710 : i32 to vector<16xi32>
      %xor3A_1712 = arith.xori %iota3A_1695, %xor3A_1711 : vector<16xi32>
      %broadcast_in_dim3A_1713 = vector.shape_cast %xor3A_1712 : vector<16xi32> to vector<16x1xi32>
      %gather3A_1714 = vector.shape_cast %broadcast_in_dim3A_1713 : vector<16x1xi32> to vector<16xi32>
      %gather3A_1715 = tpu.dynamic_gather %max3A_1709[%gather3A_1714] in [0] : vector<16xf32>, vector<16xi32> -> vector<16xf32>
      %max3A_1716 = arith.maximumf %max3A_1709, %gather3A_1715 : vector<16xf32>
      %xor3A_1717 = arith.constant 1 : i32
      %xor3A_1718 = vector.broadcast %xor3A_1717 : i32 to vector<16xi32>
      %xor3A_1719 = arith.xori %iota3A_1695, %xor3A_1718 : vector<16xi32>
      %broadcast_in_dim3A_1720 = vector.shape_cast %xor3A_1719 : vector<16xi32> to vector<16x1xi32>
      %gather3A_1721 = vector.shape_cast %broadcast_in_dim3A_1720 : vector<16x1xi32> to vector<16xi32>
      %gather3A_1722 = tpu.dynamic_gather %max3A_1716[%gather3A_1721] in [0] : vector<16xf32>, vector<16xi32> -> vector<16xf32>
      %max3A_1723 = arith.maximumf %max3A_1716, %gather3A_1722 : vector<16xf32>
      %eq3A_1724 = arith.cmpf oeq, %while3A_1694#0, %max3A_1723 : vector<16xf32>
      %select_n3A_1725 = arith.select %eq3A_1724, %while3A_1694#1, %broadcast_in_dim3A_330 : vector<16xi1>, vector<16xi32>
      %iota3A_1726 = tpu.iota {dimensions = array<i32: 0>} : vector<16xi32>
      %xor3A_1727 = arith.constant 8 : i32
      %xor3A_1728 = vector.broadcast %xor3A_1727 : i32 to vector<16xi32>
      %xor3A_1729 = arith.xori %iota3A_1726, %xor3A_1728 : vector<16xi32>
      %broadcast_in_dim3A_1730 = vector.shape_cast %xor3A_1729 : vector<16xi32> to vector<16x1xi32>
      %gather3A_1731 = vector.shape_cast %broadcast_in_dim3A_1730 : vector<16x1xi32> to vector<16xi32>
      %gather3A_1732 = tpu.dynamic_gather %select_n3A_1725[%gather3A_1731] in [0] : vector<16xi32>, vector<16xi32> -> vector<16xi32>
      %min3A_1733 = arith.minsi %select_n3A_1725, %gather3A_1732 : vector<16xi32>
      %xor3A_1734 = arith.constant 4 : i32
      %xor3A_1735 = vector.broadcast %xor3A_1734 : i32 to vector<16xi32>
      %xor3A_1736 = arith.xori %iota3A_1726, %xor3A_1735 : vector<16xi32>
      %broadcast_in_dim3A_1737 = vector.shape_cast %xor3A_1736 : vector<16xi32> to vector<16x1xi32>
      %gather3A_1738 = vector.shape_cast %broadcast_in_dim3A_1737 : vector<16x1xi32> to vector<16xi32>
      %gather3A_1739 = tpu.dynamic_gather %min3A_1733[%gather3A_1738] in [0] : vector<16xi32>, vector<16xi32> -> vector<16xi32>
      %min3A_1740 = arith.minsi %min3A_1733, %gather3A_1739 : vector<16xi32>
      %xor3A_1741 = arith.constant 2 : i32
      %xor3A_1742 = vector.broadcast %xor3A_1741 : i32 to vector<16xi32>
      %xor3A_1743 = arith.xori %iota3A_1726, %xor3A_1742 : vector<16xi32>
      %broadcast_in_dim3A_1744 = vector.shape_cast %xor3A_1743 : vector<16xi32> to vector<16x1xi32>
      %gather3A_1745 = vector.shape_cast %broadcast_in_dim3A_1744 : vector<16x1xi32> to vector<16xi32>
      %gather3A_1746 = tpu.dynamic_gather %min3A_1740[%gather3A_1745] in [0] : vector<16xi32>, vector<16xi32> -> vector<16xi32>
      %min3A_1747 = arith.minsi %min3A_1740, %gather3A_1746 : vector<16xi32>
      %xor3A_1748 = arith.constant 1 : i32
      %xor3A_1749 = vector.broadcast %xor3A_1748 : i32 to vector<16xi32>
      %xor3A_1750 = arith.xori %iota3A_1726, %xor3A_1749 : vector<16xi32>
      %broadcast_in_dim3A_1751 = vector.shape_cast %xor3A_1750 : vector<16xi32> to vector<16x1xi32>
      %gather3A_1752 = vector.shape_cast %broadcast_in_dim3A_1751 : vector<16x1xi32> to vector<16xi32>
      %gather3A_1753 = tpu.dynamic_gather %min3A_1747[%gather3A_1752] in [0] : vector<16xi32>, vector<16xi32> -> vector<16xi32>
      %min3A_1754 = arith.minsi %min3A_1747, %gather3A_1753 : vector<16xi32>
      %slice3A_1755 = vector.extract_strided_slice %min3A_1754 {offsets = [0], sizes = [1], strides = [1]} : vector<16xi32> to vector<1xi32>
      %squeeze3A_1756 = vector.extract %slice3A_1755[0] : i32 from vector<1xi32>
      %rem3A_1757 = arith.constant 16 : i32
      %rem3A_1758 = arith.remsi %squeeze3A_1756, %rem3A_1757 : i32
      %sub3A_1759 = arith.subi %squeeze3A_1756, %rem3A_1758 : i32
      %broadcast_in_dim3A_1760 = vector.broadcast %rem3A_1758 : i32 to vector<16xi32>
      %get3A_1761 = arith.index_cast %sub3A_1759 : i32 to index
      %get3A_1762 = tpu.vector_load %arg16[%get3A_1761] {strides = array<i32>} : memref<4112xi32, #tpu.memory_space<vmem>>, vector<16xi32>,
      %broadcast_in_dim3A_1763 = vector.broadcast %rem3A_1758 : i32 to vector<16xi32>
      %broadcast_in_dim3A_1764 = vector.shape_cast %broadcast_in_dim3A_1763 : vector<16xi32> to vector<16x1xi32>
      %gather3A_1765 = vector.shape_cast %broadcast_in_dim3A_1764 : vector<16x1xi32> to vector<16xi32>
      %gather3A_1766 = tpu.dynamic_gather %get3A_1762[%gather3A_1765] in [0] : vector<16xi32>, vector<16xi32> -> vector<16xi32>
      %get3A_1767 = arith.index_cast %sub3A_1759 : i32 to index
      %get3A_1768 = tpu.vector_load %arg15[%get3A_1767] {strides = array<i32>} : memref<4112xf32, #tpu.memory_space<vmem>>, vector<16xf32>,
      %eq3A_1769 = arith.cmpi eq, %iota3A, %broadcast_in_dim3A_1760 : vector<16xi32>
      %select_n3A_1770 = arith.select %eq3A_1769, %broadcast_in_dim3A_4, %get3A_1768 : vector<16xi1>, vector<16xf32>
      %swap3A_1771 = arith.index_cast %sub3A_1759 : i32 to index
      %swap3A_1772 = tpu.vector_load %arg15[%swap3A_1771] {strides = array<i32>} : memref<4112xf32, #tpu.memory_space<vmem>>, vector<16xf32>,
      tpu.vector_store %arg15[%swap3A_1771], %select_n3A_1770 {strides = array<i32>} : memref<4112xf32, #tpu.memory_space<vmem>>, vector<16xf32>,
      %eq3A_1773 = arith.constant 14 : i32
      %eq3A_1774 = vector.broadcast %eq3A_1773 : i32 to vector<16xi32>
      %eq3A_1775 = arith.cmpi eq, %iota3A, %eq3A_1774 : vector<16xi32>
      %select_n3A_1776 = arith.select %eq3A_1775, %max3A_1723, %select_n3A_1679 : vector<16xi1>, vector<16xf32>
      %eq3A_1777 = arith.constant 14 : i32
      %eq3A_1778 = vector.broadcast %eq3A_1777 : i32 to vector<16xi32>
      %eq3A_1779 = arith.cmpi eq, %iota3A, %eq3A_1778 : vector<16xi32>
      %select_n3A_1780 = arith.select %eq3A_1779, %gather3A_1766, %select_n3A_1683 : vector<16xi1>, vector<16xi32>
      %while3A_1781 = arith.constant 0 : i32
      %while3A_1782 = arith.subi %select_n3A_324, %while3A_1781 : i32
      %while3A_1783 = arith.addi %while3A_1781, %while3A_1782 : i32
      %while3A_1784 = arith.constant 1 : i32
      %while3A_1785 = arith.divsi %while3A_1782, %while3A_1784 : i32
      %while3A_1786 = arith.muli %while3A_1785, %while3A_1784 : i32
      %while3A_1787 = arith.addi %while3A_1781, %while3A_1786 : i32
      %while3A_1788 = arith.constant 1 : i32
      %while3A_1789:2 = scf.for %while3A_2358 = %while3A_1781 to %while3A_1787 step %while3A_1788 iter_args(%while3A_2359 = %broadcast_in_dim3A_4, %while3A_2360 = %broadcast_in_dim3A_330) -> (vector<16xf32>, vector<16xi32>)  : i32 {
        %mul3A_2361 = arith.constant 16 : i32
        %mul3A_2362 = arith.muli %while3A_2358, %mul3A_2361 : i32
        %get3A_2363 = arith.index_cast %mul3A_2362 : i32 to index
        %get3A_2364 = tpu.vector_load %arg15[%get3A_2363] {strides = array<i32>} : memref<4112xf32, #tpu.memory_space<vmem>>, vector<16xf32>,
        %gt3A_2365 = arith.cmpf ogt, %get3A_2364, %while3A_2359 : vector<16xf32>
        %select_n3A_2366 = arith.select %gt3A_2365, %get3A_2364, %while3A_2359 : vector<16xi1>, vector<16xf32>
        %mul3A_2367 = arith.constant 16 : i32
        %mul3A_2368 = arith.muli %while3A_2358, %mul3A_2367 : i32
        %add3A_2369 = vector.broadcast %mul3A_2368 : i32 to vector<16xi32>
        %add3A_2370 = arith.addi %add3A_2369, %iota3A : vector<16xi32>
        %select_n3A_2371 = arith.select %gt3A_2365, %add3A_2370, %while3A_2360 : vector<16xi1>, vector<16xi32>
        scf.yield %select_n3A_2366, %select_n3A_2371 : vector<16xf32>, vector<16xi32>
      }
      %while3A_1790 = arith.constant 1 : i32
      %while3A_1791:2 = scf.for %while3A_2358 = %while3A_1787 to %while3A_1783 step %while3A_1790 iter_args(%while3A_2359 = %while3A_1789#0, %while3A_2360 = %while3A_1789#1) -> (vector<16xf32>, vector<16xi32>)  : i32 {
        %mul3A_2361 = arith.constant 16 : i32
        %mul3A_2362 = arith.muli %while3A_2358, %mul3A_2361 : i32
        %get3A_2363 = arith.index_cast %mul3A_2362 : i32 to index
        %get3A_2364 = tpu.vector_load %arg15[%get3A_2363] {strides = array<i32>} : memref<4112xf32, #tpu.memory_space<vmem>>, vector<16xf32>,
        %gt3A_2365 = arith.cmpf ogt, %get3A_2364, %while3A_2359 : vector<16xf32>
        %select_n3A_2366 = arith.select %gt3A_2365, %get3A_2364, %while3A_2359 : vector<16xi1>, vector<16xf32>
        %mul3A_2367 = arith.constant 16 : i32
        %mul3A_2368 = arith.muli %while3A_2358, %mul3A_2367 : i32
        %add3A_2369 = vector.broadcast %mul3A_2368 : i32 to vector<16xi32>
        %add3A_2370 = arith.addi %add3A_2369, %iota3A : vector<16xi32>
        %select_n3A_2371 = arith.select %gt3A_2365, %add3A_2370, %while3A_2360 : vector<16xi1>, vector<16xi32>
        scf.yield %select_n3A_2366, %select_n3A_2371 : vector<16xf32>, vector<16xi32>
      }
      %iota3A_1792 = tpu.iota {dimensions = array<i32: 0>} : vector<16xi32>
      %xor3A_1793 = arith.constant 8 : i32
      %xor3A_1794 = vector.broadcast %xor3A_1793 : i32 to vector<16xi32>
      %xor3A_1795 = arith.xori %iota3A_1792, %xor3A_1794 : vector<16xi32>
      %broadcast_in_dim3A_1796 = vector.shape_cast %xor3A_1795 : vector<16xi32> to vector<16x1xi32>
      %gather3A_1797 = vector.shape_cast %broadcast_in_dim3A_1796 : vector<16x1xi32> to vector<16xi32>
      %gather3A_1798 = tpu.dynamic_gather %while3A_1791#0[%gather3A_1797] in [0] : vector<16xf32>, vector<16xi32> -> vector<16xf32>
      %max3A_1799 = arith.maximumf %while3A_1791#0, %gather3A_1798 : vector<16xf32>
      %xor3A_1800 = arith.constant 4 : i32
      %xor3A_1801 = vector.broadcast %xor3A_1800 : i32 to vector<16xi32>
      %xor3A_1802 = arith.xori %iota3A_1792, %xor3A_1801 : vector<16xi32>
      %broadcast_in_dim3A_1803 = vector.shape_cast %xor3A_1802 : vector<16xi32> to vector<16x1xi32>
      %gather3A_1804 = vector.shape_cast %broadcast_in_dim3A_1803 : vector<16x1xi32> to vector<16xi32>
      %gather3A_1805 = tpu.dynamic_gather %max3A_1799[%gather3A_1804] in [0] : vector<16xf32>, vector<16xi32> -> vector<16xf32>
      %max3A_1806 = arith.maximumf %max3A_1799, %gather3A_1805 : vector<16xf32>
      %xor3A_1807 = arith.constant 2 : i32
      %xor3A_1808 = vector.broadcast %xor3A_1807 : i32 to vector<16xi32>
      %xor3A_1809 = arith.xori %iota3A_1792, %xor3A_1808 : vector<16xi32>
      %broadcast_in_dim3A_1810 = vector.shape_cast %xor3A_1809 : vector<16xi32> to vector<16x1xi32>
      %gather3A_1811 = vector.shape_cast %broadcast_in_dim3A_1810 : vector<16x1xi32> to vector<16xi32>
      %gather3A_1812 = tpu.dynamic_gather %max3A_1806[%gather3A_1811] in [0] : vector<16xf32>, vector<16xi32> -> vector<16xf32>
      %max3A_1813 = arith.maximumf %max3A_1806, %gather3A_1812 : vector<16xf32>
      %xor3A_1814 = arith.constant 1 : i32
      %xor3A_1815 = vector.broadcast %xor3A_1814 : i32 to vector<16xi32>
      %xor3A_1816 = arith.xori %iota3A_1792, %xor3A_1815 : vector<16xi32>
      %broadcast_in_dim3A_1817 = vector.shape_cast %xor3A_1816 : vector<16xi32> to vector<16x1xi32>
      %gather3A_1818 = vector.shape_cast %broadcast_in_dim3A_1817 : vector<16x1xi32> to vector<16xi32>
      %gather3A_1819 = tpu.dynamic_gather %max3A_1813[%gather3A_1818] in [0] : vector<16xf32>, vector<16xi32> -> vector<16xf32>
      %max3A_1820 = arith.maximumf %max3A_1813, %gather3A_1819 : vector<16xf32>
      %eq3A_1821 = arith.cmpf oeq, %while3A_1791#0, %max3A_1820 : vector<16xf32>
      %select_n3A_1822 = arith.select %eq3A_1821, %while3A_1791#1, %broadcast_in_dim3A_330 : vector<16xi1>, vector<16xi32>
      %iota3A_1823 = tpu.iota {dimensions = array<i32: 0>} : vector<16xi32>
      %xor3A_1824 = arith.constant 8 : i32
      %xor3A_1825 = vector.broadcast %xor3A_1824 : i32 to vector<16xi32>
      %xor3A_1826 = arith.xori %iota3A_1823, %xor3A_1825 : vector<16xi32>
      %broadcast_in_dim3A_1827 = vector.shape_cast %xor3A_1826 : vector<16xi32> to vector<16x1xi32>
      %gather3A_1828 = vector.shape_cast %broadcast_in_dim3A_1827 : vector<16x1xi32> to vector<16xi32>
      %gather3A_1829 = tpu.dynamic_gather %select_n3A_1822[%gather3A_1828] in [0] : vector<16xi32>, vector<16xi32> -> vector<16xi32>
      %min3A_1830 = arith.minsi %select_n3A_1822, %gather3A_1829 : vector<16xi32>
      %xor3A_1831 = arith.constant 4 : i32
      %xor3A_1832 = vector.broadcast %xor3A_1831 : i32 to vector<16xi32>
      %xor3A_1833 = arith.xori %iota3A_1823, %xor3A_1832 : vector<16xi32>
      %broadcast_in_dim3A_1834 = vector.shape_cast %xor3A_1833 : vector<16xi32> to vector<16x1xi32>
      %gather3A_1835 = vector.shape_cast %broadcast_in_dim3A_1834 : vector<16x1xi32> to vector<16xi32>
      %gather3A_1836 = tpu.dynamic_gather %min3A_1830[%gather3A_1835] in [0] : vector<16xi32>, vector<16xi32> -> vector<16xi32>
      %min3A_1837 = arith.minsi %min3A_1830, %gather3A_1836 : vector<16xi32>
      %xor3A_1838 = arith.constant 2 : i32
      %xor3A_1839 = vector.broadcast %xor3A_1838 : i32 to vector<16xi32>
      %xor3A_1840 = arith.xori %iota3A_1823, %xor3A_1839 : vector<16xi32>
      %broadcast_in_dim3A_1841 = vector.shape_cast %xor3A_1840 : vector<16xi32> to vector<16x1xi32>
      %gather3A_1842 = vector.shape_cast %broadcast_in_dim3A_1841 : vector<16x1xi32> to vector<16xi32>
      %gather3A_1843 = tpu.dynamic_gather %min3A_1837[%gather3A_1842] in [0] : vector<16xi32>, vector<16xi32> -> vector<16xi32>
      %min3A_1844 = arith.minsi %min3A_1837, %gather3A_1843 : vector<16xi32>
      %xor3A_1845 = arith.constant 1 : i32
      %xor3A_1846 = vector.broadcast %xor3A_1845 : i32 to vector<16xi32>
      %xor3A_1847 = arith.xori %iota3A_1823, %xor3A_1846 : vector<16xi32>
      %broadcast_in_dim3A_1848 = vector.shape_cast %xor3A_1847 : vector<16xi32> to vector<16x1xi32>
      %gather3A_1849 = vector.shape_cast %broadcast_in_dim3A_1848 : vector<16x1xi32> to vector<16xi32>
      %gather3A_1850 = tpu.dynamic_gather %min3A_1844[%gather3A_1849] in [0] : vector<16xi32>, vector<16xi32> -> vector<16xi32>
      %min3A_1851 = arith.minsi %min3A_1844, %gather3A_1850 : vector<16xi32>
      %slice3A_1852 = vector.extract_strided_slice %min3A_1851 {offsets = [0], sizes = [1], strides = [1]} : vector<16xi32> to vector<1xi32>
      %squeeze3A_1853 = vector.extract %slice3A_1852[0] : i32 from vector<1xi32>
      %rem3A_1854 = arith.constant 16 : i32
      %rem3A_1855 = arith.remsi %squeeze3A_1853, %rem3A_1854 : i32
      %sub3A_1856 = arith.subi %squeeze3A_1853, %rem3A_1855 : i32
      %broadcast_in_dim3A_1857 = vector.broadcast %rem3A_1855 : i32 to vector<16xi32>
      %get3A_1858 = arith.index_cast %sub3A_1856 : i32 to index
      %get3A_1859 = tpu.vector_load %arg16[%get3A_1858] {strides = array<i32>} : memref<4112xi32, #tpu.memory_space<vmem>>, vector<16xi32>,
      %broadcast_in_dim3A_1860 = vector.broadcast %rem3A_1855 : i32 to vector<16xi32>
      %broadcast_in_dim3A_1861 = vector.shape_cast %broadcast_in_dim3A_1860 : vector<16xi32> to vector<16x1xi32>
      %gather3A_1862 = vector.shape_cast %broadcast_in_dim3A_1861 : vector<16x1xi32> to vector<16xi32>
      %gather3A_1863 = tpu.dynamic_gather %get3A_1859[%gather3A_1862] in [0] : vector<16xi32>, vector<16xi32> -> vector<16xi32>
      %get3A_1864 = arith.index_cast %sub3A_1856 : i32 to index
      %get3A_1865 = tpu.vector_load %arg15[%get3A_1864] {strides = array<i32>} : memref<4112xf32, #tpu.memory_space<vmem>>, vector<16xf32>,
      %eq3A_1866 = arith.cmpi eq, %iota3A, %broadcast_in_dim3A_1857 : vector<16xi32>
      %select_n3A_1867 = arith.select %eq3A_1866, %broadcast_in_dim3A_4, %get3A_1865 : vector<16xi1>, vector<16xf32>
      %swap3A_1868 = arith.index_cast %sub3A_1856 : i32 to index
      %swap3A_1869 = tpu.vector_load %arg15[%swap3A_1868] {strides = array<i32>} : memref<4112xf32, #tpu.memory_space<vmem>>, vector<16xf32>,
      tpu.vector_store %arg15[%swap3A_1868], %select_n3A_1867 {strides = array<i32>} : memref<4112xf32, #tpu.memory_space<vmem>>, vector<16xf32>,
      %eq3A_1870 = arith.constant 15 : i32
      %eq3A_1871 = vector.broadcast %eq3A_1870 : i32 to vector<16xi32>
      %eq3A_1872 = arith.cmpi eq, %iota3A, %eq3A_1871 : vector<16xi32>
      %select_n3A_1873 = arith.select %eq3A_1872, %max3A_1820, %select_n3A_1776 : vector<16xi1>, vector<16xf32>
      %eq3A_1874 = arith.constant 15 : i32
      %eq3A_1875 = vector.broadcast %eq3A_1874 : i32 to vector<16xi32>
      %eq3A_1876 = arith.cmpi eq, %iota3A, %eq3A_1875 : vector<16xi32>
      %select_n3A_1877 = arith.select %eq3A_1876, %gather3A_1863, %select_n3A_1780 : vector<16xi1>, vector<16xi32>
      %while3A_1878 = arith.constant 0 : i32
      %while3A_1879 = arith.subi %select_n3A_324, %while3A_1878 : i32
      %while3A_1880 = arith.addi %while3A_1878, %while3A_1879 : i32
      %while3A_1881 = arith.constant 1 : i32
      %while3A_1882 = arith.divsi %while3A_1879, %while3A_1881 : i32
      %while3A_1883 = arith.muli %while3A_1882, %while3A_1881 : i32
      %while3A_1884 = arith.addi %while3A_1878, %while3A_1883 : i32
      %while3A_1885 = arith.constant 1 : i32
      %while3A_1886:2 = scf.for %while3A_2358 = %while3A_1878 to %while3A_1884 step %while3A_1885 iter_args(%while3A_2359 = %broadcast_in_dim3A_4, %while3A_2360 = %broadcast_in_dim3A_330) -> (vector<16xf32>, vector<16xi32>)  : i32 {
        %mul3A_2361 = arith.constant 16 : i32
        %mul3A_2362 = arith.muli %while3A_2358, %mul3A_2361 : i32
        %get3A_2363 = arith.index_cast %mul3A_2362 : i32 to index
        %get3A_2364 = tpu.vector_load %arg15[%get3A_2363] {strides = array<i32>} : memref<4112xf32, #tpu.memory_space<vmem>>, vector<16xf32>,
        %gt3A_2365 = arith.cmpf ogt, %get3A_2364, %while3A_2359 : vector<16xf32>
        %select_n3A_2366 = arith.select %gt3A_2365, %get3A_2364, %while3A_2359 : vector<16xi1>, vector<16xf32>
        %mul3A_2367 = arith.constant 16 : i32
        %mul3A_2368 = arith.muli %while3A_2358, %mul3A_2367 : i32
        %add3A_2369 = vector.broadcast %mul3A_2368 : i32 to vector<16xi32>
        %add3A_2370 = arith.addi %add3A_2369, %iota3A : vector<16xi32>
        %select_n3A_2371 = arith.select %gt3A_2365, %add3A_2370, %while3A_2360 : vector<16xi1>, vector<16xi32>
        scf.yield %select_n3A_2366, %select_n3A_2371 : vector<16xf32>, vector<16xi32>
      }
      %while3A_1887 = arith.constant 1 : i32
      %while3A_1888:2 = scf.for %while3A_2358 = %while3A_1884 to %while3A_1880 step %while3A_1887 iter_args(%while3A_2359 = %while3A_1886#0, %while3A_2360 = %while3A_1886#1) -> (vector<16xf32>, vector<16xi32>)  : i32 {
        %mul3A_2361 = arith.constant 16 : i32
        %mul3A_2362 = arith.muli %while3A_2358, %mul3A_2361 : i32
        %get3A_2363 = arith.index_cast %mul3A_2362 : i32 to index
        %get3A_2364 = tpu.vector_load %arg15[%get3A_2363] {strides = array<i32>} : memref<4112xf32, #tpu.memory_space<vmem>>, vector<16xf32>,
        %gt3A_2365 = arith.cmpf ogt, %get3A_2364, %while3A_2359 : vector<16xf32>
        %select_n3A_2366 = arith.select %gt3A_2365, %get3A_2364, %while3A_2359 : vector<16xi1>, vector<16xf32>
        %mul3A_2367 = arith.constant 16 : i32
        %mul3A_2368 = arith.muli %while3A_2358, %mul3A_2367 : i32
        %add3A_2369 = vector.broadcast %mul3A_2368 : i32 to vector<16xi32>
        %add3A_2370 = arith.addi %add3A_2369, %iota3A : vector<16xi32>
        %select_n3A_2371 = arith.select %gt3A_2365, %add3A_2370, %while3A_2360 : vector<16xi1>, vector<16xi32>
        scf.yield %select_n3A_2366, %select_n3A_2371 : vector<16xf32>, vector<16xi32>
      }
      %iota3A_1889 = tpu.iota {dimensions = array<i32: 0>} : vector<16xi32>
      %xor3A_1890 = arith.constant 8 : i32
      %xor3A_1891 = vector.broadcast %xor3A_1890 : i32 to vector<16xi32>
      %xor3A_1892 = arith.xori %iota3A_1889, %xor3A_1891 : vector<16xi32>
      %broadcast_in_dim3A_1893 = vector.shape_cast %xor3A_1892 : vector<16xi32> to vector<16x1xi32>
      %gather3A_1894 = vector.shape_cast %broadcast_in_dim3A_1893 : vector<16x1xi32> to vector<16xi32>
      %gather3A_1895 = tpu.dynamic_gather %while3A_1888#0[%gather3A_1894] in [0] : vector<16xf32>, vector<16xi32> -> vector<16xf32>
      %max3A_1896 = arith.maximumf %while3A_1888#0, %gather3A_1895 : vector<16xf32>
      %xor3A_1897 = arith.constant 4 : i32
      %xor3A_1898 = vector.broadcast %xor3A_1897 : i32 to vector<16xi32>
      %xor3A_1899 = arith.xori %iota3A_1889, %xor3A_1898 : vector<16xi32>
      %broadcast_in_dim3A_1900 = vector.shape_cast %xor3A_1899 : vector<16xi32> to vector<16x1xi32>
      %gather3A_1901 = vector.shape_cast %broadcast_in_dim3A_1900 : vector<16x1xi32> to vector<16xi32>
      %gather3A_1902 = tpu.dynamic_gather %max3A_1896[%gather3A_1901] in [0] : vector<16xf32>, vector<16xi32> -> vector<16xf32>
      %max3A_1903 = arith.maximumf %max3A_1896, %gather3A_1902 : vector<16xf32>
      %xor3A_1904 = arith.constant 2 : i32
      %xor3A_1905 = vector.broadcast %xor3A_1904 : i32 to vector<16xi32>
      %xor3A_1906 = arith.xori %iota3A_1889, %xor3A_1905 : vector<16xi32>
      %broadcast_in_dim3A_1907 = vector.shape_cast %xor3A_1906 : vector<16xi32> to vector<16x1xi32>
      %gather3A_1908 = vector.shape_cast %broadcast_in_dim3A_1907 : vector<16x1xi32> to vector<16xi32>
      %gather3A_1909 = tpu.dynamic_gather %max3A_1903[%gather3A_1908] in [0] : vector<16xf32>, vector<16xi32> -> vector<16xf32>
      %max3A_1910 = arith.maximumf %max3A_1903, %gather3A_1909 : vector<16xf32>
      %xor3A_1911 = arith.constant 1 : i32
      %xor3A_1912 = vector.broadcast %xor3A_1911 : i32 to vector<16xi32>
      %xor3A_1913 = arith.xori %iota3A_1889, %xor3A_1912 : vector<16xi32>
      %broadcast_in_dim3A_1914 = vector.shape_cast %xor3A_1913 : vector<16xi32> to vector<16x1xi32>
      %gather3A_1915 = vector.shape_cast %broadcast_in_dim3A_1914 : vector<16x1xi32> to vector<16xi32>
      %gather3A_1916 = tpu.dynamic_gather %max3A_1910[%gather3A_1915] in [0] : vector<16xf32>, vector<16xi32> -> vector<16xf32>
      %max3A_1917 = arith.maximumf %max3A_1910, %gather3A_1916 : vector<16xf32>
      %eq3A_1918 = arith.cmpf oeq, %while3A_1888#0, %max3A_1917 : vector<16xf32>
      %select_n3A_1919 = arith.select %eq3A_1918, %while3A_1888#1, %broadcast_in_dim3A_330 : vector<16xi1>, vector<16xi32>
      %iota3A_1920 = tpu.iota {dimensions = array<i32: 0>} : vector<16xi32>
      %xor3A_1921 = arith.constant 8 : i32
      %xor3A_1922 = vector.broadcast %xor3A_1921 : i32 to vector<16xi32>
      %xor3A_1923 = arith.xori %iota3A_1920, %xor3A_1922 : vector<16xi32>
      %broadcast_in_dim3A_1924 = vector.shape_cast %xor3A_1923 : vector<16xi32> to vector<16x1xi32>
      %gather3A_1925 = vector.shape_cast %broadcast_in_dim3A_1924 : vector<16x1xi32> to vector<16xi32>
      %gather3A_1926 = tpu.dynamic_gather %select_n3A_1919[%gather3A_1925] in [0] : vector<16xi32>, vector<16xi32> -> vector<16xi32>
      %min3A_1927 = arith.minsi %select_n3A_1919, %gather3A_1926 : vector<16xi32>
      %xor3A_1928 = arith.constant 4 : i32
      %xor3A_1929 = vector.broadcast %xor3A_1928 : i32 to vector<16xi32>
      %xor3A_1930 = arith.xori %iota3A_1920, %xor3A_1929 : vector<16xi32>
      %broadcast_in_dim3A_1931 = vector.shape_cast %xor3A_1930 : vector<16xi32> to vector<16x1xi32>
      %gather3A_1932 = vector.shape_cast %broadcast_in_dim3A_1931 : vector<16x1xi32> to vector<16xi32>
      %gather3A_1933 = tpu.dynamic_gather %min3A_1927[%gather3A_1932] in [0] : vector<16xi32>, vector<16xi32> -> vector<16xi32>
      %min3A_1934 = arith.minsi %min3A_1927, %gather3A_1933 : vector<16xi32>
      %xor3A_1935 = arith.constant 2 : i32
      %xor3A_1936 = vector.broadcast %xor3A_1935 : i32 to vector<16xi32>
      %xor3A_1937 = arith.xori %iota3A_1920, %xor3A_1936 : vector<16xi32>
      %broadcast_in_dim3A_1938 = vector.shape_cast %xor3A_1937 : vector<16xi32> to vector<16x1xi32>
      %gather3A_1939 = vector.shape_cast %broadcast_in_dim3A_1938 : vector<16x1xi32> to vector<16xi32>
      %gather3A_1940 = tpu.dynamic_gather %min3A_1934[%gather3A_1939] in [0] : vector<16xi32>, vector<16xi32> -> vector<16xi32>
      %min3A_1941 = arith.minsi %min3A_1934, %gather3A_1940 : vector<16xi32>
      %xor3A_1942 = arith.constant 1 : i32
      %xor3A_1943 = vector.broadcast %xor3A_1942 : i32 to vector<16xi32>
      %xor3A_1944 = arith.xori %iota3A_1920, %xor3A_1943 : vector<16xi32>
      %broadcast_in_dim3A_1945 = vector.shape_cast %xor3A_1944 : vector<16xi32> to vector<16x1xi32>
      %gather3A_1946 = vector.shape_cast %broadcast_in_dim3A_1945 : vector<16x1xi32> to vector<16xi32>
      %gather3A_1947 = tpu.dynamic_gather %min3A_1941[%gather3A_1946] in [0] : vector<16xi32>, vector<16xi32> -> vector<16xi32>
      %min3A_1948 = arith.minsi %min3A_1941, %gather3A_1947 : vector<16xi32>
      %slice3A_1949 = vector.extract_strided_slice %min3A_1948 {offsets = [0], sizes = [1], strides = [1]} : vector<16xi32> to vector<1xi32>
      %squeeze3A_1950 = vector.extract %slice3A_1949[0] : i32 from vector<1xi32>
      %rem3A_1951 = arith.constant 16 : i32
      %rem3A_1952 = arith.remsi %squeeze3A_1950, %rem3A_1951 : i32
      %sub3A_1953 = arith.subi %squeeze3A_1950, %rem3A_1952 : i32
      %broadcast_in_dim3A_1954 = vector.broadcast %rem3A_1952 : i32 to vector<16xi32>
      %get3A_1955 = arith.index_cast %sub3A_1953 : i32 to index
      %get3A_1956 = tpu.vector_load %arg16[%get3A_1955] {strides = array<i32>} : memref<4112xi32, #tpu.memory_space<vmem>>, vector<16xi32>,
      %broadcast_in_dim3A_1957 = vector.broadcast %rem3A_1952 : i32 to vector<16xi32>
      %broadcast_in_dim3A_1958 = vector.shape_cast %broadcast_in_dim3A_1957 : vector<16xi32> to vector<16x1xi32>
      %gather3A_1959 = vector.shape_cast %broadcast_in_dim3A_1958 : vector<16x1xi32> to vector<16xi32>
      %gather3A_1960 = tpu.dynamic_gather %get3A_1956[%gather3A_1959] in [0] : vector<16xi32>, vector<16xi32> -> vector<16xi32>
      %get3A_1961 = arith.index_cast %sub3A_1953 : i32 to index
      %get3A_1962 = tpu.vector_load %arg15[%get3A_1961] {strides = array<i32>} : memref<4112xf32, #tpu.memory_space<vmem>>, vector<16xf32>,
      %eq3A_1963 = arith.cmpi eq, %iota3A, %broadcast_in_dim3A_1954 : vector<16xi32>
      %select_n3A_1964 = arith.select %eq3A_1963, %broadcast_in_dim3A_4, %get3A_1962 : vector<16xi1>, vector<16xf32>
      %swap3A_1965 = arith.index_cast %sub3A_1953 : i32 to index
      %swap3A_1966 = tpu.vector_load %arg15[%swap3A_1965] {strides = array<i32>} : memref<4112xf32, #tpu.memory_space<vmem>>, vector<16xf32>,
      tpu.vector_store %arg15[%swap3A_1965], %select_n3A_1964 {strides = array<i32>} : memref<4112xf32, #tpu.memory_space<vmem>>, vector<16xf32>,
      %eq3A_1967 = arith.constant 0 : i32
      %eq3A_1968 = vector.broadcast %eq3A_1967 : i32 to vector<16xi32>
      %eq3A_1969 = arith.cmpi eq, %iota3A, %eq3A_1968 : vector<16xi32>
      %select_n3A_1970 = arith.select %eq3A_1969, %max3A_1917, %broadcast_in_dim3A_4 : vector<16xi1>, vector<16xf32>
      %eq3A_1971 = arith.constant 0 : i32
      %eq3A_1972 = vector.broadcast %eq3A_1971 : i32 to vector<16xi32>
      %eq3A_1973 = arith.cmpi eq, %iota3A, %eq3A_1972 : vector<16xi32>
      %select_n3A_1974 = arith.select %eq3A_1973, %gather3A_1960, %broadcast_in_dim3A_328 : vector<16xi1>, vector<16xi32>
      %while3A_1975 = arith.constant 0 : i32
      %while3A_1976 = arith.subi %select_n3A_324, %while3A_1975 : i32
      %while3A_1977 = arith.addi %while3A_1975, %while3A_1976 : i32
      %while3A_1978 = arith.constant 1 : i32
      %while3A_1979 = arith.divsi %while3A_1976, %while3A_1978 : i32
      %while3A_1980 = arith.muli %while3A_1979, %while3A_1978 : i32
      %while3A_1981 = arith.addi %while3A_1975, %while3A_1980 : i32
      %while3A_1982 = arith.constant 1 : i32
      %while3A_1983:2 = scf.for %while3A_2358 = %while3A_1975 to %while3A_1981 step %while3A_1982 iter_args(%while3A_2359 = %broadcast_in_dim3A_4, %while3A_2360 = %broadcast_in_dim3A_330) -> (vector<16xf32>, vector<16xi32>)  : i32 {
        %mul3A_2361 = arith.constant 16 : i32
        %mul3A_2362 = arith.muli %while3A_2358, %mul3A_2361 : i32
        %get3A_2363 = arith.index_cast %mul3A_2362 : i32 to index
        %get3A_2364 = tpu.vector_load %arg15[%get3A_2363] {strides = array<i32>} : memref<4112xf32, #tpu.memory_space<vmem>>, vector<16xf32>,
        %gt3A_2365 = arith.cmpf ogt, %get3A_2364, %while3A_2359 : vector<16xf32>
        %select_n3A_2366 = arith.select %gt3A_2365, %get3A_2364, %while3A_2359 : vector<16xi1>, vector<16xf32>
        %mul3A_2367 = arith.constant 16 : i32
        %mul3A_2368 = arith.muli %while3A_2358, %mul3A_2367 : i32
        %add3A_2369 = vector.broadcast %mul3A_2368 : i32 to vector<16xi32>
        %add3A_2370 = arith.addi %add3A_2369, %iota3A : vector<16xi32>
        %select_n3A_2371 = arith.select %gt3A_2365, %add3A_2370, %while3A_2360 : vector<16xi1>, vector<16xi32>
        scf.yield %select_n3A_2366, %select_n3A_2371 : vector<16xf32>, vector<16xi32>
      }
      %while3A_1984 = arith.constant 1 : i32
      %while3A_1985:2 = scf.for %while3A_2358 = %while3A_1981 to %while3A_1977 step %while3A_1984 iter_args(%while3A_2359 = %while3A_1983#0, %while3A_2360 = %while3A_1983#1) -> (vector<16xf32>, vector<16xi32>)  : i32 {
        %mul3A_2361 = arith.constant 16 : i32
        %mul3A_2362 = arith.muli %while3A_2358, %mul3A_2361 : i32
        %get3A_2363 = arith.index_cast %mul3A_2362 : i32 to index
        %get3A_2364 = tpu.vector_load %arg15[%get3A_2363] {strides = array<i32>} : memref<4112xf32, #tpu.memory_space<vmem>>, vector<16xf32>,
        %gt3A_2365 = arith.cmpf ogt, %get3A_2364, %while3A_2359 : vector<16xf32>
        %select_n3A_2366 = arith.select %gt3A_2365, %get3A_2364, %while3A_2359 : vector<16xi1>, vector<16xf32>
        %mul3A_2367 = arith.constant 16 : i32
        %mul3A_2368 = arith.muli %while3A_2358, %mul3A_2367 : i32
        %add3A_2369 = vector.broadcast %mul3A_2368 : i32 to vector<16xi32>
        %add3A_2370 = arith.addi %add3A_2369, %iota3A : vector<16xi32>
        %select_n3A_2371 = arith.select %gt3A_2365, %add3A_2370, %while3A_2360 : vector<16xi1>, vector<16xi32>
        scf.yield %select_n3A_2366, %select_n3A_2371 : vector<16xf32>, vector<16xi32>
      }
      %iota3A_1986 = tpu.iota {dimensions = array<i32: 0>} : vector<16xi32>
      %xor3A_1987 = arith.constant 8 : i32
      %xor3A_1988 = vector.broadcast %xor3A_1987 : i32 to vector<16xi32>
      %xor3A_1989 = arith.xori %iota3A_1986, %xor3A_1988 : vector<16xi32>
      %broadcast_in_dim3A_1990 = vector.shape_cast %xor3A_1989 : vector<16xi32> to vector<16x1xi32>
      %gather3A_1991 = vector.shape_cast %broadcast_in_dim3A_1990 : vector<16x1xi32> to vector<16xi32>
      %gather3A_1992 = tpu.dynamic_gather %while3A_1985#0[%gather3A_1991] in [0] : vector<16xf32>, vector<16xi32> -> vector<16xf32>
      %max3A_1993 = arith.maximumf %while3A_1985#0, %gather3A_1992 : vector<16xf32>
      %xor3A_1994 = arith.constant 4 : i32
      %xor3A_1995 = vector.broadcast %xor3A_1994 : i32 to vector<16xi32>
      %xor3A_1996 = arith.xori %iota3A_1986, %xor3A_1995 : vector<16xi32>
      %broadcast_in_dim3A_1997 = vector.shape_cast %xor3A_1996 : vector<16xi32> to vector<16x1xi32>
      %gather3A_1998 = vector.shape_cast %broadcast_in_dim3A_1997 : vector<16x1xi32> to vector<16xi32>
      %gather3A_1999 = tpu.dynamic_gather %max3A_1993[%gather3A_1998] in [0] : vector<16xf32>, vector<16xi32> -> vector<16xf32>
      %max3A_2000 = arith.maximumf %max3A_1993, %gather3A_1999 : vector<16xf32>
      %xor3A_2001 = arith.constant 2 : i32
      %xor3A_2002 = vector.broadcast %xor3A_2001 : i32 to vector<16xi32>
      %xor3A_2003 = arith.xori %iota3A_1986, %xor3A_2002 : vector<16xi32>
      %broadcast_in_dim3A_2004 = vector.shape_cast %xor3A_2003 : vector<16xi32> to vector<16x1xi32>
      %gather3A_2005 = vector.shape_cast %broadcast_in_dim3A_2004 : vector<16x1xi32> to vector<16xi32>
      %gather3A_2006 = tpu.dynamic_gather %max3A_2000[%gather3A_2005] in [0] : vector<16xf32>, vector<16xi32> -> vector<16xf32>
      %max3A_2007 = arith.maximumf %max3A_2000, %gather3A_2006 : vector<16xf32>
      %xor3A_2008 = arith.constant 1 : i32
      %xor3A_2009 = vector.broadcast %xor3A_2008 : i32 to vector<16xi32>
      %xor3A_2010 = arith.xori %iota3A_1986, %xor3A_2009 : vector<16xi32>
      %broadcast_in_dim3A_2011 = vector.shape_cast %xor3A_2010 : vector<16xi32> to vector<16x1xi32>
      %gather3A_2012 = vector.shape_cast %broadcast_in_dim3A_2011 : vector<16x1xi32> to vector<16xi32>
      %gather3A_2013 = tpu.dynamic_gather %max3A_2007[%gather3A_2012] in [0] : vector<16xf32>, vector<16xi32> -> vector<16xf32>
      %max3A_2014 = arith.maximumf %max3A_2007, %gather3A_2013 : vector<16xf32>
      %eq3A_2015 = arith.cmpf oeq, %while3A_1985#0, %max3A_2014 : vector<16xf32>
      %select_n3A_2016 = arith.select %eq3A_2015, %while3A_1985#1, %broadcast_in_dim3A_330 : vector<16xi1>, vector<16xi32>
      %iota3A_2017 = tpu.iota {dimensions = array<i32: 0>} : vector<16xi32>
      %xor3A_2018 = arith.constant 8 : i32
      %xor3A_2019 = vector.broadcast %xor3A_2018 : i32 to vector<16xi32>
      %xor3A_2020 = arith.xori %iota3A_2017, %xor3A_2019 : vector<16xi32>
      %broadcast_in_dim3A_2021 = vector.shape_cast %xor3A_2020 : vector<16xi32> to vector<16x1xi32>
      %gather3A_2022 = vector.shape_cast %broadcast_in_dim3A_2021 : vector<16x1xi32> to vector<16xi32>
      %gather3A_2023 = tpu.dynamic_gather %select_n3A_2016[%gather3A_2022] in [0] : vector<16xi32>, vector<16xi32> -> vector<16xi32>
      %min3A_2024 = arith.minsi %select_n3A_2016, %gather3A_2023 : vector<16xi32>
      %xor3A_2025 = arith.constant 4 : i32
      %xor3A_2026 = vector.broadcast %xor3A_2025 : i32 to vector<16xi32>
      %xor3A_2027 = arith.xori %iota3A_2017, %xor3A_2026 : vector<16xi32>
      %broadcast_in_dim3A_2028 = vector.shape_cast %xor3A_2027 : vector<16xi32> to vector<16x1xi32>
      %gather3A_2029 = vector.shape_cast %broadcast_in_dim3A_2028 : vector<16x1xi32> to vector<16xi32>
      %gather3A_2030 = tpu.dynamic_gather %min3A_2024[%gather3A_2029] in [0] : vector<16xi32>, vector<16xi32> -> vector<16xi32>
      %min3A_2031 = arith.minsi %min3A_2024, %gather3A_2030 : vector<16xi32>
      %xor3A_2032 = arith.constant 2 : i32
      %xor3A_2033 = vector.broadcast %xor3A_2032 : i32 to vector<16xi32>
      %xor3A_2034 = arith.xori %iota3A_2017, %xor3A_2033 : vector<16xi32>
      %broadcast_in_dim3A_2035 = vector.shape_cast %xor3A_2034 : vector<16xi32> to vector<16x1xi32>
      %gather3A_2036 = vector.shape_cast %broadcast_in_dim3A_2035 : vector<16x1xi32> to vector<16xi32>
      %gather3A_2037 = tpu.dynamic_gather %min3A_2031[%gather3A_2036] in [0] : vector<16xi32>, vector<16xi32> -> vector<16xi32>
      %min3A_2038 = arith.minsi %min3A_2031, %gather3A_2037 : vector<16xi32>
      %xor3A_2039 = arith.constant 1 : i32
      %xor3A_2040 = vector.broadcast %xor3A_2039 : i32 to vector<16xi32>
      %xor3A_2041 = arith.xori %iota3A_2017, %xor3A_2040 : vector<16xi32>
      %broadcast_in_dim3A_2042 = vector.shape_cast %xor3A_2041 : vector<16xi32> to vector<16x1xi32>
      %gather3A_2043 = vector.shape_cast %broadcast_in_dim3A_2042 : vector<16x1xi32> to vector<16xi32>
      %gather3A_2044 = tpu.dynamic_gather %min3A_2038[%gather3A_2043] in [0] : vector<16xi32>, vector<16xi32> -> vector<16xi32>
      %min3A_2045 = arith.minsi %min3A_2038, %gather3A_2044 : vector<16xi32>
      %slice3A_2046 = vector.extract_strided_slice %min3A_2045 {offsets = [0], sizes = [1], strides = [1]} : vector<16xi32> to vector<1xi32>
      %squeeze3A_2047 = vector.extract %slice3A_2046[0] : i32 from vector<1xi32>
      %rem3A_2048 = arith.constant 16 : i32
      %rem3A_2049 = arith.remsi %squeeze3A_2047, %rem3A_2048 : i32
      %sub3A_2050 = arith.subi %squeeze3A_2047, %rem3A_2049 : i32
      %broadcast_in_dim3A_2051 = vector.broadcast %rem3A_2049 : i32 to vector<16xi32>
      %get3A_2052 = arith.index_cast %sub3A_2050 : i32 to index
      %get3A_2053 = tpu.vector_load %arg16[%get3A_2052] {strides = array<i32>} : memref<4112xi32, #tpu.memory_space<vmem>>, vector<16xi32>,
      %broadcast_in_dim3A_2054 = vector.broadcast %rem3A_2049 : i32 to vector<16xi32>
      %broadcast_in_dim3A_2055 = vector.shape_cast %broadcast_in_dim3A_2054 : vector<16xi32> to vector<16x1xi32>
      %gather3A_2056 = vector.shape_cast %broadcast_in_dim3A_2055 : vector<16x1xi32> to vector<16xi32>
      %gather3A_2057 = tpu.dynamic_gather %get3A_2053[%gather3A_2056] in [0] : vector<16xi32>, vector<16xi32> -> vector<16xi32>
      %get3A_2058 = arith.index_cast %sub3A_2050 : i32 to index
      %get3A_2059 = tpu.vector_load %arg15[%get3A_2058] {strides = array<i32>} : memref<4112xf32, #tpu.memory_space<vmem>>, vector<16xf32>,
      %eq3A_2060 = arith.cmpi eq, %iota3A, %broadcast_in_dim3A_2051 : vector<16xi32>
      %select_n3A_2061 = arith.select %eq3A_2060, %broadcast_in_dim3A_4, %get3A_2059 : vector<16xi1>, vector<16xf32>
      %swap3A_2062 = arith.index_cast %sub3A_2050 : i32 to index
      %swap3A_2063 = tpu.vector_load %arg15[%swap3A_2062] {strides = array<i32>} : memref<4112xf32, #tpu.memory_space<vmem>>, vector<16xf32>,
      tpu.vector_store %arg15[%swap3A_2062], %select_n3A_2061 {strides = array<i32>} : memref<4112xf32, #tpu.memory_space<vmem>>, vector<16xf32>,
      %eq3A_2064 = arith.constant 1 : i32
      %eq3A_2065 = vector.broadcast %eq3A_2064 : i32 to vector<16xi32>
      %eq3A_2066 = arith.cmpi eq, %iota3A, %eq3A_2065 : vector<16xi32>
      %select_n3A_2067 = arith.select %eq3A_2066, %max3A_2014, %select_n3A_1970 : vector<16xi1>, vector<16xf32>
      %eq3A_2068 = arith.constant 1 : i32
      %eq3A_2069 = vector.broadcast %eq3A_2068 : i32 to vector<16xi32>
      %eq3A_2070 = arith.cmpi eq, %iota3A, %eq3A_2069 : vector<16xi32>
      %select_n3A_2071 = arith.select %eq3A_2070, %gather3A_2057, %select_n3A_1974 : vector<16xi1>, vector<16xi32>
      %while3A_2072 = arith.constant 0 : i32
      %while3A_2073 = arith.subi %select_n3A_324, %while3A_2072 : i32
      %while3A_2074 = arith.addi %while3A_2072, %while3A_2073 : i32
      %while3A_2075 = arith.constant 1 : i32
      %while3A_2076 = arith.divsi %while3A_2073, %while3A_2075 : i32
      %while3A_2077 = arith.muli %while3A_2076, %while3A_2075 : i32
      %while3A_2078 = arith.addi %while3A_2072, %while3A_2077 : i32
      %while3A_2079 = arith.constant 1 : i32
      %while3A_2080:2 = scf.for %while3A_2358 = %while3A_2072 to %while3A_2078 step %while3A_2079 iter_args(%while3A_2359 = %broadcast_in_dim3A_4, %while3A_2360 = %broadcast_in_dim3A_330) -> (vector<16xf32>, vector<16xi32>)  : i32 {
        %mul3A_2361 = arith.constant 16 : i32
        %mul3A_2362 = arith.muli %while3A_2358, %mul3A_2361 : i32
        %get3A_2363 = arith.index_cast %mul3A_2362 : i32 to index
        %get3A_2364 = tpu.vector_load %arg15[%get3A_2363] {strides = array<i32>} : memref<4112xf32, #tpu.memory_space<vmem>>, vector<16xf32>,
        %gt3A_2365 = arith.cmpf ogt, %get3A_2364, %while3A_2359 : vector<16xf32>
        %select_n3A_2366 = arith.select %gt3A_2365, %get3A_2364, %while3A_2359 : vector<16xi1>, vector<16xf32>
        %mul3A_2367 = arith.constant 16 : i32
        %mul3A_2368 = arith.muli %while3A_2358, %mul3A_2367 : i32
        %add3A_2369 = vector.broadcast %mul3A_2368 : i32 to vector<16xi32>
        %add3A_2370 = arith.addi %add3A_2369, %iota3A : vector<16xi32>
        %select_n3A_2371 = arith.select %gt3A_2365, %add3A_2370, %while3A_2360 : vector<16xi1>, vector<16xi32>
        scf.yield %select_n3A_2366, %select_n3A_2371 : vector<16xf32>, vector<16xi32>
      }
      %while3A_2081 = arith.constant 1 : i32
      %while3A_2082:2 = scf.for %while3A_2358 = %while3A_2078 to %while3A_2074 step %while3A_2081 iter_args(%while3A_2359 = %while3A_2080#0, %while3A_2360 = %while3A_2080#1) -> (vector<16xf32>, vector<16xi32>)  : i32 {
        %mul3A_2361 = arith.constant 16 : i32
        %mul3A_2362 = arith.muli %while3A_2358, %mul3A_2361 : i32
        %get3A_2363 = arith.index_cast %mul3A_2362 : i32 to index
        %get3A_2364 = tpu.vector_load %arg15[%get3A_2363] {strides = array<i32>} : memref<4112xf32, #tpu.memory_space<vmem>>, vector<16xf32>,
        %gt3A_2365 = arith.cmpf ogt, %get3A_2364, %while3A_2359 : vector<16xf32>
        %select_n3A_2366 = arith.select %gt3A_2365, %get3A_2364, %while3A_2359 : vector<16xi1>, vector<16xf32>
        %mul3A_2367 = arith.constant 16 : i32
        %mul3A_2368 = arith.muli %while3A_2358, %mul3A_2367 : i32
        %add3A_2369 = vector.broadcast %mul3A_2368 : i32 to vector<16xi32>
        %add3A_2370 = arith.addi %add3A_2369, %iota3A : vector<16xi32>
        %select_n3A_2371 = arith.select %gt3A_2365, %add3A_2370, %while3A_2360 : vector<16xi1>, vector<16xi32>
        scf.yield %select_n3A_2366, %select_n3A_2371 : vector<16xf32>, vector<16xi32>
      }
      %iota3A_2083 = tpu.iota {dimensions = array<i32: 0>} : vector<16xi32>
      %xor3A_2084 = arith.constant 8 : i32
      %xor3A_2085 = vector.broadcast %xor3A_2084 : i32 to vector<16xi32>
      %xor3A_2086 = arith.xori %iota3A_2083, %xor3A_2085 : vector<16xi32>
      %broadcast_in_dim3A_2087 = vector.shape_cast %xor3A_2086 : vector<16xi32> to vector<16x1xi32>
      %gather3A_2088 = vector.shape_cast %broadcast_in_dim3A_2087 : vector<16x1xi32> to vector<16xi32>
      %gather3A_2089 = tpu.dynamic_gather %while3A_2082#0[%gather3A_2088] in [0] : vector<16xf32>, vector<16xi32> -> vector<16xf32>
      %max3A_2090 = arith.maximumf %while3A_2082#0, %gather3A_2089 : vector<16xf32>
      %xor3A_2091 = arith.constant 4 : i32
      %xor3A_2092 = vector.broadcast %xor3A_2091 : i32 to vector<16xi32>
      %xor3A_2093 = arith.xori %iota3A_2083, %xor3A_2092 : vector<16xi32>
      %broadcast_in_dim3A_2094 = vector.shape_cast %xor3A_2093 : vector<16xi32> to vector<16x1xi32>
      %gather3A_2095 = vector.shape_cast %broadcast_in_dim3A_2094 : vector<16x1xi32> to vector<16xi32>
      %gather3A_2096 = tpu.dynamic_gather %max3A_2090[%gather3A_2095] in [0] : vector<16xf32>, vector<16xi32> -> vector<16xf32>
      %max3A_2097 = arith.maximumf %max3A_2090, %gather3A_2096 : vector<16xf32>
      %xor3A_2098 = arith.constant 2 : i32
      %xor3A_2099 = vector.broadcast %xor3A_2098 : i32 to vector<16xi32>
      %xor3A_2100 = arith.xori %iota3A_2083, %xor3A_2099 : vector<16xi32>
      %broadcast_in_dim3A_2101 = vector.shape_cast %xor3A_2100 : vector<16xi32> to vector<16x1xi32>
      %gather3A_2102 = vector.shape_cast %broadcast_in_dim3A_2101 : vector<16x1xi32> to vector<16xi32>
      %gather3A_2103 = tpu.dynamic_gather %max3A_2097[%gather3A_2102] in [0] : vector<16xf32>, vector<16xi32> -> vector<16xf32>
      %max3A_2104 = arith.maximumf %max3A_2097, %gather3A_2103 : vector<16xf32>
      %xor3A_2105 = arith.constant 1 : i32
      %xor3A_2106 = vector.broadcast %xor3A_2105 : i32 to vector<16xi32>
      %xor3A_2107 = arith.xori %iota3A_2083, %xor3A_2106 : vector<16xi32>
      %broadcast_in_dim3A_2108 = vector.shape_cast %xor3A_2107 : vector<16xi32> to vector<16x1xi32>
      %gather3A_2109 = vector.shape_cast %broadcast_in_dim3A_2108 : vector<16x1xi32> to vector<16xi32>
      %gather3A_2110 = tpu.dynamic_gather %max3A_2104[%gather3A_2109] in [0] : vector<16xf32>, vector<16xi32> -> vector<16xf32>
      %max3A_2111 = arith.maximumf %max3A_2104, %gather3A_2110 : vector<16xf32>
      %eq3A_2112 = arith.cmpf oeq, %while3A_2082#0, %max3A_2111 : vector<16xf32>
      %select_n3A_2113 = arith.select %eq3A_2112, %while3A_2082#1, %broadcast_in_dim3A_330 : vector<16xi1>, vector<16xi32>
      %iota3A_2114 = tpu.iota {dimensions = array<i32: 0>} : vector<16xi32>
      %xor3A_2115 = arith.constant 8 : i32
      %xor3A_2116 = vector.broadcast %xor3A_2115 : i32 to vector<16xi32>
      %xor3A_2117 = arith.xori %iota3A_2114, %xor3A_2116 : vector<16xi32>
      %broadcast_in_dim3A_2118 = vector.shape_cast %xor3A_2117 : vector<16xi32> to vector<16x1xi32>
      %gather3A_2119 = vector.shape_cast %broadcast_in_dim3A_2118 : vector<16x1xi32> to vector<16xi32>
      %gather3A_2120 = tpu.dynamic_gather %select_n3A_2113[%gather3A_2119] in [0] : vector<16xi32>, vector<16xi32> -> vector<16xi32>
      %min3A_2121 = arith.minsi %select_n3A_2113, %gather3A_2120 : vector<16xi32>
      %xor3A_2122 = arith.constant 4 : i32
      %xor3A_2123 = vector.broadcast %xor3A_2122 : i32 to vector<16xi32>
      %xor3A_2124 = arith.xori %iota3A_2114, %xor3A_2123 : vector<16xi32>
      %broadcast_in_dim3A_2125 = vector.shape_cast %xor3A_2124 : vector<16xi32> to vector<16x1xi32>
      %gather3A_2126 = vector.shape_cast %broadcast_in_dim3A_2125 : vector<16x1xi32> to vector<16xi32>
      %gather3A_2127 = tpu.dynamic_gather %min3A_2121[%gather3A_2126] in [0] : vector<16xi32>, vector<16xi32> -> vector<16xi32>
      %min3A_2128 = arith.minsi %min3A_2121, %gather3A_2127 : vector<16xi32>
      %xor3A_2129 = arith.constant 2 : i32
      %xor3A_2130 = vector.broadcast %xor3A_2129 : i32 to vector<16xi32>
      %xor3A_2131 = arith.xori %iota3A_2114, %xor3A_2130 : vector<16xi32>
      %broadcast_in_dim3A_2132 = vector.shape_cast %xor3A_2131 : vector<16xi32> to vector<16x1xi32>
      %gather3A_2133 = vector.shape_cast %broadcast_in_dim3A_2132 : vector<16x1xi32> to vector<16xi32>
      %gather3A_2134 = tpu.dynamic_gather %min3A_2128[%gather3A_2133] in [0] : vector<16xi32>, vector<16xi32> -> vector<16xi32>
      %min3A_2135 = arith.minsi %min3A_2128, %gather3A_2134 : vector<16xi32>
      %xor3A_2136 = arith.constant 1 : i32
      %xor3A_2137 = vector.broadcast %xor3A_2136 : i32 to vector<16xi32>
      %xor3A_2138 = arith.xori %iota3A_2114, %xor3A_2137 : vector<16xi32>
      %broadcast_in_dim3A_2139 = vector.shape_cast %xor3A_2138 : vector<16xi32> to vector<16x1xi32>
      %gather3A_2140 = vector.shape_cast %broadcast_in_dim3A_2139 : vector<16x1xi32> to vector<16xi32>
      %gather3A_2141 = tpu.dynamic_gather %min3A_2135[%gather3A_2140] in [0] : vector<16xi32>, vector<16xi32> -> vector<16xi32>
      %min3A_2142 = arith.minsi %min3A_2135, %gather3A_2141 : vector<16xi32>
      %slice3A_2143 = vector.extract_strided_slice %min3A_2142 {offsets = [0], sizes = [1], strides = [1]} : vector<16xi32> to vector<1xi32>
      %squeeze3A_2144 = vector.extract %slice3A_2143[0] : i32 from vector<1xi32>
      %rem3A_2145 = arith.constant 16 : i32
      %rem3A_2146 = arith.remsi %squeeze3A_2144, %rem3A_2145 : i32
      %sub3A_2147 = arith.subi %squeeze3A_2144, %rem3A_2146 : i32
      %broadcast_in_dim3A_2148 = vector.broadcast %rem3A_2146 : i32 to vector<16xi32>
      %get3A_2149 = arith.index_cast %sub3A_2147 : i32 to index
      %get3A_2150 = tpu.vector_load %arg16[%get3A_2149] {strides = array<i32>} : memref<4112xi32, #tpu.memory_space<vmem>>, vector<16xi32>,
      %broadcast_in_dim3A_2151 = vector.broadcast %rem3A_2146 : i32 to vector<16xi32>
      %broadcast_in_dim3A_2152 = vector.shape_cast %broadcast_in_dim3A_2151 : vector<16xi32> to vector<16x1xi32>
      %gather3A_2153 = vector.shape_cast %broadcast_in_dim3A_2152 : vector<16x1xi32> to vector<16xi32>
      %gather3A_2154 = tpu.dynamic_gather %get3A_2150[%gather3A_2153] in [0] : vector<16xi32>, vector<16xi32> -> vector<16xi32>
      %get3A_2155 = arith.index_cast %sub3A_2147 : i32 to index
      %get3A_2156 = tpu.vector_load %arg15[%get3A_2155] {strides = array<i32>} : memref<4112xf32, #tpu.memory_space<vmem>>, vector<16xf32>,
      %eq3A_2157 = arith.cmpi eq, %iota3A, %broadcast_in_dim3A_2148 : vector<16xi32>
      %select_n3A_2158 = arith.select %eq3A_2157, %broadcast_in_dim3A_4, %get3A_2156 : vector<16xi1>, vector<16xf32>
      %swap3A_2159 = arith.index_cast %sub3A_2147 : i32 to index
      %swap3A_2160 = tpu.vector_load %arg15[%swap3A_2159] {strides = array<i32>} : memref<4112xf32, #tpu.memory_space<vmem>>, vector<16xf32>,
      tpu.vector_store %arg15[%swap3A_2159], %select_n3A_2158 {strides = array<i32>} : memref<4112xf32, #tpu.memory_space<vmem>>, vector<16xf32>,
      %eq3A_2161 = arith.constant 2 : i32
      %eq3A_2162 = vector.broadcast %eq3A_2161 : i32 to vector<16xi32>
      %eq3A_2163 = arith.cmpi eq, %iota3A, %eq3A_2162 : vector<16xi32>
      %select_n3A_2164 = arith.select %eq3A_2163, %max3A_2111, %select_n3A_2067 : vector<16xi1>, vector<16xf32>
      %eq3A_2165 = arith.constant 2 : i32
      %eq3A_2166 = vector.broadcast %eq3A_2165 : i32 to vector<16xi32>
      %eq3A_2167 = arith.cmpi eq, %iota3A, %eq3A_2166 : vector<16xi32>
      %select_n3A_2168 = arith.select %eq3A_2167, %gather3A_2154, %select_n3A_2071 : vector<16xi1>, vector<16xi32>
      %while3A_2169 = arith.constant 0 : i32
      %while3A_2170 = arith.subi %select_n3A_324, %while3A_2169 : i32
      %while3A_2171 = arith.addi %while3A_2169, %while3A_2170 : i32
      %while3A_2172 = arith.constant 1 : i32
      %while3A_2173 = arith.divsi %while3A_2170, %while3A_2172 : i32
      %while3A_2174 = arith.muli %while3A_2173, %while3A_2172 : i32
      %while3A_2175 = arith.addi %while3A_2169, %while3A_2174 : i32
      %while3A_2176 = arith.constant 1 : i32
      %while3A_2177:2 = scf.for %while3A_2358 = %while3A_2169 to %while3A_2175 step %while3A_2176 iter_args(%while3A_2359 = %broadcast_in_dim3A_4, %while3A_2360 = %broadcast_in_dim3A_330) -> (vector<16xf32>, vector<16xi32>)  : i32 {
        %mul3A_2361 = arith.constant 16 : i32
        %mul3A_2362 = arith.muli %while3A_2358, %mul3A_2361 : i32
        %get3A_2363 = arith.index_cast %mul3A_2362 : i32 to index
        %get3A_2364 = tpu.vector_load %arg15[%get3A_2363] {strides = array<i32>} : memref<4112xf32, #tpu.memory_space<vmem>>, vector<16xf32>,
        %gt3A_2365 = arith.cmpf ogt, %get3A_2364, %while3A_2359 : vector<16xf32>
        %select_n3A_2366 = arith.select %gt3A_2365, %get3A_2364, %while3A_2359 : vector<16xi1>, vector<16xf32>
        %mul3A_2367 = arith.constant 16 : i32
        %mul3A_2368 = arith.muli %while3A_2358, %mul3A_2367 : i32
        %add3A_2369 = vector.broadcast %mul3A_2368 : i32 to vector<16xi32>
        %add3A_2370 = arith.addi %add3A_2369, %iota3A : vector<16xi32>
        %select_n3A_2371 = arith.select %gt3A_2365, %add3A_2370, %while3A_2360 : vector<16xi1>, vector<16xi32>
        scf.yield %select_n3A_2366, %select_n3A_2371 : vector<16xf32>, vector<16xi32>
      }
      %while3A_2178 = arith.constant 1 : i32
      %while3A_2179:2 = scf.for %while3A_2358 = %while3A_2175 to %while3A_2171 step %while3A_2178 iter_args(%while3A_2359 = %while3A_2177#0, %while3A_2360 = %while3A_2177#1) -> (vector<16xf32>, vector<16xi32>)  : i32 {
        %mul3A_2361 = arith.constant 16 : i32
        %mul3A_2362 = arith.muli %while3A_2358, %mul3A_2361 : i32
        %get3A_2363 = arith.index_cast %mul3A_2362 : i32 to index
        %get3A_2364 = tpu.vector_load %arg15[%get3A_2363] {strides = array<i32>} : memref<4112xf32, #tpu.memory_space<vmem>>, vector<16xf32>,
        %gt3A_2365 = arith.cmpf ogt, %get3A_2364, %while3A_2359 : vector<16xf32>
        %select_n3A_2366 = arith.select %gt3A_2365, %get3A_2364, %while3A_2359 : vector<16xi1>, vector<16xf32>
        %mul3A_2367 = arith.constant 16 : i32
        %mul3A_2368 = arith.muli %while3A_2358, %mul3A_2367 : i32
        %add3A_2369 = vector.broadcast %mul3A_2368 : i32 to vector<16xi32>
        %add3A_2370 = arith.addi %add3A_2369, %iota3A : vector<16xi32>
        %select_n3A_2371 = arith.select %gt3A_2365, %add3A_2370, %while3A_2360 : vector<16xi1>, vector<16xi32>
        scf.yield %select_n3A_2366, %select_n3A_2371 : vector<16xf32>, vector<16xi32>
      }
      %iota3A_2180 = tpu.iota {dimensions = array<i32: 0>} : vector<16xi32>
      %xor3A_2181 = arith.constant 8 : i32
      %xor3A_2182 = vector.broadcast %xor3A_2181 : i32 to vector<16xi32>
      %xor3A_2183 = arith.xori %iota3A_2180, %xor3A_2182 : vector<16xi32>
      %broadcast_in_dim3A_2184 = vector.shape_cast %xor3A_2183 : vector<16xi32> to vector<16x1xi32>
      %gather3A_2185 = vector.shape_cast %broadcast_in_dim3A_2184 : vector<16x1xi32> to vector<16xi32>
      %gather3A_2186 = tpu.dynamic_gather %while3A_2179#0[%gather3A_2185] in [0] : vector<16xf32>, vector<16xi32> -> vector<16xf32>
      %max3A_2187 = arith.maximumf %while3A_2179#0, %gather3A_2186 : vector<16xf32>
      %xor3A_2188 = arith.constant 4 : i32
      %xor3A_2189 = vector.broadcast %xor3A_2188 : i32 to vector<16xi32>
      %xor3A_2190 = arith.xori %iota3A_2180, %xor3A_2189 : vector<16xi32>
      %broadcast_in_dim3A_2191 = vector.shape_cast %xor3A_2190 : vector<16xi32> to vector<16x1xi32>
      %gather3A_2192 = vector.shape_cast %broadcast_in_dim3A_2191 : vector<16x1xi32> to vector<16xi32>
      %gather3A_2193 = tpu.dynamic_gather %max3A_2187[%gather3A_2192] in [0] : vector<16xf32>, vector<16xi32> -> vector<16xf32>
      %max3A_2194 = arith.maximumf %max3A_2187, %gather3A_2193 : vector<16xf32>
      %xor3A_2195 = arith.constant 2 : i32
      %xor3A_2196 = vector.broadcast %xor3A_2195 : i32 to vector<16xi32>
      %xor3A_2197 = arith.xori %iota3A_2180, %xor3A_2196 : vector<16xi32>
      %broadcast_in_dim3A_2198 = vector.shape_cast %xor3A_2197 : vector<16xi32> to vector<16x1xi32>
      %gather3A_2199 = vector.shape_cast %broadcast_in_dim3A_2198 : vector<16x1xi32> to vector<16xi32>
      %gather3A_2200 = tpu.dynamic_gather %max3A_2194[%gather3A_2199] in [0] : vector<16xf32>, vector<16xi32> -> vector<16xf32>
      %max3A_2201 = arith.maximumf %max3A_2194, %gather3A_2200 : vector<16xf32>
      %xor3A_2202 = arith.constant 1 : i32
      %xor3A_2203 = vector.broadcast %xor3A_2202 : i32 to vector<16xi32>
      %xor3A_2204 = arith.xori %iota3A_2180, %xor3A_2203 : vector<16xi32>
      %broadcast_in_dim3A_2205 = vector.shape_cast %xor3A_2204 : vector<16xi32> to vector<16x1xi32>
      %gather3A_2206 = vector.shape_cast %broadcast_in_dim3A_2205 : vector<16x1xi32> to vector<16xi32>
      %gather3A_2207 = tpu.dynamic_gather %max3A_2201[%gather3A_2206] in [0] : vector<16xf32>, vector<16xi32> -> vector<16xf32>
      %max3A_2208 = arith.maximumf %max3A_2201, %gather3A_2207 : vector<16xf32>
      %eq3A_2209 = arith.cmpf oeq, %while3A_2179#0, %max3A_2208 : vector<16xf32>
      %select_n3A_2210 = arith.select %eq3A_2209, %while3A_2179#1, %broadcast_in_dim3A_330 : vector<16xi1>, vector<16xi32>
      %iota3A_2211 = tpu.iota {dimensions = array<i32: 0>} : vector<16xi32>
      %xor3A_2212 = arith.constant 8 : i32
      %xor3A_2213 = vector.broadcast %xor3A_2212 : i32 to vector<16xi32>
      %xor3A_2214 = arith.xori %iota3A_2211, %xor3A_2213 : vector<16xi32>
      %broadcast_in_dim3A_2215 = vector.shape_cast %xor3A_2214 : vector<16xi32> to vector<16x1xi32>
      %gather3A_2216 = vector.shape_cast %broadcast_in_dim3A_2215 : vector<16x1xi32> to vector<16xi32>
      %gather3A_2217 = tpu.dynamic_gather %select_n3A_2210[%gather3A_2216] in [0] : vector<16xi32>, vector<16xi32> -> vector<16xi32>
      %min3A_2218 = arith.minsi %select_n3A_2210, %gather3A_2217 : vector<16xi32>
      %xor3A_2219 = arith.constant 4 : i32
      %xor3A_2220 = vector.broadcast %xor3A_2219 : i32 to vector<16xi32>
      %xor3A_2221 = arith.xori %iota3A_2211, %xor3A_2220 : vector<16xi32>
      %broadcast_in_dim3A_2222 = vector.shape_cast %xor3A_2221 : vector<16xi32> to vector<16x1xi32>
      %gather3A_2223 = vector.shape_cast %broadcast_in_dim3A_2222 : vector<16x1xi32> to vector<16xi32>
      %gather3A_2224 = tpu.dynamic_gather %min3A_2218[%gather3A_2223] in [0] : vector<16xi32>, vector<16xi32> -> vector<16xi32>
      %min3A_2225 = arith.minsi %min3A_2218, %gather3A_2224 : vector<16xi32>
      %xor3A_2226 = arith.constant 2 : i32
      %xor3A_2227 = vector.broadcast %xor3A_2226 : i32 to vector<16xi32>
      %xor3A_2228 = arith.xori %iota3A_2211, %xor3A_2227 : vector<16xi32>
      %broadcast_in_dim3A_2229 = vector.shape_cast %xor3A_2228 : vector<16xi32> to vector<16x1xi32>
      %gather3A_2230 = vector.shape_cast %broadcast_in_dim3A_2229 : vector<16x1xi32> to vector<16xi32>
      %gather3A_2231 = tpu.dynamic_gather %min3A_2225[%gather3A_2230] in [0] : vector<16xi32>, vector<16xi32> -> vector<16xi32>
      %min3A_2232 = arith.minsi %min3A_2225, %gather3A_2231 : vector<16xi32>
      %xor3A_2233 = arith.constant 1 : i32
      %xor3A_2234 = vector.broadcast %xor3A_2233 : i32 to vector<16xi32>
      %xor3A_2235 = arith.xori %iota3A_2211, %xor3A_2234 : vector<16xi32>
      %broadcast_in_dim3A_2236 = vector.shape_cast %xor3A_2235 : vector<16xi32> to vector<16x1xi32>
      %gather3A_2237 = vector.shape_cast %broadcast_in_dim3A_2236 : vector<16x1xi32> to vector<16xi32>
      %gather3A_2238 = tpu.dynamic_gather %min3A_2232[%gather3A_2237] in [0] : vector<16xi32>, vector<16xi32> -> vector<16xi32>
      %min3A_2239 = arith.minsi %min3A_2232, %gather3A_2238 : vector<16xi32>
      %slice3A_2240 = vector.extract_strided_slice %min3A_2239 {offsets = [0], sizes = [1], strides = [1]} : vector<16xi32> to vector<1xi32>
      %squeeze3A_2241 = vector.extract %slice3A_2240[0] : i32 from vector<1xi32>
      %rem3A_2242 = arith.constant 16 : i32
      %rem3A_2243 = arith.remsi %squeeze3A_2241, %rem3A_2242 : i32
      %sub3A_2244 = arith.subi %squeeze3A_2241, %rem3A_2243 : i32
      %broadcast_in_dim3A_2245 = vector.broadcast %rem3A_2243 : i32 to vector<16xi32>
      %get3A_2246 = arith.index_cast %sub3A_2244 : i32 to index
      %get3A_2247 = tpu.vector_load %arg16[%get3A_2246] {strides = array<i32>} : memref<4112xi32, #tpu.memory_space<vmem>>, vector<16xi32>,
      %broadcast_in_dim3A_2248 = vector.broadcast %rem3A_2243 : i32 to vector<16xi32>
      %broadcast_in_dim3A_2249 = vector.shape_cast %broadcast_in_dim3A_2248 : vector<16xi32> to vector<16x1xi32>
      %gather3A_2250 = vector.shape_cast %broadcast_in_dim3A_2249 : vector<16x1xi32> to vector<16xi32>
      %gather3A_2251 = tpu.dynamic_gather %get3A_2247[%gather3A_2250] in [0] : vector<16xi32>, vector<16xi32> -> vector<16xi32>
      %get3A_2252 = arith.index_cast %sub3A_2244 : i32 to index
      %get3A_2253 = tpu.vector_load %arg15[%get3A_2252] {strides = array<i32>} : memref<4112xf32, #tpu.memory_space<vmem>>, vector<16xf32>,
      %eq3A_2254 = arith.cmpi eq, %iota3A, %broadcast_in_dim3A_2245 : vector<16xi32>
      %select_n3A_2255 = arith.select %eq3A_2254, %broadcast_in_dim3A_4, %get3A_2253 : vector<16xi1>, vector<16xf32>
      %swap3A_2256 = arith.index_cast %sub3A_2244 : i32 to index
      %swap3A_2257 = tpu.vector_load %arg15[%swap3A_2256] {strides = array<i32>} : memref<4112xf32, #tpu.memory_space<vmem>>, vector<16xf32>,
      tpu.vector_store %arg15[%swap3A_2256], %select_n3A_2255 {strides = array<i32>} : memref<4112xf32, #tpu.memory_space<vmem>>, vector<16xf32>,
      %eq3A_2258 = arith.constant 3 : i32
      %eq3A_2259 = vector.broadcast %eq3A_2258 : i32 to vector<16xi32>
      %eq3A_2260 = arith.cmpi eq, %iota3A, %eq3A_2259 : vector<16xi32>
      %select_n3A_2261 = arith.select %eq3A_2260, %max3A_2208, %select_n3A_2164 : vector<16xi1>, vector<16xf32>
      %eq3A_2262 = arith.constant 3 : i32
      %eq3A_2263 = vector.broadcast %eq3A_2262 : i32 to vector<16xi32>
      %eq3A_2264 = arith.cmpi eq, %iota3A, %eq3A_2263 : vector<16xi32>
      %select_n3A_2265 = arith.select %eq3A_2264, %gather3A_2251, %select_n3A_2168 : vector<16xi1>, vector<16xi32>
      %get3A_2266 = arith.constant 0 : index
      %get3A_2267 = tpu.vector_load %arg17[%get3A_2266] {strides = array<i32>} : memref<32xf32, #tpu.memory_space<vmem>>, vector<16xf32>,
      %get3A_2268 = arith.constant 16 : index
      %get3A_2269 = tpu.vector_load %arg17[%get3A_2268] {strides = array<i32>} : memref<32xf32, #tpu.memory_space<vmem>>, vector<16xf32>,
      %min3A_2270 = arith.constant 15 : i32
      %min3A_2271 = arith.minsi %scan3A_251, %min3A_2270 : i32
      %broadcast_in_dim3A_2272 = vector.broadcast %min3A_2271 : i32 to vector<16xi32>
      %broadcast_in_dim3A_2273 = vector.shape_cast %broadcast_in_dim3A_2272 : vector<16xi32> to vector<16x1xi32>
      %gather3A_2274 = vector.shape_cast %broadcast_in_dim3A_2273 : vector<16x1xi32> to vector<16xi32>
      %gather3A_2275 = tpu.dynamic_gather %get3A_2267[%gather3A_2274] in [0] : vector<16xf32>, vector<16xi32> -> vector<16xf32>
      %sub3A_2276 = arith.constant 16 : i32
      %sub3A_2277 = arith.subi %scan3A_251, %sub3A_2276 : i32
      %max3A_2278 = arith.constant 0 : i32
      %max3A_2279 = arith.maxsi %sub3A_2277, %max3A_2278 : i32
      %broadcast_in_dim3A_2280 = vector.broadcast %max3A_2279 : i32 to vector<16xi32>
      %broadcast_in_dim3A_2281 = vector.shape_cast %broadcast_in_dim3A_2280 : vector<16xi32> to vector<16x1xi32>
      %gather3A_2282 = vector.shape_cast %broadcast_in_dim3A_2281 : vector<16x1xi32> to vector<16xi32>
      %gather3A_2283 = tpu.dynamic_gather %get3A_2269[%gather3A_2282] in [0] : vector<16xf32>, vector<16xi32> -> vector<16xf32>
      %ge3A_2284 = arith.constant 16 : i32
      %ge3A_2285 = arith.cmpi sge, %scan3A_251, %ge3A_2284 : i32
      %broadcast_in_dim3A_2286 = vector.broadcast %ge3A_2285 : i1 to vector<16xi1>
      %select_n3A_2287 = arith.select %broadcast_in_dim3A_2286, %gather3A_2283, %gather3A_2275 : vector<16xi1>, vector<16xf32>
      %get3A_2288 = arith.constant 0 : index
      %get3A_2289 = tpu.vector_load %arg18[%get3A_2288] {strides = array<i32>} : memref<32xf32, #tpu.memory_space<vmem>>, vector<16xf32>,
      %get3A_2290 = arith.constant 16 : index
      %get3A_2291 = tpu.vector_load %arg18[%get3A_2290] {strides = array<i32>} : memref<32xf32, #tpu.memory_space<vmem>>, vector<16xf32>,
      %min3A_2292 = arith.constant 15 : i32
      %min3A_2293 = arith.minsi %scan3A_251, %min3A_2292 : i32
      %broadcast_in_dim3A_2294 = vector.broadcast %min3A_2293 : i32 to vector<16xi32>
      %broadcast_in_dim3A_2295 = vector.shape_cast %broadcast_in_dim3A_2294 : vector<16xi32> to vector<16x1xi32>
      %gather3A_2296 = vector.shape_cast %broadcast_in_dim3A_2295 : vector<16x1xi32> to vector<16xi32>
      %gather3A_2297 = tpu.dynamic_gather %get3A_2289[%gather3A_2296] in [0] : vector<16xf32>, vector<16xi32> -> vector<16xf32>
      %sub3A_2298 = arith.constant 16 : i32
      %sub3A_2299 = arith.subi %scan3A_251, %sub3A_2298 : i32
      %max3A_2300 = arith.constant 0 : i32
      %max3A_2301 = arith.maxsi %sub3A_2299, %max3A_2300 : i32
      %broadcast_in_dim3A_2302 = vector.broadcast %max3A_2301 : i32 to vector<16xi32>
      %broadcast_in_dim3A_2303 = vector.shape_cast %broadcast_in_dim3A_2302 : vector<16xi32> to vector<16x1xi32>
      %gather3A_2304 = vector.shape_cast %broadcast_in_dim3A_2303 : vector<16x1xi32> to vector<16xi32>
      %gather3A_2305 = tpu.dynamic_gather %get3A_2291[%gather3A_2304] in [0] : vector<16xf32>, vector<16xi32> -> vector<16xf32>
      %ge3A_2306 = arith.constant 16 : i32
      %ge3A_2307 = arith.cmpi sge, %scan3A_251, %ge3A_2306 : i32
      %broadcast_in_dim3A_2308 = vector.broadcast %ge3A_2307 : i1 to vector<16xi1>
      %select_n3A_2309 = arith.select %broadcast_in_dim3A_2308, %gather3A_2305, %gather3A_2297 : vector<16xi1>, vector<16xf32>
      %sub3A_2310 = arith.subf %select_n3A_1873, %select_n3A_2287 : vector<16xf32>
      %exp3A = math.exp %sub3A_2310 : vector<16xf32>
      %div3A_2311 = arith.divf %exp3A, %select_n3A_2309 : vector<16xf32>
      %sub3A_2312 = arith.subf %select_n3A_2261, %select_n3A_2287 : vector<16xf32>
      %exp3A_2313 = math.exp %sub3A_2312 : vector<16xf32>
      %div3A_2314 = arith.divf %exp3A_2313, %select_n3A_2309 : vector<16xf32>
      %gt3A = arith.constant 0.000000e+00 : f32
      %gt3A_2315 = vector.broadcast %gt3A : f32 to vector<16xf32>
      %gt3A_2316 = arith.cmpf ogt, %div3A_2311, %gt3A_2315 : vector<16xf32>
      %lt3A_2317 = arith.cmpi slt, %iota3A, %get3A_3 : vector<16xi32>
      %and3A_2318 = arith.andi %gt3A_2316, %lt3A_2317 : vector<16xi1>
      %gt3A_2319 = arith.constant 0.000000e+00 : f32
      %gt3A_2320 = vector.broadcast %gt3A_2319 : f32 to vector<16xf32>
      %gt3A_2321 = arith.cmpf ogt, %div3A_2314, %gt3A_2320 : vector<16xf32>
      %add3A_2322 = arith.constant 16 : i32
      %add3A_2323 = vector.broadcast %add3A_2322 : i32 to vector<16xi32>
      %add3A_2324 = arith.addi %iota3A, %add3A_2323 : vector<16xi32>
      %lt3A_2325 = arith.cmpi slt, %add3A_2324, %get3A_3 : vector<16xi32>
      %and3A_2326 = arith.andi %gt3A_2321, %lt3A_2325 : vector<16xi1>
      %all_reduce_population_count3A = tpu.all_reduce %and3A_2318 {dim = 0 : i64, kind = #tpu.reduction_kind<sum>} : vector<16xi1> -> vector<16xi32>
      %all_reduce_population_count3A_2327 = tpu.all_reduce %and3A_2326 {dim = 0 : i64, kind = #tpu.reduction_kind<sum>} : vector<16xi1> -> vector<16xi32>
      %add3A_2328 = arith.addi %all_reduce_population_count3A, %all_reduce_population_count3A_2327 : vector<16xi32>
      %broadcast_in_dim3A_2329 = vector.broadcast %scan3A_251 : i32 to vector<16xi32>
      %eq3A_2330 = arith.cmpi eq, %iota3A, %broadcast_in_dim3A_2329 : vector<16xi32>
      %select_n3A_2331 = arith.select %eq3A_2330, %add3A_2328, %scan3A_252 : vector<16xi1>, vector<16xi32>
      %sub3A_2332 = arith.constant 16 : i32
      %sub3A_2333 = vector.broadcast %sub3A_2332 : i32 to vector<16xi32>
      %sub3A_2334 = arith.subi %broadcast_in_dim3A_2329, %sub3A_2333 : vector<16xi32>
      %eq3A_2335 = arith.cmpi eq, %iota3A, %sub3A_2334 : vector<16xi32>
      %select_n3A_2336 = arith.select %eq3A_2335, %add3A_2328, %scan3A_253 : vector<16xi1>, vector<16xi32>
      %mul3A_2337 = arith.constant 20 : i32
      %mul3A_2338 = arith.muli %scan3A_251, %mul3A_2337 : i32
      %broadcast_in_dim3A_2339 = vector.broadcast %add3A_254 : i32 to vector<16xi32>
      %swap3A_2340 = arith.index_cast %mul3A_2338 : i32 to index
      %swap3A_2341 = tpu.vector_load %arg21[%swap3A_2340] {strides = array<i32>} : memref<656xi32, #tpu.memory_space<vmem>>, vector<16xi32>,
      tpu.vector_store %arg21[%swap3A_2340], %broadcast_in_dim3A_2339 {strides = array<i32>} : memref<656xi32, #tpu.memory_space<vmem>>, vector<16xi32>,
      %add3A_2342 = arith.constant 16 : i32
      %add3A_2343 = arith.addi %mul3A_2338, %add3A_2342 : i32
      %swap3A_2344 = arith.index_cast %add3A_2343 : i32 to index
      %swap3A_2345 = tpu.vector_load %arg21[%swap3A_2344] {strides = array<i32>} : memref<656xi32, #tpu.memory_space<vmem>>, vector<16xi32>,
      tpu.vector_store %arg21[%swap3A_2344], %broadcast_in_dim3A_2339 {strides = array<i32>} : memref<656xi32, #tpu.memory_space<vmem>>, vector<16xi32>,
      %swap3A_2346 = arith.index_cast %mul3A_2338 : i32 to index
      %swap3A_2347 = tpu.vector_load %arg22[%swap3A_2346] {strides = array<i32>} : memref<656xi32, #tpu.memory_space<vmem>>, vector<16xi32>,
      tpu.vector_store %arg22[%swap3A_2346], %select_n3A_1877 {strides = array<i32>} : memref<656xi32, #tpu.memory_space<vmem>>, vector<16xi32>,
      %add3A_2348 = arith.constant 16 : i32
      %add3A_2349 = arith.addi %mul3A_2338, %add3A_2348 : i32
      %swap3A_2350 = arith.index_cast %add3A_2349 : i32 to index
      %swap3A_2351 = tpu.vector_load %arg22[%swap3A_2350] {strides = array<i32>} : memref<656xi32, #tpu.memory_space<vmem>>, vector<16xi32>,
      tpu.vector_store %arg22[%swap3A_2350], %select_n3A_2265 {strides = array<i32>} : memref<656xi32, #tpu.memory_space<vmem>>, vector<16xi32>,
      %swap3A_2352 = arith.index_cast %mul3A_2338 : i32 to index
      %swap3A_2353 = tpu.vector_load %arg23[%swap3A_2352] {strides = array<i32>} : memref<656xf32, #tpu.memory_space<vmem>>, vector<16xf32>,
      tpu.vector_store %arg23[%swap3A_2352], %div3A_2311 {strides = array<i32>} : memref<656xf32, #tpu.memory_space<vmem>>, vector<16xf32>,
      %add3A_2354 = arith.constant 16 : i32
      %add3A_2355 = arith.addi %mul3A_2338, %add3A_2354 : i32
      %swap3A_2356 = arith.index_cast %add3A_2355 : i32 to index
      %swap3A_2357 = tpu.vector_load %arg23[%swap3A_2356] {strides = array<i32>} : memref<656xf32, #tpu.memory_space<vmem>>, vector<16xf32>,
      tpu.vector_store %arg23[%swap3A_2356], %div3A_2314 {strides = array<i32>} : memref<656xf32, #tpu.memory_space<vmem>>, vector<16xf32>,
      scf.yield %select_n3A_2331, %select_n3A_2336 : vector<16xi32>, vector<16xi32>
    }
    %scan3A_240 = arith.constant 32 : i32
    %swap3A_241 = arith.constant 0 : index
    %swap3A_242 = tpu.vector_load %arg24[%swap3A_241] {strides = array<i32>} : memref<32xi32, #tpu.memory_space<vmem>>, vector<16xi32>,
    tpu.vector_store %arg24[%swap3A_241], %scan3A_239#0 {strides = array<i32>} : memref<32xi32, #tpu.memory_space<vmem>>, vector<16xi32>,
    %swap3A_243 = arith.constant 16 : index
    %swap3A_244 = tpu.vector_load %arg24[%swap3A_243] {strides = array<i32>} : memref<32xi32, #tpu.memory_space<vmem>>, vector<16xi32>,
    tpu.vector_store %arg24[%swap3A_243], %scan3A_239#1 {strides = array<i32>} : memref<32xi32, #tpu.memory_space<vmem>>, vector<16xi32>,
    %mul3A_245 = arith.constant 20 : i32
    %mul3A_246 = arith.muli %mul3A_2, %mul3A_245 : i32
    "tpu.region"() ({
      %run_scoped3A = tpu.sem_alloc : memref<!tpu.dma_semaphore, #tpu.memory_space<semaphore_mem>>
      %dma_start3A_251 = arith.constant 0 : i32
      %dma_start3A_252 = tpu.memref_slice %arg21[%dma_start3A_251] : memref<656xi32, #tpu.memory_space<vmem>> -> memref<640xi32, #tpu.memory_space<vmem>>
      %dma_start3A_253 = tpu.memref_slice %arg8[%mul3A_246] : memref<20480xi32, #tpu.memory_space<hbm>> -> memref<640xi32, #tpu.memory_space<hbm>>
      %dma_start3A_254 = tpu.memref_slice %arg8[%mul3A_246] : memref<20480xi32, #tpu.memory_space<hbm>> -> memref<640xi32, #tpu.memory_space<hbm>>
      %dma_start3A_255 = arith.constant 0 : i32
      %dma_start3A_256 = tpu.memref_slice %arg21[%dma_start3A_255] : memref<656xi32, #tpu.memory_space<vmem>> -> memref<640xi32, #tpu.memory_space<vmem>>
      tpu.enqueue_dma source(%dma_start3A_256 : memref<640xi32, #tpu.memory_space<vmem>>) target(%dma_start3A_254 : memref<640xi32, #tpu.memory_space<hbm>>) target_semaphore(%run_scoped3A : memref<!tpu.dma_semaphore, #tpu.memory_space<semaphore_mem>>)
      %dma_wait3A = arith.constant 0 : i32
      %dma_wait3A_257 = tpu.memref_slice %arg21[%dma_wait3A] : memref<656xi32, #tpu.memory_space<vmem>> -> memref<640xi32, #tpu.memory_space<vmem>>
      %dma_wait3A_258 = tpu.memref_slice %arg8[%mul3A_246] : memref<20480xi32, #tpu.memory_space<hbm>> -> memref<640xi32, #tpu.memory_space<hbm>>
      %dma_wait3A_259 = tpu.memref_slice %arg8[%mul3A_246] : memref<20480xi32, #tpu.memory_space<hbm>> -> memref<640xi32, #tpu.memory_space<hbm>>
      %dma_wait3A_260 = arith.constant 0 : i32
      %dma_wait3A_261 = tpu.memref_slice %arg21[%dma_wait3A_260] : memref<656xi32, #tpu.memory_space<vmem>> -> memref<640xi32, #tpu.memory_space<vmem>>
      tpu.wait_dma2 semaphore(%run_scoped3A : memref<!tpu.dma_semaphore, #tpu.memory_space<semaphore_mem>>) src(%dma_wait3A_261 : memref<640xi32, #tpu.memory_space<vmem>>) dst(%dma_wait3A_259 : memref<640xi32, #tpu.memory_space<hbm>>)
      tpu.yield
    }) : () -> ()
    %mul3A_247 = arith.constant 20 : i32
    %mul3A_248 = arith.muli %mul3A_2, %mul3A_247 : i32
    "tpu.region"() ({
      %run_scoped3A = tpu.sem_alloc : memref<!tpu.dma_semaphore, #tpu.memory_space<semaphore_mem>>
      %dma_start3A_251 = arith.constant 0 : i32
      %dma_start3A_252 = tpu.memref_slice %arg22[%dma_start3A_251] : memref<656xi32, #tpu.memory_space<vmem>> -> memref<640xi32, #tpu.memory_space<vmem>>
      %dma_start3A_253 = tpu.memref_slice %arg9[%mul3A_248] : memref<20480xi32, #tpu.memory_space<hbm>> -> memref<640xi32, #tpu.memory_space<hbm>>
      %dma_start3A_254 = tpu.memref_slice %arg9[%mul3A_248] : memref<20480xi32, #tpu.memory_space<hbm>> -> memref<640xi32, #tpu.memory_space<hbm>>
      %dma_start3A_255 = arith.constant 0 : i32
      %dma_start3A_256 = tpu.memref_slice %arg22[%dma_start3A_255] : memref<656xi32, #tpu.memory_space<vmem>> -> memref<640xi32, #tpu.memory_space<vmem>>
      tpu.enqueue_dma source(%dma_start3A_256 : memref<640xi32, #tpu.memory_space<vmem>>) target(%dma_start3A_254 : memref<640xi32, #tpu.memory_space<hbm>>) target_semaphore(%run_scoped3A : memref<!tpu.dma_semaphore, #tpu.memory_space<semaphore_mem>>)
      %dma_wait3A = arith.constant 0 : i32
      %dma_wait3A_257 = tpu.memref_slice %arg22[%dma_wait3A] : memref<656xi32, #tpu.memory_space<vmem>> -> memref<640xi32, #tpu.memory_space<vmem>>
      %dma_wait3A_258 = tpu.memref_slice %arg9[%mul3A_248] : memref<20480xi32, #tpu.memory_space<hbm>> -> memref<640xi32, #tpu.memory_space<hbm>>
      %dma_wait3A_259 = tpu.memref_slice %arg9[%mul3A_248] : memref<20480xi32, #tpu.memory_space<hbm>> -> memref<640xi32, #tpu.memory_space<hbm>>
      %dma_wait3A_260 = arith.constant 0 : i32
      %dma_wait3A_261 = tpu.memref_slice %arg22[%dma_wait3A_260] : memref<656xi32, #tpu.memory_space<vmem>> -> memref<640xi32, #tpu.memory_space<vmem>>
      tpu.wait_dma2 semaphore(%run_scoped3A : memref<!tpu.dma_semaphore, #tpu.memory_space<semaphore_mem>>) src(%dma_wait3A_261 : memref<640xi32, #tpu.memory_space<vmem>>) dst(%dma_wait3A_259 : memref<640xi32, #tpu.memory_space<hbm>>)
      tpu.yield
    }) : () -> ()
    %mul3A_249 = arith.constant 20 : i32
    %mul3A_250 = arith.muli %mul3A_2, %mul3A_249 : i32
    "tpu.region"() ({
      %run_scoped3A = tpu.sem_alloc : memref<!tpu.dma_semaphore, #tpu.memory_space<semaphore_mem>>
      %dma_start3A_251 = arith.constant 0 : i32
      %dma_start3A_252 = tpu.memref_slice %arg23[%dma_start3A_251] : memref<656xf32, #tpu.memory_space<vmem>> -> memref<640xf32, #tpu.memory_space<vmem>>
      %dma_start3A_253 = tpu.memref_slice %arg11[%mul3A_250] : memref<20480xf32, #tpu.memory_space<hbm>> -> memref<640xf32, #tpu.memory_space<hbm>>
      %dma_start3A_254 = tpu.memref_slice %arg11[%mul3A_250] : memref<20480xf32, #tpu.memory_space<hbm>> -> memref<640xf32, #tpu.memory_space<hbm>>
      %dma_start3A_255 = arith.constant 0 : i32
      %dma_start3A_256 = tpu.memref_slice %arg23[%dma_start3A_255] : memref<656xf32, #tpu.memory_space<vmem>> -> memref<640xf32, #tpu.memory_space<vmem>>
      tpu.enqueue_dma source(%dma_start3A_256 : memref<640xf32, #tpu.memory_space<vmem>>) target(%dma_start3A_254 : memref<640xf32, #tpu.memory_space<hbm>>) target_semaphore(%run_scoped3A : memref<!tpu.dma_semaphore, #tpu.memory_space<semaphore_mem>>)
      %dma_wait3A = arith.constant 0 : i32
      %dma_wait3A_257 = tpu.memref_slice %arg23[%dma_wait3A] : memref<656xf32, #tpu.memory_space<vmem>> -> memref<640xf32, #tpu.memory_space<vmem>>
      %dma_wait3A_258 = tpu.memref_slice %arg11[%mul3A_250] : memref<20480xf32, #tpu.memory_space<hbm>> -> memref<640xf32, #tpu.memory_space<hbm>>
      %dma_wait3A_259 = tpu.memref_slice %arg11[%mul3A_250] : memref<20480xf32, #tpu.memory_space<hbm>> -> memref<640xf32, #tpu.memory_space<hbm>>
      %dma_wait3A_260 = arith.constant 0 : i32
      %dma_wait3A_261 = tpu.memref_slice %arg23[%dma_wait3A_260] : memref<656xf32, #tpu.memory_space<vmem>> -> memref<640xf32, #tpu.memory_space<vmem>>
      tpu.wait_dma2 semaphore(%run_scoped3A : memref<!tpu.dma_semaphore, #tpu.memory_space<semaphore_mem>>) src(%dma_wait3A_261 : memref<640xf32, #tpu.memory_space<vmem>>) dst(%dma_wait3A_259 : memref<640xf32, #tpu.memory_space<hbm>>)
      tpu.yield
    }) : () -> ()
    "tpu.region"() ({
      %run_scoped3A = tpu.sem_alloc : memref<!tpu.dma_semaphore, #tpu.memory_space<semaphore_mem>>
      %dma_start3A_251 = tpu.memref_slice %arg10[%mul3A_2] : memref<1024xi32, #tpu.memory_space<hbm>> -> memref<32xi32, #tpu.memory_space<hbm>>
      %dma_start3A_252 = tpu.memref_slice %arg10[%mul3A_2] : memref<1024xi32, #tpu.memory_space<hbm>> -> memref<32xi32, #tpu.memory_space<hbm>>
      tpu.enqueue_dma source(%arg24 : memref<32xi32, #tpu.memory_space<vmem>>) target(%dma_start3A_252 : memref<32xi32, #tpu.memory_space<hbm>>) target_semaphore(%run_scoped3A : memref<!tpu.dma_semaphore, #tpu.memory_space<semaphore_mem>>)
      %dma_wait3A = tpu.memref_slice %arg10[%mul3A_2] : memref<1024xi32, #tpu.memory_space<hbm>> -> memref<32xi32, #tpu.memory_space<hbm>>
      %dma_wait3A_253 = tpu.memref_slice %arg10[%mul3A_2] : memref<1024xi32, #tpu.memory_space<hbm>> -> memref<32xi32, #tpu.memory_space<hbm>>
      tpu.wait_dma2 semaphore(%run_scoped3A : memref<!tpu.dma_semaphore, #tpu.memory_space<semaphore_mem>>) src(%arg24 : memref<32xi32, #tpu.memory_space<vmem>>) dst(%dma_wait3A_253 : memref<32xi32, #tpu.memory_space<hbm>>)
      tpu.yield
    }) : () -> ()
    return
  }
}

module attributes {stable_mosaic.version = 14 : i64} {
  func.func @_sim_body(%arg0: i32, %arg1: i32, %arg2: memref<512x24xf32, #tpu.memory_space<vmem>>, %arg3: memref<24x1024xf32, #tpu.memory_space<vmem>>, %arg4: memref<64x8x8x128xf32, #tpu.memory_space<vmem>>, %arg5: memref<1x512x8xf32, #tpu.memory_space<vmem>>, %arg6: memref<512x1xf32, #tpu.memory_space<vmem>>, %arg7: memref<512x1xf32, #tpu.memory_space<vmem>>) attributes {dimension_semantics = [#tpu.dimension_semantics<parallel>, #tpu.dimension_semantics<arbitrary>], iteration_bounds = array<i64: 2, 98>, scalar_prefetch = 0 : i64, scratch_operands = 0 : i64, tpu.core_type = #tpu.core_type<tc>, window_params = [{transform_indices = @transform_0, window_bounds = array<i64: 512, 24>}, {transform_indices = @transform_1, window_bounds = array<i64: 24, 1024>}, {transform_indices = @transform_2, window_bounds = array<i64: 64, 8, 8, 128>}, {transform_indices = @transform_3, window_bounds = array<i64: 1, 512, 8>}, {transform_indices = @transform_4, window_bounds = array<i64: 512, 1>}, {transform_indices = @transform_5, window_bounds = array<i64: 512, 1>}]} {
    %get3A = arith.constant 0 : index
    %get3A_0 = arith.constant 0 : index
    %get3A_1 = vector.load %arg2[%get3A, %get3A_0] : memref<512x24xf32, #tpu.memory_space<vmem>>, vector<512x24xf32>
    %get3A_2 = arith.constant 0 : index
    %get3A_3 = arith.constant 0 : index
    %get3A_4 = vector.load %arg3[%get3A_2, %get3A_3] : memref<24x1024xf32, #tpu.memory_space<vmem>>, vector<24x1024xf32>
    %dot_general3A = arith.constant dense<0.000000e+00> : vector<512x1024xf32>
    %dot_general3A_5 = tpu.matmul %get3A_1, %get3A_4, %dot_general3A {dimension_numbers = #tpu.dot_dimension_numbers<[1], [0], [0], [1], [0, 0, 1, 1], [], []>, transpose_lhs_hint = false} : vector<512x24xf32>, vector<24x1024xf32>, vector<512x1024xf32> -> vector<512x1024xf32>
    %slice3A = vector.extract_strided_slice %dot_general3A_5 {offsets = [0, 0], sizes = [512, 128], strides = [1, 1]} : vector<512x1024xf32> to vector<512x128xf32>
    %reshape3A = vector.shape_cast %slice3A : vector<512x128xf32> to vector<64x8x128xf32>
    %swap3A = arith.constant 0 : index
    %swap3A_6 = arith.constant 0 : index
    %swap3A_7 = arith.constant 0 : index
    %swap3A_8 = arith.constant 0 : index
    %swap3A_9 = vector.load %arg4[%swap3A, %swap3A_6, %swap3A_7, %swap3A_8] : memref<64x8x8x128xf32, #tpu.memory_space<vmem>>, vector<64x1x8x128xf32>
    %swap3A_10 = vector.shape_cast %swap3A_9 : vector<64x1x8x128xf32> to vector<64x8x128xf32>
    %swap3A_11 = vector.shape_cast %reshape3A : vector<64x8x128xf32> to vector<64x1x8x128xf32>
    tpu.vector_store %arg4[%swap3A, %swap3A_6, %swap3A_7, %swap3A_8], %swap3A_11 {strides = array<i32>} : memref<64x8x8x128xf32, #tpu.memory_space<vmem>>, vector<64x1x8x128xf32>,
    %reduce_max3A = arith.constant dense<0xFF800000> : vector<512xf32>
    %reduce_max3A_12 = vector.multi_reduction <maximumf>, %slice3A, %reduce_max3A [1] : vector<512x128xf32> to vector<512xf32>
    %broadcast_in_dim3A = vector.shape_cast %reduce_max3A_12 : vector<512xf32> to vector<512x1xf32>
    %squeeze3A = vector.shape_cast %broadcast_in_dim3A : vector<512x1xf32> to vector<512xf32>
    %swap3A_13 = arith.constant 0 : index
    %swap3A_14 = arith.constant 0 : index
    %swap3A_15 = arith.constant 0 : index
    %swap3A_16 = vector.load %arg5[%swap3A_13, %swap3A_14, %swap3A_15] : memref<1x512x8xf32, #tpu.memory_space<vmem>>, vector<1x512x1xf32>
    %swap3A_17 = vector.shape_cast %swap3A_16 : vector<1x512x1xf32> to vector<512xf32>
    %swap3A_18 = vector.shape_cast %squeeze3A : vector<512xf32> to vector<1x512x1xf32>
    tpu.vector_store %arg5[%swap3A_13, %swap3A_14, %swap3A_15], %swap3A_18 {strides = array<i32>} : memref<1x512x8xf32, #tpu.memory_space<vmem>>, vector<1x512x1xf32>,
    %slice3A_19 = vector.extract_strided_slice %dot_general3A_5 {offsets = [0, 128], sizes = [512, 128], strides = [1, 1]} : vector<512x1024xf32> to vector<512x128xf32>
    %reshape3A_20 = vector.shape_cast %slice3A_19 : vector<512x128xf32> to vector<64x8x128xf32>
    %swap3A_21 = arith.constant 0 : index
    %swap3A_22 = arith.constant 1 : index
    %swap3A_23 = arith.constant 0 : index
    %swap3A_24 = arith.constant 0 : index
    %swap3A_25 = vector.load %arg4[%swap3A_21, %swap3A_22, %swap3A_23, %swap3A_24] : memref<64x8x8x128xf32, #tpu.memory_space<vmem>>, vector<64x1x8x128xf32>
    %swap3A_26 = vector.shape_cast %swap3A_25 : vector<64x1x8x128xf32> to vector<64x8x128xf32>
    %swap3A_27 = vector.shape_cast %reshape3A_20 : vector<64x8x128xf32> to vector<64x1x8x128xf32>
    tpu.vector_store %arg4[%swap3A_21, %swap3A_22, %swap3A_23, %swap3A_24], %swap3A_27 {strides = array<i32>} : memref<64x8x8x128xf32, #tpu.memory_space<vmem>>, vector<64x1x8x128xf32>,
    %reduce_max3A_28 = arith.constant dense<0xFF800000> : vector<512xf32>
    %reduce_max3A_29 = vector.multi_reduction <maximumf>, %slice3A_19, %reduce_max3A_28 [1] : vector<512x128xf32> to vector<512xf32>
    %broadcast_in_dim3A_30 = vector.shape_cast %reduce_max3A_29 : vector<512xf32> to vector<512x1xf32>
    %squeeze3A_31 = vector.shape_cast %broadcast_in_dim3A_30 : vector<512x1xf32> to vector<512xf32>
    %swap3A_32 = arith.constant 0 : index
    %swap3A_33 = arith.constant 0 : index
    %swap3A_34 = arith.constant 1 : index
    %swap3A_35 = vector.load %arg5[%swap3A_32, %swap3A_33, %swap3A_34] : memref<1x512x8xf32, #tpu.memory_space<vmem>>, vector<1x512x1xf32>
    %swap3A_36 = vector.shape_cast %swap3A_35 : vector<1x512x1xf32> to vector<512xf32>
    %swap3A_37 = vector.shape_cast %squeeze3A_31 : vector<512xf32> to vector<1x512x1xf32>
    tpu.vector_store %arg5[%swap3A_32, %swap3A_33, %swap3A_34], %swap3A_37 {strides = array<i32>} : memref<1x512x8xf32, #tpu.memory_space<vmem>>, vector<1x512x1xf32>,
    %slice3A_38 = vector.extract_strided_slice %dot_general3A_5 {offsets = [0, 256], sizes = [512, 128], strides = [1, 1]} : vector<512x1024xf32> to vector<512x128xf32>
    %reshape3A_39 = vector.shape_cast %slice3A_38 : vector<512x128xf32> to vector<64x8x128xf32>
    %swap3A_40 = arith.constant 0 : index
    %swap3A_41 = arith.constant 2 : index
    %swap3A_42 = arith.constant 0 : index
    %swap3A_43 = arith.constant 0 : index
    %swap3A_44 = vector.load %arg4[%swap3A_40, %swap3A_41, %swap3A_42, %swap3A_43] : memref<64x8x8x128xf32, #tpu.memory_space<vmem>>, vector<64x1x8x128xf32>
    %swap3A_45 = vector.shape_cast %swap3A_44 : vector<64x1x8x128xf32> to vector<64x8x128xf32>
    %swap3A_46 = vector.shape_cast %reshape3A_39 : vector<64x8x128xf32> to vector<64x1x8x128xf32>
    tpu.vector_store %arg4[%swap3A_40, %swap3A_41, %swap3A_42, %swap3A_43], %swap3A_46 {strides = array<i32>} : memref<64x8x8x128xf32, #tpu.memory_space<vmem>>, vector<64x1x8x128xf32>,
    %reduce_max3A_47 = arith.constant dense<0xFF800000> : vector<512xf32>
    %reduce_max3A_48 = vector.multi_reduction <maximumf>, %slice3A_38, %reduce_max3A_47 [1] : vector<512x128xf32> to vector<512xf32>
    %broadcast_in_dim3A_49 = vector.shape_cast %reduce_max3A_48 : vector<512xf32> to vector<512x1xf32>
    %squeeze3A_50 = vector.shape_cast %broadcast_in_dim3A_49 : vector<512x1xf32> to vector<512xf32>
    %swap3A_51 = arith.constant 0 : index
    %swap3A_52 = arith.constant 0 : index
    %swap3A_53 = arith.constant 2 : index
    %swap3A_54 = vector.load %arg5[%swap3A_51, %swap3A_52, %swap3A_53] : memref<1x512x8xf32, #tpu.memory_space<vmem>>, vector<1x512x1xf32>
    %swap3A_55 = vector.shape_cast %swap3A_54 : vector<1x512x1xf32> to vector<512xf32>
    %swap3A_56 = vector.shape_cast %squeeze3A_50 : vector<512xf32> to vector<1x512x1xf32>
    tpu.vector_store %arg5[%swap3A_51, %swap3A_52, %swap3A_53], %swap3A_56 {strides = array<i32>} : memref<1x512x8xf32, #tpu.memory_space<vmem>>, vector<1x512x1xf32>,
    %slice3A_57 = vector.extract_strided_slice %dot_general3A_5 {offsets = [0, 384], sizes = [512, 128], strides = [1, 1]} : vector<512x1024xf32> to vector<512x128xf32>
    %reshape3A_58 = vector.shape_cast %slice3A_57 : vector<512x128xf32> to vector<64x8x128xf32>
    %swap3A_59 = arith.constant 0 : index
    %swap3A_60 = arith.constant 3 : index
    %swap3A_61 = arith.constant 0 : index
    %swap3A_62 = arith.constant 0 : index
    %swap3A_63 = vector.load %arg4[%swap3A_59, %swap3A_60, %swap3A_61, %swap3A_62] : memref<64x8x8x128xf32, #tpu.memory_space<vmem>>, vector<64x1x8x128xf32>
    %swap3A_64 = vector.shape_cast %swap3A_63 : vector<64x1x8x128xf32> to vector<64x8x128xf32>
    %swap3A_65 = vector.shape_cast %reshape3A_58 : vector<64x8x128xf32> to vector<64x1x8x128xf32>
    tpu.vector_store %arg4[%swap3A_59, %swap3A_60, %swap3A_61, %swap3A_62], %swap3A_65 {strides = array<i32>} : memref<64x8x8x128xf32, #tpu.memory_space<vmem>>, vector<64x1x8x128xf32>,
    %reduce_max3A_66 = arith.constant dense<0xFF800000> : vector<512xf32>
    %reduce_max3A_67 = vector.multi_reduction <maximumf>, %slice3A_57, %reduce_max3A_66 [1] : vector<512x128xf32> to vector<512xf32>
    %broadcast_in_dim3A_68 = vector.shape_cast %reduce_max3A_67 : vector<512xf32> to vector<512x1xf32>
    %squeeze3A_69 = vector.shape_cast %broadcast_in_dim3A_68 : vector<512x1xf32> to vector<512xf32>
    %swap3A_70 = arith.constant 0 : index
    %swap3A_71 = arith.constant 0 : index
    %swap3A_72 = arith.constant 3 : index
    %swap3A_73 = vector.load %arg5[%swap3A_70, %swap3A_71, %swap3A_72] : memref<1x512x8xf32, #tpu.memory_space<vmem>>, vector<1x512x1xf32>
    %swap3A_74 = vector.shape_cast %swap3A_73 : vector<1x512x1xf32> to vector<512xf32>
    %swap3A_75 = vector.shape_cast %squeeze3A_69 : vector<512xf32> to vector<1x512x1xf32>
    tpu.vector_store %arg5[%swap3A_70, %swap3A_71, %swap3A_72], %swap3A_75 {strides = array<i32>} : memref<1x512x8xf32, #tpu.memory_space<vmem>>, vector<1x512x1xf32>,
    %slice3A_76 = vector.extract_strided_slice %dot_general3A_5 {offsets = [0, 512], sizes = [512, 128], strides = [1, 1]} : vector<512x1024xf32> to vector<512x128xf32>
    %reshape3A_77 = vector.shape_cast %slice3A_76 : vector<512x128xf32> to vector<64x8x128xf32>
    %swap3A_78 = arith.constant 0 : index
    %swap3A_79 = arith.constant 4 : index
    %swap3A_80 = arith.constant 0 : index
    %swap3A_81 = arith.constant 0 : index
    %swap3A_82 = vector.load %arg4[%swap3A_78, %swap3A_79, %swap3A_80, %swap3A_81] : memref<64x8x8x128xf32, #tpu.memory_space<vmem>>, vector<64x1x8x128xf32>
    %swap3A_83 = vector.shape_cast %swap3A_82 : vector<64x1x8x128xf32> to vector<64x8x128xf32>
    %swap3A_84 = vector.shape_cast %reshape3A_77 : vector<64x8x128xf32> to vector<64x1x8x128xf32>
    tpu.vector_store %arg4[%swap3A_78, %swap3A_79, %swap3A_80, %swap3A_81], %swap3A_84 {strides = array<i32>} : memref<64x8x8x128xf32, #tpu.memory_space<vmem>>, vector<64x1x8x128xf32>,
    %reduce_max3A_85 = arith.constant dense<0xFF800000> : vector<512xf32>
    %reduce_max3A_86 = vector.multi_reduction <maximumf>, %slice3A_76, %reduce_max3A_85 [1] : vector<512x128xf32> to vector<512xf32>
    %broadcast_in_dim3A_87 = vector.shape_cast %reduce_max3A_86 : vector<512xf32> to vector<512x1xf32>
    %squeeze3A_88 = vector.shape_cast %broadcast_in_dim3A_87 : vector<512x1xf32> to vector<512xf32>
    %swap3A_89 = arith.constant 0 : index
    %swap3A_90 = arith.constant 0 : index
    %swap3A_91 = arith.constant 4 : index
    %swap3A_92 = vector.load %arg5[%swap3A_89, %swap3A_90, %swap3A_91] : memref<1x512x8xf32, #tpu.memory_space<vmem>>, vector<1x512x1xf32>
    %swap3A_93 = vector.shape_cast %swap3A_92 : vector<1x512x1xf32> to vector<512xf32>
    %swap3A_94 = vector.shape_cast %squeeze3A_88 : vector<512xf32> to vector<1x512x1xf32>
    tpu.vector_store %arg5[%swap3A_89, %swap3A_90, %swap3A_91], %swap3A_94 {strides = array<i32>} : memref<1x512x8xf32, #tpu.memory_space<vmem>>, vector<1x512x1xf32>,
    %slice3A_95 = vector.extract_strided_slice %dot_general3A_5 {offsets = [0, 640], sizes = [512, 128], strides = [1, 1]} : vector<512x1024xf32> to vector<512x128xf32>
    %reshape3A_96 = vector.shape_cast %slice3A_95 : vector<512x128xf32> to vector<64x8x128xf32>
    %swap3A_97 = arith.constant 0 : index
    %swap3A_98 = arith.constant 5 : index
    %swap3A_99 = arith.constant 0 : index
    %swap3A_100 = arith.constant 0 : index
    %swap3A_101 = vector.load %arg4[%swap3A_97, %swap3A_98, %swap3A_99, %swap3A_100] : memref<64x8x8x128xf32, #tpu.memory_space<vmem>>, vector<64x1x8x128xf32>
    %swap3A_102 = vector.shape_cast %swap3A_101 : vector<64x1x8x128xf32> to vector<64x8x128xf32>
    %swap3A_103 = vector.shape_cast %reshape3A_96 : vector<64x8x128xf32> to vector<64x1x8x128xf32>
    tpu.vector_store %arg4[%swap3A_97, %swap3A_98, %swap3A_99, %swap3A_100], %swap3A_103 {strides = array<i32>} : memref<64x8x8x128xf32, #tpu.memory_space<vmem>>, vector<64x1x8x128xf32>,
    %reduce_max3A_104 = arith.constant dense<0xFF800000> : vector<512xf32>
    %reduce_max3A_105 = vector.multi_reduction <maximumf>, %slice3A_95, %reduce_max3A_104 [1] : vector<512x128xf32> to vector<512xf32>
    %broadcast_in_dim3A_106 = vector.shape_cast %reduce_max3A_105 : vector<512xf32> to vector<512x1xf32>
    %squeeze3A_107 = vector.shape_cast %broadcast_in_dim3A_106 : vector<512x1xf32> to vector<512xf32>
    %swap3A_108 = arith.constant 0 : index
    %swap3A_109 = arith.constant 0 : index
    %swap3A_110 = arith.constant 5 : index
    %swap3A_111 = vector.load %arg5[%swap3A_108, %swap3A_109, %swap3A_110] : memref<1x512x8xf32, #tpu.memory_space<vmem>>, vector<1x512x1xf32>
    %swap3A_112 = vector.shape_cast %swap3A_111 : vector<1x512x1xf32> to vector<512xf32>
    %swap3A_113 = vector.shape_cast %squeeze3A_107 : vector<512xf32> to vector<1x512x1xf32>
    tpu.vector_store %arg5[%swap3A_108, %swap3A_109, %swap3A_110], %swap3A_113 {strides = array<i32>} : memref<1x512x8xf32, #tpu.memory_space<vmem>>, vector<1x512x1xf32>,
    %slice3A_114 = vector.extract_strided_slice %dot_general3A_5 {offsets = [0, 768], sizes = [512, 128], strides = [1, 1]} : vector<512x1024xf32> to vector<512x128xf32>
    %reshape3A_115 = vector.shape_cast %slice3A_114 : vector<512x128xf32> to vector<64x8x128xf32>
    %swap3A_116 = arith.constant 0 : index
    %swap3A_117 = arith.constant 6 : index
    %swap3A_118 = arith.constant 0 : index
    %swap3A_119 = arith.constant 0 : index
    %swap3A_120 = vector.load %arg4[%swap3A_116, %swap3A_117, %swap3A_118, %swap3A_119] : memref<64x8x8x128xf32, #tpu.memory_space<vmem>>, vector<64x1x8x128xf32>
    %swap3A_121 = vector.shape_cast %swap3A_120 : vector<64x1x8x128xf32> to vector<64x8x128xf32>
    %swap3A_122 = vector.shape_cast %reshape3A_115 : vector<64x8x128xf32> to vector<64x1x8x128xf32>
    tpu.vector_store %arg4[%swap3A_116, %swap3A_117, %swap3A_118, %swap3A_119], %swap3A_122 {strides = array<i32>} : memref<64x8x8x128xf32, #tpu.memory_space<vmem>>, vector<64x1x8x128xf32>,
    %reduce_max3A_123 = arith.constant dense<0xFF800000> : vector<512xf32>
    %reduce_max3A_124 = vector.multi_reduction <maximumf>, %slice3A_114, %reduce_max3A_123 [1] : vector<512x128xf32> to vector<512xf32>
    %broadcast_in_dim3A_125 = vector.shape_cast %reduce_max3A_124 : vector<512xf32> to vector<512x1xf32>
    %squeeze3A_126 = vector.shape_cast %broadcast_in_dim3A_125 : vector<512x1xf32> to vector<512xf32>
    %swap3A_127 = arith.constant 0 : index
    %swap3A_128 = arith.constant 0 : index
    %swap3A_129 = arith.constant 6 : index
    %swap3A_130 = vector.load %arg5[%swap3A_127, %swap3A_128, %swap3A_129] : memref<1x512x8xf32, #tpu.memory_space<vmem>>, vector<1x512x1xf32>
    %swap3A_131 = vector.shape_cast %swap3A_130 : vector<1x512x1xf32> to vector<512xf32>
    %swap3A_132 = vector.shape_cast %squeeze3A_126 : vector<512xf32> to vector<1x512x1xf32>
    tpu.vector_store %arg5[%swap3A_127, %swap3A_128, %swap3A_129], %swap3A_132 {strides = array<i32>} : memref<1x512x8xf32, #tpu.memory_space<vmem>>, vector<1x512x1xf32>,
    %slice3A_133 = vector.extract_strided_slice %dot_general3A_5 {offsets = [0, 896], sizes = [512, 128], strides = [1, 1]} : vector<512x1024xf32> to vector<512x128xf32>
    %reshape3A_134 = vector.shape_cast %slice3A_133 : vector<512x128xf32> to vector<64x8x128xf32>
    %swap3A_135 = arith.constant 0 : index
    %swap3A_136 = arith.constant 7 : index
    %swap3A_137 = arith.constant 0 : index
    %swap3A_138 = arith.constant 0 : index
    %swap3A_139 = vector.load %arg4[%swap3A_135, %swap3A_136, %swap3A_137, %swap3A_138] : memref<64x8x8x128xf32, #tpu.memory_space<vmem>>, vector<64x1x8x128xf32>
    %swap3A_140 = vector.shape_cast %swap3A_139 : vector<64x1x8x128xf32> to vector<64x8x128xf32>
    %swap3A_141 = vector.shape_cast %reshape3A_134 : vector<64x8x128xf32> to vector<64x1x8x128xf32>
    tpu.vector_store %arg4[%swap3A_135, %swap3A_136, %swap3A_137, %swap3A_138], %swap3A_141 {strides = array<i32>} : memref<64x8x8x128xf32, #tpu.memory_space<vmem>>, vector<64x1x8x128xf32>,
    %reduce_max3A_142 = arith.constant dense<0xFF800000> : vector<512xf32>
    %reduce_max3A_143 = vector.multi_reduction <maximumf>, %slice3A_133, %reduce_max3A_142 [1] : vector<512x128xf32> to vector<512xf32>
    %broadcast_in_dim3A_144 = vector.shape_cast %reduce_max3A_143 : vector<512xf32> to vector<512x1xf32>
    %squeeze3A_145 = vector.shape_cast %broadcast_in_dim3A_144 : vector<512x1xf32> to vector<512xf32>
    %swap3A_146 = arith.constant 0 : index
    %swap3A_147 = arith.constant 0 : index
    %swap3A_148 = arith.constant 7 : index
    %swap3A_149 = vector.load %arg5[%swap3A_146, %swap3A_147, %swap3A_148] : memref<1x512x8xf32, #tpu.memory_space<vmem>>, vector<1x512x1xf32>
    %swap3A_150 = vector.shape_cast %swap3A_149 : vector<1x512x1xf32> to vector<512xf32>
    %swap3A_151 = vector.shape_cast %squeeze3A_145 : vector<512xf32> to vector<1x512x1xf32>
    tpu.vector_store %arg5[%swap3A_146, %swap3A_147, %swap3A_148], %swap3A_151 {strides = array<i32>} : memref<1x512x8xf32, #tpu.memory_space<vmem>>, vector<1x512x1xf32>,
    %max3A = arith.maximumf %broadcast_in_dim3A, %broadcast_in_dim3A_30 : vector<512x1xf32>
    %max3A_152 = arith.maximumf %max3A, %broadcast_in_dim3A_49 : vector<512x1xf32>
    %max3A_153 = arith.maximumf %max3A_152, %broadcast_in_dim3A_68 : vector<512x1xf32>
    %max3A_154 = arith.maximumf %max3A_153, %broadcast_in_dim3A_87 : vector<512x1xf32>
    %max3A_155 = arith.maximumf %max3A_154, %broadcast_in_dim3A_106 : vector<512x1xf32>
    %max3A_156 = arith.maximumf %max3A_155, %broadcast_in_dim3A_125 : vector<512x1xf32>
    %max3A_157 = arith.maximumf %max3A_156, %broadcast_in_dim3A_144 : vector<512x1xf32>
    %eq3A = arith.constant 0 : i32
    %eq3A_158 = arith.cmpi eq, %arg1, %eq3A : i32
    %broadcast_in_dim3A_159 = arith.constant 0xFF800000 : f32
    %broadcast_in_dim3A_160 = vector.broadcast %broadcast_in_dim3A_159 : f32 to vector<512x1xf32>
    %get3A_161 = arith.constant 0 : index
    %get3A_162 = arith.constant 0 : index
    %get3A_163 = vector.load %arg6[%get3A_161, %get3A_162] : memref<512x1xf32, #tpu.memory_space<vmem>>, vector<512x1xf32>
    %select_n3A = arith.select %eq3A_158, %broadcast_in_dim3A_160, %get3A_163 : vector<512x1xf32>
    %eq3A_164 = arith.constant 0 : i32
    %eq3A_165 = arith.cmpi eq, %arg1, %eq3A_164 : i32
    %broadcast_in_dim3A_166 = arith.constant 0.000000e+00 : f32
    %broadcast_in_dim3A_167 = vector.broadcast %broadcast_in_dim3A_166 : f32 to vector<512x1xf32>
    %get3A_168 = arith.constant 0 : index
    %get3A_169 = arith.constant 0 : index
    %get3A_170 = vector.load %arg7[%get3A_168, %get3A_169] : memref<512x1xf32, #tpu.memory_space<vmem>>, vector<512x1xf32>
    %select_n3A_171 = arith.select %eq3A_165, %broadcast_in_dim3A_167, %get3A_170 : vector<512x1xf32>
    %max3A_172 = arith.maximumf %select_n3A, %max3A_157 : vector<512x1xf32>
    %sub3A = arith.subf %select_n3A, %max3A_172 : vector<512x1xf32>
    %exp3A = math.exp %sub3A : vector<512x1xf32>
    %mul3A = arith.mulf %select_n3A_171, %exp3A : vector<512x1xf32>
    %sub3A_173 = vector.broadcast %max3A_172 : vector<512x1xf32> to vector<512x1024xf32>
    %sub3A_174 = arith.subf %dot_general3A_5, %sub3A_173 : vector<512x1024xf32>
    %exp3A_175 = math.exp %sub3A_174 : vector<512x1024xf32>
    %reduce_sum3A = arith.constant dense<0.000000e+00> : vector<512xf32>
    %reduce_sum3A_176 = vector.multi_reduction <add>, %exp3A_175, %reduce_sum3A [1] : vector<512x1024xf32> to vector<512xf32>
    %broadcast_in_dim3A_177 = vector.shape_cast %reduce_sum3A_176 : vector<512xf32> to vector<512x1xf32>
    %add3A = arith.addf %mul3A, %broadcast_in_dim3A_177 : vector<512x1xf32>
    %swap3A_178 = arith.constant 0 : index
    %swap3A_179 = arith.constant 0 : index
    %swap3A_180 = vector.load %arg7[%swap3A_178, %swap3A_179] : memref<512x1xf32, #tpu.memory_space<vmem>>, vector<512x1xf32>
    tpu.vector_store %arg7[%swap3A_178, %swap3A_179], %add3A {strides = array<i32>} : memref<512x1xf32, #tpu.memory_space<vmem>>, vector<512x1xf32>,
    %swap3A_181 = arith.constant 0 : index
    %swap3A_182 = arith.constant 0 : index
    %swap3A_183 = vector.load %arg6[%swap3A_181, %swap3A_182] : memref<512x1xf32, #tpu.memory_space<vmem>>, vector<512x1xf32>
    tpu.vector_store %arg6[%swap3A_181, %swap3A_182], %max3A_172 {strides = array<i32>} : memref<512x1xf32, #tpu.memory_space<vmem>>, vector<512x1xf32>,
    return
  }
  func.func @transform_0(%arg0: i32, %arg1: i32) -> (i32, i32) {
    %c0_i32 = arith.constant 0 : i32
    %c0_i32_0 = arith.constant 0 : i32
    return %arg0, %c0_i32 : i32, i32
  }
  func.func @transform_1(%arg0: i32, %arg1: i32) -> (i32, i32) {
    %c0_i32 = arith.constant 0 : i32
    %c0_i32_0 = arith.constant 0 : i32
    return %c0_i32, %arg1 : i32, i32
  }
  func.func @transform_2(%arg0: i32, %arg1: i32) -> (i32, i32, i32, i32) {
    %c0_i32 = arith.constant 0 : i32
    %c0_i32_0 = arith.constant 0 : i32
    %c0_i32_1 = arith.constant 0 : i32
    return %arg0, %arg1, %c0_i32, %c0_i32_0 : i32, i32, i32, i32
  }
  func.func @transform_3(%arg0: i32, %arg1: i32) -> (i32, i32, i32) {
    %c0_i32 = arith.constant 0 : i32
    %c0_i32_0 = arith.constant 0 : i32
    return %arg1, %arg0, %c0_i32 : i32, i32, i32
  }
  func.func @transform_4(%arg0: i32, %arg1: i32) -> (i32, i32) {
    %c0_i32 = arith.constant 0 : i32
    %c0_i32_0 = arith.constant 0 : i32
    return %arg0, %c0_i32 : i32, i32
  }
  func.func @transform_5(%arg0: i32, %arg1: i32) -> (i32, i32) {
    %c0_i32 = arith.constant 0 : i32
    %c0_i32_0 = arith.constant 0 : i32
    return %arg0, %c0_i32 : i32, i32
  }
}

module attributes {stable_mosaic.version = 14 : i64} {
  func.func @_sel_body(%arg0: i32, %arg1: memref<784x256xf32, #tpu.memory_space<vmem>>, %arg2: memref<32x256xi32, #tpu.memory_space<vmem>>, %arg3: memref<32x256xf32, #tpu.memory_space<vmem>>) attributes {dimension_semantics = [#tpu.dimension_semantics<parallel>], iteration_bounds = array<i64: 4>, scalar_prefetch = 0 : i64, scratch_operands = 0 : i64, tpu.core_type = #tpu.core_type<tc>, window_params = [{transform_indices = @transform_0, window_bounds = array<i64: 784, 256>}, {transform_indices = @transform_1, window_bounds = array<i64: 32, 256>}, {transform_indices = @transform_2, window_bounds = array<i64: 32, 256>}]} {
    %get3A = arith.constant 0 : index
    %get3A_0 = arith.constant 0 : index
    %get3A_1 = vector.load %arg1[%get3A, %get3A_0] : memref<784x256xf32, #tpu.memory_space<vmem>>, vector<784x256xf32>
    %iota3A = tpu.iota {dimensions = array<i32: 0>} : vector<784x256xi32>
    %reduce_max3A = arith.constant dense<0xFF800000> : vector<256xf32>
    %reduce_max3A_2 = vector.multi_reduction <maximumf>, %get3A_1, %reduce_max3A [0] : vector<784x256xf32> to vector<256xf32>
    %broadcast_in_dim3A = vector.shape_cast %reduce_max3A_2 : vector<256xf32> to vector<1x256xf32>
    %eq3A = vector.broadcast %broadcast_in_dim3A : vector<1x256xf32> to vector<784x256xf32>
    %eq3A_3 = arith.cmpf oeq, %get3A_1, %eq3A : vector<784x256xf32>
    %jit3A = arith.constant 784 : i32
    %broadcast_in_dim3A_4 = vector.broadcast %jit3A : i32 to vector<784x256xi32>
    %select_n3A = arith.select %eq3A_3, %iota3A, %broadcast_in_dim3A_4 : vector<784x256xi1>, vector<784x256xi32>
    %reduce_min3A = arith.constant dense<2147483647> : vector<256xi32>
    %reduce_min3A_5 = vector.multi_reduction <minsi>, %select_n3A, %reduce_min3A [0] : vector<784x256xi32> to vector<256xi32>
    %broadcast_in_dim3A_6 = vector.shape_cast %reduce_min3A_5 : vector<256xi32> to vector<1x256xi32>
    %eq3A_7 = vector.broadcast %broadcast_in_dim3A_6 : vector<1x256xi32> to vector<784x256xi32>
    %eq3A_8 = arith.cmpi eq, %iota3A, %eq3A_7 : vector<784x256xi32>
    %jit3A_9 = arith.constant -1.000000e+30 : f32
    %broadcast_in_dim3A_10 = vector.broadcast %jit3A_9 : f32 to vector<784x256xf32>
    %select_n3A_11 = arith.select %eq3A_8, %broadcast_in_dim3A_10, %get3A_1 : vector<784x256xi1>, vector<784x256xf32>
    %reduce_max3A_12 = arith.constant dense<0xFF800000> : vector<256xf32>
    %reduce_max3A_13 = vector.multi_reduction <maximumf>, %select_n3A_11, %reduce_max3A_12 [0] : vector<784x256xf32> to vector<256xf32>
    %broadcast_in_dim3A_14 = vector.shape_cast %reduce_max3A_13 : vector<256xf32> to vector<1x256xf32>
    %eq3A_15 = vector.broadcast %broadcast_in_dim3A_14 : vector<1x256xf32> to vector<784x256xf32>
    %eq3A_16 = arith.cmpf oeq, %select_n3A_11, %eq3A_15 : vector<784x256xf32>
    %jit3A_17 = arith.constant 784 : i32
    %broadcast_in_dim3A_18 = vector.broadcast %jit3A_17 : i32 to vector<784x256xi32>
    %select_n3A_19 = arith.select %eq3A_16, %iota3A, %broadcast_in_dim3A_18 : vector<784x256xi1>, vector<784x256xi32>
    %reduce_min3A_20 = arith.constant dense<2147483647> : vector<256xi32>
    %reduce_min3A_21 = vector.multi_reduction <minsi>, %select_n3A_19, %reduce_min3A_20 [0] : vector<784x256xi32> to vector<256xi32>
    %broadcast_in_dim3A_22 = vector.shape_cast %reduce_min3A_21 : vector<256xi32> to vector<1x256xi32>
    %eq3A_23 = vector.broadcast %broadcast_in_dim3A_22 : vector<1x256xi32> to vector<784x256xi32>
    %eq3A_24 = arith.cmpi eq, %iota3A, %eq3A_23 : vector<784x256xi32>
    %jit3A_25 = arith.constant -1.000000e+30 : f32
    %broadcast_in_dim3A_26 = vector.broadcast %jit3A_25 : f32 to vector<784x256xf32>
    %select_n3A_27 = arith.select %eq3A_24, %broadcast_in_dim3A_26, %select_n3A_11 : vector<784x256xi1>, vector<784x256xf32>
    %reduce_max3A_28 = arith.constant dense<0xFF800000> : vector<256xf32>
    %reduce_max3A_29 = vector.multi_reduction <maximumf>, %select_n3A_27, %reduce_max3A_28 [0] : vector<784x256xf32> to vector<256xf32>
    %broadcast_in_dim3A_30 = vector.shape_cast %reduce_max3A_29 : vector<256xf32> to vector<1x256xf32>
    %eq3A_31 = vector.broadcast %broadcast_in_dim3A_30 : vector<1x256xf32> to vector<784x256xf32>
    %eq3A_32 = arith.cmpf oeq, %select_n3A_27, %eq3A_31 : vector<784x256xf32>
    %jit3A_33 = arith.constant 784 : i32
    %broadcast_in_dim3A_34 = vector.broadcast %jit3A_33 : i32 to vector<784x256xi32>
    %select_n3A_35 = arith.select %eq3A_32, %iota3A, %broadcast_in_dim3A_34 : vector<784x256xi1>, vector<784x256xi32>
    %reduce_min3A_36 = arith.constant dense<2147483647> : vector<256xi32>
    %reduce_min3A_37 = vector.multi_reduction <minsi>, %select_n3A_35, %reduce_min3A_36 [0] : vector<784x256xi32> to vector<256xi32>
    %broadcast_in_dim3A_38 = vector.shape_cast %reduce_min3A_37 : vector<256xi32> to vector<1x256xi32>
    %eq3A_39 = vector.broadcast %broadcast_in_dim3A_38 : vector<1x256xi32> to vector<784x256xi32>
    %eq3A_40 = arith.cmpi eq, %iota3A, %eq3A_39 : vector<784x256xi32>
    %jit3A_41 = arith.constant -1.000000e+30 : f32
    %broadcast_in_dim3A_42 = vector.broadcast %jit3A_41 : f32 to vector<784x256xf32>
    %select_n3A_43 = arith.select %eq3A_40, %broadcast_in_dim3A_42, %select_n3A_27 : vector<784x256xi1>, vector<784x256xf32>
    %reduce_max3A_44 = arith.constant dense<0xFF800000> : vector<256xf32>
    %reduce_max3A_45 = vector.multi_reduction <maximumf>, %select_n3A_43, %reduce_max3A_44 [0] : vector<784x256xf32> to vector<256xf32>
    %broadcast_in_dim3A_46 = vector.shape_cast %reduce_max3A_45 : vector<256xf32> to vector<1x256xf32>
    %eq3A_47 = vector.broadcast %broadcast_in_dim3A_46 : vector<1x256xf32> to vector<784x256xf32>
    %eq3A_48 = arith.cmpf oeq, %select_n3A_43, %eq3A_47 : vector<784x256xf32>
    %jit3A_49 = arith.constant 784 : i32
    %broadcast_in_dim3A_50 = vector.broadcast %jit3A_49 : i32 to vector<784x256xi32>
    %select_n3A_51 = arith.select %eq3A_48, %iota3A, %broadcast_in_dim3A_50 : vector<784x256xi1>, vector<784x256xi32>
    %reduce_min3A_52 = arith.constant dense<2147483647> : vector<256xi32>
    %reduce_min3A_53 = vector.multi_reduction <minsi>, %select_n3A_51, %reduce_min3A_52 [0] : vector<784x256xi32> to vector<256xi32>
    %broadcast_in_dim3A_54 = vector.shape_cast %reduce_min3A_53 : vector<256xi32> to vector<1x256xi32>
    %eq3A_55 = vector.broadcast %broadcast_in_dim3A_54 : vector<1x256xi32> to vector<784x256xi32>
    %eq3A_56 = arith.cmpi eq, %iota3A, %eq3A_55 : vector<784x256xi32>
    %jit3A_57 = arith.constant -1.000000e+30 : f32
    %broadcast_in_dim3A_58 = vector.broadcast %jit3A_57 : f32 to vector<784x256xf32>
    %select_n3A_59 = arith.select %eq3A_56, %broadcast_in_dim3A_58, %select_n3A_43 : vector<784x256xi1>, vector<784x256xf32>
    %reduce_max3A_60 = arith.constant dense<0xFF800000> : vector<256xf32>
    %reduce_max3A_61 = vector.multi_reduction <maximumf>, %select_n3A_59, %reduce_max3A_60 [0] : vector<784x256xf32> to vector<256xf32>
    %broadcast_in_dim3A_62 = vector.shape_cast %reduce_max3A_61 : vector<256xf32> to vector<1x256xf32>
    %eq3A_63 = vector.broadcast %broadcast_in_dim3A_62 : vector<1x256xf32> to vector<784x256xf32>
    %eq3A_64 = arith.cmpf oeq, %select_n3A_59, %eq3A_63 : vector<784x256xf32>
    %jit3A_65 = arith.constant 784 : i32
    %broadcast_in_dim3A_66 = vector.broadcast %jit3A_65 : i32 to vector<784x256xi32>
    %select_n3A_67 = arith.select %eq3A_64, %iota3A, %broadcast_in_dim3A_66 : vector<784x256xi1>, vector<784x256xi32>
    %reduce_min3A_68 = arith.constant dense<2147483647> : vector<256xi32>
    %reduce_min3A_69 = vector.multi_reduction <minsi>, %select_n3A_67, %reduce_min3A_68 [0] : vector<784x256xi32> to vector<256xi32>
    %broadcast_in_dim3A_70 = vector.shape_cast %reduce_min3A_69 : vector<256xi32> to vector<1x256xi32>
    %eq3A_71 = vector.broadcast %broadcast_in_dim3A_70 : vector<1x256xi32> to vector<784x256xi32>
    %eq3A_72 = arith.cmpi eq, %iota3A, %eq3A_71 : vector<784x256xi32>
    %jit3A_73 = arith.constant -1.000000e+30 : f32
    %broadcast_in_dim3A_74 = vector.broadcast %jit3A_73 : f32 to vector<784x256xf32>
    %select_n3A_75 = arith.select %eq3A_72, %broadcast_in_dim3A_74, %select_n3A_59 : vector<784x256xi1>, vector<784x256xf32>
    %reduce_max3A_76 = arith.constant dense<0xFF800000> : vector<256xf32>
    %reduce_max3A_77 = vector.multi_reduction <maximumf>, %select_n3A_75, %reduce_max3A_76 [0] : vector<784x256xf32> to vector<256xf32>
    %broadcast_in_dim3A_78 = vector.shape_cast %reduce_max3A_77 : vector<256xf32> to vector<1x256xf32>
    %eq3A_79 = vector.broadcast %broadcast_in_dim3A_78 : vector<1x256xf32> to vector<784x256xf32>
    %eq3A_80 = arith.cmpf oeq, %select_n3A_75, %eq3A_79 : vector<784x256xf32>
    %jit3A_81 = arith.constant 784 : i32
    %broadcast_in_dim3A_82 = vector.broadcast %jit3A_81 : i32 to vector<784x256xi32>
    %select_n3A_83 = arith.select %eq3A_80, %iota3A, %broadcast_in_dim3A_82 : vector<784x256xi1>, vector<784x256xi32>
    %reduce_min3A_84 = arith.constant dense<2147483647> : vector<256xi32>
    %reduce_min3A_85 = vector.multi_reduction <minsi>, %select_n3A_83, %reduce_min3A_84 [0] : vector<784x256xi32> to vector<256xi32>
    %broadcast_in_dim3A_86 = vector.shape_cast %reduce_min3A_85 : vector<256xi32> to vector<1x256xi32>
    %eq3A_87 = vector.broadcast %broadcast_in_dim3A_86 : vector<1x256xi32> to vector<784x256xi32>
    %eq3A_88 = arith.cmpi eq, %iota3A, %eq3A_87 : vector<784x256xi32>
    %jit3A_89 = arith.constant -1.000000e+30 : f32
    %broadcast_in_dim3A_90 = vector.broadcast %jit3A_89 : f32 to vector<784x256xf32>
    %select_n3A_91 = arith.select %eq3A_88, %broadcast_in_dim3A_90, %select_n3A_75 : vector<784x256xi1>, vector<784x256xf32>
    %reduce_max3A_92 = arith.constant dense<0xFF800000> : vector<256xf32>
    %reduce_max3A_93 = vector.multi_reduction <maximumf>, %select_n3A_91, %reduce_max3A_92 [0] : vector<784x256xf32> to vector<256xf32>
    %broadcast_in_dim3A_94 = vector.shape_cast %reduce_max3A_93 : vector<256xf32> to vector<1x256xf32>
    %eq3A_95 = vector.broadcast %broadcast_in_dim3A_94 : vector<1x256xf32> to vector<784x256xf32>
    %eq3A_96 = arith.cmpf oeq, %select_n3A_91, %eq3A_95 : vector<784x256xf32>
    %jit3A_97 = arith.constant 784 : i32
    %broadcast_in_dim3A_98 = vector.broadcast %jit3A_97 : i32 to vector<784x256xi32>
    %select_n3A_99 = arith.select %eq3A_96, %iota3A, %broadcast_in_dim3A_98 : vector<784x256xi1>, vector<784x256xi32>
    %reduce_min3A_100 = arith.constant dense<2147483647> : vector<256xi32>
    %reduce_min3A_101 = vector.multi_reduction <minsi>, %select_n3A_99, %reduce_min3A_100 [0] : vector<784x256xi32> to vector<256xi32>
    %broadcast_in_dim3A_102 = vector.shape_cast %reduce_min3A_101 : vector<256xi32> to vector<1x256xi32>
    %eq3A_103 = vector.broadcast %broadcast_in_dim3A_102 : vector<1x256xi32> to vector<784x256xi32>
    %eq3A_104 = arith.cmpi eq, %iota3A, %eq3A_103 : vector<784x256xi32>
    %jit3A_105 = arith.constant -1.000000e+30 : f32
    %broadcast_in_dim3A_106 = vector.broadcast %jit3A_105 : f32 to vector<784x256xf32>
    %select_n3A_107 = arith.select %eq3A_104, %broadcast_in_dim3A_106, %select_n3A_91 : vector<784x256xi1>, vector<784x256xf32>
    %reduce_max3A_108 = arith.constant dense<0xFF800000> : vector<256xf32>
    %reduce_max3A_109 = vector.multi_reduction <maximumf>, %select_n3A_107, %reduce_max3A_108 [0] : vector<784x256xf32> to vector<256xf32>
    %broadcast_in_dim3A_110 = vector.shape_cast %reduce_max3A_109 : vector<256xf32> to vector<1x256xf32>
    %eq3A_111 = vector.broadcast %broadcast_in_dim3A_110 : vector<1x256xf32> to vector<784x256xf32>
    %eq3A_112 = arith.cmpf oeq, %select_n3A_107, %eq3A_111 : vector<784x256xf32>
    %jit3A_113 = arith.constant 784 : i32
    %broadcast_in_dim3A_114 = vector.broadcast %jit3A_113 : i32 to vector<784x256xi32>
    %select_n3A_115 = arith.select %eq3A_112, %iota3A, %broadcast_in_dim3A_114 : vector<784x256xi1>, vector<784x256xi32>
    %reduce_min3A_116 = arith.constant dense<2147483647> : vector<256xi32>
    %reduce_min3A_117 = vector.multi_reduction <minsi>, %select_n3A_115, %reduce_min3A_116 [0] : vector<784x256xi32> to vector<256xi32>
    %broadcast_in_dim3A_118 = vector.shape_cast %reduce_min3A_117 : vector<256xi32> to vector<1x256xi32>
    %eq3A_119 = vector.broadcast %broadcast_in_dim3A_118 : vector<1x256xi32> to vector<784x256xi32>
    %eq3A_120 = arith.cmpi eq, %iota3A, %eq3A_119 : vector<784x256xi32>
    %jit3A_121 = arith.constant -1.000000e+30 : f32
    %broadcast_in_dim3A_122 = vector.broadcast %jit3A_121 : f32 to vector<784x256xf32>
    %select_n3A_123 = arith.select %eq3A_120, %broadcast_in_dim3A_122, %select_n3A_107 : vector<784x256xi1>, vector<784x256xf32>
    %reduce_max3A_124 = arith.constant dense<0xFF800000> : vector<256xf32>
    %reduce_max3A_125 = vector.multi_reduction <maximumf>, %select_n3A_123, %reduce_max3A_124 [0] : vector<784x256xf32> to vector<256xf32>
    %broadcast_in_dim3A_126 = vector.shape_cast %reduce_max3A_125 : vector<256xf32> to vector<1x256xf32>
    %eq3A_127 = vector.broadcast %broadcast_in_dim3A_126 : vector<1x256xf32> to vector<784x256xf32>
    %eq3A_128 = arith.cmpf oeq, %select_n3A_123, %eq3A_127 : vector<784x256xf32>
    %jit3A_129 = arith.constant 784 : i32
    %broadcast_in_dim3A_130 = vector.broadcast %jit3A_129 : i32 to vector<784x256xi32>
    %select_n3A_131 = arith.select %eq3A_128, %iota3A, %broadcast_in_dim3A_130 : vector<784x256xi1>, vector<784x256xi32>
    %reduce_min3A_132 = arith.constant dense<2147483647> : vector<256xi32>
    %reduce_min3A_133 = vector.multi_reduction <minsi>, %select_n3A_131, %reduce_min3A_132 [0] : vector<784x256xi32> to vector<256xi32>
    %broadcast_in_dim3A_134 = vector.shape_cast %reduce_min3A_133 : vector<256xi32> to vector<1x256xi32>
    %eq3A_135 = vector.broadcast %broadcast_in_dim3A_134 : vector<1x256xi32> to vector<784x256xi32>
    %eq3A_136 = arith.cmpi eq, %iota3A, %eq3A_135 : vector<784x256xi32>
    %jit3A_137 = arith.constant -1.000000e+30 : f32
    %broadcast_in_dim3A_138 = vector.broadcast %jit3A_137 : f32 to vector<784x256xf32>
    %select_n3A_139 = arith.select %eq3A_136, %broadcast_in_dim3A_138, %select_n3A_123 : vector<784x256xi1>, vector<784x256xf32>
    %reduce_max3A_140 = arith.constant dense<0xFF800000> : vector<256xf32>
    %reduce_max3A_141 = vector.multi_reduction <maximumf>, %select_n3A_139, %reduce_max3A_140 [0] : vector<784x256xf32> to vector<256xf32>
    %broadcast_in_dim3A_142 = vector.shape_cast %reduce_max3A_141 : vector<256xf32> to vector<1x256xf32>
    %eq3A_143 = vector.broadcast %broadcast_in_dim3A_142 : vector<1x256xf32> to vector<784x256xf32>
    %eq3A_144 = arith.cmpf oeq, %select_n3A_139, %eq3A_143 : vector<784x256xf32>
    %jit3A_145 = arith.constant 784 : i32
    %broadcast_in_dim3A_146 = vector.broadcast %jit3A_145 : i32 to vector<784x256xi32>
    %select_n3A_147 = arith.select %eq3A_144, %iota3A, %broadcast_in_dim3A_146 : vector<784x256xi1>, vector<784x256xi32>
    %reduce_min3A_148 = arith.constant dense<2147483647> : vector<256xi32>
    %reduce_min3A_149 = vector.multi_reduction <minsi>, %select_n3A_147, %reduce_min3A_148 [0] : vector<784x256xi32> to vector<256xi32>
    %broadcast_in_dim3A_150 = vector.shape_cast %reduce_min3A_149 : vector<256xi32> to vector<1x256xi32>
    %eq3A_151 = vector.broadcast %broadcast_in_dim3A_150 : vector<1x256xi32> to vector<784x256xi32>
    %eq3A_152 = arith.cmpi eq, %iota3A, %eq3A_151 : vector<784x256xi32>
    %jit3A_153 = arith.constant -1.000000e+30 : f32
    %broadcast_in_dim3A_154 = vector.broadcast %jit3A_153 : f32 to vector<784x256xf32>
    %select_n3A_155 = arith.select %eq3A_152, %broadcast_in_dim3A_154, %select_n3A_139 : vector<784x256xi1>, vector<784x256xf32>
    %reduce_max3A_156 = arith.constant dense<0xFF800000> : vector<256xf32>
    %reduce_max3A_157 = vector.multi_reduction <maximumf>, %select_n3A_155, %reduce_max3A_156 [0] : vector<784x256xf32> to vector<256xf32>
    %broadcast_in_dim3A_158 = vector.shape_cast %reduce_max3A_157 : vector<256xf32> to vector<1x256xf32>
    %eq3A_159 = vector.broadcast %broadcast_in_dim3A_158 : vector<1x256xf32> to vector<784x256xf32>
    %eq3A_160 = arith.cmpf oeq, %select_n3A_155, %eq3A_159 : vector<784x256xf32>
    %jit3A_161 = arith.constant 784 : i32
    %broadcast_in_dim3A_162 = vector.broadcast %jit3A_161 : i32 to vector<784x256xi32>
    %select_n3A_163 = arith.select %eq3A_160, %iota3A, %broadcast_in_dim3A_162 : vector<784x256xi1>, vector<784x256xi32>
    %reduce_min3A_164 = arith.constant dense<2147483647> : vector<256xi32>
    %reduce_min3A_165 = vector.multi_reduction <minsi>, %select_n3A_163, %reduce_min3A_164 [0] : vector<784x256xi32> to vector<256xi32>
    %broadcast_in_dim3A_166 = vector.shape_cast %reduce_min3A_165 : vector<256xi32> to vector<1x256xi32>
    %eq3A_167 = vector.broadcast %broadcast_in_dim3A_166 : vector<1x256xi32> to vector<784x256xi32>
    %eq3A_168 = arith.cmpi eq, %iota3A, %eq3A_167 : vector<784x256xi32>
    %jit3A_169 = arith.constant -1.000000e+30 : f32
    %broadcast_in_dim3A_170 = vector.broadcast %jit3A_169 : f32 to vector<784x256xf32>
    %select_n3A_171 = arith.select %eq3A_168, %broadcast_in_dim3A_170, %select_n3A_155 : vector<784x256xi1>, vector<784x256xf32>
    %reduce_max3A_172 = arith.constant dense<0xFF800000> : vector<256xf32>
    %reduce_max3A_173 = vector.multi_reduction <maximumf>, %select_n3A_171, %reduce_max3A_172 [0] : vector<784x256xf32> to vector<256xf32>
    %broadcast_in_dim3A_174 = vector.shape_cast %reduce_max3A_173 : vector<256xf32> to vector<1x256xf32>
    %eq3A_175 = vector.broadcast %broadcast_in_dim3A_174 : vector<1x256xf32> to vector<784x256xf32>
    %eq3A_176 = arith.cmpf oeq, %select_n3A_171, %eq3A_175 : vector<784x256xf32>
    %jit3A_177 = arith.constant 784 : i32
    %broadcast_in_dim3A_178 = vector.broadcast %jit3A_177 : i32 to vector<784x256xi32>
    %select_n3A_179 = arith.select %eq3A_176, %iota3A, %broadcast_in_dim3A_178 : vector<784x256xi1>, vector<784x256xi32>
    %reduce_min3A_180 = arith.constant dense<2147483647> : vector<256xi32>
    %reduce_min3A_181 = vector.multi_reduction <minsi>, %select_n3A_179, %reduce_min3A_180 [0] : vector<784x256xi32> to vector<256xi32>
    %broadcast_in_dim3A_182 = vector.shape_cast %reduce_min3A_181 : vector<256xi32> to vector<1x256xi32>
    %eq3A_183 = vector.broadcast %broadcast_in_dim3A_182 : vector<1x256xi32> to vector<784x256xi32>
    %eq3A_184 = arith.cmpi eq, %iota3A, %eq3A_183 : vector<784x256xi32>
    %jit3A_185 = arith.constant -1.000000e+30 : f32
    %broadcast_in_dim3A_186 = vector.broadcast %jit3A_185 : f32 to vector<784x256xf32>
    %select_n3A_187 = arith.select %eq3A_184, %broadcast_in_dim3A_186, %select_n3A_171 : vector<784x256xi1>, vector<784x256xf32>
    %reduce_max3A_188 = arith.constant dense<0xFF800000> : vector<256xf32>
    %reduce_max3A_189 = vector.multi_reduction <maximumf>, %select_n3A_187, %reduce_max3A_188 [0] : vector<784x256xf32> to vector<256xf32>
    %broadcast_in_dim3A_190 = vector.shape_cast %reduce_max3A_189 : vector<256xf32> to vector<1x256xf32>
    %eq3A_191 = vector.broadcast %broadcast_in_dim3A_190 : vector<1x256xf32> to vector<784x256xf32>
    %eq3A_192 = arith.cmpf oeq, %select_n3A_187, %eq3A_191 : vector<784x256xf32>
    %jit3A_193 = arith.constant 784 : i32
    %broadcast_in_dim3A_194 = vector.broadcast %jit3A_193 : i32 to vector<784x256xi32>
    %select_n3A_195 = arith.select %eq3A_192, %iota3A, %broadcast_in_dim3A_194 : vector<784x256xi1>, vector<784x256xi32>
    %reduce_min3A_196 = arith.constant dense<2147483647> : vector<256xi32>
    %reduce_min3A_197 = vector.multi_reduction <minsi>, %select_n3A_195, %reduce_min3A_196 [0] : vector<784x256xi32> to vector<256xi32>
    %broadcast_in_dim3A_198 = vector.shape_cast %reduce_min3A_197 : vector<256xi32> to vector<1x256xi32>
    %eq3A_199 = vector.broadcast %broadcast_in_dim3A_198 : vector<1x256xi32> to vector<784x256xi32>
    %eq3A_200 = arith.cmpi eq, %iota3A, %eq3A_199 : vector<784x256xi32>
    %jit3A_201 = arith.constant -1.000000e+30 : f32
    %broadcast_in_dim3A_202 = vector.broadcast %jit3A_201 : f32 to vector<784x256xf32>
    %select_n3A_203 = arith.select %eq3A_200, %broadcast_in_dim3A_202, %select_n3A_187 : vector<784x256xi1>, vector<784x256xf32>
    %reduce_max3A_204 = arith.constant dense<0xFF800000> : vector<256xf32>
    %reduce_max3A_205 = vector.multi_reduction <maximumf>, %select_n3A_203, %reduce_max3A_204 [0] : vector<784x256xf32> to vector<256xf32>
    %broadcast_in_dim3A_206 = vector.shape_cast %reduce_max3A_205 : vector<256xf32> to vector<1x256xf32>
    %eq3A_207 = vector.broadcast %broadcast_in_dim3A_206 : vector<1x256xf32> to vector<784x256xf32>
    %eq3A_208 = arith.cmpf oeq, %select_n3A_203, %eq3A_207 : vector<784x256xf32>
    %jit3A_209 = arith.constant 784 : i32
    %broadcast_in_dim3A_210 = vector.broadcast %jit3A_209 : i32 to vector<784x256xi32>
    %select_n3A_211 = arith.select %eq3A_208, %iota3A, %broadcast_in_dim3A_210 : vector<784x256xi1>, vector<784x256xi32>
    %reduce_min3A_212 = arith.constant dense<2147483647> : vector<256xi32>
    %reduce_min3A_213 = vector.multi_reduction <minsi>, %select_n3A_211, %reduce_min3A_212 [0] : vector<784x256xi32> to vector<256xi32>
    %broadcast_in_dim3A_214 = vector.shape_cast %reduce_min3A_213 : vector<256xi32> to vector<1x256xi32>
    %eq3A_215 = vector.broadcast %broadcast_in_dim3A_214 : vector<1x256xi32> to vector<784x256xi32>
    %eq3A_216 = arith.cmpi eq, %iota3A, %eq3A_215 : vector<784x256xi32>
    %jit3A_217 = arith.constant -1.000000e+30 : f32
    %broadcast_in_dim3A_218 = vector.broadcast %jit3A_217 : f32 to vector<784x256xf32>
    %select_n3A_219 = arith.select %eq3A_216, %broadcast_in_dim3A_218, %select_n3A_203 : vector<784x256xi1>, vector<784x256xf32>
    %reduce_max3A_220 = arith.constant dense<0xFF800000> : vector<256xf32>
    %reduce_max3A_221 = vector.multi_reduction <maximumf>, %select_n3A_219, %reduce_max3A_220 [0] : vector<784x256xf32> to vector<256xf32>
    %broadcast_in_dim3A_222 = vector.shape_cast %reduce_max3A_221 : vector<256xf32> to vector<1x256xf32>
    %eq3A_223 = vector.broadcast %broadcast_in_dim3A_222 : vector<1x256xf32> to vector<784x256xf32>
    %eq3A_224 = arith.cmpf oeq, %select_n3A_219, %eq3A_223 : vector<784x256xf32>
    %jit3A_225 = arith.constant 784 : i32
    %broadcast_in_dim3A_226 = vector.broadcast %jit3A_225 : i32 to vector<784x256xi32>
    %select_n3A_227 = arith.select %eq3A_224, %iota3A, %broadcast_in_dim3A_226 : vector<784x256xi1>, vector<784x256xi32>
    %reduce_min3A_228 = arith.constant dense<2147483647> : vector<256xi32>
    %reduce_min3A_229 = vector.multi_reduction <minsi>, %select_n3A_227, %reduce_min3A_228 [0] : vector<784x256xi32> to vector<256xi32>
    %broadcast_in_dim3A_230 = vector.shape_cast %reduce_min3A_229 : vector<256xi32> to vector<1x256xi32>
    %eq3A_231 = vector.broadcast %broadcast_in_dim3A_230 : vector<1x256xi32> to vector<784x256xi32>
    %eq3A_232 = arith.cmpi eq, %iota3A, %eq3A_231 : vector<784x256xi32>
    %jit3A_233 = arith.constant -1.000000e+30 : f32
    %broadcast_in_dim3A_234 = vector.broadcast %jit3A_233 : f32 to vector<784x256xf32>
    %select_n3A_235 = arith.select %eq3A_232, %broadcast_in_dim3A_234, %select_n3A_219 : vector<784x256xi1>, vector<784x256xf32>
    %reduce_max3A_236 = arith.constant dense<0xFF800000> : vector<256xf32>
    %reduce_max3A_237 = vector.multi_reduction <maximumf>, %select_n3A_235, %reduce_max3A_236 [0] : vector<784x256xf32> to vector<256xf32>
    %broadcast_in_dim3A_238 = vector.shape_cast %reduce_max3A_237 : vector<256xf32> to vector<1x256xf32>
    %eq3A_239 = vector.broadcast %broadcast_in_dim3A_238 : vector<1x256xf32> to vector<784x256xf32>
    %eq3A_240 = arith.cmpf oeq, %select_n3A_235, %eq3A_239 : vector<784x256xf32>
    %jit3A_241 = arith.constant 784 : i32
    %broadcast_in_dim3A_242 = vector.broadcast %jit3A_241 : i32 to vector<784x256xi32>
    %select_n3A_243 = arith.select %eq3A_240, %iota3A, %broadcast_in_dim3A_242 : vector<784x256xi1>, vector<784x256xi32>
    %reduce_min3A_244 = arith.constant dense<2147483647> : vector<256xi32>
    %reduce_min3A_245 = vector.multi_reduction <minsi>, %select_n3A_243, %reduce_min3A_244 [0] : vector<784x256xi32> to vector<256xi32>
    %broadcast_in_dim3A_246 = vector.shape_cast %reduce_min3A_245 : vector<256xi32> to vector<1x256xi32>
    %eq3A_247 = vector.broadcast %broadcast_in_dim3A_246 : vector<1x256xi32> to vector<784x256xi32>
    %eq3A_248 = arith.cmpi eq, %iota3A, %eq3A_247 : vector<784x256xi32>
    %jit3A_249 = arith.constant -1.000000e+30 : f32
    %broadcast_in_dim3A_250 = vector.broadcast %jit3A_249 : f32 to vector<784x256xf32>
    %select_n3A_251 = arith.select %eq3A_248, %broadcast_in_dim3A_250, %select_n3A_235 : vector<784x256xi1>, vector<784x256xf32>
    %reduce_max3A_252 = arith.constant dense<0xFF800000> : vector<256xf32>
    %reduce_max3A_253 = vector.multi_reduction <maximumf>, %select_n3A_251, %reduce_max3A_252 [0] : vector<784x256xf32> to vector<256xf32>
    %broadcast_in_dim3A_254 = vector.shape_cast %reduce_max3A_253 : vector<256xf32> to vector<1x256xf32>
    %eq3A_255 = vector.broadcast %broadcast_in_dim3A_254 : vector<1x256xf32> to vector<784x256xf32>
    %eq3A_256 = arith.cmpf oeq, %select_n3A_251, %eq3A_255 : vector<784x256xf32>
    %jit3A_257 = arith.constant 784 : i32
    %broadcast_in_dim3A_258 = vector.broadcast %jit3A_257 : i32 to vector<784x256xi32>
    %select_n3A_259 = arith.select %eq3A_256, %iota3A, %broadcast_in_dim3A_258 : vector<784x256xi1>, vector<784x256xi32>
    %reduce_min3A_260 = arith.constant dense<2147483647> : vector<256xi32>
    %reduce_min3A_261 = vector.multi_reduction <minsi>, %select_n3A_259, %reduce_min3A_260 [0] : vector<784x256xi32> to vector<256xi32>
    %broadcast_in_dim3A_262 = vector.shape_cast %reduce_min3A_261 : vector<256xi32> to vector<1x256xi32>
    %eq3A_263 = vector.broadcast %broadcast_in_dim3A_262 : vector<1x256xi32> to vector<784x256xi32>
    %eq3A_264 = arith.cmpi eq, %iota3A, %eq3A_263 : vector<784x256xi32>
    %jit3A_265 = arith.constant -1.000000e+30 : f32
    %broadcast_in_dim3A_266 = vector.broadcast %jit3A_265 : f32 to vector<784x256xf32>
    %select_n3A_267 = arith.select %eq3A_264, %broadcast_in_dim3A_266, %select_n3A_251 : vector<784x256xi1>, vector<784x256xf32>
    %reduce_max3A_268 = arith.constant dense<0xFF800000> : vector<256xf32>
    %reduce_max3A_269 = vector.multi_reduction <maximumf>, %select_n3A_267, %reduce_max3A_268 [0] : vector<784x256xf32> to vector<256xf32>
    %broadcast_in_dim3A_270 = vector.shape_cast %reduce_max3A_269 : vector<256xf32> to vector<1x256xf32>
    %eq3A_271 = vector.broadcast %broadcast_in_dim3A_270 : vector<1x256xf32> to vector<784x256xf32>
    %eq3A_272 = arith.cmpf oeq, %select_n3A_267, %eq3A_271 : vector<784x256xf32>
    %jit3A_273 = arith.constant 784 : i32
    %broadcast_in_dim3A_274 = vector.broadcast %jit3A_273 : i32 to vector<784x256xi32>
    %select_n3A_275 = arith.select %eq3A_272, %iota3A, %broadcast_in_dim3A_274 : vector<784x256xi1>, vector<784x256xi32>
    %reduce_min3A_276 = arith.constant dense<2147483647> : vector<256xi32>
    %reduce_min3A_277 = vector.multi_reduction <minsi>, %select_n3A_275, %reduce_min3A_276 [0] : vector<784x256xi32> to vector<256xi32>
    %broadcast_in_dim3A_278 = vector.shape_cast %reduce_min3A_277 : vector<256xi32> to vector<1x256xi32>
    %eq3A_279 = vector.broadcast %broadcast_in_dim3A_278 : vector<1x256xi32> to vector<784x256xi32>
    %eq3A_280 = arith.cmpi eq, %iota3A, %eq3A_279 : vector<784x256xi32>
    %jit3A_281 = arith.constant -1.000000e+30 : f32
    %broadcast_in_dim3A_282 = vector.broadcast %jit3A_281 : f32 to vector<784x256xf32>
    %select_n3A_283 = arith.select %eq3A_280, %broadcast_in_dim3A_282, %select_n3A_267 : vector<784x256xi1>, vector<784x256xf32>
    %reduce_max3A_284 = arith.constant dense<0xFF800000> : vector<256xf32>
    %reduce_max3A_285 = vector.multi_reduction <maximumf>, %select_n3A_283, %reduce_max3A_284 [0] : vector<784x256xf32> to vector<256xf32>
    %broadcast_in_dim3A_286 = vector.shape_cast %reduce_max3A_285 : vector<256xf32> to vector<1x256xf32>
    %eq3A_287 = vector.broadcast %broadcast_in_dim3A_286 : vector<1x256xf32> to vector<784x256xf32>
    %eq3A_288 = arith.cmpf oeq, %select_n3A_283, %eq3A_287 : vector<784x256xf32>
    %jit3A_289 = arith.constant 784 : i32
    %broadcast_in_dim3A_290 = vector.broadcast %jit3A_289 : i32 to vector<784x256xi32>
    %select_n3A_291 = arith.select %eq3A_288, %iota3A, %broadcast_in_dim3A_290 : vector<784x256xi1>, vector<784x256xi32>
    %reduce_min3A_292 = arith.constant dense<2147483647> : vector<256xi32>
    %reduce_min3A_293 = vector.multi_reduction <minsi>, %select_n3A_291, %reduce_min3A_292 [0] : vector<784x256xi32> to vector<256xi32>
    %broadcast_in_dim3A_294 = vector.shape_cast %reduce_min3A_293 : vector<256xi32> to vector<1x256xi32>
    %eq3A_295 = vector.broadcast %broadcast_in_dim3A_294 : vector<1x256xi32> to vector<784x256xi32>
    %eq3A_296 = arith.cmpi eq, %iota3A, %eq3A_295 : vector<784x256xi32>
    %jit3A_297 = arith.constant -1.000000e+30 : f32
    %broadcast_in_dim3A_298 = vector.broadcast %jit3A_297 : f32 to vector<784x256xf32>
    %select_n3A_299 = arith.select %eq3A_296, %broadcast_in_dim3A_298, %select_n3A_283 : vector<784x256xi1>, vector<784x256xf32>
    %reduce_max3A_300 = arith.constant dense<0xFF800000> : vector<256xf32>
    %reduce_max3A_301 = vector.multi_reduction <maximumf>, %select_n3A_299, %reduce_max3A_300 [0] : vector<784x256xf32> to vector<256xf32>
    %broadcast_in_dim3A_302 = vector.shape_cast %reduce_max3A_301 : vector<256xf32> to vector<1x256xf32>
    %eq3A_303 = vector.broadcast %broadcast_in_dim3A_302 : vector<1x256xf32> to vector<784x256xf32>
    %eq3A_304 = arith.cmpf oeq, %select_n3A_299, %eq3A_303 : vector<784x256xf32>
    %jit3A_305 = arith.constant 784 : i32
    %broadcast_in_dim3A_306 = vector.broadcast %jit3A_305 : i32 to vector<784x256xi32>
    %select_n3A_307 = arith.select %eq3A_304, %iota3A, %broadcast_in_dim3A_306 : vector<784x256xi1>, vector<784x256xi32>
    %reduce_min3A_308 = arith.constant dense<2147483647> : vector<256xi32>
    %reduce_min3A_309 = vector.multi_reduction <minsi>, %select_n3A_307, %reduce_min3A_308 [0] : vector<784x256xi32> to vector<256xi32>
    %broadcast_in_dim3A_310 = vector.shape_cast %reduce_min3A_309 : vector<256xi32> to vector<1x256xi32>
    %eq3A_311 = vector.broadcast %broadcast_in_dim3A_310 : vector<1x256xi32> to vector<784x256xi32>
    %eq3A_312 = arith.cmpi eq, %iota3A, %eq3A_311 : vector<784x256xi32>
    %jit3A_313 = arith.constant -1.000000e+30 : f32
    %broadcast_in_dim3A_314 = vector.broadcast %jit3A_313 : f32 to vector<784x256xf32>
    %select_n3A_315 = arith.select %eq3A_312, %broadcast_in_dim3A_314, %select_n3A_299 : vector<784x256xi1>, vector<784x256xf32>
    %reduce_max3A_316 = arith.constant dense<0xFF800000> : vector<256xf32>
    %reduce_max3A_317 = vector.multi_reduction <maximumf>, %select_n3A_315, %reduce_max3A_316 [0] : vector<784x256xf32> to vector<256xf32>
    %broadcast_in_dim3A_318 = vector.shape_cast %reduce_max3A_317 : vector<256xf32> to vector<1x256xf32>
    %eq3A_319 = vector.broadcast %broadcast_in_dim3A_318 : vector<1x256xf32> to vector<784x256xf32>
    %eq3A_320 = arith.cmpf oeq, %select_n3A_315, %eq3A_319 : vector<784x256xf32>
    %jit3A_321 = arith.constant 784 : i32
    %broadcast_in_dim3A_322 = vector.broadcast %jit3A_321 : i32 to vector<784x256xi32>
    %select_n3A_323 = arith.select %eq3A_320, %iota3A, %broadcast_in_dim3A_322 : vector<784x256xi1>, vector<784x256xi32>
    %reduce_min3A_324 = arith.constant dense<2147483647> : vector<256xi32>
    %reduce_min3A_325 = vector.multi_reduction <minsi>, %select_n3A_323, %reduce_min3A_324 [0] : vector<784x256xi32> to vector<256xi32>
    %broadcast_in_dim3A_326 = vector.shape_cast %reduce_min3A_325 : vector<256xi32> to vector<1x256xi32>
    %eq3A_327 = vector.broadcast %broadcast_in_dim3A_326 : vector<1x256xi32> to vector<784x256xi32>
    %eq3A_328 = arith.cmpi eq, %iota3A, %eq3A_327 : vector<784x256xi32>
    %jit3A_329 = arith.constant -1.000000e+30 : f32
    %broadcast_in_dim3A_330 = vector.broadcast %jit3A_329 : f32 to vector<784x256xf32>
    %select_n3A_331 = arith.select %eq3A_328, %broadcast_in_dim3A_330, %select_n3A_315 : vector<784x256xi1>, vector<784x256xf32>
    %reduce_max3A_332 = arith.constant dense<0xFF800000> : vector<256xf32>
    %reduce_max3A_333 = vector.multi_reduction <maximumf>, %select_n3A_331, %reduce_max3A_332 [0] : vector<784x256xf32> to vector<256xf32>
    %broadcast_in_dim3A_334 = vector.shape_cast %reduce_max3A_333 : vector<256xf32> to vector<1x256xf32>
    %eq3A_335 = vector.broadcast %broadcast_in_dim3A_334 : vector<1x256xf32> to vector<784x256xf32>
    %eq3A_336 = arith.cmpf oeq, %select_n3A_331, %eq3A_335 : vector<784x256xf32>
    %jit3A_337 = arith.constant 784 : i32
    %broadcast_in_dim3A_338 = vector.broadcast %jit3A_337 : i32 to vector<784x256xi32>
    %select_n3A_339 = arith.select %eq3A_336, %iota3A, %broadcast_in_dim3A_338 : vector<784x256xi1>, vector<784x256xi32>
    %reduce_min3A_340 = arith.constant dense<2147483647> : vector<256xi32>
    %reduce_min3A_341 = vector.multi_reduction <minsi>, %select_n3A_339, %reduce_min3A_340 [0] : vector<784x256xi32> to vector<256xi32>
    %broadcast_in_dim3A_342 = vector.shape_cast %reduce_min3A_341 : vector<256xi32> to vector<1x256xi32>
    %eq3A_343 = vector.broadcast %broadcast_in_dim3A_342 : vector<1x256xi32> to vector<784x256xi32>
    %eq3A_344 = arith.cmpi eq, %iota3A, %eq3A_343 : vector<784x256xi32>
    %jit3A_345 = arith.constant -1.000000e+30 : f32
    %broadcast_in_dim3A_346 = vector.broadcast %jit3A_345 : f32 to vector<784x256xf32>
    %select_n3A_347 = arith.select %eq3A_344, %broadcast_in_dim3A_346, %select_n3A_331 : vector<784x256xi1>, vector<784x256xf32>
    %reduce_max3A_348 = arith.constant dense<0xFF800000> : vector<256xf32>
    %reduce_max3A_349 = vector.multi_reduction <maximumf>, %select_n3A_347, %reduce_max3A_348 [0] : vector<784x256xf32> to vector<256xf32>
    %broadcast_in_dim3A_350 = vector.shape_cast %reduce_max3A_349 : vector<256xf32> to vector<1x256xf32>
    %eq3A_351 = vector.broadcast %broadcast_in_dim3A_350 : vector<1x256xf32> to vector<784x256xf32>
    %eq3A_352 = arith.cmpf oeq, %select_n3A_347, %eq3A_351 : vector<784x256xf32>
    %jit3A_353 = arith.constant 784 : i32
    %broadcast_in_dim3A_354 = vector.broadcast %jit3A_353 : i32 to vector<784x256xi32>
    %select_n3A_355 = arith.select %eq3A_352, %iota3A, %broadcast_in_dim3A_354 : vector<784x256xi1>, vector<784x256xi32>
    %reduce_min3A_356 = arith.constant dense<2147483647> : vector<256xi32>
    %reduce_min3A_357 = vector.multi_reduction <minsi>, %select_n3A_355, %reduce_min3A_356 [0] : vector<784x256xi32> to vector<256xi32>
    %broadcast_in_dim3A_358 = vector.shape_cast %reduce_min3A_357 : vector<256xi32> to vector<1x256xi32>
    %eq3A_359 = vector.broadcast %broadcast_in_dim3A_358 : vector<1x256xi32> to vector<784x256xi32>
    %eq3A_360 = arith.cmpi eq, %iota3A, %eq3A_359 : vector<784x256xi32>
    %jit3A_361 = arith.constant -1.000000e+30 : f32
    %broadcast_in_dim3A_362 = vector.broadcast %jit3A_361 : f32 to vector<784x256xf32>
    %select_n3A_363 = arith.select %eq3A_360, %broadcast_in_dim3A_362, %select_n3A_347 : vector<784x256xi1>, vector<784x256xf32>
    %reduce_max3A_364 = arith.constant dense<0xFF800000> : vector<256xf32>
    %reduce_max3A_365 = vector.multi_reduction <maximumf>, %select_n3A_363, %reduce_max3A_364 [0] : vector<784x256xf32> to vector<256xf32>
    %broadcast_in_dim3A_366 = vector.shape_cast %reduce_max3A_365 : vector<256xf32> to vector<1x256xf32>
    %eq3A_367 = vector.broadcast %broadcast_in_dim3A_366 : vector<1x256xf32> to vector<784x256xf32>
    %eq3A_368 = arith.cmpf oeq, %select_n3A_363, %eq3A_367 : vector<784x256xf32>
    %jit3A_369 = arith.constant 784 : i32
    %broadcast_in_dim3A_370 = vector.broadcast %jit3A_369 : i32 to vector<784x256xi32>
    %select_n3A_371 = arith.select %eq3A_368, %iota3A, %broadcast_in_dim3A_370 : vector<784x256xi1>, vector<784x256xi32>
    %reduce_min3A_372 = arith.constant dense<2147483647> : vector<256xi32>
    %reduce_min3A_373 = vector.multi_reduction <minsi>, %select_n3A_371, %reduce_min3A_372 [0] : vector<784x256xi32> to vector<256xi32>
    %broadcast_in_dim3A_374 = vector.shape_cast %reduce_min3A_373 : vector<256xi32> to vector<1x256xi32>
    %broadcast_in_dim3A_375 = arith.constant 783 : i32
    %broadcast_in_dim3A_376 = vector.broadcast %broadcast_in_dim3A_375 : i32 to vector<1x256xi32>
    %broadcast_in_dim3A_377 = arith.constant -1.000000e+30 : f32
    %broadcast_in_dim3A_378 = vector.broadcast %broadcast_in_dim3A_377 : f32 to vector<1x256xf32>
    %broadcast_in_dim3A_379 = arith.constant 783 : i32
    %broadcast_in_dim3A_380 = vector.broadcast %broadcast_in_dim3A_379 : i32 to vector<1x256xi32>
    %broadcast_in_dim3A_381 = arith.constant -1.000000e+30 : f32
    %broadcast_in_dim3A_382 = vector.broadcast %broadcast_in_dim3A_381 : f32 to vector<1x256xf32>
    %broadcast_in_dim3A_383 = arith.constant 783 : i32
    %broadcast_in_dim3A_384 = vector.broadcast %broadcast_in_dim3A_383 : i32 to vector<1x256xi32>
    %broadcast_in_dim3A_385 = arith.constant -1.000000e+30 : f32
    %broadcast_in_dim3A_386 = vector.broadcast %broadcast_in_dim3A_385 : f32 to vector<1x256xf32>
    %broadcast_in_dim3A_387 = arith.constant 783 : i32
    %broadcast_in_dim3A_388 = vector.broadcast %broadcast_in_dim3A_387 : i32 to vector<1x256xi32>
    %broadcast_in_dim3A_389 = arith.constant -1.000000e+30 : f32
    %broadcast_in_dim3A_390 = vector.broadcast %broadcast_in_dim3A_389 : f32 to vector<1x256xf32>
    %broadcast_in_dim3A_391 = arith.constant 783 : i32
    %broadcast_in_dim3A_392 = vector.broadcast %broadcast_in_dim3A_391 : i32 to vector<1x256xi32>
    %broadcast_in_dim3A_393 = arith.constant -1.000000e+30 : f32
    %broadcast_in_dim3A_394 = vector.broadcast %broadcast_in_dim3A_393 : f32 to vector<1x256xf32>
    %broadcast_in_dim3A_395 = arith.constant 783 : i32
    %broadcast_in_dim3A_396 = vector.broadcast %broadcast_in_dim3A_395 : i32 to vector<1x256xi32>
    %broadcast_in_dim3A_397 = arith.constant -1.000000e+30 : f32
    %broadcast_in_dim3A_398 = vector.broadcast %broadcast_in_dim3A_397 : f32 to vector<1x256xf32>
    %broadcast_in_dim3A_399 = arith.constant 783 : i32
    %broadcast_in_dim3A_400 = vector.broadcast %broadcast_in_dim3A_399 : i32 to vector<1x256xi32>
    %broadcast_in_dim3A_401 = arith.constant -1.000000e+30 : f32
    %broadcast_in_dim3A_402 = vector.broadcast %broadcast_in_dim3A_401 : f32 to vector<1x256xf32>
    %broadcast_in_dim3A_403 = arith.constant 783 : i32
    %broadcast_in_dim3A_404 = vector.broadcast %broadcast_in_dim3A_403 : i32 to vector<1x256xi32>
    %broadcast_in_dim3A_405 = arith.constant -1.000000e+30 : f32
    %broadcast_in_dim3A_406 = vector.broadcast %broadcast_in_dim3A_405 : f32 to vector<1x256xf32>
    %concatenate3A = tpu.concatenate %broadcast_in_dim3A_6, %broadcast_in_dim3A_22, %broadcast_in_dim3A_38, %broadcast_in_dim3A_54, %broadcast_in_dim3A_70, %broadcast_in_dim3A_86, %broadcast_in_dim3A_102, %broadcast_in_dim3A_118, %broadcast_in_dim3A_134, %broadcast_in_dim3A_150, %broadcast_in_dim3A_166, %broadcast_in_dim3A_182, %broadcast_in_dim3A_198, %broadcast_in_dim3A_214, %broadcast_in_dim3A_230, %broadcast_in_dim3A_246, %broadcast_in_dim3A_262, %broadcast_in_dim3A_278, %broadcast_in_dim3A_294, %broadcast_in_dim3A_310, %broadcast_in_dim3A_326, %broadcast_in_dim3A_342, %broadcast_in_dim3A_358, %broadcast_in_dim3A_374, %broadcast_in_dim3A_376, %broadcast_in_dim3A_380, %broadcast_in_dim3A_384, %broadcast_in_dim3A_388, %broadcast_in_dim3A_392, %broadcast_in_dim3A_396, %broadcast_in_dim3A_400, %broadcast_in_dim3A_404 in 0 : vector<1x256xi32>, vector<1x256xi32>, vector<1x256xi32>, vector<1x256xi32>, vector<1x256xi32>, vector<1x256xi32>, vector<1x256xi32>, vector<1x256xi32>, vector<1x256xi32>, vector<1x256xi32>, vector<1x256xi32>, vector<1x256xi32>, vector<1x256xi32>, vector<1x256xi32>, vector<1x256xi32>, vector<1x256xi32>, vector<1x256xi32>, vector<1x256xi32>, vector<1x256xi32>, vector<1x256xi32>, vector<1x256xi32>, vector<1x256xi32>, vector<1x256xi32>, vector<1x256xi32>, vector<1x256xi32>, vector<1x256xi32>, vector<1x256xi32>, vector<1x256xi32>, vector<1x256xi32>, vector<1x256xi32>, vector<1x256xi32>, vector<1x256xi32> -> vector<32x256xi32>
    %swap3A = arith.constant 0 : index
    %swap3A_407 = arith.constant 0 : index
    %swap3A_408 = vector.load %arg2[%swap3A, %swap3A_407] : memref<32x256xi32, #tpu.memory_space<vmem>>, vector<32x256xi32>
    tpu.vector_store %arg2[%swap3A, %swap3A_407], %concatenate3A {strides = array<i32>} : memref<32x256xi32, #tpu.memory_space<vmem>>, vector<32x256xi32>,
    %concatenate3A_409 = tpu.concatenate %broadcast_in_dim3A, %broadcast_in_dim3A_14, %broadcast_in_dim3A_30, %broadcast_in_dim3A_46, %broadcast_in_dim3A_62, %broadcast_in_dim3A_78, %broadcast_in_dim3A_94, %broadcast_in_dim3A_110, %broadcast_in_dim3A_126, %broadcast_in_dim3A_142, %broadcast_in_dim3A_158, %broadcast_in_dim3A_174, %broadcast_in_dim3A_190, %broadcast_in_dim3A_206, %broadcast_in_dim3A_222, %broadcast_in_dim3A_238, %broadcast_in_dim3A_254, %broadcast_in_dim3A_270, %broadcast_in_dim3A_286, %broadcast_in_dim3A_302, %broadcast_in_dim3A_318, %broadcast_in_dim3A_334, %broadcast_in_dim3A_350, %broadcast_in_dim3A_366, %broadcast_in_dim3A_378, %broadcast_in_dim3A_382, %broadcast_in_dim3A_386, %broadcast_in_dim3A_390, %broadcast_in_dim3A_394, %broadcast_in_dim3A_398, %broadcast_in_dim3A_402, %broadcast_in_dim3A_406 in 0 : vector<1x256xf32>, vector<1x256xf32>, vector<1x256xf32>, vector<1x256xf32>, vector<1x256xf32>, vector<1x256xf32>, vector<1x256xf32>, vector<1x256xf32>, vector<1x256xf32>, vector<1x256xf32>, vector<1x256xf32>, vector<1x256xf32>, vector<1x256xf32>, vector<1x256xf32>, vector<1x256xf32>, vector<1x256xf32>, vector<1x256xf32>, vector<1x256xf32>, vector<1x256xf32>, vector<1x256xf32>, vector<1x256xf32>, vector<1x256xf32>, vector<1x256xf32>, vector<1x256xf32>, vector<1x256xf32>, vector<1x256xf32>, vector<1x256xf32>, vector<1x256xf32>, vector<1x256xf32>, vector<1x256xf32>, vector<1x256xf32>, vector<1x256xf32> -> vector<32x256xf32>
    %swap3A_410 = arith.constant 0 : index
    %swap3A_411 = arith.constant 0 : index
    %swap3A_412 = vector.load %arg3[%swap3A_410, %swap3A_411] : memref<32x256xf32, #tpu.memory_space<vmem>>, vector<32x256xf32>
    tpu.vector_store %arg3[%swap3A_410, %swap3A_411], %concatenate3A_409 {strides = array<i32>} : memref<32x256xf32, #tpu.memory_space<vmem>>, vector<32x256xf32>,
    return
  }
  func.func @transform_0(%arg0: i32) -> (i32, i32) {
    %c0_i32 = arith.constant 0 : i32
    %c0_i32_0 = arith.constant 0 : i32
    return %c0_i32, %arg0 : i32, i32
  }
  func.func @transform_1(%arg0: i32) -> (i32, i32) {
    %c0_i32 = arith.constant 0 : i32
    %c0_i32_0 = arith.constant 0 : i32
    return %c0_i32, %arg0 : i32, i32
  }
  func.func @transform_2(%arg0: i32) -> (i32, i32) {
    %c0_i32 = arith.constant 0 : i32
    %c0_i32_0 = arith.constant 0 : i32
    return %c0_i32, %arg0 : i32, i32
  }
}

</mosaic_0001>

<sc_bundles>
// kernel: kernel.5.cloned.1.call-start
scs
__scs_entry_jumppad:
0x0: {  	(pc) =	sbr.rel $0x88, $3  }
0x1: {  	(tag) =	ssettag $0x0;
	lr =	simm.s32 $0x1  }
0x2: {  	[smem:$0x3F9E] =	sst lr;
	_ =	strace $0xD0000000  }
0x3: {  	_ = 	snop  }
0x4: {  	_ = 	snop  }
0x5: {  	_ = 	snop  }
0x6: {  	_ = 	snop  }
0x7: {  	_ = 	snop  }
__scs_overlays_trampoline_lowered:
0x8: {  	[smem:$0x3FAD] =	sst s0  }
0x9: {  	[smem:$0x3FAE] =	sst s1  }
0xa: {  	[smem:$0x3FAF] =	sst s2  }
0xb: {  	[smem:$0x3FB0] =	sst s3  }
0xc: {  	[smem:$0x3FB1] =	sst s4  }
0xd: {  	[smem:$0x3FB2] =	sst s5  }
0xe: {  	[smem:$0x3FB3] =	sst s6  }
0xf: {  	[smem:$0x3FB4] =	sst s7  }
0x10: {  	[smem:$0x3FB5] =	sst s8  }
0x11: {  	[smem:$0x3FB6] =	sst s9;
	s0 =	simm.s32 @!p0 $0x0  }
0x12: {  	s1 =	sld [smem:$0x3F9C];
	s0 =	simm.s32 @p0 $0x1  }
0x13: {  	[smem:$0x3FB7] =	sst s0;
	s0 =	simm.s32 @!p1 $0x0  }
0x14: {  	s2 =	sld [smem:$0x3F9B];
	s0 =	simm.s32 @p1 $0x1  }
0x15: {  	[smem:$0x3FB8] =	sst s0;
	s0 =	simm.s32 @!p2 $0x0  }
0x16: {  	s3 =	sld [smem:$0x3FDB];
	s0 =	simm.s32 @p2 $0x1  }
0x17: {  	s4 =	simm.s32 $0x1BF5;
	[smem:$0x3FBA] =	sst s0  }
0x18: {  	s0 =	sld [smem:$0x3F9D];
	_ =	swait.ge [sflag:s4], $0x0  }
0x19: {  	s7 =	sld [smem:$0x3F9E]  }
0x1a: {  	s8 =	sadd.s32 $0xFFFFE003, lr  }
0x1b: {  	s9 =	sadd.s32 $0xFFFFFEF7, lr;
	s5 =	simm.s32 $0xFFFFFFFF;
	p2 =	slt.u32 s8, $0xFFFFF086  }
0x1c: {  	p1 =	slt.u32 s9, $0xF7A;
	s5 =	simm.s32 @!p2 $0x0  }
0x1d: {  	s5 =	simm.s32 @p1 $0x1;
	p0 =	seq.s32 s7, s2  }
0x1e: {  	s7 =	smul.u32 @!p0 $0xF7A, s2;
	p2 =	seq.s32 @!p0 s5, $0x0  }
0x1f: {  	s9 =	smul.u32 $0xF7A, s1;
	s8 =	simm.s32 @!p0 $0x1BF5;
	p2 =	por !p2, p0  }
0x20: {  	[sflag:s8] =	ssyncset.s32 @!p0 $0xFFFFF086;
	s6 =	sadd.s32 @!p0 s3, s7;
	s7 =	simm.s32 @!p0 $0x108  }
0x21: {  	s3 =	sadd.s32 s3, s9;
	s6 =	sadd.s32 @!p0 $0x88, s6;
	s7 =	simm.s32 @p2 $0x1082  }
0x22: {  	[simem:s7], [sflag:s8] =	dma.local @!p0 [hbm:s6], $0xF7A  }
0x23: {  	s9 =	sor.u32 $0xD0000000, s2;
	s6 =	simm.s32 $0x108;
	_ =	swait.ge @!p0 [sflag:s8], $0x0  }
0x24: {  	s3 =	sadd.s32 $0x88, s3;
	s6 =	simm.s32 @!p1 $0x1082;
	[sflag:s4] =	ssyncset.s32 $0xFFFFF086  }
0x25: {  	[simem:s6], [sflag:s4] =	dma.local [hbm:s3], $0xF7A  }
0x26: {  	[smem:$0x3F9E] =	sst s1;
	(tag) =	ssettag s2;
	_ =	strace s9  }
0x27: {  	s1 =	sld [smem:$0x3FAE]  }
0x28: {  	s2 =	sld [smem:$0x3FAF]  }
0x29: {  	s4 =	sld [smem:$0x3FB1]  }
0x2a: {  	p0 =	seq.s32 s5, $0x0;
	s5 =	sld [smem:$0x3FB2]  }
0x2b: {  	s6 =	sld [smem:$0x3FB3]  }
0x2c: {  	s7 =	sld [smem:$0x3FB4]  }
0x2d: {  	s3 =	simm.s32 $0x108;
	s8 =	sld [smem:$0x3FB5]  }
0x2e: {  	s3 =	simm.s32 @!p0 $0x1082;
	s9 =	sld [smem:$0x3FB6]  }
0x2f: {  	lr =	sadd.s32 s0, s3;
	s0 =	sld [smem:$0x3FAD]  }
0x30: {  	s3 =	sld [smem:$0x3FB0]  }
0x31: {  	[smem:$0x3FB9] =	sst s10  }
0x32: {  	s10 =	sld [smem:$0x3FB7];
	_ =	sdelay $0x3  }
0x33: {  	p0 =	seq.s32 s10, $0x1;
	s10 =	sld [smem:$0x3FB9];
	_ =	sdelay $0x3  }
0x34: {  	[smem:$0x3FB9] =	sst s10  }
0x35: {  	s10 =	sld [smem:$0x3FB8];
	_ =	sdelay $0x3  }
0x36: {  	p1 =	seq.s32 s10, $0x1;
	s10 =	sld [smem:$0x3FB9];
	_ =	sdelay $0x3  }
0x37: {  	[smem:$0x3FB9] =	sst s10  }
0x38: {  	s10 =	sld [smem:$0x3FBA]  }
0x39: {  	_ = 	snop;
	(pc) =	sbr.ind lr, $3  }
0x3a: {  	_ = 	snop  }
0x3b: {  	_ = 	snop  }
0x3c: {  	p2 =	seq.s32 s10, $0x1;
	s10 =	sld [smem:$0x3FB9]  }
0x3d: {  	_ =	shalt  }
0x3e: {  	_ =	shalt  }
0x3f: {  	_ =	shalt  }
0x40: {  	_ =	shalt  }
0x41: {  	_ =	shalt  }
0x42: {  	_ =	shalt  }
0x43: {  	_ =	shalt  }
0x44: {  	_ =	shalt  }
0x45: {  	_ =	shalt  }
0x46: {  	_ =	shalt  }
0x47: {  	_ =	shalt  }
0x48: {  	_ =	shalt  }
0x49: {  	_ =	shalt  }
0x4a: {  	_ =	shalt  }
0x4b: {  	_ =	shalt  }
0x4c: {  	_ =	shalt  }
0x4d: {  	_ =	shalt  }
0x4e: {  	_ =	shalt  }
0x4f: {  	_ =	shalt  }
0x50: {  	_ =	shalt  }
0x51: {  	_ =	shalt  }
0x52: {  	_ =	shalt  }
0x53: {  	_ =	shalt  }
0x54: {  	_ =	shalt  }
0x55: {  	_ =	shalt  }
0x56: {  	_ =	shalt  }
0x57: {  	_ =	shalt  }
0x58: {  	_ =	shalt  }
0x59: {  	_ =	shalt  }
0x5a: {  	_ =	shalt  }
0x5b: {  	_ =	shalt  }
0x5c: {  	_ =	shalt  }
0x5d: {  	_ =	shalt  }
0x5e: {  	_ =	shalt  }
0x5f: {  	_ =	shalt  }
0x60: {  	_ =	shalt  }
0x61: {  	_ =	shalt  }
0x62: {  	_ =	shalt  }
0x63: {  	_ =	shalt  }
0x64: {  	_ =	shalt  }
0x65: {  	_ =	shalt  }
0x66: {  	_ =	shalt  }
0x67: {  	_ =	shalt  }
0x68: {  	_ =	shalt  }
0x69: {  	_ =	shalt  }
0x6a: {  	_ =	shalt  }
0x6b: {  	_ =	shalt  }
0x6c: {  	_ =	shalt  }
0x6d: {  	_ =	shalt  }
0x6e: {  	_ =	shalt  }
0x6f: {  	_ =	shalt  }
0x70: {  	_ =	shalt  }
0x71: {  	_ =	shalt  }
0x72: {  	_ =	shalt  }
0x73: {  	_ =	shalt  }
0x74: {  	_ =	shalt  }
0x75: {  	_ =	shalt  }
0x76: {  	_ =	shalt  }
0x77: {  	_ =	shalt  }
0x78: {  	_ =	shalt  }
0x79: {  	_ =	shalt  }
0x7a: {  	_ =	shalt  }
0x7b: {  	_ =	shalt  }
0x7c: {  	_ =	shalt  }
0x7d: {  	_ =	shalt  }
0x7e: {  	_ =	shalt  }
0x7f: {  	_ =	shalt  }
0x80: {  	_ =	shalt  }
0x81: {  	_ =	shalt  }
0x82: {  	_ =	shalt  }
0x83: {  	_ =	shalt  }
0x84: {  	_ =	shalt  }
0x85: {  	_ =	shalt  }
0x86: {  	_ =	shalt  }
0x87: {  	_ =	shalt  }
.Lfunc_end0:
.L_simem_size_0:
called_computation_lowered:
.L_overlay_start_0:
0x88: {  	s2 =	sld [smem:$0x3FD9]  }
0x89: {  	s3 =	sld [smem:$0x3FFE];
	_ =	sdelay $0x1  }
0x8a: {  	s1 =	srdreg.scid  }
0x8b: {  	s0 =	sand.u32 $0x1, s1  }
0x8c: {  	s14 =	sshll.u32 s0, $0xA;
	s2 =	sadd.s32 s3, s2  }
0x8d: {  	s2 =	sadd.s32 s2, s14  }
0x8e: {  	[smem:$0x3FC5] =	sst s2  }
0x8f: {  	_ = 	snop  }
0x90: {  	s2 =	sld [smem:$0x3FD0];
	_ =	sdelay $0x2  }
0x91: {  	s15 =	simm.s32 $0xA;
	s4 =	simm.s32 $0x10  }
0x92: {  	[smem:s4], [sflag:s15] =	dma.local [hbm:s2], $0x1  }
0x93: {  	_ =	swait.eq [sflag:s15], $0x1  }
0x94: {  	s16 =	sld [smem:$0x10]  }
0x95: {  	s17 =	sld [smem:$0x11];
	[sflag:s15] =	ssyncset.done $0x0  }
0x96: {  	s5 =	sld [smem:$0x12];
	[sflag:s15] =	ssyncadd.s32 $0xFFFFFFFF  }
0x97: {  	s18 =	sld [smem:$0x13];
	(tm) =	ssettm $0x1  }
0x98: {  	s6 =	sld [smem:$0x3FFB];
	_ =	sdelay $0x3  }
0x99: {  	_ =	strace s6  }
0x9a: {  	s6 =	sld [smem:$0x3FFC];
	_ =	sdelay $0x3  }
0x9b: {  	_ =	strace s6  }
0x9c: {  	s6 =	sld [smem:$0x3FFD];
	_ =	sdelay $0x3  }
0x9d: {  	_ =	strace s6  }
0x9e: {  	_ =	strace $0x8FFFFFFF  }
0x9f: {  	s19 =	sld [smem:$0x3FDB];
	_ =	sdelay $0x1  }
0xa0: {  	s7 =	simm.s32 $_scs_section_size  }
0xa1: {  	s8 =	simm.s32 $_size__tile_overlayer_lowered;
	s9 =	simm.s32 $_tile_overlayer_lowered  }
0xa2: {  	s22 =	simm.s32 $0x1BFF;
	s21 =	sshll.u32 s9, $0x1;
	s6 =	sadd.s32 s7, s19  }
0xa3: {  	s10 =	simm.s32 $0x0;
	s20 =	sshll.u32 s8, $0x1;
	s8 =	sadd.s32 s21, s6  }
0xa4: {  	[timem:s10], [sflag:s22] =	dma.local [hbm:s8], s20  }
0xa5: {  	_ =	swait.ge [sflag:s22], s20  }
0xa6: {  	s7 =	ssub.s32 $0x0, s20;
	[sflag:s22] =	ssyncset.done $0x0  }
0xa7: {  	[sflag:s22] =	ssyncadd.s32 s7;
	_ =	sdelay $0x1  }
0xa8: {  	s23 =	simm.s32 $0x1B8B  }
0xa9: {  	_ =	swait.ge [sflag:s23], $0x1  }
0xaa: {  	[sflag:s23] =	ssyncset.done $0x0  }
0xab: {  	s25 =	simm.s32 $0x1B8E;
	s24 =	sld [smem:$0x3FFE];
	[sflag:s23] =	ssyncadd.s32 $0xFFFFFFFF  }
0xac: {  	s26 =	simm.s32 $execute0_lowered;
	[smem:$0x3FD2] =	sst s25  }
0xad: {  	s8 =	sshll.u32 s26, $0x1;
	_ =	strace $0x80000046;
	[dreg:$0x1] =	wrdreg $0xFFFFFFFF  }
0xae: {  	s28 =	simm.s32 $_size_execute0_lowered;
	s6 =	sadd.s32 s6, s8;
	[dreg:$0x0] =	wrdreg $0x0  }
0xaf: {  	s8 =	sshll.u32 s28, $0x1;
	[dreg:$0x2] =	wrdreg s6  }
0xb0: {  	[dreg:$0x3] =	wrdreg s8  }
0xb1: {  	[dreg:$0x4] =	wrdreg $0xC0  }
0xb2: {  	_ =	task [dreg:s10], $0x5FFFF  }
0xb3: {  	[dreg:$0x1] =	wrdreg $0xFFFFFFFF  }
0xb4: {  	[dreg:$0x0] =	wrdreg $0x60  }
0xb5: {  	[dreg:$0x2] =	wrdreg s24  }
0xb6: {  	[dreg:$0x3] =	wrdreg s16  }
0xb7: {  	[dreg:$0x4] =	wrdreg s17  }
0xb8: {  	[dreg:$0x5] =	wrdreg s5  }
0xb9: {  	[dreg:$0x6] =	wrdreg s18  }
0xba: {  	[dreg:$0x7] =	wrdreg $0x9  }
0xbb: {  	_ =	task.clear_ibuf [dreg:s10], $0x8FFFF;
	_ =	strace $0x90000046  }
0xbc: {  	s29 =	simm.s32 $0x9;
	_ =	strace $0x80000048  }
0xbd: {  	_ =	swait.ge [sflag:s29], $0x1  }
0xbe: {  	[sflag:s29] =	ssyncadd.s32 $0xFFFFFFFF  }
0xbf: {  	_ =	strace $0x90000048  }
0xc0: {  	_ =	sfence  }
0xc1: {  	s30 =	sld [smem:$0x0];
	_ =	sdelay $0x2  }
0xc2: {  	s31 =	sshll.u32 s1, $0xD;
	s1 =	sshrl.u32 s1, $0x2  }
0xc3: {  	s3 =	sand.u32 $0x4000, s31;
	s1 =	sadd.s32 s1, s30  }
0xc4: {  	s0 =	sor.u32 s3, s0;
	s1 =	sshll.u32 s1, $0x11  }
0xc5: {  	s0 =	sor.u32 s1, s0  }
0xc6: {  	s0 =	sadd.s32 $0x8F2B, s0  }
0xc7: {  	[sflag:s0] =	ssyncadd.remote.s32 $0x1  }
0xc8: {  	_ =	sfence.sel $0xFFFF  }
0xc9: {  	[dreg:$0x0] =	wrdreg $0xFFFFFFFF;
	(pc) =	sbr.abs _section_cstart, $3  }
0xca: {  	[dreg:$0x1] =	wrdreg $0xFFFFFFFF  }
0xcb: {  	_ =	task.clear_ibuf [dreg:s10], $0x2FFFF;
	_ =	strace $0x9FFFFFFF  }
0xcc: {  	(tm) =	ssettm $0x7FFFFFFF  }
0xcd: {  	_ =	shalt  }
tec
execute0_lowered:
.L_overlay_start_1:
0x0: {  	(tag) =	ssettag $0x1  }
0x1: {  	s0 =	rddreg [dreg:$0x0]  }
0x2: {  	s1 =	rddreg [dreg:$0x1]  }
0x3: {  	s2 =	srdreg.scid;
	s3 =	stileid.u32  }
0x4: {  	s11 =	rddreg [dreg:$0x2];
	v2 =	vimm.s32 $0x76543210;
	v3 =	vimm.s32 $0xFEDCBA98;
	s4 =	sand.u32 $0x1, s2;
	s25 =	sshll.u32 s3, $0x1  }
0x5: {  	s13 =	rddreg [dreg:$0x3];
	v4 =	vimm.s32 $0x32107654;
	v5 =	vimm.s32 $0xDCFE98BA;
	v6 =	vimm.s32 $0x54761032;
	s7 =	sor.u32 s4, s25  }
0x6: {  	s12 =	rddreg [dreg:$0x4];
	v1 =	vlaneseq.u32;
	v7 =	vimm.s32 $0xEFCDAB89;
	v8 =	vimm.s32 $0x67452301;
	s10 =	smul.u32 $0x6200, s7  }
0x7: {  	s24 =	simm.s32 $0x2200;
	s28 =	simm.s32 $0x7500;
	vm0 =	vcmask $0x310;
	vm1 =	vcmask $0x710;
	vm2 =	vcmask $0xB10;
	s2 =	simm.s32 $0x0  }
0x8: {  	s29 =	simm.s32 $0x7800;
	s30 =	simm.s32 $0x7B00;
	vm15 =	vmmov $0xf;
	vm12 =	vmmov $0xfff;
	[smem:$0x7FF] =	sst s2;
	v0 =	vmov s10  }
0x9: {  	s20 =	simm.s32 $0x20;
	s31 =	simm.s32 $0x7E00;
	vm14 =	vmmov $0x1fff;
	v2 =	vunpack.c.l.s4.s8 v2;
	_ =	strace $0x80000047;
	[tilespmem:$0x1FFC0] =	vst v0;
	v0 =	vimm.s32 $0xBA98FEDC  }
0xa: {  	s3 =	sadd.s32 $0x188200, s0;
	v3 =	vunpack.c.l.s4.s8 v3;
	v4 =	vunpack.c.l.s4.s8 v4;
	s6 =	ssub.s32 $0x2, s4;
	s4 =	sadd.s32 $0x4800, s0;
	v0 =	vunpack.c.l.s4.s8 v0  }
0xb: {  	v5 =	vunpack.c.l.s4.s8 v5;
	v6 =	vunpack.c.l.s4.s8 v6;
	v7 =	vunpack.c.l.s4.s8 v7;
	s25 =	simm.s32 $0x1100;
	s5 =	sshll.u32 s7, $0x9;
	s14 =	sshll.u32 s7, $0x2  }
0xc: {  	v8 =	vunpack.c.l.s4.s8 v8;
	s8 =	sshrl.u32 s6, $0x1;
	s15 =	smul.u32 $0x50, s7;
	s7 =	sshll.u32 s7, $0x5;
	v4 =	vunpack.c.0.s8.s32 v4;
	v0 =	vunpack.c.0.s8.s32 v0  }
0xd: {  	v3 =	vunpack.c.0.s8.s32 v3;
	v5 =	vunpack.c.0.s8.s32 v5;
	v6 =	vunpack.c.0.s8.s32 v6;
	s5 =	sadd.s32 s5, s0;
	s9 =	sadd.s32 s14, s0;
	s26 =	ssub.s32 s6, s8  }
.Ltmp0:
0xe: {  	s13 =	sadd.s32 s13, s14;
	s16 =	sor.u32 $0x1, s10;
	v0 =	vcombine.low v4, v0;
	v4 =	vunpack.c.0.s8.s32 v7;
	v7 =	vunpack.c.0.s8.s32 v8;
	(pc) =	sbr.rel .LBB2_1-.Ltmp0, $4  }
0xf: {  	s5 =	sadd.s32 $0x200, s5;
	s6 =	sadd.s32 $0x4400, s9;
	s17 =	sor.u32 $0x2, s10;
	v9 =	vcombine.low v6, v5;
	v5 =	vmov s16;
	v8 =	vmul.u32 $0xFFFFFFFF, v1  }
0x10: {  	v2 =	vunpack.c.0.s8.s32 v2;
	s8 =	sadd.s32 $0x4600, s9;
	s9 =	sadd.s32 $0x4200, s9;
	s10 =	sadd.s32 s1, s15;
	[tilespmem:$0x1FFD0] =	vst v5;
	v5 =	vmov s17;
	v4 =	vcombine.low v7, v4  }
0x11: {  	s11 =	sadd.s32 s11, s15;
	s12 =	sadd.s32 s12, s15;
	s14 =	smax.u32 s26, $0x1;
	v3 =	vand.u32 $0xF, v3;
	[tilespmem:$0x1FFE0] =	vst v5;
	v5 =	vadd.s32 $0xF, v8;
	v6 =	vand.u32 $0xF, v0  }
0x12: {  	s15 =	simm.s32 $0x5;
	s26 =	simm.s32 $0x3200;
	s1 =	simm.s32 $0x0;
	v7 =	vand.u32 $0xF, v9;
	[tilespmem:$0x1FFF0] =	vst v5;
	v5 =	vcombine.low v3, v2;
	v8 =	vand.u32 $0xF, v4  }
.LBB2_87:
0x13: {  	[tilespmem:$0x7E00] =	vst v11  }
0x14: {  	[tilespmem:$0x7E10] =	vst v10  }
0x15: {  	[hbm4b:s10+s2] =	stream.linear.scatter [tilespmem:s28], [sflag:$0x5], $0x280, $0x38;
	[tilespmem:$0x7E80] =	vst v63  }
0x16: {  	_ =	swait.ge [sflag:s15], $0x280  }
0x17: {  	[sflag:s15] =	ssyncset.done $0x0  }
0x18: {  	[sflag:s15] =	ssyncadd.s32 $0xFFFFFD80  }
0x19: {  	[hbm4b:s11+s2] =	stream.linear.scatter [tilespmem:s29], [sflag:$0x5], $0x280, $0x38;
	[tilespmem:$0x7E80] =	vst v63  }
0x1a: {  	_ =	swait.ge [sflag:s15], $0x280  }
0x1b: {  	[sflag:s15] =	ssyncset.done $0x0  }
0x1c: {  	[sflag:s15] =	ssyncadd.s32 $0xFFFFFD80  }
0x1d: {  	[hbm4b:s12+s2] =	stream.linear.scatter [tilespmem:s30], [sflag:$0x5], $0x280, $0x38;
	[tilespmem:$0x7E80] =	vst v63  }
0x1e: {  	s1 =	sadd.s32 $0x1, s1;
	_ =	swait.ge [sflag:s15], $0x280  }
0x1f: {  	p0 =	sne.s32 s1, s14;
	[sflag:s15] =	ssyncset.done $0x0  }
.Ltmp1:
0x20: {  	[sflag:s15] =	ssyncadd.s32 $0xFFFFFD80;
	(pc) =	sbr.rel @!p0 .LBB2_88-.Ltmp1, $4  }
0x21: {  	[hbm4b:s13+s2] =	stream.linear.scatter [tilespmem:s31], [sflag:$0x5], $0x20, $0x38;
	[tilespmem:$0x7E80] =	vst v63  }
0x22: {  	_ =	swait.ge [sflag:s15], $0x20  }
0x23: {  	[sflag:s15] =	ssyncset.done $0x0  }
0x24: {  	[sflag:s15] =	ssyncadd.s32 $0xFFFFFFE0  }
.LBB2_1:
0x25: {  	[tilespmem:s2], [sflag:$0x5] =	stream.linear.gather [hbm4b:s5+s2], $0x1000, $0x38;
	[tilespmem:$0x7E80] =	vst v63  }
0x26: {  	_ =	swait.ge [sflag:s15], $0x1000  }
0x27: {  	[sflag:s15] =	ssyncset.done $0x0  }
0x28: {  	s0 =	simm.s32 $0x7300;
	[sflag:s15] =	ssyncadd.s32 $0xFFFFF000  }
0x29: {  	[tilespmem:s0], [sflag:$0x5] =	stream.linear.gather [hbm4b:s6+s2], $0x20, $0x38;
	[tilespmem:$0x7E80] =	vst v63  }
0x2a: {  	_ =	swait.ge [sflag:s15], $0x20  }
0x2b: {  	[sflag:s15] =	ssyncset.done $0x0  }
0x2c: {  	s18 =	simm.s32 $0x7380;
	[sflag:s15] =	ssyncadd.s32 $0xFFFFFFE0  }
0x2d: {  	[tilespmem:s18], [sflag:$0x5] =	stream.linear.gather [hbm4b:s8+s2], $0x20, $0x38;
	[tilespmem:$0x7E80] =	vst v63  }
0x2e: {  	_ =	swait.ge [sflag:s15], $0x20  }
0x2f: {  	[sflag:s15] =	ssyncset.done $0x0  }
0x30: {  	s19 =	simm.s32 $0x7400;
	[sflag:s15] =	ssyncadd.s32 $0xFFFFFFE0  }
0x31: {  	[tilespmem:s19], [sflag:$0x5] =	stream.linear.gather [hbm4b:s9+s2], $0x20, $0x38;
	[tilespmem:$0x7E80] =	vst v63  }
0x32: {  	_ =	swait.ge [sflag:s15], $0x20  }
0x33: {  	[sflag:s15] =	ssyncset.done $0x0  }
0x34: {  	s21 =	simm.s32 $0x7480;
	[sflag:s15] =	ssyncadd.s32 $0xFFFFFFE0  }
0x35: {  	[tilespmem:s21], [sflag:$0x5] =	stream.linear.gather [hbm4b:s4+s2], $0x80, $0x38;
	[tilespmem:$0x7E80] =	vst v63  }
0x36: {  	_ =	swait.ge [sflag:s15], $0x80  }
0x37: {  	[sflag:s15] =	ssyncset.done $0x0  }
0x38: {  	[sflag:s15] =	ssyncadd.s32 $0xFFFFFF80  }
0x39: {  	v0 =	vld [tilespmem:$0x0]  }
0x3a: {  	v2 =	vld [tilespmem:$0x10];
	_ =	sdelay $0x3  }
0x3b: {  	(xrf1) =	vsort.ascd.msk.u32 $0xffff, v0, v0  }
0x3c: {  	(xrf1) =	vsort.ascd.msk.u32 $0xffff, v2, v2;
	_ =	sdelay $0x9  }
0x3d: {  	v4 =	vld [tilespmem:$0x1FFF0];
	_ =	sdelay $0x2  }
0x3e: {  	v0, _, _ =	vpop (xrf1)  }
0x3f: {  	v2, _, _ =	vpop (xrf1)  }
0x40: {  	v2 =	vperm.xlane v2, v4;
	_ =	sdelay $0x1  }
0x41: {  	vm3 =	vlt.s32 v0, v2  }
0x42: {  	v3 =	vsel vm3, v0, v2  }
0x43: {  	v0 =	vsel vm3, v2, v0;
	(xrf1) =	vsort.ascd.msk.u32 $0xffff, v3, v3  }
0x44: {  	(xrf1) =	vsort.ascd.msk.u32 $0xffff, v0, v0;
	_ =	sdelay $0x9  }
0x45: {  	v3 =	vld [tilespmem:$0x1FFC0];
	_ =	sdelay $0x2  }
0x46: {  	v0, _, _ =	vpop (xrf1)  }
0x47: {  	v2, _, _ =	vpop (xrf1);
	[tilespmem:$0x0] =	vst v0;
	v0 =	vshll.u32 v0, $0x3  }
0x48: {  	[tilespmem:$0x10] =	vst v2;
	v0 =	vadd.s32 v3, v0;
	v2 =	vshll.u32 v2, $0x3  }
0x49: {  	[tilespmem:$0x1000] =	vst v0;
	v0 =	vadd.s32 v3, v2;
	v2 =	vld [tilespmem:$0x7480];
	_ =	sdelay $0x1  }
0x4a: {  	s22 =	simm.s32 $0x1000;
	s16 =	simm.s32 $0x1200;
	[tilespmem:$0x1010] =	vst v0  }
0x4b: {  	[tilespmem:s16], [sflag:$0x1] =	stream.indirect.gather [hbm4b:s3+s20], $0x80, s22, s20, $0xb8;
	[tilespmem:$0x7E80] =	vst v63  }
0x4c: {  	v0 =	vld [tilespmem:$0x80]  }
0x4d: {  	[tilespmem:$0x1FFB0] =	vst v2;
	v2 =	vld [tilespmem:$0x90];
	_ =	sdelay $0x3  }
0x4e: {  	(xrf1) =	vsort.ascd.msk.u32 $0xffff, v0, v0  }
0x4f: {  	(xrf1) =	vsort.ascd.msk.u32 $0xffff, v2, v2;
	_ =	sdelay $0xc  }
0x50: {  	v0, _, _ =	vpop (xrf1)  }
0x51: {  	v2, _, _ =	vpop (xrf1)  }
0x52: {  	v2 =	vperm.xlane v2, v4;
	_ =	sdelay $0x1  }
0x53: {  	vm3 =	vlt.s32 v0, v2  }
0x54: {  	v3 =	vsel vm3, v0, v2  }
0x55: {  	v0 =	vsel vm3, v2, v0;
	(xrf1) =	vsort.ascd.msk.u32 $0xffff, v3, v3  }
0x56: {  	(xrf1) =	vsort.ascd.msk.u32 $0xffff, v0, v0;
	_ =	sdelay $0x9  }
0x57: {  	v3 =	vld [tilespmem:$0x1FFD0];
	_ =	sdelay $0x2  }
0x58: {  	v0, _, _ =	vpop (xrf1)  }
0x59: {  	v2, _, _ =	vpop (xrf1);
	[tilespmem:$0x80] =	vst v0;
	v0 =	vshll.u32 v0, $0x3  }
0x5a: {  	[tilespmem:$0x90] =	vst v2;
	v0 =	vadd.s32 v3, v0;
	v2 =	vshll.u32 v2, $0x3  }
0x5b: {  	[tilespmem:$0x1080] =	vst v0;
	v0 =	vadd.s32 v3, v2  }
0x5c: {  	s23 =	simm.s32 $0x1080;
	[tilespmem:$0x1090] =	vst v0  }
0x5d: {  	[tilespmem:s24], [sflag:$0x2] =	stream.indirect.gather [hbm4b:s3+s20], $0x80, s23, s20, $0xb8;
	[tilespmem:$0x7E80] =	vst v63  }
0x5e: {  	v0 =	vld [tilespmem:$0x100]  }
0x5f: {  	v2 =	vld [tilespmem:$0x110];
	_ =	sdelay $0x3  }
0x60: {  	(xrf1) =	vsort.ascd.msk.u32 $0xffff, v0, v0  }
0x61: {  	(xrf1) =	vsort.ascd.msk.u32 $0xffff, v2, v2;
	_ =	sdelay $0xc  }
0x62: {  	v0, _, _ =	vpop (xrf1)  }
0x63: {  	v2, _, _ =	vpop (xrf1)  }
0x64: {  	v2 =	vperm.xlane v2, v4;
	_ =	sdelay $0x1  }
0x65: {  	vm3 =	vlt.s32 v0, v2  }
0x66: {  	v3 =	vsel vm3, v0, v2  }
0x67: {  	v0 =	vsel vm3, v2, v0;
	(xrf1) =	vsort.ascd.msk.u32 $0xffff, v3, v3  }
0x68: {  	(xrf1) =	vsort.ascd.msk.u32 $0xffff, v0, v0;
	_ =	sdelay $0x9  }
0x69: {  	v3 =	vld [tilespmem:$0x1FFE0];
	_ =	sdelay $0x2  }
0x6a: {  	v0, _, _ =	vpop (xrf1)  }
.Ltmp2:
0x6b: {  	v2, _, _ =	vpop (xrf1);
	[tilespmem:$0x100] =	vst v0;
	v0 =	vshll.u32 v0, $0x3;
	(pc) =	sbr.rel .LBB2_2-.Ltmp2, $4  }
0x6c: {  	[tilespmem:$0x110] =	vst v2;
	v0 =	vadd.s32 v3, v0;
	v2 =	vshll.u32 v2, $0x3  }
0x6d: {  	[tilespmem:$0x1100] =	vst v0;
	v0 =	vadd.s32 v3, v2  }
0x6e: {  	s0 =	simm.s32 $0x0;
	s16 =	simm.s32 $0x0;
	[tilespmem:$0x1110] =	vst v0  }
0x6f: {  	v10 =	vimm.s32 $0x0;
	v11 =	vimm.s32 $0x0;
	[tilespmem:s26], [sflag:$0x3] =	stream.indirect.gather [hbm4b:s3+s20], $0x80, s25, s20, $0xb8;
	[tilespmem:$0x7E80] =	vst v63  }
.LBB2_85:
0x70: {  	v25 =	vsel vm3, v27, v25;
	v22 =	vsel vm3, v30, v22  }
.LBB2_86:
0x71: {  	v27 =	vperm.xlane v25, v5;
	_ =	sdelay $0x1  }
0x72: {  	v27 =	vmax.f32 v25, v27  }
0x73: {  	v30 =	vperm.xlane v27, v6;
	_ =	sdelay $0x1  }
0x74: {  	v27 =	vmax.f32 v27, v30  }
0x75: {  	v30 =	vperm.xlane v27, v7;
	_ =	sdelay $0x1  }
0x76: {  	v27 =	vmax.f32 v27, v30  }
0x77: {  	v30 =	vperm.xlane v27, v8;
	_ =	sdelay $0x1  }
0x78: {  	v27 =	vmax.f32 v27, v30  }
0x79: {  	vm3 =	veq.f32 v25, v27  }
0x7a: {  	v22 =	vnsel vm3, $0x40000000, v22  }
0x7b: {  	v30 =	vperm.xlane v22, v5;
	_ =	sdelay $0x1  }
0x7c: {  	vm3 =	vlt.s32 v22, v30  }
0x7d: {  	v22 =	vsel vm3, v22, v30  }
0x7e: {  	v25 =	vperm.xlane v22, v6;
	_ =	sdelay $0x1  }
0x7f: {  	vm3 =	vlt.s32 v22, v25  }
0x80: {  	v22 =	vsel vm3, v22, v25  }
0x81: {  	v25 =	vperm.xlane v22, v7;
	_ =	sdelay $0x1  }
0x82: {  	vm3 =	vlt.s32 v22, v25  }
0x83: {  	v22 =	vsel vm3, v22, v25  }
0x84: {  	v25 =	vperm.xlane v22, v8;
	_ =	sdelay $0x1  }
0x85: {  	vm3 =	vlt.s32 v22, v25  }
0x86: {  	v22 =	vsel vm3, v22, v25  }
0x87: {  	(v2sf) =	vpush v22, $0x0;
	_ =	sdelay $0xe  }
0x88: {  	s19 =	spop (v2sf)  }
0x89: {  	s18 =	sshra.s32 s19, $0x1F  }
0x8a: {  	s18 =	sshrl.u32 s18, $0x1C  }
0x8b: {  	s18 =	sadd.s32 s18, s19  }
0x8c: {  	vm3 =	vmmov $0x1;
	s18 =	sand.u32 $0xFFFFFFF0, s18  }
0x8d: {  	vm10 =	vmmov $0x3;
	v14 =	vsel vm3, v14, v17;
	v25 =	vld [tilespmem:s18+$0x5200]  }
0x8e: {  	vm13 =	vmmov $0x7;
	v14 =	vsel vm10, v14, v21  }
0x8f: {  	v14 =	vsel vm13, v14, v24;
	s19 =	ssub.s32 s19, s18  }
0x90: {  	vm8 =	vmmov $0x1f;
	v14 =	vsel vm15, v14, v28;
	v21 =	vmov s19  }
0x91: {  	vm4 =	vmmov $0x3f;
	v30 =	vld [tilespmem:$0x1FFA0];
	v14 =	vsel vm8, v14, v31;
	vm5 =	veq.s32 v21, v1  }
0x92: {  	v24 =	vld [tilespmem:$0x1FF70];
	v14 =	vsel vm4, v14, v34;
	v17 =	vsel vm5, $0xF149F2CA, v25;
	vm5 =	vmmov $0x7f  }
0x93: {  	vm6 =	vmmov $0xff;
	v34 =	vld [tilespmem:$0x1FF90];
	v14 =	vsel vm5, v14, v37;
	[tilespmem:s18+$0x5200] =	vst v17  }
0x94: {  	vm7 =	vmmov $0x1ff;
	v14 =	vsel vm6, v14, v40;
	v17 =	vld [tilespmem:$0x7300]  }
0x95: {  	v14 =	vsel vm7, v14, v43;
	v43 =	vld [tilespmem:$0x1FF80]  }
0x96: {  	vm9 =	vmmov $0x3ff;
	v40 =	vld [tilespmem:$0x7310]  }
0x97: {  	vm11 =	vmmov $0x7ff;
	v15 =	vperm.xlane v30, v15;
	v0 =	vnsel vm3, $0xF149F2CA, v0;
	v25 =	vld [tilespmem:$0x1FF60]  }
0x98: {  	v0 =	vsel vm0, v0, v4;
	v18 =	vperm.xlane v34, v18;
	v14 =	vsel vm9, v14, v46  }
0x99: {  	v0 =	vsel vm1, v0, v19;
	v22 =	vperm.xlane v24, v23;
	v14 =	vsel vm11, v14, v49  }
0x9a: {  	v15 =	vsel vm3, v15, v18;
	v28 =	vld [tilespmem:$0x7390];
	v14 =	vsel vm12, v14, v52;
	v20 =	vperm.xlane v43, v20  }
0x9b: {  	v30 =	vld [tilespmem:$0x1FF50];
	v14 =	vsel vm14, v14, v55;
	v17 =	vperm.xlane v17, v12;
	v18 =	vperm.xlane v40, v13  }
0x9c: {  	v15 =	vsel vm10, v15, v20;
	v20 =	vperm.xlane v25, v26;
	v26 =	vld [tilespmem:$0x7380];
	vm10 =	vmmov $0x3fff  }
0x9d: {  	v15 =	vsel vm13, v15, v22;
	v14 =	vsel vm10, v14, v58;
	vm13 =	vmmov $0x7fff  }
0x9e: {  	v0 =	vsel vm2, v0, v27;
	v4 =	vpsel p0, v18, v17;
	v14 =	vsel vm13, v14, v61  }
0x9f: {  	v46 =	vperm.xlane v39, v38;
	v34 =	vperm.xlane v28, v13;
	v14 =	vsub.f32 v14, v4  }
0xa0: {  	v40 =	vperm.xlane v33, v32;
	v17 =	vperm.xlane v30, v29;
	v0 =	vsub.f32 v0, v4  }
0xa1: {  	v15 =	vsel vm15, v15, v20;
	v31 =	vperm.xlane v26, v12;
	v4 =	vmul.f32 $1.442695020e+00, v14  }
0xa2: {  	v43 =	vperm.xlane v36, v35;
	v0 =	vmul.f32 $1.442695020e+00, v0;
	v37 =	vsel vm8, v15, v17  }
0xa3: {  	v12 =	vpsel p0, v34, v31;
	(erf) = vpow2.f32 v4;
	v4 =	vsel vm4, v37, v40  }
0xa4: {  	v49 =	vperm.xlane v42, v41;
	(erf) = vrcp.f32 v12;
	v4 =	vsel vm5, v4, v43  }
0xa5: {  	(erf) = vpow2.f32 v0;
	v0 =	vsel vm6, v4, v46;
	v4 =	vperm.xlane v45, v44  }
0xa6: {  	v52 =	vperm.xlane v48, v47;
	v0 =	vsel vm7, v0, v49  }
0xa7: {  	v0 =	vsel vm9, v0, v4;
	v4 =	vperm.xlane v51, v50  }
0xa8: {  	v0 =	vsel vm11, v0, v52  }
0xa9: {  	v2 =	vperm.xlane v3, v2;
	v3 =	vld [tilespmem:s18+$0x6280];
	v0 =	vsel vm12, v0, v4;
	v4 =	vperm.xlane v63, v62  }
0xaa: {  	v61 =	vld [tilespmem:$0x1FFB0]  }
0xab: {  	v9 =	vperm.xlane v16, v9;
	v4 =	vnsel vm3, $0x0, v4  }
0xac: {  	v55 =	vperm.xlane v54, v53  }
0xad: {  	v57 =	vperm.xlane v57, v56;
	v58 =	vperm.xlane v60, v59;
	v59 =	vpop (erf)  }
0xae: {  	v3 =	vperm.xlane v3, v21;
	v0 =	vsel vm14, v0, v55;
	v2 =	vsel vm0, v4, v2;
	v4 =	vpop (erf)  }
0xaf: {  	s23 =	smul.u32 $0x14, s16;
	vm11 =	vgt.s32 v61, v1;
	v0 =	vsel vm10, v0, v57;
	v2 =	vsel vm1, v2, v9;
	v9 =	vpop (erf)  }
0xb0: {  	v0 =	vsel vm13, v0, v58;
	v60 =	vmul.f32 v4, v59;
	v4 =	vmul.f32 v4, v9  }
0xb1: {  	v62 =	vmov s17;
	[tilespmem:s23+$0x7800] =	vst v0;
	v0 =	vmov s16;
	s16 =	sadd.s32 $0x1, s16;
	v9 =	vor.u32 $0x10, v1  }
0xb2: {  	p0 =	sne.s32 s16, $0x20;
	vm3 =	vgt.s32 v61, v9;
	vm9 =	vgt.f32 v60, $0.0e+00;
	vm10 =	vgt.f32 v4, $0.0e+00  }
.Ltmp3:
0xb3: {  	[tilespmem:s23+$0x7500] =	vst v62;
	vm4 =	vmand vm11, vm9;
	vm3 =	vmand vm3, vm10;
	(pc) =	sbr.rel @!p0 .LBB2_87-.Ltmp3, $4  }
0xb4: {  	[tilespmem:s23+$0x7510] =	vst v62;
	v2 =	vsel vm2, v2, v3;
	v3 =	vmpcnt.ones.xlane vm4;
	v63 =	vmpcnt.ones.xlane vm3  }
0xb5: {  	[tilespmem:s23+$0x7810] =	vst v2  }
0xb6: {  	[tilespmem:s23+$0x7B00] =	vst v60;
	vm11 =	veq.s32 v0, v1;
	vm3 =	veq.s32 v0, v9;
	v2 =	vadd.s32 v3, v63  }
0xb7: {  	s0 =	sadd.s32 $0x1, s0;
	[tilespmem:s23+$0x7B10] =	vst v4;
	v11 =	vsel vm11, v2, v11;
	v10 =	vsel vm3, v2, v10  }
.LBB2_2:
0xb8: {  	s17 =	sshll.u32 s16, $0x7  }
0xb9: {  	s18 =	sand.u32 $0x3, s16;
	s17 =	sand.u32 $0x3FFFFF80, s17  }
0xba: {  	p0 =	sgt.u32 s16, $0x1C;
	s23 =	sadd.s32 $0x1, s18;
	v0 =	vld [tilespmem:s17+$0x0]  }
0xbb: {  	s18 =	sadd.s32 @!p0 $0x3, s16;
	v2 =	vld [tilespmem:s17+$0x10];
	_ =	swait.ge [sflag:s23], $0x1000  }
0xbc: {  	s19 =	sshll.u32 @!p0 s18, $0x7;
	[sflag:s23] =	ssyncset.done $0x0  }
0xbd: {  	s17 =	sand.u32 @!p0 $0x3FFFFF80, s19;
	[sflag:s23] =	ssyncadd.s32 $0xFFFFF000  }
0xbe: {  	v3 =	vld @!p0 [tilespmem:s17+$0x0]  }
0xbf: {  	v4 =	vld @!p0 [tilespmem:s17+$0x10];
	_ =	sdelay $0x3  }
0xc0: {  	(xrf1) =	vsort.ascd.msk.u32 @!p0 $0xffff, v3, v3  }
0xc1: {  	(xrf1) =	vsort.ascd.msk.u32 @!p0 $0xffff, v4, v4;
	_ =	sdelay $0xa  }
0xc2: {  	v3 =	vlaneseq.u32 @!p0  }
0xc3: {  	v3 =	vmul.u32 @!p0 $0xFFFFFFFF, v3  }
0xc4: {  	v4, _, _ =	vpop @!p0 (xrf1)  }
0xc5: {  	v3 =	vadd.s32 @!p0 $0xF, v3;
	v9, _, _ =	vpop @!p0 (xrf1)  }
0xc6: {  	v3 =	vperm.xlane @!p0 v9, v3;
	_ =	sdelay $0x1  }
0xc7: {  	vm3 =	vlt.s32 @!p0 v4, v3  }
0xc8: {  	v9 =	vsel @!p0 vm3, v4, v3  }
0xc9: {  	v3 =	vsel @!p0 vm3, v3, v4;
	(xrf1) =	vsort.ascd.msk.u32 @!p0 $0xffff, v9, v9  }
0xca: {  	(xrf1) =	vsort.ascd.msk.u32 @!p0 $0xffff, v3, v3;
	_ =	sdelay $0x9  }
0xcb: {  	s19 =	sadd.s32 @!p0 s7, s18  }
0xcc: {  	s19 =	sshrl.u32 @!p0 s19, $0x3  }
0xcd: {  	s19 =	smul.u32 @!p0 $0x1880, s19  }
0xce: {  	s21 =	sand.u32 @!p0 $0x7, s18;
	v3, _, _ =	vpop @!p0 (xrf1)  }
0xcf: {  	s18 =	sand.u32 @!p0 $0x3, s18;
	s19 =	sor.u32 @!p0 s21, s19;
	v4, _, _ =	vpop @!p0 (xrf1);
	[tilespmem:s17+$0x0] =	vst @!p0 v3;
	v3 =	vshll.u32 @!p0 v3, $0x3  }
0xd0: {  	[tilespmem:s17+$0x10] =	vst @!p0 v4;
	v3 =	vadd.s32 @!p0 s19, v3;
	s17 =	sshll.u32 @!p0 s18, $0x7;
	v4 =	vshll.u32 @!p0 v4, $0x3  }
0xd1: {  	s21 =	sor.u32 @!p0 $0x1000, s17;
	[tilespmem:s17+$0x1000] =	vst @!p0 v3;
	v3 =	vadd.s32 @!p0 s19, v4;
	s19 =	sshll.u32 @!p0 s18, $0xC  }
0xd2: {  	s18 =	sadd.s32 @!p0 $0x1, s18;
	[tilespmem:s17+$0x1010] =	vst @!p0 v3;
	s17 =	sadd.s32 @!p0 $0x1200, s19;
	s19 =	simm.s32 @!p0 $0x20  }
0xd3: {  	[tilespmem:s17], [sflag:s18] =	stream.indirect.gather @!p0 [hbm4b:s3+s19], $0x80, s21, s19, $0xb8;
	[tilespmem:$0x7E80] =	vst v63  }
0xd4: {  	v3 =	vld [tilespmem:$0x7400]  }
0xd5: {  	v4 =	vld [tilespmem:$0x7410];
	_ =	sdelay $0x1  }
0xd6: {  	s19 =	smax.u32 s16, $0x10  }
.Ltmp4:
0xd7: {  	s21 =	smin.u32 s16, $0xF;
	s17 =	sadd.s32 $0xFFFFFFF0, s19;
	(pc) =	sbr.rel .LBB2_3-.Ltmp4, $4  }
0xd8: {  	s22 =	sand.u32 $0x3, s0;
	v12 =	vmov s21;
	v13 =	vmov s17  }
0xd9: {  	s23 =	sshll.u32 s22, $0xC;
	v3 =	vperm.xlane v3, v12;
	v4 =	vperm.xlane v4, v13  }
0xda: {  	s18 =	sadd.s32 $0x1240, s23;
	p0 =	sgt.u32 s16, $0xF  }
0xdb: {  	s21 =	simm.s32 $0x0;
	s19 =	simm.s32 $0x0;
	s17 =	sor.u32 s7, s16;
	v3 =	vpsel p0, v4, v3  }
.LBB2_5:
0xdc: {  	s19 =	sadd.s32 $0x1, s19  }
0xdd: {  	p1 =	sne.s32 s19, $0x20  }
.Ltmp5:
0xde: {  	_ = 	snop;
	(pc) =	sbr.rel @!p1 .LBB2_6-.Ltmp5, $2  }
0xdf: {  	_ =	sdelay $0x2  }
0xe0: {  	s18 =	sadd.s32 $0x80, s18  }
.LBB2_3:
0xe1: {  	v19 =	vld [tilespmem:s18+$0xFFFFFFC0]  }
0xe2: {  	v18 =	vld [tilespmem:s18+$0xFFFFFFD0]  }
0xe3: {  	v17 =	vld [tilespmem:s18+$0xFFFFFFE0]  }
0xe4: {  	v16 =	vld [tilespmem:s18+$0xFFFFFFF0]  }
0xe5: {  	v15 =	vld [tilespmem:s18+$0x0]  }
0xe6: {  	v14 =	vld [tilespmem:s18+$0x10]  }
0xe7: {  	v9 =	vld [tilespmem:s18+$0x20];
	vm10 =	vge.f32 v19, v3;
	vm9 =	vge.f32 v18, v3  }
0xe8: {  	v4 =	vld [tilespmem:s18+$0x30];
	vm8 =	vge.f32 v17, v3;
	vm3 =	vmor vm10, vm9  }
0xe9: {  	vm7 =	vge.f32 v16, v3;
	vm3 =	vmor vm3, vm8  }
0xea: {  	vm6 =	vge.f32 v15, v3;
	vm3 =	vmor vm3, vm7  }
0xeb: {  	vm5 =	vge.f32 v14, v3;
	vm3 =	vmor vm3, vm6  }
0xec: {  	vm4 =	vge.f32 v9, v3;
	vm11 =	vmor vm3, vm5  }
0xed: {  	vm3 =	vge.f32 v4, v3;
	vm11 =	vmor vm11, vm4  }
0xee: {  	vm11 =	vmor vm11, vm3  }
0xef: {  	v20 =	vmpcnt.ones.xlane vm11;
	_ =	sdelay $0x1  }
0xf0: {  	(v2sf) =	vpush v20, $0x0;
	_ =	sdelay $0xe  }
0xf1: {  	s22 =	spop (v2sf)  }
0xf2: {  	p1 =	slt.s32 s22, $0x1  }
.Ltmp6:
0xf3: {  	_ = 	snop;
	(pc) =	sbr.rel @p1 .LBB2_5-.Ltmp6, $1  }
0xf4: {  	_ =	sdelay $0x3  }
0xf5: {  	v20 =	vmpcnt.ones.xlane vm10;
	_ =	sdelay $0x1  }
0xf6: {  	v52 =	vmpcnt.ones.xlane vm9;
	(v2sf) =	vpush v20, $0x0;
	_ =	sdelay $0x1  }
0xf7: {  	v53 =	vmpcnt.ones.xlane vm8;
	(v2sf) =	vpush v52, $0x0;
	_ =	sdelay $0x1  }
0xf8: {  	v54 =	vmpcnt.ones.xlane vm7;
	(v2sf) =	vpush v53, $0x0;
	_ =	sdelay $0x1  }
0xf9: {  	v55 =	vmpcnt.ones.xlane vm6;
	(v2sf) =	vpush v54, $0x0  }
0xfa: {  	s22 =	smin.u32 s19, $0x10  }
0xfb: {  	v56 =	vmpcnt.ones.xlane vm5;
	s22 =	ssub.s32 $0x0, s22;
	(v2sf) =	vpush v55, $0x0  }
0xfc: {  	s23 =	smin.u32 s19, $0xF;
	v57 =	vmpcnt.ones.xlane vm4;
	s22 =	sadd.s32 s22, s19  }
0xfd: {  	v21 =	vmov s23;
	v22 =	vmov s22;
	(v2sf) =	vpush v56, $0x0  }
0xfe: {  	v21 =	vperm.xlane v0, v21;
	v22 =	vperm.xlane v2, v22  }
0xff: {  	p1 =	sgt.u32 s19, $0xF;
	v58 =	vmpcnt.ones.xlane vm3;
	(v2sf) =	vpush v57, $0x0  }
0x100: {  	v21 =	vpsel p1, v22, v21  }
0x101: {  	v21 =	vshll.u32 v21, $0x7;
	(v2sf) =	vpush v58, $0x0  }
0x102: {  	[tilespmem:s21+$0x5200] =	vst.msk vm10, v19;
	v59 =	vor.u32 v1, v21;
	s23 =	spop (v2sf)  }
0x103: {  	v60 =	vor.u32 $0x10, v1;
	[tilespmem:s21+$0x6280] =	vst.msk vm10, v59;
	s22 =	sadd.s32 s21, s23  }
0x104: {  	v19 =	vor.u32 v60, v21;
	s23 =	spop (v2sf);
	[tilespmem:s22+$0x5200] =	vst.msk vm9, v18  }
0x105: {  	v61 =	vor.u32 $0x20, v1;
	s21 =	sadd.s32 s22, s23;
	[tilespmem:s22+$0x6280] =	vst.msk vm9, v19  }
0x106: {  	s23 =	spop (v2sf);
	v18 =	vor.u32 v61, v21;
	[tilespmem:s21+$0x5200] =	vst.msk vm8, v17  }
0x107: {  	v62 =	vor.u32 $0x30, v1;
	[tilespmem:s21+$0x6280] =	vst.msk vm8, v18;
	s21 =	sadd.s32 s21, s23  }
0x108: {  	v17 =	vor.u32 v62, v21;
	s23 =	spop (v2sf);
	[tilespmem:s21+$0x5200] =	vst.msk vm7, v16  }
0x109: {  	v63 =	vor.u32 $0x40, v1;
	[tilespmem:s21+$0x6280] =	vst.msk vm7, v17;
	s21 =	sadd.s32 s21, s23  }
0x10a: {  	v16 =	vor.u32 v63, v21;
	s23 =	spop (v2sf);
	[tilespmem:s21+$0x5200] =	vst.msk vm6, v15  }
0x10b: {  	v15 =	vor.u32 $0x50, v1;
	[tilespmem:s21+$0x6280] =	vst.msk vm6, v16;
	s21 =	sadd.s32 s21, s23  }
0x10c: {  	s23 =	spop (v2sf);
	v15 =	vor.u32 v15, v21;
	[tilespmem:s21+$0x5200] =	vst.msk vm5, v14  }
.Ltmp7:
0x10d: {  	v14 =	vor.u32 $0x60, v1;
	[tilespmem:s21+$0x6280] =	vst.msk vm5, v15;
	s21 =	sadd.s32 s21, s23;
	(pc) =	sbr.rel .LBB2_5-.Ltmp7, $4  }
0x10e: {  	s23 =	spop (v2sf);
	v14 =	vor.u32 v14, v21;
	[tilespmem:s21+$0x5200] =	vst.msk vm4, v9  }
0x10f: {  	v9 =	vor.u32 $0x70, v1;
	[tilespmem:s21+$0x6280] =	vst.msk vm4, v14;
	s21 =	sadd.s32 s21, s23  }
0x110: {  	v9 =	vor.u32 v9, v21;
	s23 =	spop (v2sf);
	[tilespmem:s21+$0x5200] =	vst.msk vm3, v4  }
0x111: {  	[tilespmem:s21+$0x6280] =	vst.msk vm3, v9;
	s21 =	sadd.s32 s21, s23  }
.LBB2_6:
0x112: {  	s18 =	sadd.s32 $0xF, s21  }
0x113: {  	s19 =	sand.u32 $0xF, s18  }
0x114: {  	s23 =	sshra.s32 s18, $0x1F;
	p2 =	slt.s32 s18, $0x1;
	p1 =	sne.s32 s19, $0x0  }
0x115: {  	s19 =	sshrl.u32 s23, $0x1C;
	p1 =	por !p2, !p1  }
0x116: {  	s18 =	sadd.s32 s19, s18;
	s19 =	simm.s32 $0x1;
	p1 =	por !p1, !p1  }
0x117: {  	s18 =	sshra.s32 s18, $0x4;
	s19 =	simm.s32 @!p1 $0x0  }
0x118: {  	s18 =	ssub.s32 s18, s19  }
0x119: {  	p1 =	slt.s32 s18, $0x1  }
.Ltmp8:
0x11a: {  	_ = 	snop;
	(pc) =	sbr.rel @p1 .LBB2_10-.Ltmp8, $3  }
0x11b: {  	_ =	sdelay $0x1  }
0x11c: {  	v0 =	vimm.f32 $-1.000000020e+30  }
0x11d: {  	v2 =	vimm.s32 $0x40000000;
	v3 =	vimm.f32 $-1.000000020e+30;
	v4 =	vimm.s32 $0x40000000;
	[tilespmem:s21+$0x5200] =	vst v0  }
0x11e: {  	s19 =	simm.s32 $0x5200  }
0x11f: {  	p2 =	sne.s32 s18, $0x1;
	v3 =	vld [tilespmem:s19+$0x0]  }
.Ltmp9:
0x120: {  	_ = 	snop;
	(pc) =	sbr.rel @!p2 .LBB2_9-.Ltmp9, $3  }
0x121: {  	_ =	sdelay $0x1  }
0x122: {  	v4 =	vimm.f32 $-1.000000020e+30;
	s19 =	simm.s32 $0x0  }
0x123: {  	s21 =	sadd.s32 $0xFFFFFFFF, s18;
	s22 =	simm.s32 $0x5210;
	v9 =	vimm.s32 $0x40000000;
	v14 =	vor.u32 s19, v1;
	vm3 =	vgt.f32 v3, v0  }
.LBB2_8:
0x124: {  	p2 =	sne.s32 s21, $0x1;
	s21 =	sadd.s32 $0xFFFFFFFF, s21;
	v4 =	vsel vm3, v3, v4;
	v3 =	vld [tilespmem:s22+$0x0];
	v9 =	vsel vm3, v14, v9  }
.Ltmp10:
0x125: {  	(pc) =	sbr.rel @p2 .LBB2_8-.Ltmp10, $3  }
0x126: {  	_ =	sdelay $0x1  }
0x127: {  	s19 =	sadd.s32 $0x10, s19  }
0x128: {  	s22 =	sadd.s32 $0x10, s22;
	v14 =	vor.u32 s19, v1;
	vm3 =	vgt.f32 v3, v4  }
.LBB2_9:
0x129: {  	v3 =	vsel vm3, v3, v4;
	v4 =	vsel vm3, v14, v9  }
.LBB2_10:
0x12a: {  	v9 =	vperm.xlane v3, v5;
	_ =	sdelay $0x1  }
0x12b: {  	v9 =	vmax.f32 v3, v9  }
0x12c: {  	v14 =	vperm.xlane v9, v6;
	_ =	sdelay $0x1  }
0x12d: {  	v9 =	vmax.f32 v9, v14  }
0x12e: {  	v14 =	vperm.xlane v9, v7;
	_ =	sdelay $0x1  }
0x12f: {  	v9 =	vmax.f32 v9, v14  }
0x130: {  	v14 =	vperm.xlane v9, v8;
	_ =	sdelay $0x1  }
0x131: {  	v14 =	vmax.f32 v9, v14  }
0x132: {  	vm3 =	veq.f32 v3, v14  }
0x133: {  	v3 =	vnsel vm3, $0x40000000, v4  }
0x134: {  	v4 =	vperm.xlane v3, v5;
	_ =	sdelay $0x1  }
0x135: {  	vm3 =	vlt.s32 v3, v4  }
0x136: {  	v3 =	vsel vm3, v3, v4  }
0x137: {  	v4 =	vperm.xlane v3, v6;
	_ =	sdelay $0x1  }
0x138: {  	vm3 =	vlt.s32 v3, v4  }
0x139: {  	v3 =	vsel vm3, v3, v4  }
0x13a: {  	v4 =	vperm.xlane v3, v7;
	_ =	sdelay $0x1  }
0x13b: {  	vm3 =	vlt.s32 v3, v4  }
0x13c: {  	v3 =	vsel vm3, v3, v4  }
0x13d: {  	v4 =	vperm.xlane v3, v8;
	_ =	sdelay $0x1  }
0x13e: {  	vm3 =	vlt.s32 v3, v4  }
0x13f: {  	v3 =	vsel vm3, v3, v4  }
0x140: {  	(v2sf) =	vpush v3, $0x0;
	_ =	sdelay $0xe  }
0x141: {  	s19 =	spop (v2sf)  }
0x142: {  	s21 =	sshra.s32 s19, $0x1F  }
0x143: {  	s21 =	sshrl.u32 s21, $0x1C  }
0x144: {  	s21 =	sadd.s32 s21, s19  }
0x145: {  	s21 =	sand.u32 $0xFFFFFFF0, s21  }
0x146: {  	v3 =	vld [tilespmem:s21+$0x5200]  }
0x147: {  	v4 =	vld [tilespmem:s21+$0x6280];
	_ =	sdelay $0x1  }
.Ltmp11:
0x148: {  	s19 =	ssub.s32 s19, s21;
	(pc) =	sbr.rel @p1 .LBB2_14-.Ltmp11, $4  }
0x149: {  	v15 =	vmov s19  }
0x14a: {  	vm3 =	veq.s32 v15, v1  }
0x14b: {  	v3 =	vsel vm3, $0xF149F2CA, v3;
	[tilespmem:$0x1FFA0] =	vst v4  }
0x14c: {  	[tilespmem:s21+$0x5200] =	vst v3  }
0x14d: {  	s19 =	simm.s32 $0x5200  }
0x14e: {  	p2 =	sne.s32 s18, $0x1;
	v3 =	vld [tilespmem:s19+$0x0]  }
.Ltmp12:
0x14f: {  	_ = 	snop;
	(pc) =	sbr.rel @!p2 .LBB2_13-.Ltmp12, $3  }
0x150: {  	_ =	sdelay $0x1  }
0x151: {  	s19 =	simm.s32 $0x0  }
0x152: {  	s21 =	sadd.s32 $0xFFFFFFFF, s18;
	s22 =	simm.s32 $0x5210;
	v4 =	vor.u32 s19, v1;
	vm3 =	vgt.f32 v3, v0  }
.LBB2_12:
0x153: {  	p2 =	sne.s32 s21, $0x1;
	s21 =	sadd.s32 $0xFFFFFFFF, s21;
	v0 =	vsel vm3, v3, v0;
	v3 =	vld [tilespmem:s22+$0x0];
	v2 =	vsel vm3, v4, v2  }
.Ltmp13:
0x154: {  	(pc) =	sbr.rel @p2 .LBB2_12-.Ltmp13, $3  }
0x155: {  	_ =	sdelay $0x1  }
0x156: {  	s19 =	sadd.s32 $0x10, s19  }
0x157: {  	s22 =	sadd.s32 $0x10, s22;
	v4 =	vor.u32 s19, v1;
	vm3 =	vgt.f32 v3, v0  }
.LBB2_13:
0x158: {  	v0 =	vsel vm3, v3, v0;
	v2 =	vsel vm3, v4, v2  }
.LBB2_14:
0x159: {  	v3 =	vperm.xlane v0, v5;
	_ =	sdelay $0x1  }
0x15a: {  	v3 =	vmax.f32 v0, v3  }
0x15b: {  	v4 =	vperm.xlane v3, v6;
	_ =	sdelay $0x1  }
0x15c: {  	v3 =	vmax.f32 v3, v4  }
0x15d: {  	v4 =	vperm.xlane v3, v7;
	_ =	sdelay $0x1  }
0x15e: {  	v3 =	vmax.f32 v3, v4  }
0x15f: {  	v4 =	vperm.xlane v3, v8;
	_ =	sdelay $0x1  }
0x160: {  	v17 =	vmax.f32 v3, v4  }
0x161: {  	vm3 =	veq.f32 v0, v17  }
0x162: {  	v0 =	vnsel vm3, $0x40000000, v2  }
0x163: {  	v2 =	vperm.xlane v0, v5;
	_ =	sdelay $0x1  }
0x164: {  	vm3 =	vlt.s32 v0, v2  }
0x165: {  	v0 =	vsel vm3, v0, v2  }
0x166: {  	v2 =	vperm.xlane v0, v6;
	_ =	sdelay $0x1  }
0x167: {  	vm3 =	vlt.s32 v0, v2  }
0x168: {  	v0 =	vsel vm3, v0, v2  }
0x169: {  	v2 =	vperm.xlane v0, v7;
	_ =	sdelay $0x1  }
0x16a: {  	vm3 =	vlt.s32 v0, v2  }
0x16b: {  	v0 =	vsel vm3, v0, v2  }
0x16c: {  	v2 =	vperm.xlane v0, v8;
	_ =	sdelay $0x1  }
0x16d: {  	vm3 =	vlt.s32 v0, v2  }
0x16e: {  	v0 =	vsel vm3, v0, v2  }
0x16f: {  	(v2sf) =	vpush v0, $0x0;
	_ =	sdelay $0xe  }
0x170: {  	s19 =	spop (v2sf)  }
0x171: {  	s21 =	sshra.s32 s19, $0x1F  }
0x172: {  	s21 =	sshrl.u32 s21, $0x1C  }
0x173: {  	s21 =	sadd.s32 s21, s19  }
0x174: {  	s21 =	sand.u32 $0xFFFFFFF0, s21  }
0x175: {  	v2 =	vld [tilespmem:s21+$0x5200];
	_ =	sdelay $0x1  }
0x176: {  	s19 =	ssub.s32 s19, s21  }
0x177: {  	v18 =	vmov s19  }
0x178: {  	vm3 =	veq.s32 v18, v1  }
0x179: {  	v3 =	vsel vm3, $0xF149F2CA, v2;
	v2 =	vld [tilespmem:s21+$0x6280]  }
.Ltmp14:
0x17a: {  	_ = 	snop;
	(pc) =	sbr.rel @p1 .LBB2_18-.Ltmp14, $3  }
0x17b: {  	_ =	sdelay $0x1  }
0x17c: {  	v4 =	vimm.s32 $0x40000000;
	[tilespmem:s21+$0x5200] =	vst v3  }
0x17d: {  	v0 =	vimm.s32 $0x40000000;
	v3 =	vimm.f32 $-1.000000020e+30;
	[tilespmem:$0x1FF90] =	vst v2;
	v2 =	vimm.f32 $-1.000000020e+30  }
0x17e: {  	s19 =	simm.s32 $0x5200  }
0x17f: {  	p2 =	sne.s32 s18, $0x1;
	v3 =	vld [tilespmem:s19+$0x0]  }
.Ltmp15:
0x180: {  	_ = 	snop;
	(pc) =	sbr.rel @!p2 .LBB2_17-.Ltmp15, $3  }
0x181: {  	_ =	sdelay $0x1  }
0x182: {  	v4 =	vimm.f32 $-1.000000020e+30;
	s19 =	simm.s32 $0x0  }
0x183: {  	s21 =	sadd.s32 $0xFFFFFFFF, s18;
	s22 =	simm.s32 $0x5210;
	v9 =	vimm.s32 $0x40000000;
	v16 =	vor.u32 s19, v1;
	vm3 =	vgt.f32 v3, v2  }
.LBB2_16:
0x184: {  	p2 =	sne.s32 s21, $0x1;
	s21 =	sadd.s32 $0xFFFFFFFF, s21;
	v4 =	vsel vm3, v3, v4;
	v3 =	vld [tilespmem:s22+$0x0];
	v9 =	vsel vm3, v16, v9  }
.Ltmp16:
0x185: {  	(pc) =	sbr.rel @p2 .LBB2_16-.Ltmp16, $3  }
0x186: {  	_ =	sdelay $0x1  }
0x187: {  	s19 =	sadd.s32 $0x10, s19  }
0x188: {  	s22 =	sadd.s32 $0x10, s22;
	v16 =	vor.u32 s19, v1;
	vm3 =	vgt.f32 v3, v4  }
.LBB2_17:
0x189: {  	v3 =	vsel vm3, v3, v4;
	v4 =	vsel vm3, v16, v9  }
.LBB2_18:
0x18a: {  	v9 =	vperm.xlane v3, v5;
	_ =	sdelay $0x1  }
0x18b: {  	v9 =	vmax.f32 v3, v9  }
0x18c: {  	v16 =	vperm.xlane v9, v6;
	_ =	sdelay $0x1  }
0x18d: {  	v9 =	vmax.f32 v9, v16  }
0x18e: {  	v16 =	vperm.xlane v9, v7;
	_ =	sdelay $0x1  }
0x18f: {  	v9 =	vmax.f32 v9, v16  }
0x190: {  	v16 =	vperm.xlane v9, v8;
	_ =	sdelay $0x1  }
0x191: {  	v21 =	vmax.f32 v9, v16  }
0x192: {  	vm3 =	veq.f32 v3, v21  }
0x193: {  	v3 =	vnsel vm3, $0x40000000, v4  }
0x194: {  	v4 =	vperm.xlane v3, v5;
	_ =	sdelay $0x1  }
0x195: {  	vm3 =	vlt.s32 v3, v4  }
0x196: {  	v3 =	vsel vm3, v3, v4  }
0x197: {  	v4 =	vperm.xlane v3, v6;
	_ =	sdelay $0x1  }
0x198: {  	vm3 =	vlt.s32 v3, v4  }
0x199: {  	v3 =	vsel vm3, v3, v4  }
0x19a: {  	v4 =	vperm.xlane v3, v7;
	_ =	sdelay $0x1  }
0x19b: {  	vm3 =	vlt.s32 v3, v4  }
0x19c: {  	v3 =	vsel vm3, v3, v4  }
0x19d: {  	v4 =	vperm.xlane v3, v8;
	_ =	sdelay $0x1  }
0x19e: {  	vm3 =	vlt.s32 v3, v4  }
0x19f: {  	v3 =	vsel vm3, v3, v4  }
0x1a0: {  	(v2sf) =	vpush v3, $0x0;
	_ =	sdelay $0xe  }
0x1a1: {  	s19 =	spop (v2sf)  }
0x1a2: {  	s21 =	sshra.s32 s19, $0x1F  }
0x1a3: {  	s21 =	sshrl.u32 s21, $0x1C  }
0x1a4: {  	s21 =	sadd.s32 s21, s19  }
0x1a5: {  	s21 =	sand.u32 $0xFFFFFFF0, s21  }
0x1a6: {  	v3 =	vld [tilespmem:s21+$0x5200]  }
0x1a7: {  	v4 =	vld [tilespmem:s21+$0x6280];
	_ =	sdelay $0x1  }
.Ltmp17:
0x1a8: {  	s19 =	ssub.s32 s19, s21;
	(pc) =	sbr.rel @p1 .LBB2_22-.Ltmp17, $4  }
0x1a9: {  	v20 =	vmov s19  }
0x1aa: {  	vm3 =	veq.s32 v20, v1  }
0x1ab: {  	v3 =	vsel vm3, $0xF149F2CA, v3;
	[tilespmem:$0x1FF80] =	vst v4  }
0x1ac: {  	[tilespmem:s21+$0x5200] =	vst v3  }
0x1ad: {  	s19 =	simm.s32 $0x5200  }
0x1ae: {  	p2 =	sne.s32 s18, $0x1;
	v3 =	vld [tilespmem:s19+$0x0]  }
.Ltmp18:
0x1af: {  	_ = 	snop;
	(pc) =	sbr.rel @!p2 .LBB2_21-.Ltmp18, $3  }
0x1b0: {  	_ =	sdelay $0x1  }
0x1b1: {  	s19 =	simm.s32 $0x0  }
0x1b2: {  	s21 =	sadd.s32 $0xFFFFFFFF, s18;
	s22 =	simm.s32 $0x5210;
	v4 =	vor.u32 s19, v1;
	vm3 =	vgt.f32 v3, v2  }
.LBB2_20:
0x1b3: {  	p2 =	sne.s32 s21, $0x1;
	s21 =	sadd.s32 $0xFFFFFFFF, s21;
	v2 =	vsel vm3, v3, v2;
	v3 =	vld [tilespmem:s22+$0x0];
	v0 =	vsel vm3, v4, v0  }
.Ltmp19:
0x1b4: {  	(pc) =	sbr.rel @p2 .LBB2_20-.Ltmp19, $3  }
0x1b5: {  	_ =	sdelay $0x1  }
0x1b6: {  	s19 =	sadd.s32 $0x10, s19  }
0x1b7: {  	s22 =	sadd.s32 $0x10, s22;
	v4 =	vor.u32 s19, v1;
	vm3 =	vgt.f32 v3, v2  }
.LBB2_21:
0x1b8: {  	v2 =	vsel vm3, v3, v2;
	v0 =	vsel vm3, v4, v0  }
.LBB2_22:
0x1b9: {  	v3 =	vperm.xlane v2, v5;
	_ =	sdelay $0x1  }
0x1ba: {  	v3 =	vmax.f32 v2, v3  }
0x1bb: {  	v4 =	vperm.xlane v3, v6;
	_ =	sdelay $0x1  }
0x1bc: {  	v3 =	vmax.f32 v3, v4  }
0x1bd: {  	v4 =	vperm.xlane v3, v7;
	_ =	sdelay $0x1  }
0x1be: {  	v3 =	vmax.f32 v3, v4  }
0x1bf: {  	v4 =	vperm.xlane v3, v8;
	_ =	sdelay $0x1  }
0x1c0: {  	v24 =	vmax.f32 v3, v4  }
0x1c1: {  	vm3 =	veq.f32 v2, v24  }
0x1c2: {  	v0 =	vnsel vm3, $0x40000000, v0  }
0x1c3: {  	v2 =	vperm.xlane v0, v5;
	_ =	sdelay $0x1  }
0x1c4: {  	vm3 =	vlt.s32 v0, v2  }
0x1c5: {  	v0 =	vsel vm3, v0, v2  }
0x1c6: {  	v2 =	vperm.xlane v0, v6;
	_ =	sdelay $0x1  }
0x1c7: {  	vm3 =	vlt.s32 v0, v2  }
0x1c8: {  	v0 =	vsel vm3, v0, v2  }
0x1c9: {  	v2 =	vperm.xlane v0, v7;
	_ =	sdelay $0x1  }
0x1ca: {  	vm3 =	vlt.s32 v0, v2  }
0x1cb: {  	v0 =	vsel vm3, v0, v2  }
0x1cc: {  	v2 =	vperm.xlane v0, v8;
	_ =	sdelay $0x1  }
0x1cd: {  	vm3 =	vlt.s32 v0, v2  }
0x1ce: {  	v0 =	vsel vm3, v0, v2  }
0x1cf: {  	(v2sf) =	vpush v0, $0x0;
	_ =	sdelay $0xe  }
0x1d0: {  	s19 =	spop (v2sf)  }
0x1d1: {  	s21 =	sshra.s32 s19, $0x1F  }
0x1d2: {  	s21 =	sshrl.u32 s21, $0x1C  }
0x1d3: {  	s21 =	sadd.s32 s21, s19  }
0x1d4: {  	s21 =	sand.u32 $0xFFFFFFF0, s21  }
0x1d5: {  	v2 =	vld [tilespmem:s21+$0x5200];
	_ =	sdelay $0x1  }
0x1d6: {  	s19 =	ssub.s32 s19, s21  }
0x1d7: {  	v23 =	vmov s19  }
0x1d8: {  	vm3 =	veq.s32 v23, v1  }
0x1d9: {  	v3 =	vsel vm3, $0xF149F2CA, v2;
	v2 =	vld [tilespmem:s21+$0x6280]  }
.Ltmp20:
0x1da: {  	_ = 	snop;
	(pc) =	sbr.rel @p1 .LBB2_26-.Ltmp20, $3  }
0x1db: {  	_ =	sdelay $0x1  }
0x1dc: {  	v4 =	vimm.s32 $0x40000000;
	[tilespmem:s21+$0x5200] =	vst v3  }
0x1dd: {  	v0 =	vimm.s32 $0x40000000;
	v3 =	vimm.f32 $-1.000000020e+30;
	[tilespmem:$0x1FF70] =	vst v2;
	v2 =	vimm.f32 $-1.000000020e+30  }
0x1de: {  	s19 =	simm.s32 $0x5200  }
0x1df: {  	p2 =	sne.s32 s18, $0x1;
	v3 =	vld [tilespmem:s19+$0x0]  }
.Ltmp21:
0x1e0: {  	_ = 	snop;
	(pc) =	sbr.rel @!p2 .LBB2_25-.Ltmp21, $3  }
0x1e1: {  	_ =	sdelay $0x1  }
0x1e2: {  	v4 =	vimm.f32 $-1.000000020e+30;
	s19 =	simm.s32 $0x0  }
0x1e3: {  	s21 =	sadd.s32 $0xFFFFFFFF, s18;
	s22 =	simm.s32 $0x5210;
	v9 =	vimm.s32 $0x40000000;
	v16 =	vor.u32 s19, v1;
	vm3 =	vgt.f32 v3, v2  }
.LBB2_24:
0x1e4: {  	p2 =	sne.s32 s21, $0x1;
	s21 =	sadd.s32 $0xFFFFFFFF, s21;
	v4 =	vsel vm3, v3, v4;
	v3 =	vld [tilespmem:s22+$0x0];
	v9 =	vsel vm3, v16, v9  }
.Ltmp22:
0x1e5: {  	(pc) =	sbr.rel @p2 .LBB2_24-.Ltmp22, $3  }
0x1e6: {  	_ =	sdelay $0x1  }
0x1e7: {  	s19 =	sadd.s32 $0x10, s19  }
0x1e8: {  	s22 =	sadd.s32 $0x10, s22;
	v16 =	vor.u32 s19, v1;
	vm3 =	vgt.f32 v3, v4  }
.LBB2_25:
0x1e9: {  	v3 =	vsel vm3, v3, v4;
	v4 =	vsel vm3, v16, v9  }
.LBB2_26:
0x1ea: {  	v9 =	vperm.xlane v3, v5;
	_ =	sdelay $0x1  }
0x1eb: {  	v9 =	vmax.f32 v3, v9  }
0x1ec: {  	v16 =	vperm.xlane v9, v6;
	_ =	sdelay $0x1  }
0x1ed: {  	v9 =	vmax.f32 v9, v16  }
0x1ee: {  	v16 =	vperm.xlane v9, v7;
	_ =	sdelay $0x1  }
0x1ef: {  	v9 =	vmax.f32 v9, v16  }
0x1f0: {  	v16 =	vperm.xlane v9, v8;
	_ =	sdelay $0x1  }
0x1f1: {  	v28 =	vmax.f32 v9, v16  }
0x1f2: {  	vm3 =	veq.f32 v3, v28  }
0x1f3: {  	v3 =	vnsel vm3, $0x40000000, v4  }
0x1f4: {  	v4 =	vperm.xlane v3, v5;
	_ =	sdelay $0x1  }
0x1f5: {  	vm3 =	vlt.s32 v3, v4  }
0x1f6: {  	v3 =	vsel vm3, v3, v4  }
0x1f7: {  	v4 =	vperm.xlane v3, v6;
	_ =	sdelay $0x1  }
0x1f8: {  	vm3 =	vlt.s32 v3, v4  }
0x1f9: {  	v3 =	vsel vm3, v3, v4  }
0x1fa: {  	v4 =	vperm.xlane v3, v7;
	_ =	sdelay $0x1  }
0x1fb: {  	vm3 =	vlt.s32 v3, v4  }
0x1fc: {  	v3 =	vsel vm3, v3, v4  }
0x1fd: {  	v4 =	vperm.xlane v3, v8;
	_ =	sdelay $0x1  }
0x1fe: {  	vm3 =	vlt.s32 v3, v4  }
0x1ff: {  	v3 =	vsel vm3, v3, v4  }
0x200: {  	(v2sf) =	vpush v3, $0x0;
	_ =	sdelay $0xe  }
0x201: {  	s19 =	spop (v2sf)  }
0x202: {  	s21 =	sshra.s32 s19, $0x1F  }
0x203: {  	s21 =	sshrl.u32 s21, $0x1C  }
0x204: {  	s21 =	sadd.s32 s21, s19  }
0x205: {  	s21 =	sand.u32 $0xFFFFFFF0, s21  }
0x206: {  	v3 =	vld [tilespmem:s21+$0x5200]  }
0x207: {  	v4 =	vld [tilespmem:s21+$0x6280];
	_ =	sdelay $0x1  }
.Ltmp23:
0x208: {  	s19 =	ssub.s32 s19, s21;
	(pc) =	sbr.rel @p1 .LBB2_30-.Ltmp23, $4  }
0x209: {  	v26 =	vmov s19  }
0x20a: {  	vm3 =	veq.s32 v26, v1  }
0x20b: {  	v3 =	vsel vm3, $0xF149F2CA, v3;
	[tilespmem:$0x1FF60] =	vst v4  }
0x20c: {  	[tilespmem:s21+$0x5200] =	vst v3  }
0x20d: {  	s19 =	simm.s32 $0x5200  }
0x20e: {  	p2 =	sne.s32 s18, $0x1;
	v3 =	vld [tilespmem:s19+$0x0]  }
.Ltmp24:
0x20f: {  	_ = 	snop;
	(pc) =	sbr.rel @!p2 .LBB2_29-.Ltmp24, $3  }
0x210: {  	_ =	sdelay $0x1  }
0x211: {  	s19 =	simm.s32 $0x0  }
0x212: {  	s21 =	sadd.s32 $0xFFFFFFFF, s18;
	s22 =	simm.s32 $0x5210;
	v4 =	vor.u32 s19, v1;
	vm3 =	vgt.f32 v3, v2  }
.LBB2_28:
0x213: {  	p2 =	sne.s32 s21, $0x1;
	s21 =	sadd.s32 $0xFFFFFFFF, s21;
	v2 =	vsel vm3, v3, v2;
	v3 =	vld [tilespmem:s22+$0x0];
	v0 =	vsel vm3, v4, v0  }
.Ltmp25:
0x214: {  	(pc) =	sbr.rel @p2 .LBB2_28-.Ltmp25, $3  }
0x215: {  	_ =	sdelay $0x1  }
0x216: {  	s19 =	sadd.s32 $0x10, s19  }
0x217: {  	s22 =	sadd.s32 $0x10, s22;
	v4 =	vor.u32 s19, v1;
	vm3 =	vgt.f32 v3, v2  }
.LBB2_29:
0x218: {  	v2 =	vsel vm3, v3, v2;
	v0 =	vsel vm3, v4, v0  }
.LBB2_30:
0x219: {  	v3 =	vperm.xlane v2, v5;
	_ =	sdelay $0x1  }
0x21a: {  	v3 =	vmax.f32 v2, v3  }
0x21b: {  	v4 =	vperm.xlane v3, v6;
	_ =	sdelay $0x1  }
0x21c: {  	v3 =	vmax.f32 v3, v4  }
0x21d: {  	v4 =	vperm.xlane v3, v7;
	_ =	sdelay $0x1  }
0x21e: {  	v3 =	vmax.f32 v3, v4  }
0x21f: {  	v4 =	vperm.xlane v3, v8;
	_ =	sdelay $0x1  }
0x220: {  	v31 =	vmax.f32 v3, v4  }
0x221: {  	vm3 =	veq.f32 v2, v31  }
0x222: {  	v0 =	vnsel vm3, $0x40000000, v0  }
0x223: {  	v2 =	vperm.xlane v0, v5;
	_ =	sdelay $0x1  }
0x224: {  	vm3 =	vlt.s32 v0, v2  }
0x225: {  	v0 =	vsel vm3, v0, v2  }
0x226: {  	v2 =	vperm.xlane v0, v6;
	_ =	sdelay $0x1  }
0x227: {  	vm3 =	vlt.s32 v0, v2  }
0x228: {  	v0 =	vsel vm3, v0, v2  }
0x229: {  	v2 =	vperm.xlane v0, v7;
	_ =	sdelay $0x1  }
0x22a: {  	vm3 =	vlt.s32 v0, v2  }
0x22b: {  	v0 =	vsel vm3, v0, v2  }
0x22c: {  	v2 =	vperm.xlane v0, v8;
	_ =	sdelay $0x1  }
0x22d: {  	vm3 =	vlt.s32 v0, v2  }
0x22e: {  	v0 =	vsel vm3, v0, v2  }
0x22f: {  	(v2sf) =	vpush v0, $0x0;
	_ =	sdelay $0xe  }
0x230: {  	s19 =	spop (v2sf)  }
0x231: {  	s21 =	sshra.s32 s19, $0x1F  }
0x232: {  	s21 =	sshrl.u32 s21, $0x1C  }
0x233: {  	s21 =	sadd.s32 s21, s19  }
0x234: {  	s21 =	sand.u32 $0xFFFFFFF0, s21  }
0x235: {  	v2 =	vld [tilespmem:s21+$0x5200];
	_ =	sdelay $0x1  }
0x236: {  	s19 =	ssub.s32 s19, s21  }
0x237: {  	v29 =	vmov s19  }
0x238: {  	vm3 =	veq.s32 v29, v1  }
0x239: {  	v3 =	vsel vm3, $0xF149F2CA, v2;
	v2 =	vld [tilespmem:s21+$0x6280]  }
.Ltmp26:
0x23a: {  	_ = 	snop;
	(pc) =	sbr.rel @p1 .LBB2_34-.Ltmp26, $3  }
0x23b: {  	_ =	sdelay $0x1  }
0x23c: {  	v4 =	vimm.s32 $0x40000000;
	[tilespmem:s21+$0x5200] =	vst v3  }
0x23d: {  	v0 =	vimm.s32 $0x40000000;
	v3 =	vimm.f32 $-1.000000020e+30;
	[tilespmem:$0x1FF50] =	vst v2;
	v2 =	vimm.f32 $-1.000000020e+30  }
0x23e: {  	s19 =	simm.s32 $0x5200  }
0x23f: {  	p2 =	sne.s32 s18, $0x1;
	v3 =	vld [tilespmem:s19+$0x0]  }
.Ltmp27:
0x240: {  	_ = 	snop;
	(pc) =	sbr.rel @!p2 .LBB2_33-.Ltmp27, $3  }
0x241: {  	_ =	sdelay $0x1  }
0x242: {  	v4 =	vimm.f32 $-1.000000020e+30;
	s19 =	simm.s32 $0x0  }
0x243: {  	s21 =	sadd.s32 $0xFFFFFFFF, s18;
	s22 =	simm.s32 $0x5210;
	v9 =	vimm.s32 $0x40000000;
	v16 =	vor.u32 s19, v1;
	vm3 =	vgt.f32 v3, v2  }
.LBB2_32:
0x244: {  	p2 =	sne.s32 s21, $0x1;
	s21 =	sadd.s32 $0xFFFFFFFF, s21;
	v4 =	vsel vm3, v3, v4;
	v3 =	vld [tilespmem:s22+$0x0];
	v9 =	vsel vm3, v16, v9  }
.Ltmp28:
0x245: {  	(pc) =	sbr.rel @p2 .LBB2_32-.Ltmp28, $3  }
0x246: {  	_ =	sdelay $0x1  }
0x247: {  	s19 =	sadd.s32 $0x10, s19  }
0x248: {  	s22 =	sadd.s32 $0x10, s22;
	v16 =	vor.u32 s19, v1;
	vm3 =	vgt.f32 v3, v4  }
.LBB2_33:
0x249: {  	v3 =	vsel vm3, v3, v4;
	v4 =	vsel vm3, v16, v9  }
.LBB2_34:
0x24a: {  	v9 =	vperm.xlane v3, v5;
	_ =	sdelay $0x1  }
0x24b: {  	v9 =	vmax.f32 v3, v9  }
0x24c: {  	v16 =	vperm.xlane v9, v6;
	_ =	sdelay $0x1  }
0x24d: {  	v9 =	vmax.f32 v9, v16  }
0x24e: {  	v16 =	vperm.xlane v9, v7;
	_ =	sdelay $0x1  }
0x24f: {  	v9 =	vmax.f32 v9, v16  }
0x250: {  	v16 =	vperm.xlane v9, v8;
	_ =	sdelay $0x1  }
0x251: {  	v34 =	vmax.f32 v9, v16  }
0x252: {  	vm3 =	veq.f32 v3, v34  }
0x253: {  	v3 =	vnsel vm3, $0x40000000, v4  }
0x254: {  	v4 =	vperm.xlane v3, v5;
	_ =	sdelay $0x1  }
0x255: {  	vm3 =	vlt.s32 v3, v4  }
0x256: {  	v3 =	vsel vm3, v3, v4  }
0x257: {  	v4 =	vperm.xlane v3, v6;
	_ =	sdelay $0x1  }
0x258: {  	vm3 =	vlt.s32 v3, v4  }
0x259: {  	v3 =	vsel vm3, v3, v4  }
0x25a: {  	v4 =	vperm.xlane v3, v7;
	_ =	sdelay $0x1  }
0x25b: {  	vm3 =	vlt.s32 v3, v4  }
0x25c: {  	v3 =	vsel vm3, v3, v4  }
0x25d: {  	v4 =	vperm.xlane v3, v8;
	_ =	sdelay $0x1  }
0x25e: {  	vm3 =	vlt.s32 v3, v4  }
0x25f: {  	v3 =	vsel vm3, v3, v4  }
0x260: {  	(v2sf) =	vpush v3, $0x0;
	_ =	sdelay $0xe  }
0x261: {  	s19 =	spop (v2sf)  }
0x262: {  	s21 =	sshra.s32 s19, $0x1F  }
0x263: {  	s21 =	sshrl.u32 s21, $0x1C  }
0x264: {  	s21 =	sadd.s32 s21, s19  }
0x265: {  	s21 =	sand.u32 $0xFFFFFFF0, s21  }
0x266: {  	v3 =	vld [tilespmem:s21+$0x5200];
	_ =	sdelay $0x1  }
.Ltmp29:
0x267: {  	s19 =	ssub.s32 s19, s21;
	(pc) =	sbr.rel @p1 .LBB2_38-.Ltmp29, $4  }
0x268: {  	v32 =	vmov s19  }
0x269: {  	vm3 =	veq.s32 v32, v1  }
0x26a: {  	v3 =	vsel vm3, $0xF149F2CA, v3  }
0x26b: {  	v33 =	vld [tilespmem:s21+$0x6280];
	[tilespmem:s21+$0x5200] =	vst v3  }
0x26c: {  	s19 =	simm.s32 $0x5200  }
0x26d: {  	p2 =	sne.s32 s18, $0x1;
	v3 =	vld [tilespmem:s19+$0x0]  }
.Ltmp30:
0x26e: {  	_ = 	snop;
	(pc) =	sbr.rel @!p2 .LBB2_37-.Ltmp30, $3  }
0x26f: {  	_ =	sdelay $0x1  }
0x270: {  	s19 =	simm.s32 $0x0  }
0x271: {  	s21 =	sadd.s32 $0xFFFFFFFF, s18;
	s22 =	simm.s32 $0x5210;
	v4 =	vor.u32 s19, v1;
	vm3 =	vgt.f32 v3, v2  }
.LBB2_36:
0x272: {  	p2 =	sne.s32 s21, $0x1;
	s21 =	sadd.s32 $0xFFFFFFFF, s21;
	v2 =	vsel vm3, v3, v2;
	v3 =	vld [tilespmem:s22+$0x0];
	v0 =	vsel vm3, v4, v0  }
.Ltmp31:
0x273: {  	(pc) =	sbr.rel @p2 .LBB2_36-.Ltmp31, $3  }
0x274: {  	_ =	sdelay $0x1  }
0x275: {  	s19 =	sadd.s32 $0x10, s19  }
0x276: {  	s22 =	sadd.s32 $0x10, s22;
	v4 =	vor.u32 s19, v1;
	vm3 =	vgt.f32 v3, v2  }
.LBB2_37:
0x277: {  	v2 =	vsel vm3, v3, v2;
	v0 =	vsel vm3, v4, v0  }
.LBB2_38:
0x278: {  	v3 =	vperm.xlane v2, v5;
	_ =	sdelay $0x1  }
0x279: {  	v3 =	vmax.f32 v2, v3  }
0x27a: {  	v4 =	vperm.xlane v3, v6;
	_ =	sdelay $0x1  }
0x27b: {  	v3 =	vmax.f32 v3, v4  }
0x27c: {  	v4 =	vperm.xlane v3, v7;
	_ =	sdelay $0x1  }
0x27d: {  	v3 =	vmax.f32 v3, v4  }
0x27e: {  	v4 =	vperm.xlane v3, v8;
	_ =	sdelay $0x1  }
0x27f: {  	v37 =	vmax.f32 v3, v4  }
0x280: {  	vm3 =	veq.f32 v2, v37  }
0x281: {  	v0 =	vnsel vm3, $0x40000000, v0  }
0x282: {  	v2 =	vperm.xlane v0, v5;
	_ =	sdelay $0x1  }
0x283: {  	vm3 =	vlt.s32 v0, v2  }
0x284: {  	v0 =	vsel vm3, v0, v2  }
0x285: {  	v2 =	vperm.xlane v0, v6;
	_ =	sdelay $0x1  }
0x286: {  	vm3 =	vlt.s32 v0, v2  }
0x287: {  	v0 =	vsel vm3, v0, v2  }
0x288: {  	v2 =	vperm.xlane v0, v7;
	_ =	sdelay $0x1  }
0x289: {  	vm3 =	vlt.s32 v0, v2  }
0x28a: {  	v0 =	vsel vm3, v0, v2  }
0x28b: {  	v2 =	vperm.xlane v0, v8;
	_ =	sdelay $0x1  }
0x28c: {  	vm3 =	vlt.s32 v0, v2  }
0x28d: {  	v0 =	vsel vm3, v0, v2  }
0x28e: {  	(v2sf) =	vpush v0, $0x0;
	_ =	sdelay $0xe  }
0x28f: {  	s19 =	spop (v2sf)  }
0x290: {  	s21 =	sshra.s32 s19, $0x1F  }
0x291: {  	s21 =	sshrl.u32 s21, $0x1C  }
0x292: {  	s21 =	sadd.s32 s21, s19  }
0x293: {  	s21 =	sand.u32 $0xFFFFFFF0, s21  }
0x294: {  	v2 =	vld [tilespmem:s21+$0x5200];
	_ =	sdelay $0x1  }
.Ltmp32:
0x295: {  	s19 =	ssub.s32 s19, s21;
	(pc) =	sbr.rel @p1 .LBB2_42-.Ltmp32, $4  }
0x296: {  	v35 =	vmov s19  }
0x297: {  	vm3 =	veq.s32 v35, v1  }
0x298: {  	v4 =	vimm.s32 $0x40000000;
	v3 =	vsel vm3, $0xF149F2CA, v2  }
0x299: {  	v0 =	vimm.s32 $0x40000000;
	v36 =	vld [tilespmem:s21+$0x6280];
	v2 =	vimm.f32 $-1.000000020e+30;
	[tilespmem:s21+$0x5200] =	vst v3;
	v3 =	vimm.f32 $-1.000000020e+30  }
0x29a: {  	s19 =	simm.s32 $0x5200  }
0x29b: {  	p2 =	sne.s32 s18, $0x1;
	v3 =	vld [tilespmem:s19+$0x0]  }
.Ltmp33:
0x29c: {  	_ = 	snop;
	(pc) =	sbr.rel @!p2 .LBB2_41-.Ltmp33, $3  }
0x29d: {  	_ =	sdelay $0x1  }
0x29e: {  	v4 =	vimm.f32 $-1.000000020e+30;
	s19 =	simm.s32 $0x0  }
0x29f: {  	s21 =	sadd.s32 $0xFFFFFFFF, s18;
	s22 =	simm.s32 $0x5210;
	v9 =	vimm.s32 $0x40000000;
	v16 =	vor.u32 s19, v1;
	vm3 =	vgt.f32 v3, v2  }
.LBB2_40:
0x2a0: {  	p2 =	sne.s32 s21, $0x1;
	s21 =	sadd.s32 $0xFFFFFFFF, s21;
	v4 =	vsel vm3, v3, v4;
	v3 =	vld [tilespmem:s22+$0x0];
	v9 =	vsel vm3, v16, v9  }
.Ltmp34:
0x2a1: {  	(pc) =	sbr.rel @p2 .LBB2_40-.Ltmp34, $3  }
0x2a2: {  	_ =	sdelay $0x1  }
0x2a3: {  	s19 =	sadd.s32 $0x10, s19  }
0x2a4: {  	s22 =	sadd.s32 $0x10, s22;
	v16 =	vor.u32 s19, v1;
	vm3 =	vgt.f32 v3, v4  }
.LBB2_41:
0x2a5: {  	v3 =	vsel vm3, v3, v4;
	v4 =	vsel vm3, v16, v9  }
.LBB2_42:
0x2a6: {  	v9 =	vperm.xlane v3, v5;
	_ =	sdelay $0x1  }
0x2a7: {  	v9 =	vmax.f32 v3, v9  }
0x2a8: {  	v16 =	vperm.xlane v9, v6;
	_ =	sdelay $0x1  }
0x2a9: {  	v9 =	vmax.f32 v9, v16  }
0x2aa: {  	v16 =	vperm.xlane v9, v7;
	_ =	sdelay $0x1  }
0x2ab: {  	v9 =	vmax.f32 v9, v16  }
0x2ac: {  	v16 =	vperm.xlane v9, v8;
	_ =	sdelay $0x1  }
0x2ad: {  	v40 =	vmax.f32 v9, v16  }
0x2ae: {  	vm3 =	veq.f32 v3, v40  }
0x2af: {  	v3 =	vnsel vm3, $0x40000000, v4  }
0x2b0: {  	v4 =	vperm.xlane v3, v5;
	_ =	sdelay $0x1  }
0x2b1: {  	vm3 =	vlt.s32 v3, v4  }
0x2b2: {  	v3 =	vsel vm3, v3, v4  }
0x2b3: {  	v4 =	vperm.xlane v3, v6;
	_ =	sdelay $0x1  }
0x2b4: {  	vm3 =	vlt.s32 v3, v4  }
0x2b5: {  	v3 =	vsel vm3, v3, v4  }
0x2b6: {  	v4 =	vperm.xlane v3, v7;
	_ =	sdelay $0x1  }
0x2b7: {  	vm3 =	vlt.s32 v3, v4  }
0x2b8: {  	v3 =	vsel vm3, v3, v4  }
0x2b9: {  	v4 =	vperm.xlane v3, v8;
	_ =	sdelay $0x1  }
0x2ba: {  	vm3 =	vlt.s32 v3, v4  }
0x2bb: {  	v3 =	vsel vm3, v3, v4  }
0x2bc: {  	(v2sf) =	vpush v3, $0x0;
	_ =	sdelay $0xe  }
0x2bd: {  	s19 =	spop (v2sf)  }
0x2be: {  	s21 =	sshra.s32 s19, $0x1F  }
0x2bf: {  	s21 =	sshrl.u32 s21, $0x1C  }
0x2c0: {  	s21 =	sadd.s32 s21, s19  }
0x2c1: {  	s21 =	sand.u32 $0xFFFFFFF0, s21  }
0x2c2: {  	v3 =	vld [tilespmem:s21+$0x5200];
	_ =	sdelay $0x1  }
.Ltmp35:
0x2c3: {  	s19 =	ssub.s32 s19, s21;
	(pc) =	sbr.rel @p1 .LBB2_46-.Ltmp35, $4  }
0x2c4: {  	v38 =	vmov s19  }
0x2c5: {  	vm3 =	veq.s32 v38, v1  }
0x2c6: {  	v3 =	vsel vm3, $0xF149F2CA, v3  }
0x2c7: {  	v39 =	vld [tilespmem:s21+$0x6280];
	[tilespmem:s21+$0x5200] =	vst v3  }
0x2c8: {  	s19 =	simm.s32 $0x5200  }
0x2c9: {  	p2 =	sne.s32 s18, $0x1;
	v3 =	vld [tilespmem:s19+$0x0]  }
.Ltmp36:
0x2ca: {  	_ = 	snop;
	(pc) =	sbr.rel @!p2 .LBB2_45-.Ltmp36, $3  }
0x2cb: {  	_ =	sdelay $0x1  }
0x2cc: {  	s19 =	simm.s32 $0x0  }
0x2cd: {  	s21 =	sadd.s32 $0xFFFFFFFF, s18;
	s22 =	simm.s32 $0x5210;
	v4 =	vor.u32 s19, v1;
	vm3 =	vgt.f32 v3, v2  }
.LBB2_44:
0x2ce: {  	p2 =	sne.s32 s21, $0x1;
	s21 =	sadd.s32 $0xFFFFFFFF, s21;
	v2 =	vsel vm3, v3, v2;
	v3 =	vld [tilespmem:s22+$0x0];
	v0 =	vsel vm3, v4, v0  }
.Ltmp37:
0x2cf: {  	(pc) =	sbr.rel @p2 .LBB2_44-.Ltmp37, $3  }
0x2d0: {  	_ =	sdelay $0x1  }
0x2d1: {  	s19 =	sadd.s32 $0x10, s19  }
0x2d2: {  	s22 =	sadd.s32 $0x10, s22;
	v4 =	vor.u32 s19, v1;
	vm3 =	vgt.f32 v3, v2  }
.LBB2_45:
0x2d3: {  	v2 =	vsel vm3, v3, v2;
	v0 =	vsel vm3, v4, v0  }
.LBB2_46:
0x2d4: {  	v3 =	vperm.xlane v2, v5;
	_ =	sdelay $0x1  }
0x2d5: {  	v3 =	vmax.f32 v2, v3  }
0x2d6: {  	v4 =	vperm.xlane v3, v6;
	_ =	sdelay $0x1  }
0x2d7: {  	v3 =	vmax.f32 v3, v4  }
0x2d8: {  	v4 =	vperm.xlane v3, v7;
	_ =	sdelay $0x1  }
0x2d9: {  	v3 =	vmax.f32 v3, v4  }
0x2da: {  	v4 =	vperm.xlane v3, v8;
	_ =	sdelay $0x1  }
0x2db: {  	v43 =	vmax.f32 v3, v4  }
0x2dc: {  	vm3 =	veq.f32 v2, v43  }
0x2dd: {  	v0 =	vnsel vm3, $0x40000000, v0  }
0x2de: {  	v2 =	vperm.xlane v0, v5;
	_ =	sdelay $0x1  }
0x2df: {  	vm3 =	vlt.s32 v0, v2  }
0x2e0: {  	v0 =	vsel vm3, v0, v2  }
0x2e1: {  	v2 =	vperm.xlane v0, v6;
	_ =	sdelay $0x1  }
0x2e2: {  	vm3 =	vlt.s32 v0, v2  }
0x2e3: {  	v0 =	vsel vm3, v0, v2  }
0x2e4: {  	v2 =	vperm.xlane v0, v7;
	_ =	sdelay $0x1  }
0x2e5: {  	vm3 =	vlt.s32 v0, v2  }
0x2e6: {  	v0 =	vsel vm3, v0, v2  }
0x2e7: {  	v2 =	vperm.xlane v0, v8;
	_ =	sdelay $0x1  }
0x2e8: {  	vm3 =	vlt.s32 v0, v2  }
0x2e9: {  	v0 =	vsel vm3, v0, v2  }
0x2ea: {  	(v2sf) =	vpush v0, $0x0;
	_ =	sdelay $0xe  }
0x2eb: {  	s19 =	spop (v2sf)  }
0x2ec: {  	s21 =	sshra.s32 s19, $0x1F  }
0x2ed: {  	s21 =	sshrl.u32 s21, $0x1C  }
0x2ee: {  	s21 =	sadd.s32 s21, s19  }
0x2ef: {  	s21 =	sand.u32 $0xFFFFFFF0, s21  }
0x2f0: {  	v2 =	vld [tilespmem:s21+$0x5200];
	_ =	sdelay $0x1  }
.Ltmp38:
0x2f1: {  	s19 =	ssub.s32 s19, s21;
	(pc) =	sbr.rel @p1 .LBB2_50-.Ltmp38, $4  }
0x2f2: {  	v41 =	vmov s19  }
0x2f3: {  	vm3 =	veq.s32 v41, v1  }
0x2f4: {  	v4 =	vimm.s32 $0x40000000;
	v3 =	vsel vm3, $0xF149F2CA, v2  }
0x2f5: {  	v0 =	vimm.s32 $0x40000000;
	v42 =	vld [tilespmem:s21+$0x6280];
	v2 =	vimm.f32 $-1.000000020e+30;
	[tilespmem:s21+$0x5200] =	vst v3;
	v3 =	vimm.f32 $-1.000000020e+30  }
0x2f6: {  	s19 =	simm.s32 $0x5200  }
0x2f7: {  	p2 =	sne.s32 s18, $0x1;
	v3 =	vld [tilespmem:s19+$0x0]  }
.Ltmp39:
0x2f8: {  	_ = 	snop;
	(pc) =	sbr.rel @!p2 .LBB2_49-.Ltmp39, $3  }
0x2f9: {  	_ =	sdelay $0x1  }
0x2fa: {  	v4 =	vimm.f32 $-1.000000020e+30;
	s19 =	simm.s32 $0x0  }
0x2fb: {  	s21 =	sadd.s32 $0xFFFFFFFF, s18;
	s22 =	simm.s32 $0x5210;
	v9 =	vimm.s32 $0x40000000;
	v16 =	vor.u32 s19, v1;
	vm3 =	vgt.f32 v3, v2  }
.LBB2_48:
0x2fc: {  	p2 =	sne.s32 s21, $0x1;
	s21 =	sadd.s32 $0xFFFFFFFF, s21;
	v4 =	vsel vm3, v3, v4;
	v3 =	vld [tilespmem:s22+$0x0];
	v9 =	vsel vm3, v16, v9  }
.Ltmp40:
0x2fd: {  	(pc) =	sbr.rel @p2 .LBB2_48-.Ltmp40, $3  }
0x2fe: {  	_ =	sdelay $0x1  }
0x2ff: {  	s19 =	sadd.s32 $0x10, s19  }
0x300: {  	s22 =	sadd.s32 $0x10, s22;
	v16 =	vor.u32 s19, v1;
	vm3 =	vgt.f32 v3, v4  }
.LBB2_49:
0x301: {  	v3 =	vsel vm3, v3, v4;
	v4 =	vsel vm3, v16, v9  }
.LBB2_50:
0x302: {  	v9 =	vperm.xlane v3, v5;
	_ =	sdelay $0x1  }
0x303: {  	v9 =	vmax.f32 v3, v9  }
0x304: {  	v16 =	vperm.xlane v9, v6;
	_ =	sdelay $0x1  }
0x305: {  	v9 =	vmax.f32 v9, v16  }
0x306: {  	v16 =	vperm.xlane v9, v7;
	_ =	sdelay $0x1  }
0x307: {  	v9 =	vmax.f32 v9, v16  }
0x308: {  	v16 =	vperm.xlane v9, v8;
	_ =	sdelay $0x1  }
0x309: {  	v46 =	vmax.f32 v9, v16  }
0x30a: {  	vm3 =	veq.f32 v3, v46  }
0x30b: {  	v3 =	vnsel vm3, $0x40000000, v4  }
0x30c: {  	v4 =	vperm.xlane v3, v5;
	_ =	sdelay $0x1  }
0x30d: {  	vm3 =	vlt.s32 v3, v4  }
0x30e: {  	v3 =	vsel vm3, v3, v4  }
0x30f: {  	v4 =	vperm.xlane v3, v6;
	_ =	sdelay $0x1  }
0x310: {  	vm3 =	vlt.s32 v3, v4  }
0x311: {  	v3 =	vsel vm3, v3, v4  }
0x312: {  	v4 =	vperm.xlane v3, v7;
	_ =	sdelay $0x1  }
0x313: {  	vm3 =	vlt.s32 v3, v4  }
0x314: {  	v3 =	vsel vm3, v3, v4  }
0x315: {  	v4 =	vperm.xlane v3, v8;
	_ =	sdelay $0x1  }
0x316: {  	vm3 =	vlt.s32 v3, v4  }
0x317: {  	v3 =	vsel vm3, v3, v4  }
0x318: {  	(v2sf) =	vpush v3, $0x0;
	_ =	sdelay $0xe  }
0x319: {  	s19 =	spop (v2sf)  }
0x31a: {  	s21 =	sshra.s32 s19, $0x1F  }
0x31b: {  	s21 =	sshrl.u32 s21, $0x1C  }
0x31c: {  	s21 =	sadd.s32 s21, s19  }
0x31d: {  	s21 =	sand.u32 $0xFFFFFFF0, s21  }
0x31e: {  	v3 =	vld [tilespmem:s21+$0x5200];
	_ =	sdelay $0x1  }
.Ltmp41:
0x31f: {  	s19 =	ssub.s32 s19, s21;
	(pc) =	sbr.rel @p1 .LBB2_54-.Ltmp41, $4  }
0x320: {  	v44 =	vmov s19  }
0x321: {  	vm3 =	veq.s32 v44, v1  }
0x322: {  	v3 =	vsel vm3, $0xF149F2CA, v3  }
0x323: {  	v45 =	vld [tilespmem:s21+$0x6280];
	[tilespmem:s21+$0x5200] =	vst v3  }
0x324: {  	s19 =	simm.s32 $0x5200  }
0x325: {  	p2 =	sne.s32 s18, $0x1;
	v3 =	vld [tilespmem:s19+$0x0]  }
.Ltmp42:
0x326: {  	_ = 	snop;
	(pc) =	sbr.rel @!p2 .LBB2_53-.Ltmp42, $3  }
0x327: {  	_ =	sdelay $0x1  }
0x328: {  	s19 =	simm.s32 $0x0  }
0x329: {  	s21 =	sadd.s32 $0xFFFFFFFF, s18;
	s22 =	simm.s32 $0x5210;
	v4 =	vor.u32 s19, v1;
	vm3 =	vgt.f32 v3, v2  }
.LBB2_52:
0x32a: {  	p2 =	sne.s32 s21, $0x1;
	s21 =	sadd.s32 $0xFFFFFFFF, s21;
	v2 =	vsel vm3, v3, v2;
	v3 =	vld [tilespmem:s22+$0x0];
	v0 =	vsel vm3, v4, v0  }
.Ltmp43:
0x32b: {  	(pc) =	sbr.rel @p2 .LBB2_52-.Ltmp43, $3  }
0x32c: {  	_ =	sdelay $0x1  }
0x32d: {  	s19 =	sadd.s32 $0x10, s19  }
0x32e: {  	s22 =	sadd.s32 $0x10, s22;
	v4 =	vor.u32 s19, v1;
	vm3 =	vgt.f32 v3, v2  }
.LBB2_53:
0x32f: {  	v2 =	vsel vm3, v3, v2;
	v0 =	vsel vm3, v4, v0  }
.LBB2_54:
0x330: {  	v3 =	vperm.xlane v2, v5;
	_ =	sdelay $0x1  }
0x331: {  	v3 =	vmax.f32 v2, v3  }
0x332: {  	v4 =	vperm.xlane v3, v6;
	_ =	sdelay $0x1  }
0x333: {  	v3 =	vmax.f32 v3, v4  }
0x334: {  	v4 =	vperm.xlane v3, v7;
	_ =	sdelay $0x1  }
0x335: {  	v3 =	vmax.f32 v3, v4  }
0x336: {  	v4 =	vperm.xlane v3, v8;
	_ =	sdelay $0x1  }
0x337: {  	v49 =	vmax.f32 v3, v4  }
0x338: {  	vm3 =	veq.f32 v2, v49  }
0x339: {  	v0 =	vnsel vm3, $0x40000000, v0  }
0x33a: {  	v2 =	vperm.xlane v0, v5;
	_ =	sdelay $0x1  }
0x33b: {  	vm3 =	vlt.s32 v0, v2  }
0x33c: {  	v0 =	vsel vm3, v0, v2  }
0x33d: {  	v2 =	vperm.xlane v0, v6;
	_ =	sdelay $0x1  }
0x33e: {  	vm3 =	vlt.s32 v0, v2  }
0x33f: {  	v0 =	vsel vm3, v0, v2  }
0x340: {  	v2 =	vperm.xlane v0, v7;
	_ =	sdelay $0x1  }
0x341: {  	vm3 =	vlt.s32 v0, v2  }
0x342: {  	v0 =	vsel vm3, v0, v2  }
0x343: {  	v2 =	vperm.xlane v0, v8;
	_ =	sdelay $0x1  }
0x344: {  	vm3 =	vlt.s32 v0, v2  }
0x345: {  	v0 =	vsel vm3, v0, v2  }
0x346: {  	(v2sf) =	vpush v0, $0x0;
	_ =	sdelay $0xe  }
0x347: {  	s19 =	spop (v2sf)  }
0x348: {  	s21 =	sshra.s32 s19, $0x1F  }
0x349: {  	s21 =	sshrl.u32 s21, $0x1C  }
0x34a: {  	s21 =	sadd.s32 s21, s19  }
0x34b: {  	s21 =	sand.u32 $0xFFFFFFF0, s21  }
0x34c: {  	v2 =	vld [tilespmem:s21+$0x5200];
	_ =	sdelay $0x1  }
.Ltmp44:
0x34d: {  	s19 =	ssub.s32 s19, s21;
	(pc) =	sbr.rel @p1 .LBB2_58-.Ltmp44, $4  }
0x34e: {  	v47 =	vmov s19  }
0x34f: {  	vm3 =	veq.s32 v47, v1  }
0x350: {  	v4 =	vimm.s32 $0x40000000;
	v3 =	vsel vm3, $0xF149F2CA, v2  }
0x351: {  	v0 =	vimm.s32 $0x40000000;
	v48 =	vld [tilespmem:s21+$0x6280];
	v2 =	vimm.f32 $-1.000000020e+30;
	[tilespmem:s21+$0x5200] =	vst v3;
	v3 =	vimm.f32 $-1.000000020e+30  }
0x352: {  	s19 =	simm.s32 $0x5200  }
0x353: {  	p2 =	sne.s32 s18, $0x1;
	v3 =	vld [tilespmem:s19+$0x0]  }
.Ltmp45:
0x354: {  	_ = 	snop;
	(pc) =	sbr.rel @!p2 .LBB2_57-.Ltmp45, $3  }
0x355: {  	_ =	sdelay $0x1  }
0x356: {  	v4 =	vimm.f32 $-1.000000020e+30;
	s19 =	simm.s32 $0x0  }
0x357: {  	s21 =	sadd.s32 $0xFFFFFFFF, s18;
	s22 =	simm.s32 $0x5210;
	v9 =	vimm.s32 $0x40000000;
	v16 =	vor.u32 s19, v1;
	vm3 =	vgt.f32 v3, v2  }
.LBB2_56:
0x358: {  	p2 =	sne.s32 s21, $0x1;
	s21 =	sadd.s32 $0xFFFFFFFF, s21;
	v4 =	vsel vm3, v3, v4;
	v3 =	vld [tilespmem:s22+$0x0];
	v9 =	vsel vm3, v16, v9  }
.Ltmp46:
0x359: {  	(pc) =	sbr.rel @p2 .LBB2_56-.Ltmp46, $3  }
0x35a: {  	_ =	sdelay $0x1  }
0x35b: {  	s19 =	sadd.s32 $0x10, s19  }
0x35c: {  	s22 =	sadd.s32 $0x10, s22;
	v16 =	vor.u32 s19, v1;
	vm3 =	vgt.f32 v3, v4  }
.LBB2_57:
0x35d: {  	v3 =	vsel vm3, v3, v4;
	v4 =	vsel vm3, v16, v9  }
.LBB2_58:
0x35e: {  	v9 =	vperm.xlane v3, v5;
	_ =	sdelay $0x1  }
0x35f: {  	v9 =	vmax.f32 v3, v9  }
0x360: {  	v16 =	vperm.xlane v9, v6;
	_ =	sdelay $0x1  }
0x361: {  	v9 =	vmax.f32 v9, v16  }
0x362: {  	v16 =	vperm.xlane v9, v7;
	_ =	sdelay $0x1  }
0x363: {  	v9 =	vmax.f32 v9, v16  }
0x364: {  	v16 =	vperm.xlane v9, v8;
	_ =	sdelay $0x1  }
0x365: {  	v52 =	vmax.f32 v9, v16  }
0x366: {  	vm3 =	veq.f32 v3, v52  }
0x367: {  	v3 =	vnsel vm3, $0x40000000, v4  }
0x368: {  	v4 =	vperm.xlane v3, v5;
	_ =	sdelay $0x1  }
0x369: {  	vm3 =	vlt.s32 v3, v4  }
0x36a: {  	v3 =	vsel vm3, v3, v4  }
0x36b: {  	v4 =	vperm.xlane v3, v6;
	_ =	sdelay $0x1  }
0x36c: {  	vm3 =	vlt.s32 v3, v4  }
0x36d: {  	v3 =	vsel vm3, v3, v4  }
0x36e: {  	v4 =	vperm.xlane v3, v7;
	_ =	sdelay $0x1  }
0x36f: {  	vm3 =	vlt.s32 v3, v4  }
0x370: {  	v3 =	vsel vm3, v3, v4  }
0x371: {  	v4 =	vperm.xlane v3, v8;
	_ =	sdelay $0x1  }
0x372: {  	vm3 =	vlt.s32 v3, v4  }
0x373: {  	v3 =	vsel vm3, v3, v4  }
0x374: {  	(v2sf) =	vpush v3, $0x0;
	_ =	sdelay $0xe  }
0x375: {  	s19 =	spop (v2sf)  }
0x376: {  	s21 =	sshra.s32 s19, $0x1F  }
0x377: {  	s21 =	sshrl.u32 s21, $0x1C  }
0x378: {  	s21 =	sadd.s32 s21, s19  }
0x379: {  	s21 =	sand.u32 $0xFFFFFFF0, s21  }
0x37a: {  	v3 =	vld [tilespmem:s21+$0x5200];
	_ =	sdelay $0x1  }
.Ltmp47:
0x37b: {  	s19 =	ssub.s32 s19, s21;
	(pc) =	sbr.rel @p1 .LBB2_62-.Ltmp47, $4  }
0x37c: {  	v50 =	vmov s19  }
0x37d: {  	vm3 =	veq.s32 v50, v1  }
0x37e: {  	v3 =	vsel vm3, $0xF149F2CA, v3  }
0x37f: {  	v51 =	vld [tilespmem:s21+$0x6280];
	[tilespmem:s21+$0x5200] =	vst v3  }
0x380: {  	s19 =	simm.s32 $0x5200  }
0x381: {  	p2 =	sne.s32 s18, $0x1;
	v3 =	vld [tilespmem:s19+$0x0]  }
.Ltmp48:
0x382: {  	_ = 	snop;
	(pc) =	sbr.rel @!p2 .LBB2_61-.Ltmp48, $3  }
0x383: {  	_ =	sdelay $0x1  }
0x384: {  	s19 =	simm.s32 $0x0  }
0x385: {  	s21 =	sadd.s32 $0xFFFFFFFF, s18;
	s22 =	simm.s32 $0x5210;
	v4 =	vor.u32 s19, v1;
	vm3 =	vgt.f32 v3, v2  }
.LBB2_60:
0x386: {  	p2 =	sne.s32 s21, $0x1;
	s21 =	sadd.s32 $0xFFFFFFFF, s21;
	v2 =	vsel vm3, v3, v2;
	v3 =	vld [tilespmem:s22+$0x0];
	v0 =	vsel vm3, v4, v0  }
.Ltmp49:
0x387: {  	(pc) =	sbr.rel @p2 .LBB2_60-.Ltmp49, $3  }
0x388: {  	_ =	sdelay $0x1  }
0x389: {  	s19 =	sadd.s32 $0x10, s19  }
0x38a: {  	s22 =	sadd.s32 $0x10, s22;
	v4 =	vor.u32 s19, v1;
	vm3 =	vgt.f32 v3, v2  }
.LBB2_61:
0x38b: {  	v2 =	vsel vm3, v3, v2;
	v0 =	vsel vm3, v4, v0  }
.LBB2_62:
0x38c: {  	v3 =	vperm.xlane v2, v5;
	_ =	sdelay $0x1  }
0x38d: {  	v3 =	vmax.f32 v2, v3  }
0x38e: {  	v4 =	vperm.xlane v3, v6;
	_ =	sdelay $0x1  }
0x38f: {  	v3 =	vmax.f32 v3, v4  }
0x390: {  	v4 =	vperm.xlane v3, v7;
	_ =	sdelay $0x1  }
0x391: {  	v3 =	vmax.f32 v3, v4  }
0x392: {  	v4 =	vperm.xlane v3, v8;
	_ =	sdelay $0x1  }
0x393: {  	v55 =	vmax.f32 v3, v4  }
0x394: {  	vm3 =	veq.f32 v2, v55  }
0x395: {  	v0 =	vnsel vm3, $0x40000000, v0  }
0x396: {  	v2 =	vperm.xlane v0, v5;
	_ =	sdelay $0x1  }
0x397: {  	vm3 =	vlt.s32 v0, v2  }
0x398: {  	v0 =	vsel vm3, v0, v2  }
0x399: {  	v2 =	vperm.xlane v0, v6;
	_ =	sdelay $0x1  }
0x39a: {  	vm3 =	vlt.s32 v0, v2  }
0x39b: {  	v0 =	vsel vm3, v0, v2  }
0x39c: {  	v2 =	vperm.xlane v0, v7;
	_ =	sdelay $0x1  }
0x39d: {  	vm3 =	vlt.s32 v0, v2  }
0x39e: {  	v0 =	vsel vm3, v0, v2  }
0x39f: {  	v2 =	vperm.xlane v0, v8;
	_ =	sdelay $0x1  }
0x3a0: {  	vm3 =	vlt.s32 v0, v2  }
0x3a1: {  	v0 =	vsel vm3, v0, v2  }
0x3a2: {  	(v2sf) =	vpush v0, $0x0;
	_ =	sdelay $0xe  }
0x3a3: {  	s19 =	spop (v2sf)  }
0x3a4: {  	s21 =	sshra.s32 s19, $0x1F  }
0x3a5: {  	s21 =	sshrl.u32 s21, $0x1C  }
0x3a6: {  	s21 =	sadd.s32 s21, s19  }
0x3a7: {  	s21 =	sand.u32 $0xFFFFFFF0, s21  }
0x3a8: {  	v2 =	vld [tilespmem:s21+$0x5200];
	_ =	sdelay $0x1  }
.Ltmp50:
0x3a9: {  	s19 =	ssub.s32 s19, s21;
	(pc) =	sbr.rel @p1 .LBB2_66-.Ltmp50, $4  }
0x3aa: {  	v53 =	vmov s19  }
0x3ab: {  	vm3 =	veq.s32 v53, v1  }
0x3ac: {  	v4 =	vimm.s32 $0x40000000;
	v3 =	vsel vm3, $0xF149F2CA, v2  }
0x3ad: {  	v0 =	vimm.s32 $0x40000000;
	v54 =	vld [tilespmem:s21+$0x6280];
	v2 =	vimm.f32 $-1.000000020e+30;
	[tilespmem:s21+$0x5200] =	vst v3;
	v3 =	vimm.f32 $-1.000000020e+30  }
0x3ae: {  	s19 =	simm.s32 $0x5200  }
0x3af: {  	p2 =	sne.s32 s18, $0x1;
	v3 =	vld [tilespmem:s19+$0x0]  }
.Ltmp51:
0x3b0: {  	_ = 	snop;
	(pc) =	sbr.rel @!p2 .LBB2_65-.Ltmp51, $3  }
0x3b1: {  	_ =	sdelay $0x1  }
0x3b2: {  	v4 =	vimm.f32 $-1.000000020e+30;
	s19 =	simm.s32 $0x0  }
0x3b3: {  	s21 =	sadd.s32 $0xFFFFFFFF, s18;
	s22 =	simm.s32 $0x5210;
	v9 =	vimm.s32 $0x40000000;
	v16 =	vor.u32 s19, v1;
	vm3 =	vgt.f32 v3, v2  }
.LBB2_64:
0x3b4: {  	p2 =	sne.s32 s21, $0x1;
	s21 =	sadd.s32 $0xFFFFFFFF, s21;
	v4 =	vsel vm3, v3, v4;
	v3 =	vld [tilespmem:s22+$0x0];
	v9 =	vsel vm3, v16, v9  }
.Ltmp52:
0x3b5: {  	(pc) =	sbr.rel @p2 .LBB2_64-.Ltmp52, $3  }
0x3b6: {  	_ =	sdelay $0x1  }
0x3b7: {  	s19 =	sadd.s32 $0x10, s19  }
0x3b8: {  	s22 =	sadd.s32 $0x10, s22;
	v16 =	vor.u32 s19, v1;
	vm3 =	vgt.f32 v3, v4  }
.LBB2_65:
0x3b9: {  	v3 =	vsel vm3, v3, v4;
	v4 =	vsel vm3, v16, v9  }
.LBB2_66:
0x3ba: {  	v9 =	vperm.xlane v3, v5;
	_ =	sdelay $0x1  }
0x3bb: {  	v9 =	vmax.f32 v3, v9  }
0x3bc: {  	v16 =	vperm.xlane v9, v6;
	_ =	sdelay $0x1  }
0x3bd: {  	v9 =	vmax.f32 v9, v16  }
0x3be: {  	v16 =	vperm.xlane v9, v7;
	_ =	sdelay $0x1  }
0x3bf: {  	v9 =	vmax.f32 v9, v16  }
0x3c0: {  	v16 =	vperm.xlane v9, v8;
	_ =	sdelay $0x1  }
0x3c1: {  	v58 =	vmax.f32 v9, v16  }
0x3c2: {  	vm3 =	veq.f32 v3, v58  }
0x3c3: {  	v3 =	vnsel vm3, $0x40000000, v4  }
0x3c4: {  	v4 =	vperm.xlane v3, v5;
	_ =	sdelay $0x1  }
0x3c5: {  	vm3 =	vlt.s32 v3, v4  }
0x3c6: {  	v3 =	vsel vm3, v3, v4  }
0x3c7: {  	v4 =	vperm.xlane v3, v6;
	_ =	sdelay $0x1  }
0x3c8: {  	vm3 =	vlt.s32 v3, v4  }
0x3c9: {  	v3 =	vsel vm3, v3, v4  }
0x3ca: {  	v4 =	vperm.xlane v3, v7;
	_ =	sdelay $0x1  }
0x3cb: {  	vm3 =	vlt.s32 v3, v4  }
0x3cc: {  	v3 =	vsel vm3, v3, v4  }
0x3cd: {  	v4 =	vperm.xlane v3, v8;
	_ =	sdelay $0x1  }
0x3ce: {  	vm3 =	vlt.s32 v3, v4  }
0x3cf: {  	v3 =	vsel vm3, v3, v4  }
0x3d0: {  	(v2sf) =	vpush v3, $0x0;
	_ =	sdelay $0xe  }
0x3d1: {  	s19 =	spop (v2sf)  }
0x3d2: {  	s21 =	sshra.s32 s19, $0x1F  }
0x3d3: {  	s21 =	sshrl.u32 s21, $0x1C  }
0x3d4: {  	s21 =	sadd.s32 s21, s19  }
0x3d5: {  	s21 =	sand.u32 $0xFFFFFFF0, s21  }
0x3d6: {  	v3 =	vld [tilespmem:s21+$0x5200];
	_ =	sdelay $0x1  }
.Ltmp53:
0x3d7: {  	s19 =	ssub.s32 s19, s21;
	(pc) =	sbr.rel @p1 .LBB2_70-.Ltmp53, $4  }
0x3d8: {  	v56 =	vmov s19  }
0x3d9: {  	vm3 =	veq.s32 v56, v1  }
0x3da: {  	v3 =	vsel vm3, $0xF149F2CA, v3  }
0x3db: {  	v57 =	vld [tilespmem:s21+$0x6280];
	[tilespmem:s21+$0x5200] =	vst v3  }
0x3dc: {  	s19 =	simm.s32 $0x5200  }
0x3dd: {  	p2 =	sne.s32 s18, $0x1;
	v3 =	vld [tilespmem:s19+$0x0]  }
.Ltmp54:
0x3de: {  	_ = 	snop;
	(pc) =	sbr.rel @!p2 .LBB2_69-.Ltmp54, $3  }
0x3df: {  	_ =	sdelay $0x1  }
0x3e0: {  	s19 =	simm.s32 $0x0  }
0x3e1: {  	s21 =	sadd.s32 $0xFFFFFFFF, s18;
	s22 =	simm.s32 $0x5210;
	v4 =	vor.u32 s19, v1;
	vm3 =	vgt.f32 v3, v2  }
.LBB2_68:
0x3e2: {  	p2 =	sne.s32 s21, $0x1;
	s21 =	sadd.s32 $0xFFFFFFFF, s21;
	v2 =	vsel vm3, v3, v2;
	v3 =	vld [tilespmem:s22+$0x0];
	v0 =	vsel vm3, v4, v0  }
.Ltmp55:
0x3e3: {  	(pc) =	sbr.rel @p2 .LBB2_68-.Ltmp55, $3  }
0x3e4: {  	_ =	sdelay $0x1  }
0x3e5: {  	s19 =	sadd.s32 $0x10, s19  }
0x3e6: {  	s22 =	sadd.s32 $0x10, s22;
	v4 =	vor.u32 s19, v1;
	vm3 =	vgt.f32 v3, v2  }
.LBB2_69:
0x3e7: {  	v2 =	vsel vm3, v3, v2;
	v0 =	vsel vm3, v4, v0  }
.LBB2_70:
0x3e8: {  	v3 =	vperm.xlane v2, v5;
	_ =	sdelay $0x1  }
0x3e9: {  	v3 =	vmax.f32 v2, v3  }
0x3ea: {  	v4 =	vperm.xlane v3, v6;
	_ =	sdelay $0x1  }
0x3eb: {  	v3 =	vmax.f32 v3, v4  }
0x3ec: {  	v4 =	vperm.xlane v3, v7;
	_ =	sdelay $0x1  }
0x3ed: {  	v3 =	vmax.f32 v3, v4  }
0x3ee: {  	v4 =	vperm.xlane v3, v8;
	_ =	sdelay $0x1  }
0x3ef: {  	v61 =	vmax.f32 v3, v4  }
0x3f0: {  	vm3 =	veq.f32 v2, v61  }
0x3f1: {  	v0 =	vnsel vm3, $0x40000000, v0  }
0x3f2: {  	v2 =	vperm.xlane v0, v5;
	_ =	sdelay $0x1  }
0x3f3: {  	vm3 =	vlt.s32 v0, v2  }
0x3f4: {  	v0 =	vsel vm3, v0, v2  }
0x3f5: {  	v2 =	vperm.xlane v0, v6;
	_ =	sdelay $0x1  }
0x3f6: {  	vm3 =	vlt.s32 v0, v2  }
0x3f7: {  	v0 =	vsel vm3, v0, v2  }
0x3f8: {  	v2 =	vperm.xlane v0, v7;
	_ =	sdelay $0x1  }
0x3f9: {  	vm3 =	vlt.s32 v0, v2  }
0x3fa: {  	v0 =	vsel vm3, v0, v2  }
0x3fb: {  	v2 =	vperm.xlane v0, v8;
	_ =	sdelay $0x1  }
0x3fc: {  	vm3 =	vlt.s32 v0, v2  }
0x3fd: {  	v0 =	vsel vm3, v0, v2  }
0x3fe: {  	(v2sf) =	vpush v0, $0x0;
	_ =	sdelay $0xe  }
0x3ff: {  	s19 =	spop (v2sf)  }
0x400: {  	s21 =	sshra.s32 s19, $0x1F  }
0x401: {  	s21 =	sshrl.u32 s21, $0x1C  }
0x402: {  	s21 =	sadd.s32 s21, s19  }
0x403: {  	s21 =	sand.u32 $0xFFFFFFF0, s21  }
0x404: {  	v0 =	vld [tilespmem:s21+$0x5200];
	_ =	sdelay $0x1  }
.Ltmp56:
0x405: {  	s19 =	ssub.s32 s19, s21;
	(pc) =	sbr.rel @p1 .LBB2_74-.Ltmp56, $4  }
0x406: {  	v59 =	vmov s19  }
0x407: {  	vm3 =	veq.s32 v59, v1  }
0x408: {  	v9 =	vimm.s32 $0x40000000;
	v0 =	vsel vm3, $0xF149F2CA, v0  }
0x409: {  	v3 =	vimm.f32 $-1.000000020e+30;
	v4 =	vimm.f32 $-1.000000020e+30;
	v2 =	vimm.s32 $0x40000000;
	v60 =	vld [tilespmem:s21+$0x6280];
	[tilespmem:s21+$0x5200] =	vst v0  }
0x40a: {  	s19 =	simm.s32 $0x5200  }
0x40b: {  	p2 =	sne.s32 s18, $0x1;
	v0 =	vld [tilespmem:s19+$0x0]  }
.Ltmp57:
0x40c: {  	_ = 	snop;
	(pc) =	sbr.rel @!p2 .LBB2_73-.Ltmp57, $3  }
0x40d: {  	_ =	sdelay $0x1  }
0x40e: {  	v4 =	vimm.f32 $-1.000000020e+30;
	s19 =	simm.s32 $0x0  }
0x40f: {  	s21 =	sadd.s32 $0xFFFFFFFF, s18;
	s22 =	simm.s32 $0x5210;
	v9 =	vimm.s32 $0x40000000;
	v16 =	vor.u32 s19, v1;
	vm3 =	vgt.f32 v0, v3  }
.LBB2_72:
0x410: {  	p2 =	sne.s32 s21, $0x1;
	s21 =	sadd.s32 $0xFFFFFFFF, s21;
	v4 =	vsel vm3, v0, v4;
	v0 =	vld [tilespmem:s22+$0x0];
	v9 =	vsel vm3, v16, v9  }
.Ltmp58:
0x411: {  	(pc) =	sbr.rel @p2 .LBB2_72-.Ltmp58, $3  }
0x412: {  	_ =	sdelay $0x1  }
0x413: {  	s19 =	sadd.s32 $0x10, s19  }
0x414: {  	s22 =	sadd.s32 $0x10, s22;
	v16 =	vor.u32 s19, v1;
	vm3 =	vgt.f32 v0, v4  }
.LBB2_73:
0x415: {  	v4 =	vsel vm3, v0, v4;
	v9 =	vsel vm3, v16, v9  }
.LBB2_74:
0x416: {  	v0 =	vperm.xlane v4, v5;
	_ =	sdelay $0x1  }
0x417: {  	v0 =	vmax.f32 v4, v0  }
0x418: {  	v16 =	vperm.xlane v0, v6;
	_ =	sdelay $0x1  }
0x419: {  	v0 =	vmax.f32 v0, v16  }
0x41a: {  	v16 =	vperm.xlane v0, v7;
	_ =	sdelay $0x1  }
0x41b: {  	v0 =	vmax.f32 v0, v16  }
0x41c: {  	v16 =	vperm.xlane v0, v8;
	_ =	sdelay $0x1  }
0x41d: {  	v0 =	vmax.f32 v0, v16  }
0x41e: {  	vm3 =	veq.f32 v4, v0  }
0x41f: {  	v4 =	vnsel vm3, $0x40000000, v9  }
0x420: {  	v9 =	vperm.xlane v4, v5;
	_ =	sdelay $0x1  }
0x421: {  	vm3 =	vlt.s32 v4, v9  }
0x422: {  	v4 =	vsel vm3, v4, v9  }
0x423: {  	v9 =	vperm.xlane v4, v6;
	_ =	sdelay $0x1  }
0x424: {  	vm3 =	vlt.s32 v4, v9  }
0x425: {  	v4 =	vsel vm3, v4, v9  }
0x426: {  	v9 =	vperm.xlane v4, v7;
	_ =	sdelay $0x1  }
0x427: {  	vm3 =	vlt.s32 v4, v9  }
0x428: {  	v4 =	vsel vm3, v4, v9  }
0x429: {  	v9 =	vperm.xlane v4, v8;
	_ =	sdelay $0x1  }
0x42a: {  	vm3 =	vlt.s32 v4, v9  }
0x42b: {  	v4 =	vsel vm3, v4, v9  }
0x42c: {  	(v2sf) =	vpush v4, $0x0;
	_ =	sdelay $0xe  }
0x42d: {  	s19 =	spop (v2sf)  }
0x42e: {  	s21 =	sshra.s32 s19, $0x1F  }
0x42f: {  	s21 =	sshrl.u32 s21, $0x1C  }
0x430: {  	s21 =	sadd.s32 s21, s19  }
0x431: {  	s21 =	sand.u32 $0xFFFFFFF0, s21  }
0x432: {  	v4 =	vld [tilespmem:s21+$0x5200];
	_ =	sdelay $0x1  }
.Ltmp59:
0x433: {  	s19 =	ssub.s32 s19, s21;
	(pc) =	sbr.rel @p1 .LBB2_78-.Ltmp59, $4  }
0x434: {  	v62 =	vmov s19  }
0x435: {  	vm3 =	veq.s32 v62, v1  }
0x436: {  	v4 =	vsel vm3, $0xF149F2CA, v4  }
0x437: {  	v63 =	vld [tilespmem:s21+$0x6280];
	[tilespmem:s21+$0x5200] =	vst v4  }
0x438: {  	s19 =	simm.s32 $0x5200  }
0x439: {  	p2 =	sne.s32 s18, $0x1;
	v4 =	vld [tilespmem:s19+$0x0]  }
.Ltmp60:
0x43a: {  	_ = 	snop;
	(pc) =	sbr.rel @!p2 .LBB2_77-.Ltmp60, $3  }
0x43b: {  	_ =	sdelay $0x1  }
0x43c: {  	s19 =	simm.s32 $0x0  }
0x43d: {  	s21 =	sadd.s32 $0xFFFFFFFF, s18;
	s22 =	simm.s32 $0x5210;
	v9 =	vor.u32 s19, v1;
	vm3 =	vgt.f32 v4, v3  }
.LBB2_76:
0x43e: {  	p2 =	sne.s32 s21, $0x1;
	s21 =	sadd.s32 $0xFFFFFFFF, s21;
	v3 =	vsel vm3, v4, v3;
	v4 =	vld [tilespmem:s22+$0x0];
	v2 =	vsel vm3, v9, v2  }
.Ltmp61:
0x43f: {  	(pc) =	sbr.rel @p2 .LBB2_76-.Ltmp61, $3  }
0x440: {  	_ =	sdelay $0x1  }
0x441: {  	s19 =	sadd.s32 $0x10, s19  }
0x442: {  	s22 =	sadd.s32 $0x10, s22;
	v9 =	vor.u32 s19, v1;
	vm3 =	vgt.f32 v4, v3  }
.LBB2_77:
0x443: {  	v3 =	vsel vm3, v4, v3;
	v2 =	vsel vm3, v9, v2  }
.LBB2_78:
0x444: {  	v4 =	vperm.xlane v3, v5;
	_ =	sdelay $0x1  }
0x445: {  	v4 =	vmax.f32 v3, v4  }
0x446: {  	v9 =	vperm.xlane v4, v6;
	_ =	sdelay $0x1  }
0x447: {  	v4 =	vmax.f32 v4, v9  }
0x448: {  	v9 =	vperm.xlane v4, v7;
	_ =	sdelay $0x1  }
0x449: {  	v4 =	vmax.f32 v4, v9  }
0x44a: {  	v9 =	vperm.xlane v4, v8;
	_ =	sdelay $0x1  }
0x44b: {  	v4 =	vmax.f32 v4, v9  }
0x44c: {  	vm3 =	veq.f32 v3, v4  }
0x44d: {  	v2 =	vnsel vm3, $0x40000000, v2  }
0x44e: {  	v3 =	vperm.xlane v2, v5;
	_ =	sdelay $0x1  }
0x44f: {  	vm3 =	vlt.s32 v2, v3  }
0x450: {  	v2 =	vsel vm3, v2, v3  }
0x451: {  	v3 =	vperm.xlane v2, v6;
	_ =	sdelay $0x1  }
0x452: {  	vm3 =	vlt.s32 v2, v3  }
0x453: {  	v2 =	vsel vm3, v2, v3  }
0x454: {  	v3 =	vperm.xlane v2, v7;
	_ =	sdelay $0x1  }
0x455: {  	vm3 =	vlt.s32 v2, v3  }
0x456: {  	v2 =	vsel vm3, v2, v3  }
0x457: {  	v3 =	vperm.xlane v2, v8;
	_ =	sdelay $0x1  }
0x458: {  	vm3 =	vlt.s32 v2, v3  }
0x459: {  	v2 =	vsel vm3, v2, v3  }
0x45a: {  	(v2sf) =	vpush v2, $0x0;
	_ =	sdelay $0xe  }
0x45b: {  	s19 =	spop (v2sf)  }
0x45c: {  	s21 =	sshra.s32 s19, $0x1F  }
0x45d: {  	s21 =	sshrl.u32 s21, $0x1C  }
0x45e: {  	s21 =	sadd.s32 s21, s19  }
0x45f: {  	s21 =	sand.u32 $0xFFFFFFF0, s21  }
0x460: {  	v3 =	vld [tilespmem:s21+$0x5200];
	_ =	sdelay $0x1  }
.Ltmp62:
0x461: {  	s19 =	ssub.s32 s19, s21;
	(pc) =	sbr.rel @p1 .LBB2_82-.Ltmp62, $4  }
0x462: {  	v2 =	vmov s19  }
0x463: {  	vm3 =	veq.s32 v2, v1  }
0x464: {  	v22 =	vimm.s32 $0x40000000;
	v9 =	vsel vm3, $0xF149F2CA, v3  }
0x465: {  	v25 =	vimm.f32 $-1.000000020e+30;
	v16 =	vimm.s32 $0x40000000;
	v3 =	vld [tilespmem:s21+$0x6280];
	[tilespmem:s21+$0x5200] =	vst v9;
	v9 =	vimm.f32 $-1.000000020e+30  }
0x466: {  	s19 =	simm.s32 $0x5200  }
0x467: {  	p2 =	sne.s32 s18, $0x1;
	v9 =	vld [tilespmem:s19+$0x0]  }
.Ltmp63:
0x468: {  	_ = 	snop;
	(pc) =	sbr.rel @!p2 .LBB2_81-.Ltmp63, $3  }
0x469: {  	_ =	sdelay $0x1  }
0x46a: {  	v16 =	vimm.f32 $-1.000000020e+30;
	s19 =	simm.s32 $0x0  }
0x46b: {  	s21 =	sadd.s32 $0xFFFFFFFF, s18;
	s22 =	simm.s32 $0x5210;
	v19 =	vimm.s32 $0x40000000;
	v27 =	vor.u32 s19, v1;
	vm3 =	vgt.f32 v9, v25  }
.LBB2_80:
0x46c: {  	p2 =	sne.s32 s21, $0x1;
	s21 =	sadd.s32 $0xFFFFFFFF, s21;
	v16 =	vsel vm3, v9, v16;
	v9 =	vld [tilespmem:s22+$0x0];
	v19 =	vsel vm3, v27, v19  }
.Ltmp64:
0x46d: {  	(pc) =	sbr.rel @p2 .LBB2_80-.Ltmp64, $3  }
0x46e: {  	_ =	sdelay $0x1  }
0x46f: {  	s19 =	sadd.s32 $0x10, s19  }
0x470: {  	s22 =	sadd.s32 $0x10, s22;
	v27 =	vor.u32 s19, v1;
	vm3 =	vgt.f32 v9, v16  }
.LBB2_81:
0x471: {  	v9 =	vsel vm3, v9, v16;
	v16 =	vsel vm3, v27, v19  }
.LBB2_82:
0x472: {  	v19 =	vperm.xlane v9, v5;
	_ =	sdelay $0x1  }
0x473: {  	v19 =	vmax.f32 v9, v19  }
0x474: {  	v27 =	vperm.xlane v19, v6;
	_ =	sdelay $0x1  }
0x475: {  	v19 =	vmax.f32 v19, v27  }
0x476: {  	v27 =	vperm.xlane v19, v7;
	_ =	sdelay $0x1  }
0x477: {  	v19 =	vmax.f32 v19, v27  }
0x478: {  	v27 =	vperm.xlane v19, v8;
	_ =	sdelay $0x1  }
0x479: {  	v19 =	vmax.f32 v19, v27  }
0x47a: {  	vm3 =	veq.f32 v9, v19  }
0x47b: {  	v9 =	vnsel vm3, $0x40000000, v16  }
0x47c: {  	v16 =	vperm.xlane v9, v5;
	_ =	sdelay $0x1  }
0x47d: {  	vm3 =	vlt.s32 v9, v16  }
0x47e: {  	v9 =	vsel vm3, v9, v16  }
0x47f: {  	v16 =	vperm.xlane v9, v6;
	_ =	sdelay $0x1  }
0x480: {  	vm3 =	vlt.s32 v9, v16  }
0x481: {  	v9 =	vsel vm3, v9, v16  }
0x482: {  	v16 =	vperm.xlane v9, v7;
	_ =	sdelay $0x1  }
0x483: {  	vm3 =	vlt.s32 v9, v16  }
0x484: {  	v9 =	vsel vm3, v9, v16  }
0x485: {  	v16 =	vperm.xlane v9, v8;
	_ =	sdelay $0x1  }
0x486: {  	vm3 =	vlt.s32 v9, v16  }
0x487: {  	v9 =	vsel vm3, v9, v16  }
0x488: {  	(v2sf) =	vpush v9, $0x0;
	_ =	sdelay $0xe  }
0x489: {  	s19 =	spop (v2sf)  }
0x48a: {  	s21 =	sshra.s32 s19, $0x1F  }
0x48b: {  	s21 =	sshrl.u32 s21, $0x1C  }
0x48c: {  	s21 =	sadd.s32 s21, s19  }
0x48d: {  	s21 =	sand.u32 $0xFFFFFFF0, s21  }
0x48e: {  	v16 =	vld [tilespmem:s21+$0x5200];
	_ =	sdelay $0x1  }
.Ltmp65:
0x48f: {  	s19 =	ssub.s32 s19, s21;
	(pc) =	sbr.rel @p1 .LBB2_86-.Ltmp65, $4  }
0x490: {  	v9 =	vmov s19  }
0x491: {  	vm3 =	veq.s32 v9, v1  }
0x492: {  	v27 =	vsel vm3, $0xF149F2CA, v16  }
0x493: {  	v16 =	vld [tilespmem:s21+$0x6280];
	[tilespmem:s21+$0x5200] =	vst v27  }
0x494: {  	s19 =	simm.s32 $0x5200  }
0x495: {  	p1 =	sne.s32 s18, $0x1;
	v27 =	vld [tilespmem:s19+$0x0]  }
.Ltmp66:
0x496: {  	_ = 	snop;
	(pc) =	sbr.rel @!p1 .LBB2_85-.Ltmp66, $3  }
0x497: {  	_ =	sdelay $0x1  }
0x498: {  	s19 =	simm.s32 $0x0  }
0x499: {  	s18 =	sadd.s32 $0xFFFFFFFF, s18;
	s21 =	simm.s32 $0x5210;
	v30 =	vor.u32 s19, v1;
	vm3 =	vgt.f32 v27, v25  }
.LBB2_84:
0x49a: {  	p1 =	sne.s32 s18, $0x1;
	s18 =	sadd.s32 $0xFFFFFFFF, s18;
	v25 =	vsel vm3, v27, v25;
	v27 =	vld [tilespmem:s21+$0x0];
	v22 =	vsel vm3, v30, v22  }
.Ltmp67:
0x49b: {  	(pc) =	sbr.rel @p1 .LBB2_84-.Ltmp67, $3  }
0x49c: {  	_ =	sdelay $0x1  }
0x49d: {  	s19 =	sadd.s32 $0x10, s19  }
0x49e: {  	s21 =	sadd.s32 $0x10, s21;
	v30 =	vor.u32 s19, v1;
	vm3 =	vgt.f32 v27, v25  }
.Ltmp68:
0x49f: {  	_ = 	snop;
	(pc) =	sbr.rel .LBB2_85-.Ltmp68, $1  }
0x4a0: {  	_ =	sdelay $0x3  }
.LBB2_88:
0x4a1: {  	_ =	sfence.sel $0x180000  }
0x4a2: {  	[bflag:$0x0] =	sbarrier.arrive $0xFFFF  }
0x4a3: {  	_ =	strace $0x90000047  }
0x4a4: {  	s0 =	stileid.u32;
	[bflag:$0x2] =	sbarrier.arrive $0xFFFF  }
0x4a5: {  	p0 =	sne.s32 s0, $0x0;
	s0 =	rddreg [dreg:$0x5]  }
0x4a6: {  	s0 =	sadd.s32 @!p0 $0x100000, s0  }
0x4a7: {  	[sflag:s0] =	ssyncadd.tile.s32 @!p0 $0x1;
	_ =	shalt  }
.Lfunc_end2:
_tile_overlayer_lowered:
.L_overlay_start_2:
0x4a8: {  	(tag) =	ssettag $0x2  }
0x4a9: {  	s0 =	rddreg [dreg:$0x0];
	s2 =	stileid.u32  }
0x4aa: {  	s1 =	rddreg [dreg:$0x1];
	p0 =	sne.s32 s2, $0x0  }
0x4ab: {  	s3 =	rddreg [dreg:$0x2];
	[bflag:$0x3] =	sbarrier.arrive $0xFFFF;
	s2 =	simm.s32 @!p0 $0x1C05  }
0x4ac: {  	[timem:s3], [sflag:s2] =	dma.local @!p0 [hbm:s0], s1  }
0x4ad: {  	s0 =	simm.s32 @!p0 $0x5  }
0x4ae: {  	_ =	swait.ge @!p0 [sflag:s0], s1  }
0x4af: {  	s1 =	ssub.s32 @!p0 $0x0, s1;
	[sflag:s0] =	ssyncset.done @!p0 $0x0  }
0x4b0: {  	[sflag:s0] =	ssyncadd.s32 @!p0 s1  }
0x4b1: {  	[bflag:$0x3] =	sbarrier.arrive $0xFFFF  }
0x4b2: {  	_ =	shalt  }

</sc_bundles>
